<compile_context>
chip_gen: v7x
topology: tpu7x:2x2x1
jax: 0.10.2.dev20260603
libtpu: 0.0.44.dev20260713+nightly
codegen_flags: <defaults>
</compile_context>

<pallas_src>
import functools

import jax
import jax.numpy as jnp
from jax import lax
from jax.experimental import pallas as pl
from jax.experimental.pallas import tpu as pltpu
from jax.experimental.pallas import tpu_sc as plsc

NC, NS = 2, 16
NW = NC * NS
LANES = 16
CHUNK = 80


def _proj_body(h_ref, ws_ref, wt_ref, os_ref, ot_ref):
    hb = h_ref[...]
    os_ref[...] = jnp.dot(hb, ws_ref[...], preferred_element_type=jnp.float32)
    ot_ref[...] = jnp.dot(hb, wt_ref[...], preferred_element_type=jnp.float32)


def _project(h, w1s, w1t, blk=1000):
    n, d = h.shape
    grid = (n // blk,)
    return pl.pallas_call(
        _proj_body,
        grid=grid,
        in_specs=[
            pl.BlockSpec((blk, d), lambda i: (i, 0)),
            pl.BlockSpec((d, d), lambda i: (0, 0)),
            pl.BlockSpec((d, d), lambda i: (0, 0)),
        ],
        out_specs=[
            pl.BlockSpec((blk, d), lambda i: (i, 0)),
            pl.BlockSpec((blk, d), lambda i: (i, 0)),
        ],
        out_shape=[
            jax.ShapeDtypeStruct((n, d), jnp.float32),
            jax.ShapeDtypeStruct((n, d), jnp.float32),
        ],
    )(h, w1s, w1t)


NBUF = 5


def _make_gather(E, N, D, e_base, ck=80, nb=5):
    epw = E // NW
    steps = epw // ck
    groups = steps // nb
    mesh = plsc.VectorSubcoreMesh(core_axis_name="c", subcore_axis_name="s")

    @functools.partial(
        pl.kernel,
        out_type=jax.ShapeDtypeStruct((E, D), jnp.float32),
        mesh=mesh,
        scratch_types=(
            [pltpu.VMEM((ck,), jnp.int32) for _ in range(nb)]
            + [pltpu.VMEM((ck,), jnp.int32) for _ in range(nb)]
            + [pltpu.VMEM((ck, D), jnp.float32) for _ in range(nb)]
            + [pltpu.SemaphoreType.DMA for _ in range(2 * nb)]
        ),
    )
    def gather_k(hs_hbm, ht_hbm, row_hbm, col_hbm, out_hbm, *scr):
        idx_r = scr[:nb]
        idx_c = scr[nb:2 * nb]
        buf = scr[2 * nb:3 * nb]
        sem = scr[3 * nb:4 * nb]
        sem2 = scr[4 * nb:5 * nb]
        wid = lax.axis_index("s") * NC + lax.axis_index("c")
        base = wid * epw

        def body(j, carry):
            offs = [pl.multiple_of(base + (j * nb + b) * ck, 8)
                    for b in range(nb)]
            ia, ib = [], []
            for b in range(nb):
                roff = pl.multiple_of(e_base + offs[b], 8)
                ia.append(pltpu.async_copy(
                    row_hbm.at[pl.ds(roff, ck)], idx_r[b], sem[b]))
                ib.append(pltpu.async_copy(
                    col_hbm.at[pl.ds(roff, ck)], idx_c[b], sem2[b]))
            ga = []
            for b in range(nb):
                ia[b].wait()
                ga.append(pltpu.async_copy(
                    hs_hbm.at[idx_r[b]], buf[b], sem[b]))
            gb = []
            for b in range(nb):
                ga[b].wait()
                ib[b].wait()
                gb.append(pltpu.async_copy(
                    ht_hbm.at[idx_c[b]], buf[b], sem[b], add=True))
            wo = []
            for b in range(nb):
                gb[b].wait()
                wo.append(pltpu.async_copy(
                    buf[b], out_hbm.at[pl.ds(offs[b], ck)], sem[b]))
            for b in range(nb):
                wo[b].wait()
            return carry

        lax.fori_loop(0, groups, body, 0)

    return gather_k


def _edge_mlp_body(alias_ref, pre_ref, ea_ref, w1a_ref, b1_ref, g_ref,
                   bb_ref, w2_ref, b2_ref, out_ref):
    del alias_ref
    x = pre_ref[...]
    x = x + lax.dot_general(ea_ref[...], w1a_ref[...],
                            (((0,), (0,)), ((), ())),
                            preferred_element_type=jnp.float32)
    x = x + b1_ref[...]
    mu = jnp.mean(x, axis=-1, keepdims=True)
    xc = x - mu
    var = jnp.mean(xc * xc, axis=-1, keepdims=True)
    y = xc / jnp.sqrt(var + 1e-5) * g_ref[...] + bb_ref[...]
    m = y * jax.nn.sigmoid(y)
    z = jnp.dot(m, w2_ref[...], preferred_element_type=jnp.float32)
    z = z + b2_ref[...]
    out_ref[...] = z * jax.nn.sigmoid(z)


def _edge_mlp_slice(mij_buf, pre_s, ea_t, w1a, b1, g, bb, w2, b2,
                    e_total, sb, blk=3200):
    es, d = pre_s.shape
    de = ea_t.shape[0]
    grid = (es // blk,)
    first = mij_buf is None
    if first:
        mij_buf = pre_s
    return pl.pallas_call(
        _edge_mlp_body,
        grid=grid,
        in_specs=[
            pl.BlockSpec(memory_space=pl.ANY),
            pl.BlockSpec((blk, d), lambda i: (i, 0)),
            pl.BlockSpec((de, blk), lambda i: (0, sb + i)),
            pl.BlockSpec((de, d), lambda i: (0, 0)),
            pl.BlockSpec((d,), lambda i: (0,)),
            pl.BlockSpec((d,), lambda i: (0,)),
            pl.BlockSpec((d,), lambda i: (0,)),
            pl.BlockSpec((d, d), lambda i: (0, 0)),
            pl.BlockSpec((d,), lambda i: (0,)),
        ],
        out_specs=pl.BlockSpec((blk, d), lambda i: (sb + i, 0)),
        out_shape=jax.ShapeDtypeStruct((e_total, d), jnp.float32),
        input_output_aliases={} if first else {0: 0},
        compiler_params=pltpu.CompilerParams(
            dimension_semantics=("arbitrary",)),
    )(mij_buf, pre_s, ea_t, w1a, b1, g, bb, w2, b2)


def _make_scatter(E, N, D):
    epw = E // NW
    ck = 40
    steps = epw // ck
    npt = (N // NS) // 8 * 8
    tail = N - NS * npt
    mesh = plsc.VectorSubcoreMesh(core_axis_name="c", subcore_axis_name="s")

    @functools.partial(
        pl.kernel,
        out_type=jax.ShapeDtypeStruct((NC, N, D), jnp.float32),
        mesh=mesh,
        compiler_params=pltpu.CompilerParams(use_tc_tiling_on_sc=True),
        scratch_types=(
            [pltpu.VMEM((ck,), jnp.int32) for _ in range(NBUF)]
            + [pltpu.VMEM((ck, D), jnp.float32) for _ in range(NBUF)]
            + [pltpu.VMEM_SHARED((N, D), jnp.float32)]
            + [pltpu.SemaphoreType.DMA for _ in range(2 * NBUF)]
        ),
    )
    def scatter_k(mij_hbm, row_hbm, zeros_hbm, out_hbm, *scr):
        idx = scr[:NBUF]
        buf = scr[NBUF:2 * NBUF]
        shared = scr[2 * NBUF]
        semi = scr[2 * NBUF + 1:3 * NBUF + 1]
        semm = scr[3 * NBUF + 1:4 * NBUF + 1]
        cid = lax.axis_index("c")
        sid = lax.axis_index("s")
        wid = sid * NC + cid
        noff = pl.multiple_of(sid * npt, 8)
        pltpu.sync_copy(zeros_hbm.at[pl.ds(noff, npt)],
                        shared.at[pl.ds(noff, npt)])

        @pl.when(sid == NS - 1)
        def _init_tail():
            pltpu.sync_copy(zeros_hbm.at[pl.ds(NS * npt, tail)],
                            shared.at[pl.ds(NS * npt, tail)])

        plsc.subcore_barrier()
        base = wid * epw
        groups = steps // NBUF

        def body(j, carry):
            offs = [pl.multiple_of(base + (j * NBUF + b) * ck, 8)
                    for b in range(NBUF)]
            ii, mm = [], []
            for b in range(NBUF):
                ii.append(pltpu.async_copy(
                    row_hbm.at[pl.ds(offs[b], ck)], idx[b], semi[b]))
                mm.append(pltpu.async_copy(
                    mij_hbm.at[pl.ds(offs[b], ck)], buf[b], semm[b]))
            sc = []
            for b in range(NBUF):
                ii[b].wait()
                mm[b].wait()
                sc.append(pltpu.async_copy(
                    buf[b], shared.at[idx[b]], semi[b], add=True))
            for b in range(NBUF):
                sc[b].wait()
            return carry

        lax.fori_loop(0, groups, body, 0)
        plsc.subcore_barrier()
        pltpu.sync_copy(shared.at[pl.ds(noff, npt)],
                        out_hbm.at[cid, pl.ds(noff, npt)])

        @pl.when(sid == NS - 1)
        def _drain_tail():
            pltpu.sync_copy(shared.at[pl.ds(NS * npt, tail)],
                            out_hbm.at[cid, pl.ds(NS * npt, tail)])

    return scatter_k


def _node_mlp_body(h_ref, a0_ref, a1_ref, wnh_ref, wna_ref, b1_ref,
                   g_ref, bb_ref, w2_ref, b2_ref, out_ref):
    hb = h_ref[...]
    agg = (a0_ref[...] + a1_ref[...]) * 0.01
    x = jnp.dot(hb, wnh_ref[...], preferred_element_type=jnp.float32)
    x = x + jnp.dot(agg, wna_ref[...], preferred_element_type=jnp.float32)
    x = x + b1_ref[...]
    mu = jnp.mean(x, axis=-1, keepdims=True)
    xc = x - mu
    var = jnp.mean(xc * xc, axis=-1, keepdims=True)
    y = xc / jnp.sqrt(var + 1e-5) * g_ref[...] + bb_ref[...]
    nh = y * jax.nn.sigmoid(y)
    z = jnp.dot(nh, w2_ref[...], preferred_element_type=jnp.float32)
    out_ref[...] = hb + z + b2_ref[...]


def _node_mlp(h, a0, a1, wnh, wna, b1, g, bb, w2, b2, blk=1000):
    n, d = h.shape
    grid = (n // blk,)
    full = lambda i: (0, 0)
    vec = lambda i: (0,)
    rows = lambda i: (i, 0)
    return pl.pallas_call(
        _node_mlp_body,
        grid=grid,
        in_specs=[
            pl.BlockSpec((blk, d), rows),
            pl.BlockSpec((blk, d), rows),
            pl.BlockSpec((blk, d), rows),
            pl.BlockSpec((d, d), full),
            pl.BlockSpec((d, d), full),
            pl.BlockSpec((d,), vec),
            pl.BlockSpec((d,), vec),
            pl.BlockSpec((d,), vec),
            pl.BlockSpec((d, d), full),
            pl.BlockSpec((d,), vec),
        ],
        out_specs=pl.BlockSpec((blk, d), rows),
        out_shape=jax.ShapeDtypeStruct((n, d), jnp.float32),
    )(h, a0, a1, wnh, wna, b1, g, bb, w2, b2)


def kernel(h, edge_index, edge_attr, W_e1, b_e1, g_e, bb_e, W_e2, b_e2,
           W_n1, b_n1, g_n, bb_n, W_n2, b_n2):
    n, d = h.shape
    e = edge_index.shape[1]
    row = edge_index[0]
    col = edge_index[1]

    w1s = W_e1[:d]
    w1t = W_e1[d:2 * d]
    w1a = W_e1[2 * d:]
    wnh = W_n1[:d]
    wna = W_n1[d:]

    ea_t = edge_attr.T
    hs, ht = _project(h, w1s, w1t)

    n_slices = 5
    es = e // n_slices
    pres = [_make_gather(es, n, d, s * es)(hs, ht, row, col)
            for s in range(n_slices)]
    blk = 3200
    mij = None
    for s in range(n_slices):
        mij = _edge_mlp_slice(mij, pres[s], ea_t, w1a, b_e1, g_e,
                              bb_e, W_e2, b_e2, e, s * es // blk, blk)
    parts = _make_scatter(e, n, d)(mij, row, jnp.zeros((n, d), jnp.float32))
    h_out = _node_mlp(h, parts[0], parts[1], wnh, wna, b_n1, g_n, bb_n,
                      W_n2, b_n2)
    return (h_out, mij)

# --- scband reference (transcript-rebuilt; emitter-appended) ---
"""Pipeline reference for scband-gcl-16415365005675 (READ-ONLY COPY).

The authoritative reference and input builder live on the scoring server;
editing this copy changes nothing except your own understanding.
"""

import jax, jax.numpy as jnp
import numpy as np


def silu(x):
    return x * jax.nn.sigmoid(x)


def layer_norm(x, g, b, eps=1e-5):
    mu = jnp.mean(x, axis=-1, keepdims=True)
    var = jnp.mean((x - mu) ** 2, axis=-1, keepdims=True)
    return (x - mu) / jnp.sqrt(var + eps) * g + b


def _linear_init(k, fan_in, fan_out):
    bound = 1.0 / np.sqrt(fan_in)
    k1, k2 = jax.random.split(k)
    W = jax.random.uniform(k1, (fan_in, fan_out), jnp.float32, -bound, bound)
    b = jax.random.uniform(k2, (fan_out,), jnp.float32, -bound, bound)
    return W, b


def setup_inputs(seed: int = 0) -> dict:
    key = jax.random.key(seed)
    ks = jax.random.split(key, 8)
    N, E, D, H, DE = 10000, 320000, 128, 128, 16
    h = jax.random.normal(ks[0], (N, D), jnp.float32)
    edge_index = jax.random.randint(ks[1], (2, E), 0, N, jnp.int32)
    edge_attr = jax.random.normal(ks[2], (E, DE), jnp.float32)
    W_e1, b_e1 = _linear_init(ks[3], 2 * D + DE, H)
    W_e2, b_e2 = _linear_init(ks[4], H, H)
    W_n1, b_n1 = _linear_init(ks[5], H + D, H)
    W_n2, b_n2 = _linear_init(ks[6], H, D)
    g_e = jnp.ones((H,), jnp.float32)
    bb_e = jnp.zeros((H,), jnp.float32)
    g_n = jnp.ones((H,), jnp.float32)
    bb_n = jnp.zeros((H,), jnp.float32)
    return {"h": h, "edge_index": edge_index, "edge_attr": edge_attr,
            "W_e1": W_e1, "b_e1": b_e1, "g_e": g_e, "bb_e": bb_e,
            "W_e2": W_e2, "b_e2": b_e2,
            "W_n1": W_n1, "b_n1": b_n1, "g_n": g_n, "bb_n": bb_n,
            "W_n2": W_n2, "b_n2": b_n2}


def reference(h, edge_index, edge_attr, W_e1, b_e1, g_e, bb_e, W_e2, b_e2,
              W_n1, b_n1, g_n, bb_n, W_n2, b_n2):
    normalization_factor = 100.0
    row, col = edge_index[0], edge_index[1]
    source = h[row]
    target = h[col]
    # edge_model (attention=False, edge_mask=None)
    out = jnp.concatenate([source, target, edge_attr], axis=1)
    m = silu(layer_norm(out @ W_e1 + b_e1, g_e, bb_e))
    mij = silu(m @ W_e2 + b_e2)
    edge_feat = mij
    # node_model: unsorted_segment_sum with 'sum' aggregation
    agg = jax.ops.segment_sum(edge_feat, row, num_segments=h.shape[0])
    agg = agg / normalization_factor
    agg = jnp.concatenate([h, agg], axis=1)
    nh = silu(layer_norm(agg @ W_n1 + b_n1, g_n, bb_n))
    h_out = h + (nh @ W_n2 + b_n2)
    return (h_out, mij)

if __name__ == "__main__":
    import jax
    _d = setup_inputs()
    print(jax.jit(kernel)(*tuple(_d.values())))

</pallas_src>

<mosaic_0001>
#map = affine_map<(d0, d1) -> (0, 0)>
#map1 = affine_map<(d0, d1) -> (0)>
module attributes {stable_mosaic.version = 14 : i64} {
  func.func @gather_k(%arg0: i32, %arg1: i32, %arg2: memref<10000x128xf32, #tpu.memory_space<hbm>>, %arg3: memref<10000x128xf32, #tpu.memory_space<hbm>>, %arg4: memref<320000xi32, #tpu.memory_space<hbm>>, %arg5: memref<320000xi32, #tpu.memory_space<hbm>>, %arg6: memref<64000x128xf32, #tpu.memory_space<hbm>>, %arg7: memref<80xi32, #tpu.memory_space<vmem>>, %arg8: memref<80xi32, #tpu.memory_space<vmem>>, %arg9: memref<80xi32, #tpu.memory_space<vmem>>, %arg10: memref<80xi32, #tpu.memory_space<vmem>>, %arg11: memref<80xi32, #tpu.memory_space<vmem>>, %arg12: memref<80xi32, #tpu.memory_space<vmem>>, %arg13: memref<80xi32, #tpu.memory_space<vmem>>, %arg14: memref<80xi32, #tpu.memory_space<vmem>>, %arg15: memref<80xi32, #tpu.memory_space<vmem>>, %arg16: memref<80xi32, #tpu.memory_space<vmem>>, %arg17: memref<80x128xf32, #tpu.memory_space<vmem>>, %arg18: memref<80x128xf32, #tpu.memory_space<vmem>>, %arg19: memref<80x128xf32, #tpu.memory_space<vmem>>, %arg20: memref<80x128xf32, #tpu.memory_space<vmem>>, %arg21: memref<80x128xf32, #tpu.memory_space<vmem>>, %arg22: memref<!tpu.dma_semaphore, #tpu.memory_space<semaphore_mem>>, %arg23: memref<!tpu.dma_semaphore, #tpu.memory_space<semaphore_mem>>, %arg24: memref<!tpu.dma_semaphore, #tpu.memory_space<semaphore_mem>>, %arg25: memref<!tpu.dma_semaphore, #tpu.memory_space<semaphore_mem>>, %arg26: memref<!tpu.dma_semaphore, #tpu.memory_space<semaphore_mem>>, %arg27: memref<!tpu.dma_semaphore, #tpu.memory_space<semaphore_mem>>, %arg28: memref<!tpu.dma_semaphore, #tpu.memory_space<semaphore_mem>>, %arg29: memref<!tpu.dma_semaphore, #tpu.memory_space<semaphore_mem>>, %arg30: memref<!tpu.dma_semaphore, #tpu.memory_space<semaphore_mem>>, %arg31: memref<!tpu.dma_semaphore, #tpu.memory_space<semaphore_mem>>) attributes {dimension_semantics = [#tpu.dimension_semantics<core_parallel>, #tpu.dimension_semantics<subcore_parallel>], iteration_bounds = array<i64: 2, 16>, scalar_prefetch = 0 : i64, scratch_operands = 25 : i64, tpu.core_type = #tpu.core_type<sc_vector_subcore>, window_params = [{transform_indices = #map}, {transform_indices = #map}, {transform_indices = #map1}, {transform_indices = #map1}, {transform_indices = #map}]} {
    %mul3A = arith.constant 2 : i32
    %mul3A_0 = arith.muli %arg1, %mul3A : i32
    %add3A = arith.addi %mul3A_0, %arg0 : i32
    %mul3A_1 = arith.constant 2000 : i32
    %mul3A_2 = arith.muli %add3A, %mul3A_1 : i32
    %scan3A = arith.constant 0 : i32
    %scan3A_3 = arith.constant 0 : i32
    %scan3A_4 = arith.constant 5 : i32
    %scan3A_5 = arith.addi %scan3A_3, %scan3A_4 : i32
    %scan3A_6 = arith.constant 1 : i32
    scf.for %scan3A_8 = %scan3A_3 to %scan3A_5 step %scan3A_6  : i32 {
      %mul3A_9 = arith.constant 5 : i32
      %mul3A_10 = arith.muli %scan3A_8, %mul3A_9 : i32
      %add3A_11 = arith.constant 0 : i32
      %add3A_12 = arith.addi %mul3A_10, %add3A_11 : i32
      %mul3A_13 = arith.constant 80 : i32
      %mul3A_14 = arith.muli %add3A_12, %mul3A_13 : i32
      %add3A_15 = arith.addi %mul3A_2, %mul3A_14 : i32
      %multiple_of3A = tpu.assume_multiple %add3A_15, 8 : i32
      %mul3A_16 = arith.constant 5 : i32
      %mul3A_17 = arith.muli %scan3A_8, %mul3A_16 : i32
      %add3A_18 = arith.constant 1 : i32
      %add3A_19 = arith.addi %mul3A_17, %add3A_18 : i32
      %mul3A_20 = arith.constant 80 : i32
      %mul3A_21 = arith.muli %add3A_19, %mul3A_20 : i32
      %add3A_22 = arith.addi %mul3A_2, %mul3A_21 : i32
      %multiple_of3A_23 = tpu.assume_multiple %add3A_22, 8 : i32
      %mul3A_24 = arith.constant 5 : i32
      %mul3A_25 = arith.muli %scan3A_8, %mul3A_24 : i32
      %add3A_26 = arith.constant 2 : i32
      %add3A_27 = arith.addi %mul3A_25, %add3A_26 : i32
      %mul3A_28 = arith.constant 80 : i32
      %mul3A_29 = arith.muli %add3A_27, %mul3A_28 : i32
      %add3A_30 = arith.addi %mul3A_2, %mul3A_29 : i32
      %multiple_of3A_31 = tpu.assume_multiple %add3A_30, 8 : i32
      %mul3A_32 = arith.constant 5 : i32
      %mul3A_33 = arith.muli %scan3A_8, %mul3A_32 : i32
      %add3A_34 = arith.constant 3 : i32
      %add3A_35 = arith.addi %mul3A_33, %add3A_34 : i32
      %mul3A_36 = arith.constant 80 : i32
      %mul3A_37 = arith.muli %add3A_35, %mul3A_36 : i32
      %add3A_38 = arith.addi %mul3A_2, %mul3A_37 : i32
      %multiple_of3A_39 = tpu.assume_multiple %add3A_38, 8 : i32
      %mul3A_40 = arith.constant 5 : i32
      %mul3A_41 = arith.muli %scan3A_8, %mul3A_40 : i32
      %add3A_42 = arith.constant 4 : i32
      %add3A_43 = arith.addi %mul3A_41, %add3A_42 : i32
      %mul3A_44 = arith.constant 80 : i32
      %mul3A_45 = arith.muli %add3A_43, %mul3A_44 : i32
      %add3A_46 = arith.addi %mul3A_2, %mul3A_45 : i32
      %multiple_of3A_47 = tpu.assume_multiple %add3A_46, 8 : i32
      %add3A_48 = arith.constant 64000 : i32
      %add3A_49 = arith.addi %add3A_48, %multiple_of3A : i32
      %multiple_of3A_50 = tpu.assume_multiple %add3A_49, 8 : i32
      %dma_start3A = tpu.memref_slice %arg4[%multiple_of3A_50] : memref<320000xi32, #tpu.memory_space<hbm>> -> memref<80xi32, #tpu.memory_space<hbm>>
      %dma_start3A_51 = tpu.memref_slice %arg4[%multiple_of3A_50] : memref<320000xi32, #tpu.memory_space<hbm>> -> memref<80xi32, #tpu.memory_space<hbm>>
      tpu.enqueue_dma source(%dma_start3A_51 : memref<80xi32, #tpu.memory_space<hbm>>) target(%arg7 : memref<80xi32, #tpu.memory_space<vmem>>) target_semaphore(%arg22 : memref<!tpu.dma_semaphore, #tpu.memory_space<semaphore_mem>>)
      %dma_start3A_52 = tpu.memref_slice %arg5[%multiple_of3A_50] : memref<320000xi32, #tpu.memory_space<hbm>> -> memref<80xi32, #tpu.memory_space<hbm>>
      %dma_start3A_53 = tpu.memref_slice %arg5[%multiple_of3A_50] : memref<320000xi32, #tpu.memory_space<hbm>> -> memref<80xi32, #tpu.memory_space<hbm>>
      tpu.enqueue_dma source(%dma_start3A_53 : memref<80xi32, #tpu.memory_space<hbm>>) target(%arg12 : memref<80xi32, #tpu.memory_space<vmem>>) target_semaphore(%arg27 : memref<!tpu.dma_semaphore, #tpu.memory_space<semaphore_mem>>)
      %add3A_54 = arith.constant 64000 : i32
      %add3A_55 = arith.addi %add3A_54, %multiple_of3A_23 : i32
      %multiple_of3A_56 = tpu.assume_multiple %add3A_55, 8 : i32
      %dma_start3A_57 = tpu.memref_slice %arg4[%multiple_of3A_56] : memref<320000xi32, #tpu.memory_space<hbm>> -> memref<80xi32, #tpu.memory_space<hbm>>
      %dma_start3A_58 = tpu.memref_slice %arg4[%multiple_of3A_56] : memref<320000xi32, #tpu.memory_space<hbm>> -> memref<80xi32, #tpu.memory_space<hbm>>
      tpu.enqueue_dma source(%dma_start3A_58 : memref<80xi32, #tpu.memory_space<hbm>>) target(%arg8 : memref<80xi32, #tpu.memory_space<vmem>>) target_semaphore(%arg23 : memref<!tpu.dma_semaphore, #tpu.memory_space<semaphore_mem>>)
      %dma_start3A_59 = tpu.memref_slice %arg5[%multiple_of3A_56] : memref<320000xi32, #tpu.memory_space<hbm>> -> memref<80xi32, #tpu.memory_space<hbm>>
      %dma_start3A_60 = tpu.memref_slice %arg5[%multiple_of3A_56] : memref<320000xi32, #tpu.memory_space<hbm>> -> memref<80xi32, #tpu.memory_space<hbm>>
      tpu.enqueue_dma source(%dma_start3A_60 : memref<80xi32, #tpu.memory_space<hbm>>) target(%arg13 : memref<80xi32, #tpu.memory_space<vmem>>) target_semaphore(%arg28 : memref<!tpu.dma_semaphore, #tpu.memory_space<semaphore_mem>>)
      %add3A_61 = arith.constant 64000 : i32
      %add3A_62 = arith.addi %add3A_61, %multiple_of3A_31 : i32
      %multiple_of3A_63 = tpu.assume_multiple %add3A_62, 8 : i32
      %dma_start3A_64 = tpu.memref_slice %arg4[%multiple_of3A_63] : memref<320000xi32, #tpu.memory_space<hbm>> -> memref<80xi32, #tpu.memory_space<hbm>>
      %dma_start3A_65 = tpu.memref_slice %arg4[%multiple_of3A_63] : memref<320000xi32, #tpu.memory_space<hbm>> -> memref<80xi32, #tpu.memory_space<hbm>>
      tpu.enqueue_dma source(%dma_start3A_65 : memref<80xi32, #tpu.memory_space<hbm>>) target(%arg9 : memref<80xi32, #tpu.memory_space<vmem>>) target_semaphore(%arg24 : memref<!tpu.dma_semaphore, #tpu.memory_space<semaphore_mem>>)
      %dma_start3A_66 = tpu.memref_slice %arg5[%multiple_of3A_63] : memref<320000xi32, #tpu.memory_space<hbm>> -> memref<80xi32, #tpu.memory_space<hbm>>
      %dma_start3A_67 = tpu.memref_slice %arg5[%multiple_of3A_63] : memref<320000xi32, #tpu.memory_space<hbm>> -> memref<80xi32, #tpu.memory_space<hbm>>
      tpu.enqueue_dma source(%dma_start3A_67 : memref<80xi32, #tpu.memory_space<hbm>>) target(%arg14 : memref<80xi32, #tpu.memory_space<vmem>>) target_semaphore(%arg29 : memref<!tpu.dma_semaphore, #tpu.memory_space<semaphore_mem>>)
      %add3A_68 = arith.constant 64000 : i32
      %add3A_69 = arith.addi %add3A_68, %multiple_of3A_39 : i32
      %multiple_of3A_70 = tpu.assume_multiple %add3A_69, 8 : i32
      %dma_start3A_71 = tpu.memref_slice %arg4[%multiple_of3A_70] : memref<320000xi32, #tpu.memory_space<hbm>> -> memref<80xi32, #tpu.memory_space<hbm>>
      %dma_start3A_72 = tpu.memref_slice %arg4[%multiple_of3A_70] : memref<320000xi32, #tpu.memory_space<hbm>> -> memref<80xi32, #tpu.memory_space<hbm>>
      tpu.enqueue_dma source(%dma_start3A_72 : memref<80xi32, #tpu.memory_space<hbm>>) target(%arg10 : memref<80xi32, #tpu.memory_space<vmem>>) target_semaphore(%arg25 : memref<!tpu.dma_semaphore, #tpu.memory_space<semaphore_mem>>)
      %dma_start3A_73 = tpu.memref_slice %arg5[%multiple_of3A_70] : memref<320000xi32, #tpu.memory_space<hbm>> -> memref<80xi32, #tpu.memory_space<hbm>>
      %dma_start3A_74 = tpu.memref_slice %arg5[%multiple_of3A_70] : memref<320000xi32, #tpu.memory_space<hbm>> -> memref<80xi32, #tpu.memory_space<hbm>>
      tpu.enqueue_dma source(%dma_start3A_74 : memref<80xi32, #tpu.memory_space<hbm>>) target(%arg15 : memref<80xi32, #tpu.memory_space<vmem>>) target_semaphore(%arg30 : memref<!tpu.dma_semaphore, #tpu.memory_space<semaphore_mem>>)
      %add3A_75 = arith.constant 64000 : i32
      %add3A_76 = arith.addi %add3A_75, %multiple_of3A_47 : i32
      %multiple_of3A_77 = tpu.assume_multiple %add3A_76, 8 : i32
      %dma_start3A_78 = tpu.memref_slice %arg4[%multiple_of3A_77] : memref<320000xi32, #tpu.memory_space<hbm>> -> memref<80xi32, #tpu.memory_space<hbm>>
      %dma_start3A_79 = tpu.memref_slice %arg4[%multiple_of3A_77] : memref<320000xi32, #tpu.memory_space<hbm>> -> memref<80xi32, #tpu.memory_space<hbm>>
      tpu.enqueue_dma source(%dma_start3A_79 : memref<80xi32, #tpu.memory_space<hbm>>) target(%arg11 : memref<80xi32, #tpu.memory_space<vmem>>) target_semaphore(%arg26 : memref<!tpu.dma_semaphore, #tpu.memory_space<semaphore_mem>>)
      %dma_start3A_80 = tpu.memref_slice %arg5[%multiple_of3A_77] : memref<320000xi32, #tpu.memory_space<hbm>> -> memref<80xi32, #tpu.memory_space<hbm>>
      %dma_start3A_81 = tpu.memref_slice %arg5[%multiple_of3A_77] : memref<320000xi32, #tpu.memory_space<hbm>> -> memref<80xi32, #tpu.memory_space<hbm>>
      tpu.enqueue_dma source(%dma_start3A_81 : memref<80xi32, #tpu.memory_space<hbm>>) target(%arg16 : memref<80xi32, #tpu.memory_space<vmem>>) target_semaphore(%arg31 : memref<!tpu.dma_semaphore, #tpu.memory_space<semaphore_mem>>)
      %dma_wait3A = tpu.memref_slice %arg4[%multiple_of3A_50] : memref<320000xi32, #tpu.memory_space<hbm>> -> memref<80xi32, #tpu.memory_space<hbm>>
      %dma_wait3A_82 = tpu.memref_slice %arg4[%multiple_of3A_50] : memref<320000xi32, #tpu.memory_space<hbm>> -> memref<80xi32, #tpu.memory_space<hbm>>
      tpu.wait_dma2 semaphore(%arg22 : memref<!tpu.dma_semaphore, #tpu.memory_space<semaphore_mem>>) src(%dma_wait3A_82 : memref<80xi32, #tpu.memory_space<hbm>>) dst(%arg7 : memref<80xi32, #tpu.memory_space<vmem>>)
      %dma_start3A_83 = arith.constant 0 : i32
      %dma_start3A_84 = arith.constant 0 : i32
      %dma_start3A_85 = tpu.memref_slice %arg2[%dma_start3A_83, %dma_start3A_84] : memref<10000x128xf32, #tpu.memory_space<hbm>> -> memref<10000x128xf32, #tpu.memory_space<hbm>>
      tpu.enqueue_indirect_dma source(%dma_start3A_85 : memref<10000x128xf32, #tpu.memory_space<hbm>>) target(%arg17 : memref<80x128xf32, #tpu.memory_space<vmem>>) offsets(%arg7 : memref<80xi32, #tpu.memory_space<vmem>>) semaphore(%arg22 : memref<!tpu.dma_semaphore, #tpu.memory_space<semaphore_mem>>)
      %dma_wait3A_86 = tpu.memref_slice %arg4[%multiple_of3A_56] : memref<320000xi32, #tpu.memory_space<hbm>> -> memref<80xi32, #tpu.memory_space<hbm>>
      %dma_wait3A_87 = tpu.memref_slice %arg4[%multiple_of3A_56] : memref<320000xi32, #tpu.memory_space<hbm>> -> memref<80xi32, #tpu.memory_space<hbm>>
      tpu.wait_dma2 semaphore(%arg23 : memref<!tpu.dma_semaphore, #tpu.memory_space<semaphore_mem>>) src(%dma_wait3A_87 : memref<80xi32, #tpu.memory_space<hbm>>) dst(%arg8 : memref<80xi32, #tpu.memory_space<vmem>>)
      %dma_start3A_88 = arith.constant 0 : i32
      %dma_start3A_89 = arith.constant 0 : i32
      %dma_start3A_90 = tpu.memref_slice %arg2[%dma_start3A_88, %dma_start3A_89] : memref<10000x128xf32, #tpu.memory_space<hbm>> -> memref<10000x128xf32, #tpu.memory_space<hbm>>
      tpu.enqueue_indirect_dma source(%dma_start3A_90 : memref<10000x128xf32, #tpu.memory_space<hbm>>) target(%arg18 : memref<80x128xf32, #tpu.memory_space<vmem>>) offsets(%arg8 : memref<80xi32, #tpu.memory_space<vmem>>) semaphore(%arg23 : memref<!tpu.dma_semaphore, #tpu.memory_space<semaphore_mem>>)
      %dma_wait3A_91 = tpu.memref_slice %arg4[%multiple_of3A_63] : memref<320000xi32, #tpu.memory_space<hbm>> -> memref<80xi32, #tpu.memory_space<hbm>>
      %dma_wait3A_92 = tpu.memref_slice %arg4[%multiple_of3A_63] : memref<320000xi32, #tpu.memory_space<hbm>> -> memref<80xi32, #tpu.memory_space<hbm>>
      tpu.wait_dma2 semaphore(%arg24 : memref<!tpu.dma_semaphore, #tpu.memory_space<semaphore_mem>>) src(%dma_wait3A_92 : memref<80xi32, #tpu.memory_space<hbm>>) dst(%arg9 : memref<80xi32, #tpu.memory_space<vmem>>)
      %dma_start3A_93 = arith.constant 0 : i32
      %dma_start3A_94 = arith.constant 0 : i32
      %dma_start3A_95 = tpu.memref_slice %arg2[%dma_start3A_93, %dma_start3A_94] : memref<10000x128xf32, #tpu.memory_space<hbm>> -> memref<10000x128xf32, #tpu.memory_space<hbm>>
      tpu.enqueue_indirect_dma source(%dma_start3A_95 : memref<10000x128xf32, #tpu.memory_space<hbm>>) target(%arg19 : memref<80x128xf32, #tpu.memory_space<vmem>>) offsets(%arg9 : memref<80xi32, #tpu.memory_space<vmem>>) semaphore(%arg24 : memref<!tpu.dma_semaphore, #tpu.memory_space<semaphore_mem>>)
      %dma_wait3A_96 = tpu.memref_slice %arg4[%multiple_of3A_70] : memref<320000xi32, #tpu.memory_space<hbm>> -> memref<80xi32, #tpu.memory_space<hbm>>
      %dma_wait3A_97 = tpu.memref_slice %arg4[%multiple_of3A_70] : memref<320000xi32, #tpu.memory_space<hbm>> -> memref<80xi32, #tpu.memory_space<hbm>>
      tpu.wait_dma2 semaphore(%arg25 : memref<!tpu.dma_semaphore, #tpu.memory_space<semaphore_mem>>) src(%dma_wait3A_97 : memref<80xi32, #tpu.memory_space<hbm>>) dst(%arg10 : memref<80xi32, #tpu.memory_space<vmem>>)
      %dma_start3A_98 = arith.constant 0 : i32
      %dma_start3A_99 = arith.constant 0 : i32
      %dma_start3A_100 = tpu.memref_slice %arg2[%dma_start3A_98, %dma_start3A_99] : memref<10000x128xf32, #tpu.memory_space<hbm>> -> memref<10000x128xf32, #tpu.memory_space<hbm>>
      tpu.enqueue_indirect_dma source(%dma_start3A_100 : memref<10000x128xf32, #tpu.memory_space<hbm>>) target(%arg20 : memref<80x128xf32, #tpu.memory_space<vmem>>) offsets(%arg10 : memref<80xi32, #tpu.memory_space<vmem>>) semaphore(%arg25 : memref<!tpu.dma_semaphore, #tpu.memory_space<semaphore_mem>>)
      %dma_wait3A_101 = tpu.memref_slice %arg4[%multiple_of3A_77] : memref<320000xi32, #tpu.memory_space<hbm>> -> memref<80xi32, #tpu.memory_space<hbm>>
      %dma_wait3A_102 = tpu.memref_slice %arg4[%multiple_of3A_77] : memref<320000xi32, #tpu.memory_space<hbm>> -> memref<80xi32, #tpu.memory_space<hbm>>
      tpu.wait_dma2 semaphore(%arg26 : memref<!tpu.dma_semaphore, #tpu.memory_space<semaphore_mem>>) src(%dma_wait3A_102 : memref<80xi32, #tpu.memory_space<hbm>>) dst(%arg11 : memref<80xi32, #tpu.memory_space<vmem>>)
      %dma_start3A_103 = arith.constant 0 : i32
      %dma_start3A_104 = arith.constant 0 : i32
      %dma_start3A_105 = tpu.memref_slice %arg2[%dma_start3A_103, %dma_start3A_104] : memref<10000x128xf32, #tpu.memory_space<hbm>> -> memref<10000x128xf32, #tpu.memory_space<hbm>>
      tpu.enqueue_indirect_dma source(%dma_start3A_105 : memref<10000x128xf32, #tpu.memory_space<hbm>>) target(%arg21 : memref<80x128xf32, #tpu.memory_space<vmem>>) offsets(%arg11 : memref<80xi32, #tpu.memory_space<vmem>>) semaphore(%arg26 : memref<!tpu.dma_semaphore, #tpu.memory_space<semaphore_mem>>)
      %dma_wait3A_106 = arith.constant 0 : i32
      %dma_wait3A_107 = arith.constant 0 : i32
      %dma_wait3A_108 = tpu.memref_slice %arg2[%dma_wait3A_106, %dma_wait3A_107] : memref<10000x128xf32, #tpu.memory_space<hbm>> -> memref<10000x128xf32, #tpu.memory_space<hbm>>
      tpu.wait_indirect_dma semaphore(%arg22 : memref<!tpu.dma_semaphore, #tpu.memory_space<semaphore_mem>>) src(%dma_wait3A_108 : memref<10000x128xf32, #tpu.memory_space<hbm>>) dst(%arg17 : memref<80x128xf32, #tpu.memory_space<vmem>>)
      %dma_wait3A_109 = tpu.memref_slice %arg5[%multiple_of3A_50] : memref<320000xi32, #tpu.memory_space<hbm>> -> memref<80xi32, #tpu.memory_space<hbm>>
      %dma_wait3A_110 = tpu.memref_slice %arg5[%multiple_of3A_50] : memref<320000xi32, #tpu.memory_space<hbm>> -> memref<80xi32, #tpu.memory_space<hbm>>
      tpu.wait_dma2 semaphore(%arg27 : memref<!tpu.dma_semaphore, #tpu.memory_space<semaphore_mem>>) src(%dma_wait3A_110 : memref<80xi32, #tpu.memory_space<hbm>>) dst(%arg12 : memref<80xi32, #tpu.memory_space<vmem>>)
      %dma_start3A_111 = arith.constant 0 : i32
      %dma_start3A_112 = arith.constant 0 : i32
      %dma_start3A_113 = tpu.memref_slice %arg3[%dma_start3A_111, %dma_start3A_112] : memref<10000x128xf32, #tpu.memory_space<hbm>> -> memref<10000x128xf32, #tpu.memory_space<hbm>>
      tpu.enqueue_indirect_dma source(%dma_start3A_113 : memref<10000x128xf32, #tpu.memory_space<hbm>>) target(%arg17 : memref<80x128xf32, #tpu.memory_space<vmem>>) offsets(%arg12 : memref<80xi32, #tpu.memory_space<vmem>>) semaphore(%arg22 : memref<!tpu.dma_semaphore, #tpu.memory_space<semaphore_mem>>) {add = true}
      %dma_wait3A_114 = arith.constant 0 : i32
      %dma_wait3A_115 = arith.constant 0 : i32
      %dma_wait3A_116 = tpu.memref_slice %arg2[%dma_wait3A_114, %dma_wait3A_115] : memref<10000x128xf32, #tpu.memory_space<hbm>> -> memref<10000x128xf32, #tpu.memory_space<hbm>>
      tpu.wait_indirect_dma semaphore(%arg23 : memref<!tpu.dma_semaphore, #tpu.memory_space<semaphore_mem>>) src(%dma_wait3A_116 : memref<10000x128xf32, #tpu.memory_space<hbm>>) dst(%arg18 : memref<80x128xf32, #tpu.memory_space<vmem>>)
      %dma_wait3A_117 = tpu.memref_slice %arg5[%multiple_of3A_56] : memref<320000xi32, #tpu.memory_space<hbm>> -> memref<80xi32, #tpu.memory_space<hbm>>
      %dma_wait3A_118 = tpu.memref_slice %arg5[%multiple_of3A_56] : memref<320000xi32, #tpu.memory_space<hbm>> -> memref<80xi32, #tpu.memory_space<hbm>>
      tpu.wait_dma2 semaphore(%arg28 : memref<!tpu.dma_semaphore, #tpu.memory_space<semaphore_mem>>) src(%dma_wait3A_118 : memref<80xi32, #tpu.memory_space<hbm>>) dst(%arg13 : memref<80xi32, #tpu.memory_space<vmem>>)
      %dma_start3A_119 = arith.constant 0 : i32
      %dma_start3A_120 = arith.constant 0 : i32
      %dma_start3A_121 = tpu.memref_slice %arg3[%dma_start3A_119, %dma_start3A_120] : memref<10000x128xf32, #tpu.memory_space<hbm>> -> memref<10000x128xf32, #tpu.memory_space<hbm>>
      tpu.enqueue_indirect_dma source(%dma_start3A_121 : memref<10000x128xf32, #tpu.memory_space<hbm>>) target(%arg18 : memref<80x128xf32, #tpu.memory_space<vmem>>) offsets(%arg13 : memref<80xi32, #tpu.memory_space<vmem>>) semaphore(%arg23 : memref<!tpu.dma_semaphore, #tpu.memory_space<semaphore_mem>>) {add = true}
      %dma_wait3A_122 = arith.constant 0 : i32
      %dma_wait3A_123 = arith.constant 0 : i32
      %dma_wait3A_124 = tpu.memref_slice %arg2[%dma_wait3A_122, %dma_wait3A_123] : memref<10000x128xf32, #tpu.memory_space<hbm>> -> memref<10000x128xf32, #tpu.memory_space<hbm>>
      tpu.wait_indirect_dma semaphore(%arg24 : memref<!tpu.dma_semaphore, #tpu.memory_space<semaphore_mem>>) src(%dma_wait3A_124 : memref<10000x128xf32, #tpu.memory_space<hbm>>) dst(%arg19 : memref<80x128xf32, #tpu.memory_space<vmem>>)
      %dma_wait3A_125 = tpu.memref_slice %arg5[%multiple_of3A_63] : memref<320000xi32, #tpu.memory_space<hbm>> -> memref<80xi32, #tpu.memory_space<hbm>>
      %dma_wait3A_126 = tpu.memref_slice %arg5[%multiple_of3A_63] : memref<320000xi32, #tpu.memory_space<hbm>> -> memref<80xi32, #tpu.memory_space<hbm>>
      tpu.wait_dma2 semaphore(%arg29 : memref<!tpu.dma_semaphore, #tpu.memory_space<semaphore_mem>>) src(%dma_wait3A_126 : memref<80xi32, #tpu.memory_space<hbm>>) dst(%arg14 : memref<80xi32, #tpu.memory_space<vmem>>)
      %dma_start3A_127 = arith.constant 0 : i32
      %dma_start3A_128 = arith.constant 0 : i32
      %dma_start3A_129 = tpu.memref_slice %arg3[%dma_start3A_127, %dma_start3A_128] : memref<10000x128xf32, #tpu.memory_space<hbm>> -> memref<10000x128xf32, #tpu.memory_space<hbm>>
      tpu.enqueue_indirect_dma source(%dma_start3A_129 : memref<10000x128xf32, #tpu.memory_space<hbm>>) target(%arg19 : memref<80x128xf32, #tpu.memory_space<vmem>>) offsets(%arg14 : memref<80xi32, #tpu.memory_space<vmem>>) semaphore(%arg24 : memref<!tpu.dma_semaphore, #tpu.memory_space<semaphore_mem>>) {add = true}
      %dma_wait3A_130 = arith.constant 0 : i32
      %dma_wait3A_131 = arith.constant 0 : i32
      %dma_wait3A_132 = tpu.memref_slice %arg2[%dma_wait3A_130, %dma_wait3A_131] : memref<10000x128xf32, #tpu.memory_space<hbm>> -> memref<10000x128xf32, #tpu.memory_space<hbm>>
      tpu.wait_indirect_dma semaphore(%arg25 : memref<!tpu.dma_semaphore, #tpu.memory_space<semaphore_mem>>) src(%dma_wait3A_132 : memref<10000x128xf32, #tpu.memory_space<hbm>>) dst(%arg20 : memref<80x128xf32, #tpu.memory_space<vmem>>)
      %dma_wait3A_133 = tpu.memref_slice %arg5[%multiple_of3A_70] : memref<320000xi32, #tpu.memory_space<hbm>> -> memref<80xi32, #tpu.memory_space<hbm>>
      %dma_wait3A_134 = tpu.memref_slice %arg5[%multiple_of3A_70] : memref<320000xi32, #tpu.memory_space<hbm>> -> memref<80xi32, #tpu.memory_space<hbm>>
      tpu.wait_dma2 semaphore(%arg30 : memref<!tpu.dma_semaphore, #tpu.memory_space<semaphore_mem>>) src(%dma_wait3A_134 : memref<80xi32, #tpu.memory_space<hbm>>) dst(%arg15 : memref<80xi32, #tpu.memory_space<vmem>>)
      %dma_start3A_135 = arith.constant 0 : i32
      %dma_start3A_136 = arith.constant 0 : i32
      %dma_start3A_137 = tpu.memref_slice %arg3[%dma_start3A_135, %dma_start3A_136] : memref<10000x128xf32, #tpu.memory_space<hbm>> -> memref<10000x128xf32, #tpu.memory_space<hbm>>
      tpu.enqueue_indirect_dma source(%dma_start3A_137 : memref<10000x128xf32, #tpu.memory_space<hbm>>) target(%arg20 : memref<80x128xf32, #tpu.memory_space<vmem>>) offsets(%arg15 : memref<80xi32, #tpu.memory_space<vmem>>) semaphore(%arg25 : memref<!tpu.dma_semaphore, #tpu.memory_space<semaphore_mem>>) {add = true}
      %dma_wait3A_138 = arith.constant 0 : i32
      %dma_wait3A_139 = arith.constant 0 : i32
      %dma_wait3A_140 = tpu.memref_slice %arg2[%dma_wait3A_138, %dma_wait3A_139] : memref<10000x128xf32, #tpu.memory_space<hbm>> -> memref<10000x128xf32, #tpu.memory_space<hbm>>
      tpu.wait_indirect_dma semaphore(%arg26 : memref<!tpu.dma_semaphore, #tpu.memory_space<semaphore_mem>>) src(%dma_wait3A_140 : memref<10000x128xf32, #tpu.memory_space<hbm>>) dst(%arg21 : memref<80x128xf32, #tpu.memory_space<vmem>>)
      %dma_wait3A_141 = tpu.memref_slice %arg5[%multiple_of3A_77] : memref<320000xi32, #tpu.memory_space<hbm>> -> memref<80xi32, #tpu.memory_space<hbm>>
      %dma_wait3A_142 = tpu.memref_slice %arg5[%multiple_of3A_77] : memref<320000xi32, #tpu.memory_space<hbm>> -> memref<80xi32, #tpu.memory_space<hbm>>
      tpu.wait_dma2 semaphore(%arg31 : memref<!tpu.dma_semaphore, #tpu.memory_space<semaphore_mem>>) src(%dma_wait3A_142 : memref<80xi32, #tpu.memory_space<hbm>>) dst(%arg16 : memref<80xi32, #tpu.memory_space<vmem>>)
      %dma_start3A_143 = arith.constant 0 : i32
      %dma_start3A_144 = arith.constant 0 : i32
      %dma_start3A_145 = tpu.memref_slice %arg3[%dma_start3A_143, %dma_start3A_144] : memref<10000x128xf32, #tpu.memory_space<hbm>> -> memref<10000x128xf32, #tpu.memory_space<hbm>>
      tpu.enqueue_indirect_dma source(%dma_start3A_145 : memref<10000x128xf32, #tpu.memory_space<hbm>>) target(%arg21 : memref<80x128xf32, #tpu.memory_space<vmem>>) offsets(%arg16 : memref<80xi32, #tpu.memory_space<vmem>>) semaphore(%arg26 : memref<!tpu.dma_semaphore, #tpu.memory_space<semaphore_mem>>) {add = true}
      %dma_wait3A_146 = arith.constant 0 : i32
      %dma_wait3A_147 = arith.constant 0 : i32
      %dma_wait3A_148 = tpu.memref_slice %arg3[%dma_wait3A_146, %dma_wait3A_147] : memref<10000x128xf32, #tpu.memory_space<hbm>> -> memref<10000x128xf32, #tpu.memory_space<hbm>>
      tpu.wait_indirect_dma semaphore(%arg22 : memref<!tpu.dma_semaphore, #tpu.memory_space<semaphore_mem>>) src(%dma_wait3A_148 : memref<10000x128xf32, #tpu.memory_space<hbm>>) dst(%arg17 : memref<80x128xf32, #tpu.memory_space<vmem>>)
      %dma_start3A_149 = arith.constant 0 : i32
      %dma_start3A_150 = tpu.memref_slice %arg6[%multiple_of3A, %dma_start3A_149] : memref<64000x128xf32, #tpu.memory_space<hbm>> -> memref<80x128xf32, #tpu.memory_space<hbm>>
      %dma_start3A_151 = arith.constant 0 : i32
      %dma_start3A_152 = tpu.memref_slice %arg6[%multiple_of3A, %dma_start3A_151] : memref<64000x128xf32, #tpu.memory_space<hbm>> -> memref<80x128xf32, #tpu.memory_space<hbm>>
      tpu.enqueue_dma source(%arg17 : memref<80x128xf32, #tpu.memory_space<vmem>>) target(%dma_start3A_152 : memref<80x128xf32, #tpu.memory_space<hbm>>) target_semaphore(%arg22 : memref<!tpu.dma_semaphore, #tpu.memory_space<semaphore_mem>>)
      %dma_wait3A_153 = arith.constant 0 : i32
      %dma_wait3A_154 = arith.constant 0 : i32
      %dma_wait3A_155 = tpu.memref_slice %arg3[%dma_wait3A_153, %dma_wait3A_154] : memref<10000x128xf32, #tpu.memory_space<hbm>> -> memref<10000x128xf32, #tpu.memory_space<hbm>>
      tpu.wait_indirect_dma semaphore(%arg23 : memref<!tpu.dma_semaphore, #tpu.memory_space<semaphore_mem>>) src(%dma_wait3A_155 : memref<10000x128xf32, #tpu.memory_space<hbm>>) dst(%arg18 : memref<80x128xf32, #tpu.memory_space<vmem>>)
      %dma_start3A_156 = arith.constant 0 : i32
      %dma_start3A_157 = tpu.memref_slice %arg6[%multiple_of3A_23, %dma_start3A_156] : memref<64000x128xf32, #tpu.memory_space<hbm>> -> memref<80x128xf32, #tpu.memory_space<hbm>>
      %dma_start3A_158 = arith.constant 0 : i32
      %dma_start3A_159 = tpu.memref_slice %arg6[%multiple_of3A_23, %dma_start3A_158] : memref<64000x128xf32, #tpu.memory_space<hbm>> -> memref<80x128xf32, #tpu.memory_space<hbm>>
      tpu.enqueue_dma source(%arg18 : memref<80x128xf32, #tpu.memory_space<vmem>>) target(%dma_start3A_159 : memref<80x128xf32, #tpu.memory_space<hbm>>) target_semaphore(%arg23 : memref<!tpu.dma_semaphore, #tpu.memory_space<semaphore_mem>>)
      %dma_wait3A_160 = arith.constant 0 : i32
      %dma_wait3A_161 = arith.constant 0 : i32
      %dma_wait3A_162 = tpu.memref_slice %arg3[%dma_wait3A_160, %dma_wait3A_161] : memref<10000x128xf32, #tpu.memory_space<hbm>> -> memref<10000x128xf32, #tpu.memory_space<hbm>>
      tpu.wait_indirect_dma semaphore(%arg24 : memref<!tpu.dma_semaphore, #tpu.memory_space<semaphore_mem>>) src(%dma_wait3A_162 : memref<10000x128xf32, #tpu.memory_space<hbm>>) dst(%arg19 : memref<80x128xf32, #tpu.memory_space<vmem>>)
      %dma_start3A_163 = arith.constant 0 : i32
      %dma_start3A_164 = tpu.memref_slice %arg6[%multiple_of3A_31, %dma_start3A_163] : memref<64000x128xf32, #tpu.memory_space<hbm>> -> memref<80x128xf32, #tpu.memory_space<hbm>>
      %dma_start3A_165 = arith.constant 0 : i32
      %dma_start3A_166 = tpu.memref_slice %arg6[%multiple_of3A_31, %dma_start3A_165] : memref<64000x128xf32, #tpu.memory_space<hbm>> -> memref<80x128xf32, #tpu.memory_space<hbm>>
      tpu.enqueue_dma source(%arg19 : memref<80x128xf32, #tpu.memory_space<vmem>>) target(%dma_start3A_166 : memref<80x128xf32, #tpu.memory_space<hbm>>) target_semaphore(%arg24 : memref<!tpu.dma_semaphore, #tpu.memory_space<semaphore_mem>>)
      %dma_wait3A_167 = arith.constant 0 : i32
      %dma_wait3A_168 = arith.constant 0 : i32
      %dma_wait3A_169 = tpu.memref_slice %arg3[%dma_wait3A_167, %dma_wait3A_168] : memref<10000x128xf32, #tpu.memory_space<hbm>> -> memref<10000x128xf32, #tpu.memory_space<hbm>>
      tpu.wait_indirect_dma semaphore(%arg25 : memref<!tpu.dma_semaphore, #tpu.memory_space<semaphore_mem>>) src(%dma_wait3A_169 : memref<10000x128xf32, #tpu.memory_space<hbm>>) dst(%arg20 : memref<80x128xf32, #tpu.memory_space<vmem>>)
      %dma_start3A_170 = arith.constant 0 : i32
      %dma_start3A_171 = tpu.memref_slice %arg6[%multiple_of3A_39, %dma_start3A_170] : memref<64000x128xf32, #tpu.memory_space<hbm>> -> memref<80x128xf32, #tpu.memory_space<hbm>>
      %dma_start3A_172 = arith.constant 0 : i32
      %dma_start3A_173 = tpu.memref_slice %arg6[%multiple_of3A_39, %dma_start3A_172] : memref<64000x128xf32, #tpu.memory_space<hbm>> -> memref<80x128xf32, #tpu.memory_space<hbm>>
      tpu.enqueue_dma source(%arg20 : memref<80x128xf32, #tpu.memory_space<vmem>>) target(%dma_start3A_173 : memref<80x128xf32, #tpu.memory_space<hbm>>) target_semaphore(%arg25 : memref<!tpu.dma_semaphore, #tpu.memory_space<semaphore_mem>>)
      %dma_wait3A_174 = arith.constant 0 : i32
      %dma_wait3A_175 = arith.constant 0 : i32
      %dma_wait3A_176 = tpu.memref_slice %arg3[%dma_wait3A_174, %dma_wait3A_175] : memref<10000x128xf32, #tpu.memory_space<hbm>> -> memref<10000x128xf32, #tpu.memory_space<hbm>>
      tpu.wait_indirect_dma semaphore(%arg26 : memref<!tpu.dma_semaphore, #tpu.memory_space<semaphore_mem>>) src(%dma_wait3A_176 : memref<10000x128xf32, #tpu.memory_space<hbm>>) dst(%arg21 : memref<80x128xf32, #tpu.memory_space<vmem>>)
      %dma_start3A_177 = arith.constant 0 : i32
      %dma_start3A_178 = tpu.memref_slice %arg6[%multiple_of3A_47, %dma_start3A_177] : memref<64000x128xf32, #tpu.memory_space<hbm>> -> memref<80x128xf32, #tpu.memory_space<hbm>>
      %dma_start3A_179 = arith.constant 0 : i32
      %dma_start3A_180 = tpu.memref_slice %arg6[%multiple_of3A_47, %dma_start3A_179] : memref<64000x128xf32, #tpu.memory_space<hbm>> -> memref<80x128xf32, #tpu.memory_space<hbm>>
      tpu.enqueue_dma source(%arg21 : memref<80x128xf32, #tpu.memory_space<vmem>>) target(%dma_start3A_180 : memref<80x128xf32, #tpu.memory_space<hbm>>) target_semaphore(%arg26 : memref<!tpu.dma_semaphore, #tpu.memory_space<semaphore_mem>>)
      %dma_wait3A_181 = arith.constant 0 : i32
      %dma_wait3A_182 = tpu.memref_slice %arg6[%multiple_of3A, %dma_wait3A_181] : memref<64000x128xf32, #tpu.memory_space<hbm>> -> memref<80x128xf32, #tpu.memory_space<hbm>>
      %dma_wait3A_183 = arith.constant 0 : i32
      %dma_wait3A_184 = tpu.memref_slice %arg6[%multiple_of3A, %dma_wait3A_183] : memref<64000x128xf32, #tpu.memory_space<hbm>> -> memref<80x128xf32, #tpu.memory_space<hbm>>
      tpu.wait_dma2 semaphore(%arg22 : memref<!tpu.dma_semaphore, #tpu.memory_space<semaphore_mem>>) src(%arg17 : memref<80x128xf32, #tpu.memory_space<vmem>>) dst(%dma_wait3A_184 : memref<80x128xf32, #tpu.memory_space<hbm>>)
      %dma_wait3A_185 = arith.constant 0 : i32
      %dma_wait3A_186 = tpu.memref_slice %arg6[%multiple_of3A_23, %dma_wait3A_185] : memref<64000x128xf32, #tpu.memory_space<hbm>> -> memref<80x128xf32, #tpu.memory_space<hbm>>
      %dma_wait3A_187 = arith.constant 0 : i32
      %dma_wait3A_188 = tpu.memref_slice %arg6[%multiple_of3A_23, %dma_wait3A_187] : memref<64000x128xf32, #tpu.memory_space<hbm>> -> memref<80x128xf32, #tpu.memory_space<hbm>>
      tpu.wait_dma2 semaphore(%arg23 : memref<!tpu.dma_semaphore, #tpu.memory_space<semaphore_mem>>) src(%arg18 : memref<80x128xf32, #tpu.memory_space<vmem>>) dst(%dma_wait3A_188 : memref<80x128xf32, #tpu.memory_space<hbm>>)
      %dma_wait3A_189 = arith.constant 0 : i32
      %dma_wait3A_190 = tpu.memref_slice %arg6[%multiple_of3A_31, %dma_wait3A_189] : memref<64000x128xf32, #tpu.memory_space<hbm>> -> memref<80x128xf32, #tpu.memory_space<hbm>>
      %dma_wait3A_191 = arith.constant 0 : i32
      %dma_wait3A_192 = tpu.memref_slice %arg6[%multiple_of3A_31, %dma_wait3A_191] : memref<64000x128xf32, #tpu.memory_space<hbm>> -> memref<80x128xf32, #tpu.memory_space<hbm>>
      tpu.wait_dma2 semaphore(%arg24 : memref<!tpu.dma_semaphore, #tpu.memory_space<semaphore_mem>>) src(%arg19 : memref<80x128xf32, #tpu.memory_space<vmem>>) dst(%dma_wait3A_192 : memref<80x128xf32, #tpu.memory_space<hbm>>)
      %dma_wait3A_193 = arith.constant 0 : i32
      %dma_wait3A_194 = tpu.memref_slice %arg6[%multiple_of3A_39, %dma_wait3A_193] : memref<64000x128xf32, #tpu.memory_space<hbm>> -> memref<80x128xf32, #tpu.memory_space<hbm>>
      %dma_wait3A_195 = arith.constant 0 : i32
      %dma_wait3A_196 = tpu.memref_slice %arg6[%multiple_of3A_39, %dma_wait3A_195] : memref<64000x128xf32, #tpu.memory_space<hbm>> -> memref<80x128xf32, #tpu.memory_space<hbm>>
      tpu.wait_dma2 semaphore(%arg25 : memref<!tpu.dma_semaphore, #tpu.memory_space<semaphore_mem>>) src(%arg20 : memref<80x128xf32, #tpu.memory_space<vmem>>) dst(%dma_wait3A_196 : memref<80x128xf32, #tpu.memory_space<hbm>>)
      %dma_wait3A_197 = arith.constant 0 : i32
      %dma_wait3A_198 = tpu.memref_slice %arg6[%multiple_of3A_47, %dma_wait3A_197] : memref<64000x128xf32, #tpu.memory_space<hbm>> -> memref<80x128xf32, #tpu.memory_space<hbm>>
      %dma_wait3A_199 = arith.constant 0 : i32
      %dma_wait3A_200 = tpu.memref_slice %arg6[%multiple_of3A_47, %dma_wait3A_199] : memref<64000x128xf32, #tpu.memory_space<hbm>> -> memref<80x128xf32, #tpu.memory_space<hbm>>
      tpu.wait_dma2 semaphore(%arg26 : memref<!tpu.dma_semaphore, #tpu.memory_space<semaphore_mem>>) src(%arg21 : memref<80x128xf32, #tpu.memory_space<vmem>>) dst(%dma_wait3A_200 : memref<80x128xf32, #tpu.memory_space<hbm>>)
    }
    %scan3A_7 = arith.constant 5 : i32
    return
  }
}

#map = affine_map<(d0, d1) -> (0, 0)>
#map1 = affine_map<(d0, d1) -> (0)>
module attributes {stable_mosaic.version = 14 : i64} {
  func.func @gather_k(%arg0: i32, %arg1: i32, %arg2: memref<10000x128xf32, #tpu.memory_space<hbm>>, %arg3: memref<10000x128xf32, #tpu.memory_space<hbm>>, %arg4: memref<320000xi32, #tpu.memory_space<hbm>>, %arg5: memref<320000xi32, #tpu.memory_space<hbm>>, %arg6: memref<64000x128xf32, #tpu.memory_space<hbm>>, %arg7: memref<80xi32, #tpu.memory_space<vmem>>, %arg8: memref<80xi32, #tpu.memory_space<vmem>>, %arg9: memref<80xi32, #tpu.memory_space<vmem>>, %arg10: memref<80xi32, #tpu.memory_space<vmem>>, %arg11: memref<80xi32, #tpu.memory_space<vmem>>, %arg12: memref<80xi32, #tpu.memory_space<vmem>>, %arg13: memref<80xi32, #tpu.memory_space<vmem>>, %arg14: memref<80xi32, #tpu.memory_space<vmem>>, %arg15: memref<80xi32, #tpu.memory_space<vmem>>, %arg16: memref<80xi32, #tpu.memory_space<vmem>>, %arg17: memref<80x128xf32, #tpu.memory_space<vmem>>, %arg18: memref<80x128xf32, #tpu.memory_space<vmem>>, %arg19: memref<80x128xf32, #tpu.memory_space<vmem>>, %arg20: memref<80x128xf32, #tpu.memory_space<vmem>>, %arg21: memref<80x128xf32, #tpu.memory_space<vmem>>, %arg22: memref<!tpu.dma_semaphore, #tpu.memory_space<semaphore_mem>>, %arg23: memref<!tpu.dma_semaphore, #tpu.memory_space<semaphore_mem>>, %arg24: memref<!tpu.dma_semaphore, #tpu.memory_space<semaphore_mem>>, %arg25: memref<!tpu.dma_semaphore, #tpu.memory_space<semaphore_mem>>, %arg26: memref<!tpu.dma_semaphore, #tpu.memory_space<semaphore_mem>>, %arg27: memref<!tpu.dma_semaphore, #tpu.memory_space<semaphore_mem>>, %arg28: memref<!tpu.dma_semaphore, #tpu.memory_space<semaphore_mem>>, %arg29: memref<!tpu.dma_semaphore, #tpu.memory_space<semaphore_mem>>, %arg30: memref<!tpu.dma_semaphore, #tpu.memory_space<semaphore_mem>>, %arg31: memref<!tpu.dma_semaphore, #tpu.memory_space<semaphore_mem>>) attributes {dimension_semantics = [#tpu.dimension_semantics<core_parallel>, #tpu.dimension_semantics<subcore_parallel>], iteration_bounds = array<i64: 2, 16>, scalar_prefetch = 0 : i64, scratch_operands = 25 : i64, tpu.core_type = #tpu.core_type<sc_vector_subcore>, window_params = [{transform_indices = #map}, {transform_indices = #map}, {transform_indices = #map1}, {transform_indices = #map1}, {transform_indices = #map}]} {
    %mul3A = arith.constant 2 : i32
    %mul3A_0 = arith.muli %arg1, %mul3A : i32
    %add3A = arith.addi %mul3A_0, %arg0 : i32
    %mul3A_1 = arith.constant 2000 : i32
    %mul3A_2 = arith.muli %add3A, %mul3A_1 : i32
    %scan3A = arith.constant 0 : i32
    %scan3A_3 = arith.constant 0 : i32
    %scan3A_4 = arith.constant 5 : i32
    %scan3A_5 = arith.addi %scan3A_3, %scan3A_4 : i32
    %scan3A_6 = arith.constant 1 : i32
    scf.for %scan3A_8 = %scan3A_3 to %scan3A_5 step %scan3A_6  : i32 {
      %mul3A_9 = arith.constant 5 : i32
      %mul3A_10 = arith.muli %scan3A_8, %mul3A_9 : i32
      %add3A_11 = arith.constant 0 : i32
      %add3A_12 = arith.addi %mul3A_10, %add3A_11 : i32
      %mul3A_13 = arith.constant 80 : i32
      %mul3A_14 = arith.muli %add3A_12, %mul3A_13 : i32
      %add3A_15 = arith.addi %mul3A_2, %mul3A_14 : i32
      %multiple_of3A = tpu.assume_multiple %add3A_15, 8 : i32
      %mul3A_16 = arith.constant 5 : i32
      %mul3A_17 = arith.muli %scan3A_8, %mul3A_16 : i32
      %add3A_18 = arith.constant 1 : i32
      %add3A_19 = arith.addi %mul3A_17, %add3A_18 : i32
      %mul3A_20 = arith.constant 80 : i32
      %mul3A_21 = arith.muli %add3A_19, %mul3A_20 : i32
      %add3A_22 = arith.addi %mul3A_2, %mul3A_21 : i32
      %multiple_of3A_23 = tpu.assume_multiple %add3A_22, 8 : i32
      %mul3A_24 = arith.constant 5 : i32
      %mul3A_25 = arith.muli %scan3A_8, %mul3A_24 : i32
      %add3A_26 = arith.constant 2 : i32
      %add3A_27 = arith.addi %mul3A_25, %add3A_26 : i32
      %mul3A_28 = arith.constant 80 : i32
      %mul3A_29 = arith.muli %add3A_27, %mul3A_28 : i32
      %add3A_30 = arith.addi %mul3A_2, %mul3A_29 : i32
      %multiple_of3A_31 = tpu.assume_multiple %add3A_30, 8 : i32
      %mul3A_32 = arith.constant 5 : i32
      %mul3A_33 = arith.muli %scan3A_8, %mul3A_32 : i32
      %add3A_34 = arith.constant 3 : i32
      %add3A_35 = arith.addi %mul3A_33, %add3A_34 : i32
      %mul3A_36 = arith.constant 80 : i32
      %mul3A_37 = arith.muli %add3A_35, %mul3A_36 : i32
      %add3A_38 = arith.addi %mul3A_2, %mul3A_37 : i32
      %multiple_of3A_39 = tpu.assume_multiple %add3A_38, 8 : i32
      %mul3A_40 = arith.constant 5 : i32
      %mul3A_41 = arith.muli %scan3A_8, %mul3A_40 : i32
      %add3A_42 = arith.constant 4 : i32
      %add3A_43 = arith.addi %mul3A_41, %add3A_42 : i32
      %mul3A_44 = arith.constant 80 : i32
      %mul3A_45 = arith.muli %add3A_43, %mul3A_44 : i32
      %add3A_46 = arith.addi %mul3A_2, %mul3A_45 : i32
      %multiple_of3A_47 = tpu.assume_multiple %add3A_46, 8 : i32
      %add3A_48 = arith.constant 0 : i32
      %add3A_49 = arith.addi %add3A_48, %multiple_of3A : i32
      %multiple_of3A_50 = tpu.assume_multiple %add3A_49, 8 : i32
      %dma_start3A = tpu.memref_slice %arg4[%multiple_of3A_50] : memref<320000xi32, #tpu.memory_space<hbm>> -> memref<80xi32, #tpu.memory_space<hbm>>
      %dma_start3A_51 = tpu.memref_slice %arg4[%multiple_of3A_50] : memref<320000xi32, #tpu.memory_space<hbm>> -> memref<80xi32, #tpu.memory_space<hbm>>
      tpu.enqueue_dma source(%dma_start3A_51 : memref<80xi32, #tpu.memory_space<hbm>>) target(%arg7 : memref<80xi32, #tpu.memory_space<vmem>>) target_semaphore(%arg22 : memref<!tpu.dma_semaphore, #tpu.memory_space<semaphore_mem>>)
      %dma_start3A_52 = tpu.memref_slice %arg5[%multiple_of3A_50] : memref<320000xi32, #tpu.memory_space<hbm>> -> memref<80xi32, #tpu.memory_space<hbm>>
      %dma_start3A_53 = tpu.memref_slice %arg5[%multiple_of3A_50] : memref<320000xi32, #tpu.memory_space<hbm>> -> memref<80xi32, #tpu.memory_space<hbm>>
      tpu.enqueue_dma source(%dma_start3A_53 : memref<80xi32, #tpu.memory_space<hbm>>) target(%arg12 : memref<80xi32, #tpu.memory_space<vmem>>) target_semaphore(%arg27 : memref<!tpu.dma_semaphore, #tpu.memory_space<semaphore_mem>>)
      %add3A_54 = arith.constant 0 : i32
      %add3A_55 = arith.addi %add3A_54, %multiple_of3A_23 : i32
      %multiple_of3A_56 = tpu.assume_multiple %add3A_55, 8 : i32
      %dma_start3A_57 = tpu.memref_slice %arg4[%multiple_of3A_56] : memref<320000xi32, #tpu.memory_space<hbm>> -> memref<80xi32, #tpu.memory_space<hbm>>
      %dma_start3A_58 = tpu.memref_slice %arg4[%multiple_of3A_56] : memref<320000xi32, #tpu.memory_space<hbm>> -> memref<80xi32, #tpu.memory_space<hbm>>
      tpu.enqueue_dma source(%dma_start3A_58 : memref<80xi32, #tpu.memory_space<hbm>>) target(%arg8 : memref<80xi32, #tpu.memory_space<vmem>>) target_semaphore(%arg23 : memref<!tpu.dma_semaphore, #tpu.memory_space<semaphore_mem>>)
      %dma_start3A_59 = tpu.memref_slice %arg5[%multiple_of3A_56] : memref<320000xi32, #tpu.memory_space<hbm>> -> memref<80xi32, #tpu.memory_space<hbm>>
      %dma_start3A_60 = tpu.memref_slice %arg5[%multiple_of3A_56] : memref<320000xi32, #tpu.memory_space<hbm>> -> memref<80xi32, #tpu.memory_space<hbm>>
      tpu.enqueue_dma source(%dma_start3A_60 : memref<80xi32, #tpu.memory_space<hbm>>) target(%arg13 : memref<80xi32, #tpu.memory_space<vmem>>) target_semaphore(%arg28 : memref<!tpu.dma_semaphore, #tpu.memory_space<semaphore_mem>>)
      %add3A_61 = arith.constant 0 : i32
      %add3A_62 = arith.addi %add3A_61, %multiple_of3A_31 : i32
      %multiple_of3A_63 = tpu.assume_multiple %add3A_62, 8 : i32
      %dma_start3A_64 = tpu.memref_slice %arg4[%multiple_of3A_63] : memref<320000xi32, #tpu.memory_space<hbm>> -> memref<80xi32, #tpu.memory_space<hbm>>
      %dma_start3A_65 = tpu.memref_slice %arg4[%multiple_of3A_63] : memref<320000xi32, #tpu.memory_space<hbm>> -> memref<80xi32, #tpu.memory_space<hbm>>
      tpu.enqueue_dma source(%dma_start3A_65 : memref<80xi32, #tpu.memory_space<hbm>>) target(%arg9 : memref<80xi32, #tpu.memory_space<vmem>>) target_semaphore(%arg24 : memref<!tpu.dma_semaphore, #tpu.memory_space<semaphore_mem>>)
      %dma_start3A_66 = tpu.memref_slice %arg5[%multiple_of3A_63] : memref<320000xi32, #tpu.memory_space<hbm>> -> memref<80xi32, #tpu.memory_space<hbm>>
      %dma_start3A_67 = tpu.memref_slice %arg5[%multiple_of3A_63] : memref<320000xi32, #tpu.memory_space<hbm>> -> memref<80xi32, #tpu.memory_space<hbm>>
      tpu.enqueue_dma source(%dma_start3A_67 : memref<80xi32, #tpu.memory_space<hbm>>) target(%arg14 : memref<80xi32, #tpu.memory_space<vmem>>) target_semaphore(%arg29 : memref<!tpu.dma_semaphore, #tpu.memory_space<semaphore_mem>>)
      %add3A_68 = arith.constant 0 : i32
      %add3A_69 = arith.addi %add3A_68, %multiple_of3A_39 : i32
      %multiple_of3A_70 = tpu.assume_multiple %add3A_69, 8 : i32
      %dma_start3A_71 = tpu.memref_slice %arg4[%multiple_of3A_70] : memref<320000xi32, #tpu.memory_space<hbm>> -> memref<80xi32, #tpu.memory_space<hbm>>
      %dma_start3A_72 = tpu.memref_slice %arg4[%multiple_of3A_70] : memref<320000xi32, #tpu.memory_space<hbm>> -> memref<80xi32, #tpu.memory_space<hbm>>
      tpu.enqueue_dma source(%dma_start3A_72 : memref<80xi32, #tpu.memory_space<hbm>>) target(%arg10 : memref<80xi32, #tpu.memory_space<vmem>>) target_semaphore(%arg25 : memref<!tpu.dma_semaphore, #tpu.memory_space<semaphore_mem>>)
      %dma_start3A_73 = tpu.memref_slice %arg5[%multiple_of3A_70] : memref<320000xi32, #tpu.memory_space<hbm>> -> memref<80xi32, #tpu.memory_space<hbm>>
      %dma_start3A_74 = tpu.memref_slice %arg5[%multiple_of3A_70] : memref<320000xi32, #tpu.memory_space<hbm>> -> memref<80xi32, #tpu.memory_space<hbm>>
      tpu.enqueue_dma source(%dma_start3A_74 : memref<80xi32, #tpu.memory_space<hbm>>) target(%arg15 : memref<80xi32, #tpu.memory_space<vmem>>) target_semaphore(%arg30 : memref<!tpu.dma_semaphore, #tpu.memory_space<semaphore_mem>>)
      %add3A_75 = arith.constant 0 : i32
      %add3A_76 = arith.addi %add3A_75, %multiple_of3A_47 : i32
      %multiple_of3A_77 = tpu.assume_multiple %add3A_76, 8 : i32
      %dma_start3A_78 = tpu.memref_slice %arg4[%multiple_of3A_77] : memref<320000xi32, #tpu.memory_space<hbm>> -> memref<80xi32, #tpu.memory_space<hbm>>
      %dma_start3A_79 = tpu.memref_slice %arg4[%multiple_of3A_77] : memref<320000xi32, #tpu.memory_space<hbm>> -> memref<80xi32, #tpu.memory_space<hbm>>
      tpu.enqueue_dma source(%dma_start3A_79 : memref<80xi32, #tpu.memory_space<hbm>>) target(%arg11 : memref<80xi32, #tpu.memory_space<vmem>>) target_semaphore(%arg26 : memref<!tpu.dma_semaphore, #tpu.memory_space<semaphore_mem>>)
      %dma_start3A_80 = tpu.memref_slice %arg5[%multiple_of3A_77] : memref<320000xi32, #tpu.memory_space<hbm>> -> memref<80xi32, #tpu.memory_space<hbm>>
      %dma_start3A_81 = tpu.memref_slice %arg5[%multiple_of3A_77] : memref<320000xi32, #tpu.memory_space<hbm>> -> memref<80xi32, #tpu.memory_space<hbm>>
      tpu.enqueue_dma source(%dma_start3A_81 : memref<80xi32, #tpu.memory_space<hbm>>) target(%arg16 : memref<80xi32, #tpu.memory_space<vmem>>) target_semaphore(%arg31 : memref<!tpu.dma_semaphore, #tpu.memory_space<semaphore_mem>>)
      %dma_wait3A = tpu.memref_slice %arg4[%multiple_of3A_50] : memref<320000xi32, #tpu.memory_space<hbm>> -> memref<80xi32, #tpu.memory_space<hbm>>
      %dma_wait3A_82 = tpu.memref_slice %arg4[%multiple_of3A_50] : memref<320000xi32, #tpu.memory_space<hbm>> -> memref<80xi32, #tpu.memory_space<hbm>>
      tpu.wait_dma2 semaphore(%arg22 : memref<!tpu.dma_semaphore, #tpu.memory_space<semaphore_mem>>) src(%dma_wait3A_82 : memref<80xi32, #tpu.memory_space<hbm>>) dst(%arg7 : memref<80xi32, #tpu.memory_space<vmem>>)
      %dma_start3A_83 = arith.constant 0 : i32
      %dma_start3A_84 = arith.constant 0 : i32
      %dma_start3A_85 = tpu.memref_slice %arg2[%dma_start3A_83, %dma_start3A_84] : memref<10000x128xf32, #tpu.memory_space<hbm>> -> memref<10000x128xf32, #tpu.memory_space<hbm>>
      tpu.enqueue_indirect_dma source(%dma_start3A_85 : memref<10000x128xf32, #tpu.memory_space<hbm>>) target(%arg17 : memref<80x128xf32, #tpu.memory_space<vmem>>) offsets(%arg7 : memref<80xi32, #tpu.memory_space<vmem>>) semaphore(%arg22 : memref<!tpu.dma_semaphore, #tpu.memory_space<semaphore_mem>>)
      %dma_wait3A_86 = tpu.memref_slice %arg4[%multiple_of3A_56] : memref<320000xi32, #tpu.memory_space<hbm>> -> memref<80xi32, #tpu.memory_space<hbm>>
      %dma_wait3A_87 = tpu.memref_slice %arg4[%multiple_of3A_56] : memref<320000xi32, #tpu.memory_space<hbm>> -> memref<80xi32, #tpu.memory_space<hbm>>
      tpu.wait_dma2 semaphore(%arg23 : memref<!tpu.dma_semaphore, #tpu.memory_space<semaphore_mem>>) src(%dma_wait3A_87 : memref<80xi32, #tpu.memory_space<hbm>>) dst(%arg8 : memref<80xi32, #tpu.memory_space<vmem>>)
      %dma_start3A_88 = arith.constant 0 : i32
      %dma_start3A_89 = arith.constant 0 : i32
      %dma_start3A_90 = tpu.memref_slice %arg2[%dma_start3A_88, %dma_start3A_89] : memref<10000x128xf32, #tpu.memory_space<hbm>> -> memref<10000x128xf32, #tpu.memory_space<hbm>>
      tpu.enqueue_indirect_dma source(%dma_start3A_90 : memref<10000x128xf32, #tpu.memory_space<hbm>>) target(%arg18 : memref<80x128xf32, #tpu.memory_space<vmem>>) offsets(%arg8 : memref<80xi32, #tpu.memory_space<vmem>>) semaphore(%arg23 : memref<!tpu.dma_semaphore, #tpu.memory_space<semaphore_mem>>)
      %dma_wait3A_91 = tpu.memref_slice %arg4[%multiple_of3A_63] : memref<320000xi32, #tpu.memory_space<hbm>> -> memref<80xi32, #tpu.memory_space<hbm>>
      %dma_wait3A_92 = tpu.memref_slice %arg4[%multiple_of3A_63] : memref<320000xi32, #tpu.memory_space<hbm>> -> memref<80xi32, #tpu.memory_space<hbm>>
      tpu.wait_dma2 semaphore(%arg24 : memref<!tpu.dma_semaphore, #tpu.memory_space<semaphore_mem>>) src(%dma_wait3A_92 : memref<80xi32, #tpu.memory_space<hbm>>) dst(%arg9 : memref<80xi32, #tpu.memory_space<vmem>>)
      %dma_start3A_93 = arith.constant 0 : i32
      %dma_start3A_94 = arith.constant 0 : i32
      %dma_start3A_95 = tpu.memref_slice %arg2[%dma_start3A_93, %dma_start3A_94] : memref<10000x128xf32, #tpu.memory_space<hbm>> -> memref<10000x128xf32, #tpu.memory_space<hbm>>
      tpu.enqueue_indirect_dma source(%dma_start3A_95 : memref<10000x128xf32, #tpu.memory_space<hbm>>) target(%arg19 : memref<80x128xf32, #tpu.memory_space<vmem>>) offsets(%arg9 : memref<80xi32, #tpu.memory_space<vmem>>) semaphore(%arg24 : memref<!tpu.dma_semaphore, #tpu.memory_space<semaphore_mem>>)
      %dma_wait3A_96 = tpu.memref_slice %arg4[%multiple_of3A_70] : memref<320000xi32, #tpu.memory_space<hbm>> -> memref<80xi32, #tpu.memory_space<hbm>>
      %dma_wait3A_97 = tpu.memref_slice %arg4[%multiple_of3A_70] : memref<320000xi32, #tpu.memory_space<hbm>> -> memref<80xi32, #tpu.memory_space<hbm>>
      tpu.wait_dma2 semaphore(%arg25 : memref<!tpu.dma_semaphore, #tpu.memory_space<semaphore_mem>>) src(%dma_wait3A_97 : memref<80xi32, #tpu.memory_space<hbm>>) dst(%arg10 : memref<80xi32, #tpu.memory_space<vmem>>)
      %dma_start3A_98 = arith.constant 0 : i32
      %dma_start3A_99 = arith.constant 0 : i32
      %dma_start3A_100 = tpu.memref_slice %arg2[%dma_start3A_98, %dma_start3A_99] : memref<10000x128xf32, #tpu.memory_space<hbm>> -> memref<10000x128xf32, #tpu.memory_space<hbm>>
      tpu.enqueue_indirect_dma source(%dma_start3A_100 : memref<10000x128xf32, #tpu.memory_space<hbm>>) target(%arg20 : memref<80x128xf32, #tpu.memory_space<vmem>>) offsets(%arg10 : memref<80xi32, #tpu.memory_space<vmem>>) semaphore(%arg25 : memref<!tpu.dma_semaphore, #tpu.memory_space<semaphore_mem>>)
      %dma_wait3A_101 = tpu.memref_slice %arg4[%multiple_of3A_77] : memref<320000xi32, #tpu.memory_space<hbm>> -> memref<80xi32, #tpu.memory_space<hbm>>
      %dma_wait3A_102 = tpu.memref_slice %arg4[%multiple_of3A_77] : memref<320000xi32, #tpu.memory_space<hbm>> -> memref<80xi32, #tpu.memory_space<hbm>>
      tpu.wait_dma2 semaphore(%arg26 : memref<!tpu.dma_semaphore, #tpu.memory_space<semaphore_mem>>) src(%dma_wait3A_102 : memref<80xi32, #tpu.memory_space<hbm>>) dst(%arg11 : memref<80xi32, #tpu.memory_space<vmem>>)
      %dma_start3A_103 = arith.constant 0 : i32
      %dma_start3A_104 = arith.constant 0 : i32
      %dma_start3A_105 = tpu.memref_slice %arg2[%dma_start3A_103, %dma_start3A_104] : memref<10000x128xf32, #tpu.memory_space<hbm>> -> memref<10000x128xf32, #tpu.memory_space<hbm>>
      tpu.enqueue_indirect_dma source(%dma_start3A_105 : memref<10000x128xf32, #tpu.memory_space<hbm>>) target(%arg21 : memref<80x128xf32, #tpu.memory_space<vmem>>) offsets(%arg11 : memref<80xi32, #tpu.memory_space<vmem>>) semaphore(%arg26 : memref<!tpu.dma_semaphore, #tpu.memory_space<semaphore_mem>>)
      %dma_wait3A_106 = arith.constant 0 : i32
      %dma_wait3A_107 = arith.constant 0 : i32
      %dma_wait3A_108 = tpu.memref_slice %arg2[%dma_wait3A_106, %dma_wait3A_107] : memref<10000x128xf32, #tpu.memory_space<hbm>> -> memref<10000x128xf32, #tpu.memory_space<hbm>>
      tpu.wait_indirect_dma semaphore(%arg22 : memref<!tpu.dma_semaphore, #tpu.memory_space<semaphore_mem>>) src(%dma_wait3A_108 : memref<10000x128xf32, #tpu.memory_space<hbm>>) dst(%arg17 : memref<80x128xf32, #tpu.memory_space<vmem>>)
      %dma_wait3A_109 = tpu.memref_slice %arg5[%multiple_of3A_50] : memref<320000xi32, #tpu.memory_space<hbm>> -> memref<80xi32, #tpu.memory_space<hbm>>
      %dma_wait3A_110 = tpu.memref_slice %arg5[%multiple_of3A_50] : memref<320000xi32, #tpu.memory_space<hbm>> -> memref<80xi32, #tpu.memory_space<hbm>>
      tpu.wait_dma2 semaphore(%arg27 : memref<!tpu.dma_semaphore, #tpu.memory_space<semaphore_mem>>) src(%dma_wait3A_110 : memref<80xi32, #tpu.memory_space<hbm>>) dst(%arg12 : memref<80xi32, #tpu.memory_space<vmem>>)
      %dma_start3A_111 = arith.constant 0 : i32
      %dma_start3A_112 = arith.constant 0 : i32
      %dma_start3A_113 = tpu.memref_slice %arg3[%dma_start3A_111, %dma_start3A_112] : memref<10000x128xf32, #tpu.memory_space<hbm>> -> memref<10000x128xf32, #tpu.memory_space<hbm>>
      tpu.enqueue_indirect_dma source(%dma_start3A_113 : memref<10000x128xf32, #tpu.memory_space<hbm>>) target(%arg17 : memref<80x128xf32, #tpu.memory_space<vmem>>) offsets(%arg12 : memref<80xi32, #tpu.memory_space<vmem>>) semaphore(%arg22 : memref<!tpu.dma_semaphore, #tpu.memory_space<semaphore_mem>>) {add = true}
      %dma_wait3A_114 = arith.constant 0 : i32
      %dma_wait3A_115 = arith.constant 0 : i32
      %dma_wait3A_116 = tpu.memref_slice %arg2[%dma_wait3A_114, %dma_wait3A_115] : memref<10000x128xf32, #tpu.memory_space<hbm>> -> memref<10000x128xf32, #tpu.memory_space<hbm>>
      tpu.wait_indirect_dma semaphore(%arg23 : memref<!tpu.dma_semaphore, #tpu.memory_space<semaphore_mem>>) src(%dma_wait3A_116 : memref<10000x128xf32, #tpu.memory_space<hbm>>) dst(%arg18 : memref<80x128xf32, #tpu.memory_space<vmem>>)
      %dma_wait3A_117 = tpu.memref_slice %arg5[%multiple_of3A_56] : memref<320000xi32, #tpu.memory_space<hbm>> -> memref<80xi32, #tpu.memory_space<hbm>>
      %dma_wait3A_118 = tpu.memref_slice %arg5[%multiple_of3A_56] : memref<320000xi32, #tpu.memory_space<hbm>> -> memref<80xi32, #tpu.memory_space<hbm>>
      tpu.wait_dma2 semaphore(%arg28 : memref<!tpu.dma_semaphore, #tpu.memory_space<semaphore_mem>>) src(%dma_wait3A_118 : memref<80xi32, #tpu.memory_space<hbm>>) dst(%arg13 : memref<80xi32, #tpu.memory_space<vmem>>)
      %dma_start3A_119 = arith.constant 0 : i32
      %dma_start3A_120 = arith.constant 0 : i32
      %dma_start3A_121 = tpu.memref_slice %arg3[%dma_start3A_119, %dma_start3A_120] : memref<10000x128xf32, #tpu.memory_space<hbm>> -> memref<10000x128xf32, #tpu.memory_space<hbm>>
      tpu.enqueue_indirect_dma source(%dma_start3A_121 : memref<10000x128xf32, #tpu.memory_space<hbm>>) target(%arg18 : memref<80x128xf32, #tpu.memory_space<vmem>>) offsets(%arg13 : memref<80xi32, #tpu.memory_space<vmem>>) semaphore(%arg23 : memref<!tpu.dma_semaphore, #tpu.memory_space<semaphore_mem>>) {add = true}
      %dma_wait3A_122 = arith.constant 0 : i32
      %dma_wait3A_123 = arith.constant 0 : i32
      %dma_wait3A_124 = tpu.memref_slice %arg2[%dma_wait3A_122, %dma_wait3A_123] : memref<10000x128xf32, #tpu.memory_space<hbm>> -> memref<10000x128xf32, #tpu.memory_space<hbm>>
      tpu.wait_indirect_dma semaphore(%arg24 : memref<!tpu.dma_semaphore, #tpu.memory_space<semaphore_mem>>) src(%dma_wait3A_124 : memref<10000x128xf32, #tpu.memory_space<hbm>>) dst(%arg19 : memref<80x128xf32, #tpu.memory_space<vmem>>)
      %dma_wait3A_125 = tpu.memref_slice %arg5[%multiple_of3A_63] : memref<320000xi32, #tpu.memory_space<hbm>> -> memref<80xi32, #tpu.memory_space<hbm>>
      %dma_wait3A_126 = tpu.memref_slice %arg5[%multiple_of3A_63] : memref<320000xi32, #tpu.memory_space<hbm>> -> memref<80xi32, #tpu.memory_space<hbm>>
      tpu.wait_dma2 semaphore(%arg29 : memref<!tpu.dma_semaphore, #tpu.memory_space<semaphore_mem>>) src(%dma_wait3A_126 : memref<80xi32, #tpu.memory_space<hbm>>) dst(%arg14 : memref<80xi32, #tpu.memory_space<vmem>>)
      %dma_start3A_127 = arith.constant 0 : i32
      %dma_start3A_128 = arith.constant 0 : i32
      %dma_start3A_129 = tpu.memref_slice %arg3[%dma_start3A_127, %dma_start3A_128] : memref<10000x128xf32, #tpu.memory_space<hbm>> -> memref<10000x128xf32, #tpu.memory_space<hbm>>
      tpu.enqueue_indirect_dma source(%dma_start3A_129 : memref<10000x128xf32, #tpu.memory_space<hbm>>) target(%arg19 : memref<80x128xf32, #tpu.memory_space<vmem>>) offsets(%arg14 : memref<80xi32, #tpu.memory_space<vmem>>) semaphore(%arg24 : memref<!tpu.dma_semaphore, #tpu.memory_space<semaphore_mem>>) {add = true}
      %dma_wait3A_130 = arith.constant 0 : i32
      %dma_wait3A_131 = arith.constant 0 : i32
      %dma_wait3A_132 = tpu.memref_slice %arg2[%dma_wait3A_130, %dma_wait3A_131] : memref<10000x128xf32, #tpu.memory_space<hbm>> -> memref<10000x128xf32, #tpu.memory_space<hbm>>
      tpu.wait_indirect_dma semaphore(%arg25 : memref<!tpu.dma_semaphore, #tpu.memory_space<semaphore_mem>>) src(%dma_wait3A_132 : memref<10000x128xf32, #tpu.memory_space<hbm>>) dst(%arg20 : memref<80x128xf32, #tpu.memory_space<vmem>>)
      %dma_wait3A_133 = tpu.memref_slice %arg5[%multiple_of3A_70] : memref<320000xi32, #tpu.memory_space<hbm>> -> memref<80xi32, #tpu.memory_space<hbm>>
      %dma_wait3A_134 = tpu.memref_slice %arg5[%multiple_of3A_70] : memref<320000xi32, #tpu.memory_space<hbm>> -> memref<80xi32, #tpu.memory_space<hbm>>
      tpu.wait_dma2 semaphore(%arg30 : memref<!tpu.dma_semaphore, #tpu.memory_space<semaphore_mem>>) src(%dma_wait3A_134 : memref<80xi32, #tpu.memory_space<hbm>>) dst(%arg15 : memref<80xi32, #tpu.memory_space<vmem>>)
      %dma_start3A_135 = arith.constant 0 : i32
      %dma_start3A_136 = arith.constant 0 : i32
      %dma_start3A_137 = tpu.memref_slice %arg3[%dma_start3A_135, %dma_start3A_136] : memref<10000x128xf32, #tpu.memory_space<hbm>> -> memref<10000x128xf32, #tpu.memory_space<hbm>>
      tpu.enqueue_indirect_dma source(%dma_start3A_137 : memref<10000x128xf32, #tpu.memory_space<hbm>>) target(%arg20 : memref<80x128xf32, #tpu.memory_space<vmem>>) offsets(%arg15 : memref<80xi32, #tpu.memory_space<vmem>>) semaphore(%arg25 : memref<!tpu.dma_semaphore, #tpu.memory_space<semaphore_mem>>) {add = true}
      %dma_wait3A_138 = arith.constant 0 : i32
      %dma_wait3A_139 = arith.constant 0 : i32
      %dma_wait3A_140 = tpu.memref_slice %arg2[%dma_wait3A_138, %dma_wait3A_139] : memref<10000x128xf32, #tpu.memory_space<hbm>> -> memref<10000x128xf32, #tpu.memory_space<hbm>>
      tpu.wait_indirect_dma semaphore(%arg26 : memref<!tpu.dma_semaphore, #tpu.memory_space<semaphore_mem>>) src(%dma_wait3A_140 : memref<10000x128xf32, #tpu.memory_space<hbm>>) dst(%arg21 : memref<80x128xf32, #tpu.memory_space<vmem>>)
      %dma_wait3A_141 = tpu.memref_slice %arg5[%multiple_of3A_77] : memref<320000xi32, #tpu.memory_space<hbm>> -> memref<80xi32, #tpu.memory_space<hbm>>
      %dma_wait3A_142 = tpu.memref_slice %arg5[%multiple_of3A_77] : memref<320000xi32, #tpu.memory_space<hbm>> -> memref<80xi32, #tpu.memory_space<hbm>>
      tpu.wait_dma2 semaphore(%arg31 : memref<!tpu.dma_semaphore, #tpu.memory_space<semaphore_mem>>) src(%dma_wait3A_142 : memref<80xi32, #tpu.memory_space<hbm>>) dst(%arg16 : memref<80xi32, #tpu.memory_space<vmem>>)
      %dma_start3A_143 = arith.constant 0 : i32
      %dma_start3A_144 = arith.constant 0 : i32
      %dma_start3A_145 = tpu.memref_slice %arg3[%dma_start3A_143, %dma_start3A_144] : memref<10000x128xf32, #tpu.memory_space<hbm>> -> memref<10000x128xf32, #tpu.memory_space<hbm>>
      tpu.enqueue_indirect_dma source(%dma_start3A_145 : memref<10000x128xf32, #tpu.memory_space<hbm>>) target(%arg21 : memref<80x128xf32, #tpu.memory_space<vmem>>) offsets(%arg16 : memref<80xi32, #tpu.memory_space<vmem>>) semaphore(%arg26 : memref<!tpu.dma_semaphore, #tpu.memory_space<semaphore_mem>>) {add = true}
      %dma_wait3A_146 = arith.constant 0 : i32
      %dma_wait3A_147 = arith.constant 0 : i32
      %dma_wait3A_148 = tpu.memref_slice %arg3[%dma_wait3A_146, %dma_wait3A_147] : memref<10000x128xf32, #tpu.memory_space<hbm>> -> memref<10000x128xf32, #tpu.memory_space<hbm>>
      tpu.wait_indirect_dma semaphore(%arg22 : memref<!tpu.dma_semaphore, #tpu.memory_space<semaphore_mem>>) src(%dma_wait3A_148 : memref<10000x128xf32, #tpu.memory_space<hbm>>) dst(%arg17 : memref<80x128xf32, #tpu.memory_space<vmem>>)
      %dma_start3A_149 = arith.constant 0 : i32
      %dma_start3A_150 = tpu.memref_slice %arg6[%multiple_of3A, %dma_start3A_149] : memref<64000x128xf32, #tpu.memory_space<hbm>> -> memref<80x128xf32, #tpu.memory_space<hbm>>
      %dma_start3A_151 = arith.constant 0 : i32
      %dma_start3A_152 = tpu.memref_slice %arg6[%multiple_of3A, %dma_start3A_151] : memref<64000x128xf32, #tpu.memory_space<hbm>> -> memref<80x128xf32, #tpu.memory_space<hbm>>
      tpu.enqueue_dma source(%arg17 : memref<80x128xf32, #tpu.memory_space<vmem>>) target(%dma_start3A_152 : memref<80x128xf32, #tpu.memory_space<hbm>>) target_semaphore(%arg22 : memref<!tpu.dma_semaphore, #tpu.memory_space<semaphore_mem>>)
      %dma_wait3A_153 = arith.constant 0 : i32
      %dma_wait3A_154 = arith.constant 0 : i32
      %dma_wait3A_155 = tpu.memref_slice %arg3[%dma_wait3A_153, %dma_wait3A_154] : memref<10000x128xf32, #tpu.memory_space<hbm>> -> memref<10000x128xf32, #tpu.memory_space<hbm>>
      tpu.wait_indirect_dma semaphore(%arg23 : memref<!tpu.dma_semaphore, #tpu.memory_space<semaphore_mem>>) src(%dma_wait3A_155 : memref<10000x128xf32, #tpu.memory_space<hbm>>) dst(%arg18 : memref<80x128xf32, #tpu.memory_space<vmem>>)
      %dma_start3A_156 = arith.constant 0 : i32
      %dma_start3A_157 = tpu.memref_slice %arg6[%multiple_of3A_23, %dma_start3A_156] : memref<64000x128xf32, #tpu.memory_space<hbm>> -> memref<80x128xf32, #tpu.memory_space<hbm>>
      %dma_start3A_158 = arith.constant 0 : i32
      %dma_start3A_159 = tpu.memref_slice %arg6[%multiple_of3A_23, %dma_start3A_158] : memref<64000x128xf32, #tpu.memory_space<hbm>> -> memref<80x128xf32, #tpu.memory_space<hbm>>
      tpu.enqueue_dma source(%arg18 : memref<80x128xf32, #tpu.memory_space<vmem>>) target(%dma_start3A_159 : memref<80x128xf32, #tpu.memory_space<hbm>>) target_semaphore(%arg23 : memref<!tpu.dma_semaphore, #tpu.memory_space<semaphore_mem>>)
      %dma_wait3A_160 = arith.constant 0 : i32
      %dma_wait3A_161 = arith.constant 0 : i32
      %dma_wait3A_162 = tpu.memref_slice %arg3[%dma_wait3A_160, %dma_wait3A_161] : memref<10000x128xf32, #tpu.memory_space<hbm>> -> memref<10000x128xf32, #tpu.memory_space<hbm>>
      tpu.wait_indirect_dma semaphore(%arg24 : memref<!tpu.dma_semaphore, #tpu.memory_space<semaphore_mem>>) src(%dma_wait3A_162 : memref<10000x128xf32, #tpu.memory_space<hbm>>) dst(%arg19 : memref<80x128xf32, #tpu.memory_space<vmem>>)
      %dma_start3A_163 = arith.constant 0 : i32
      %dma_start3A_164 = tpu.memref_slice %arg6[%multiple_of3A_31, %dma_start3A_163] : memref<64000x128xf32, #tpu.memory_space<hbm>> -> memref<80x128xf32, #tpu.memory_space<hbm>>
      %dma_start3A_165 = arith.constant 0 : i32
      %dma_start3A_166 = tpu.memref_slice %arg6[%multiple_of3A_31, %dma_start3A_165] : memref<64000x128xf32, #tpu.memory_space<hbm>> -> memref<80x128xf32, #tpu.memory_space<hbm>>
      tpu.enqueue_dma source(%arg19 : memref<80x128xf32, #tpu.memory_space<vmem>>) target(%dma_start3A_166 : memref<80x128xf32, #tpu.memory_space<hbm>>) target_semaphore(%arg24 : memref<!tpu.dma_semaphore, #tpu.memory_space<semaphore_mem>>)
      %dma_wait3A_167 = arith.constant 0 : i32
      %dma_wait3A_168 = arith.constant 0 : i32
      %dma_wait3A_169 = tpu.memref_slice %arg3[%dma_wait3A_167, %dma_wait3A_168] : memref<10000x128xf32, #tpu.memory_space<hbm>> -> memref<10000x128xf32, #tpu.memory_space<hbm>>
      tpu.wait_indirect_dma semaphore(%arg25 : memref<!tpu.dma_semaphore, #tpu.memory_space<semaphore_mem>>) src(%dma_wait3A_169 : memref<10000x128xf32, #tpu.memory_space<hbm>>) dst(%arg20 : memref<80x128xf32, #tpu.memory_space<vmem>>)
      %dma_start3A_170 = arith.constant 0 : i32
      %dma_start3A_171 = tpu.memref_slice %arg6[%multiple_of3A_39, %dma_start3A_170] : memref<64000x128xf32, #tpu.memory_space<hbm>> -> memref<80x128xf32, #tpu.memory_space<hbm>>
      %dma_start3A_172 = arith.constant 0 : i32
      %dma_start3A_173 = tpu.memref_slice %arg6[%multiple_of3A_39, %dma_start3A_172] : memref<64000x128xf32, #tpu.memory_space<hbm>> -> memref<80x128xf32, #tpu.memory_space<hbm>>
      tpu.enqueue_dma source(%arg20 : memref<80x128xf32, #tpu.memory_space<vmem>>) target(%dma_start3A_173 : memref<80x128xf32, #tpu.memory_space<hbm>>) target_semaphore(%arg25 : memref<!tpu.dma_semaphore, #tpu.memory_space<semaphore_mem>>)
      %dma_wait3A_174 = arith.constant 0 : i32
      %dma_wait3A_175 = arith.constant 0 : i32
      %dma_wait3A_176 = tpu.memref_slice %arg3[%dma_wait3A_174, %dma_wait3A_175] : memref<10000x128xf32, #tpu.memory_space<hbm>> -> memref<10000x128xf32, #tpu.memory_space<hbm>>
      tpu.wait_indirect_dma semaphore(%arg26 : memref<!tpu.dma_semaphore, #tpu.memory_space<semaphore_mem>>) src(%dma_wait3A_176 : memref<10000x128xf32, #tpu.memory_space<hbm>>) dst(%arg21 : memref<80x128xf32, #tpu.memory_space<vmem>>)
      %dma_start3A_177 = arith.constant 0 : i32
      %dma_start3A_178 = tpu.memref_slice %arg6[%multiple_of3A_47, %dma_start3A_177] : memref<64000x128xf32, #tpu.memory_space<hbm>> -> memref<80x128xf32, #tpu.memory_space<hbm>>
      %dma_start3A_179 = arith.constant 0 : i32
      %dma_start3A_180 = tpu.memref_slice %arg6[%multiple_of3A_47, %dma_start3A_179] : memref<64000x128xf32, #tpu.memory_space<hbm>> -> memref<80x128xf32, #tpu.memory_space<hbm>>
      tpu.enqueue_dma source(%arg21 : memref<80x128xf32, #tpu.memory_space<vmem>>) target(%dma_start3A_180 : memref<80x128xf32, #tpu.memory_space<hbm>>) target_semaphore(%arg26 : memref<!tpu.dma_semaphore, #tpu.memory_space<semaphore_mem>>)
      %dma_wait3A_181 = arith.constant 0 : i32
      %dma_wait3A_182 = tpu.memref_slice %arg6[%multiple_of3A, %dma_wait3A_181] : memref<64000x128xf32, #tpu.memory_space<hbm>> -> memref<80x128xf32, #tpu.memory_space<hbm>>
      %dma_wait3A_183 = arith.constant 0 : i32
      %dma_wait3A_184 = tpu.memref_slice %arg6[%multiple_of3A, %dma_wait3A_183] : memref<64000x128xf32, #tpu.memory_space<hbm>> -> memref<80x128xf32, #tpu.memory_space<hbm>>
      tpu.wait_dma2 semaphore(%arg22 : memref<!tpu.dma_semaphore, #tpu.memory_space<semaphore_mem>>) src(%arg17 : memref<80x128xf32, #tpu.memory_space<vmem>>) dst(%dma_wait3A_184 : memref<80x128xf32, #tpu.memory_space<hbm>>)
      %dma_wait3A_185 = arith.constant 0 : i32
      %dma_wait3A_186 = tpu.memref_slice %arg6[%multiple_of3A_23, %dma_wait3A_185] : memref<64000x128xf32, #tpu.memory_space<hbm>> -> memref<80x128xf32, #tpu.memory_space<hbm>>
      %dma_wait3A_187 = arith.constant 0 : i32
      %dma_wait3A_188 = tpu.memref_slice %arg6[%multiple_of3A_23, %dma_wait3A_187] : memref<64000x128xf32, #tpu.memory_space<hbm>> -> memref<80x128xf32, #tpu.memory_space<hbm>>
      tpu.wait_dma2 semaphore(%arg23 : memref<!tpu.dma_semaphore, #tpu.memory_space<semaphore_mem>>) src(%arg18 : memref<80x128xf32, #tpu.memory_space<vmem>>) dst(%dma_wait3A_188 : memref<80x128xf32, #tpu.memory_space<hbm>>)
      %dma_wait3A_189 = arith.constant 0 : i32
      %dma_wait3A_190 = tpu.memref_slice %arg6[%multiple_of3A_31, %dma_wait3A_189] : memref<64000x128xf32, #tpu.memory_space<hbm>> -> memref<80x128xf32, #tpu.memory_space<hbm>>
      %dma_wait3A_191 = arith.constant 0 : i32
      %dma_wait3A_192 = tpu.memref_slice %arg6[%multiple_of3A_31, %dma_wait3A_191] : memref<64000x128xf32, #tpu.memory_space<hbm>> -> memref<80x128xf32, #tpu.memory_space<hbm>>
      tpu.wait_dma2 semaphore(%arg24 : memref<!tpu.dma_semaphore, #tpu.memory_space<semaphore_mem>>) src(%arg19 : memref<80x128xf32, #tpu.memory_space<vmem>>) dst(%dma_wait3A_192 : memref<80x128xf32, #tpu.memory_space<hbm>>)
      %dma_wait3A_193 = arith.constant 0 : i32
      %dma_wait3A_194 = tpu.memref_slice %arg6[%multiple_of3A_39, %dma_wait3A_193] : memref<64000x128xf32, #tpu.memory_space<hbm>> -> memref<80x128xf32, #tpu.memory_space<hbm>>
      %dma_wait3A_195 = arith.constant 0 : i32
      %dma_wait3A_196 = tpu.memref_slice %arg6[%multiple_of3A_39, %dma_wait3A_195] : memref<64000x128xf32, #tpu.memory_space<hbm>> -> memref<80x128xf32, #tpu.memory_space<hbm>>
      tpu.wait_dma2 semaphore(%arg25 : memref<!tpu.dma_semaphore, #tpu.memory_space<semaphore_mem>>) src(%arg20 : memref<80x128xf32, #tpu.memory_space<vmem>>) dst(%dma_wait3A_196 : memref<80x128xf32, #tpu.memory_space<hbm>>)
      %dma_wait3A_197 = arith.constant 0 : i32
      %dma_wait3A_198 = tpu.memref_slice %arg6[%multiple_of3A_47, %dma_wait3A_197] : memref<64000x128xf32, #tpu.memory_space<hbm>> -> memref<80x128xf32, #tpu.memory_space<hbm>>
      %dma_wait3A_199 = arith.constant 0 : i32
      %dma_wait3A_200 = tpu.memref_slice %arg6[%multiple_of3A_47, %dma_wait3A_199] : memref<64000x128xf32, #tpu.memory_space<hbm>> -> memref<80x128xf32, #tpu.memory_space<hbm>>
      tpu.wait_dma2 semaphore(%arg26 : memref<!tpu.dma_semaphore, #tpu.memory_space<semaphore_mem>>) src(%arg21 : memref<80x128xf32, #tpu.memory_space<vmem>>) dst(%dma_wait3A_200 : memref<80x128xf32, #tpu.memory_space<hbm>>)
    }
    %scan3A_7 = arith.constant 5 : i32
    return
  }
}

#map = affine_map<(d0, d1) -> (0, 0)>
#map1 = affine_map<(d0, d1) -> (0)>
module attributes {stable_mosaic.version = 14 : i64} {
  func.func @gather_k(%arg0: i32, %arg1: i32, %arg2: memref<10000x128xf32, #tpu.memory_space<hbm>>, %arg3: memref<10000x128xf32, #tpu.memory_space<hbm>>, %arg4: memref<320000xi32, #tpu.memory_space<hbm>>, %arg5: memref<320000xi32, #tpu.memory_space<hbm>>, %arg6: memref<64000x128xf32, #tpu.memory_space<hbm>>, %arg7: memref<80xi32, #tpu.memory_space<vmem>>, %arg8: memref<80xi32, #tpu.memory_space<vmem>>, %arg9: memref<80xi32, #tpu.memory_space<vmem>>, %arg10: memref<80xi32, #tpu.memory_space<vmem>>, %arg11: memref<80xi32, #tpu.memory_space<vmem>>, %arg12: memref<80xi32, #tpu.memory_space<vmem>>, %arg13: memref<80xi32, #tpu.memory_space<vmem>>, %arg14: memref<80xi32, #tpu.memory_space<vmem>>, %arg15: memref<80xi32, #tpu.memory_space<vmem>>, %arg16: memref<80xi32, #tpu.memory_space<vmem>>, %arg17: memref<80x128xf32, #tpu.memory_space<vmem>>, %arg18: memref<80x128xf32, #tpu.memory_space<vmem>>, %arg19: memref<80x128xf32, #tpu.memory_space<vmem>>, %arg20: memref<80x128xf32, #tpu.memory_space<vmem>>, %arg21: memref<80x128xf32, #tpu.memory_space<vmem>>, %arg22: memref<!tpu.dma_semaphore, #tpu.memory_space<semaphore_mem>>, %arg23: memref<!tpu.dma_semaphore, #tpu.memory_space<semaphore_mem>>, %arg24: memref<!tpu.dma_semaphore, #tpu.memory_space<semaphore_mem>>, %arg25: memref<!tpu.dma_semaphore, #tpu.memory_space<semaphore_mem>>, %arg26: memref<!tpu.dma_semaphore, #tpu.memory_space<semaphore_mem>>, %arg27: memref<!tpu.dma_semaphore, #tpu.memory_space<semaphore_mem>>, %arg28: memref<!tpu.dma_semaphore, #tpu.memory_space<semaphore_mem>>, %arg29: memref<!tpu.dma_semaphore, #tpu.memory_space<semaphore_mem>>, %arg30: memref<!tpu.dma_semaphore, #tpu.memory_space<semaphore_mem>>, %arg31: memref<!tpu.dma_semaphore, #tpu.memory_space<semaphore_mem>>) attributes {dimension_semantics = [#tpu.dimension_semantics<core_parallel>, #tpu.dimension_semantics<subcore_parallel>], iteration_bounds = array<i64: 2, 16>, scalar_prefetch = 0 : i64, scratch_operands = 25 : i64, tpu.core_type = #tpu.core_type<sc_vector_subcore>, window_params = [{transform_indices = #map}, {transform_indices = #map}, {transform_indices = #map1}, {transform_indices = #map1}, {transform_indices = #map}]} {
    %mul3A = arith.constant 2 : i32
    %mul3A_0 = arith.muli %arg1, %mul3A : i32
    %add3A = arith.addi %mul3A_0, %arg0 : i32
    %mul3A_1 = arith.constant 2000 : i32
    %mul3A_2 = arith.muli %add3A, %mul3A_1 : i32
    %scan3A = arith.constant 0 : i32
    %scan3A_3 = arith.constant 0 : i32
    %scan3A_4 = arith.constant 5 : i32
    %scan3A_5 = arith.addi %scan3A_3, %scan3A_4 : i32
    %scan3A_6 = arith.constant 1 : i32
    scf.for %scan3A_8 = %scan3A_3 to %scan3A_5 step %scan3A_6  : i32 {
      %mul3A_9 = arith.constant 5 : i32
      %mul3A_10 = arith.muli %scan3A_8, %mul3A_9 : i32
      %add3A_11 = arith.constant 0 : i32
      %add3A_12 = arith.addi %mul3A_10, %add3A_11 : i32
      %mul3A_13 = arith.constant 80 : i32
      %mul3A_14 = arith.muli %add3A_12, %mul3A_13 : i32
      %add3A_15 = arith.addi %mul3A_2, %mul3A_14 : i32
      %multiple_of3A = tpu.assume_multiple %add3A_15, 8 : i32
      %mul3A_16 = arith.constant 5 : i32
      %mul3A_17 = arith.muli %scan3A_8, %mul3A_16 : i32
      %add3A_18 = arith.constant 1 : i32
      %add3A_19 = arith.addi %mul3A_17, %add3A_18 : i32
      %mul3A_20 = arith.constant 80 : i32
      %mul3A_21 = arith.muli %add3A_19, %mul3A_20 : i32
      %add3A_22 = arith.addi %mul3A_2, %mul3A_21 : i32
      %multiple_of3A_23 = tpu.assume_multiple %add3A_22, 8 : i32
      %mul3A_24 = arith.constant 5 : i32
      %mul3A_25 = arith.muli %scan3A_8, %mul3A_24 : i32
      %add3A_26 = arith.constant 2 : i32
      %add3A_27 = arith.addi %mul3A_25, %add3A_26 : i32
      %mul3A_28 = arith.constant 80 : i32
      %mul3A_29 = arith.muli %add3A_27, %mul3A_28 : i32
      %add3A_30 = arith.addi %mul3A_2, %mul3A_29 : i32
      %multiple_of3A_31 = tpu.assume_multiple %add3A_30, 8 : i32
      %mul3A_32 = arith.constant 5 : i32
      %mul3A_33 = arith.muli %scan3A_8, %mul3A_32 : i32
      %add3A_34 = arith.constant 3 : i32
      %add3A_35 = arith.addi %mul3A_33, %add3A_34 : i32
      %mul3A_36 = arith.constant 80 : i32
      %mul3A_37 = arith.muli %add3A_35, %mul3A_36 : i32
      %add3A_38 = arith.addi %mul3A_2, %mul3A_37 : i32
      %multiple_of3A_39 = tpu.assume_multiple %add3A_38, 8 : i32
      %mul3A_40 = arith.constant 5 : i32
      %mul3A_41 = arith.muli %scan3A_8, %mul3A_40 : i32
      %add3A_42 = arith.constant 4 : i32
      %add3A_43 = arith.addi %mul3A_41, %add3A_42 : i32
      %mul3A_44 = arith.constant 80 : i32
      %mul3A_45 = arith.muli %add3A_43, %mul3A_44 : i32
      %add3A_46 = arith.addi %mul3A_2, %mul3A_45 : i32
      %multiple_of3A_47 = tpu.assume_multiple %add3A_46, 8 : i32
      %add3A_48 = arith.constant 128000 : i32
      %add3A_49 = arith.addi %add3A_48, %multiple_of3A : i32
      %multiple_of3A_50 = tpu.assume_multiple %add3A_49, 8 : i32
      %dma_start3A = tpu.memref_slice %arg4[%multiple_of3A_50] : memref<320000xi32, #tpu.memory_space<hbm>> -> memref<80xi32, #tpu.memory_space<hbm>>
      %dma_start3A_51 = tpu.memref_slice %arg4[%multiple_of3A_50] : memref<320000xi32, #tpu.memory_space<hbm>> -> memref<80xi32, #tpu.memory_space<hbm>>
      tpu.enqueue_dma source(%dma_start3A_51 : memref<80xi32, #tpu.memory_space<hbm>>) target(%arg7 : memref<80xi32, #tpu.memory_space<vmem>>) target_semaphore(%arg22 : memref<!tpu.dma_semaphore, #tpu.memory_space<semaphore_mem>>)
      %dma_start3A_52 = tpu.memref_slice %arg5[%multiple_of3A_50] : memref<320000xi32, #tpu.memory_space<hbm>> -> memref<80xi32, #tpu.memory_space<hbm>>
      %dma_start3A_53 = tpu.memref_slice %arg5[%multiple_of3A_50] : memref<320000xi32, #tpu.memory_space<hbm>> -> memref<80xi32, #tpu.memory_space<hbm>>
      tpu.enqueue_dma source(%dma_start3A_53 : memref<80xi32, #tpu.memory_space<hbm>>) target(%arg12 : memref<80xi32, #tpu.memory_space<vmem>>) target_semaphore(%arg27 : memref<!tpu.dma_semaphore, #tpu.memory_space<semaphore_mem>>)
      %add3A_54 = arith.constant 128000 : i32
      %add3A_55 = arith.addi %add3A_54, %multiple_of3A_23 : i32
      %multiple_of3A_56 = tpu.assume_multiple %add3A_55, 8 : i32
      %dma_start3A_57 = tpu.memref_slice %arg4[%multiple_of3A_56] : memref<320000xi32, #tpu.memory_space<hbm>> -> memref<80xi32, #tpu.memory_space<hbm>>
      %dma_start3A_58 = tpu.memref_slice %arg4[%multiple_of3A_56] : memref<320000xi32, #tpu.memory_space<hbm>> -> memref<80xi32, #tpu.memory_space<hbm>>
      tpu.enqueue_dma source(%dma_start3A_58 : memref<80xi32, #tpu.memory_space<hbm>>) target(%arg8 : memref<80xi32, #tpu.memory_space<vmem>>) target_semaphore(%arg23 : memref<!tpu.dma_semaphore, #tpu.memory_space<semaphore_mem>>)
      %dma_start3A_59 = tpu.memref_slice %arg5[%multiple_of3A_56] : memref<320000xi32, #tpu.memory_space<hbm>> -> memref<80xi32, #tpu.memory_space<hbm>>
      %dma_start3A_60 = tpu.memref_slice %arg5[%multiple_of3A_56] : memref<320000xi32, #tpu.memory_space<hbm>> -> memref<80xi32, #tpu.memory_space<hbm>>
      tpu.enqueue_dma source(%dma_start3A_60 : memref<80xi32, #tpu.memory_space<hbm>>) target(%arg13 : memref<80xi32, #tpu.memory_space<vmem>>) target_semaphore(%arg28 : memref<!tpu.dma_semaphore, #tpu.memory_space<semaphore_mem>>)
      %add3A_61 = arith.constant 128000 : i32
      %add3A_62 = arith.addi %add3A_61, %multiple_of3A_31 : i32
      %multiple_of3A_63 = tpu.assume_multiple %add3A_62, 8 : i32
      %dma_start3A_64 = tpu.memref_slice %arg4[%multiple_of3A_63] : memref<320000xi32, #tpu.memory_space<hbm>> -> memref<80xi32, #tpu.memory_space<hbm>>
      %dma_start3A_65 = tpu.memref_slice %arg4[%multiple_of3A_63] : memref<320000xi32, #tpu.memory_space<hbm>> -> memref<80xi32, #tpu.memory_space<hbm>>
      tpu.enqueue_dma source(%dma_start3A_65 : memref<80xi32, #tpu.memory_space<hbm>>) target(%arg9 : memref<80xi32, #tpu.memory_space<vmem>>) target_semaphore(%arg24 : memref<!tpu.dma_semaphore, #tpu.memory_space<semaphore_mem>>)
      %dma_start3A_66 = tpu.memref_slice %arg5[%multiple_of3A_63] : memref<320000xi32, #tpu.memory_space<hbm>> -> memref<80xi32, #tpu.memory_space<hbm>>
      %dma_start3A_67 = tpu.memref_slice %arg5[%multiple_of3A_63] : memref<320000xi32, #tpu.memory_space<hbm>> -> memref<80xi32, #tpu.memory_space<hbm>>
      tpu.enqueue_dma source(%dma_start3A_67 : memref<80xi32, #tpu.memory_space<hbm>>) target(%arg14 : memref<80xi32, #tpu.memory_space<vmem>>) target_semaphore(%arg29 : memref<!tpu.dma_semaphore, #tpu.memory_space<semaphore_mem>>)
      %add3A_68 = arith.constant 128000 : i32
      %add3A_69 = arith.addi %add3A_68, %multiple_of3A_39 : i32
      %multiple_of3A_70 = tpu.assume_multiple %add3A_69, 8 : i32
      %dma_start3A_71 = tpu.memref_slice %arg4[%multiple_of3A_70] : memref<320000xi32, #tpu.memory_space<hbm>> -> memref<80xi32, #tpu.memory_space<hbm>>
      %dma_start3A_72 = tpu.memref_slice %arg4[%multiple_of3A_70] : memref<320000xi32, #tpu.memory_space<hbm>> -> memref<80xi32, #tpu.memory_space<hbm>>
      tpu.enqueue_dma source(%dma_start3A_72 : memref<80xi32, #tpu.memory_space<hbm>>) target(%arg10 : memref<80xi32, #tpu.memory_space<vmem>>) target_semaphore(%arg25 : memref<!tpu.dma_semaphore, #tpu.memory_space<semaphore_mem>>)
      %dma_start3A_73 = tpu.memref_slice %arg5[%multiple_of3A_70] : memref<320000xi32, #tpu.memory_space<hbm>> -> memref<80xi32, #tpu.memory_space<hbm>>
      %dma_start3A_74 = tpu.memref_slice %arg5[%multiple_of3A_70] : memref<320000xi32, #tpu.memory_space<hbm>> -> memref<80xi32, #tpu.memory_space<hbm>>
      tpu.enqueue_dma source(%dma_start3A_74 : memref<80xi32, #tpu.memory_space<hbm>>) target(%arg15 : memref<80xi32, #tpu.memory_space<vmem>>) target_semaphore(%arg30 : memref<!tpu.dma_semaphore, #tpu.memory_space<semaphore_mem>>)
      %add3A_75 = arith.constant 128000 : i32
      %add3A_76 = arith.addi %add3A_75, %multiple_of3A_47 : i32
      %multiple_of3A_77 = tpu.assume_multiple %add3A_76, 8 : i32
      %dma_start3A_78 = tpu.memref_slice %arg4[%multiple_of3A_77] : memref<320000xi32, #tpu.memory_space<hbm>> -> memref<80xi32, #tpu.memory_space<hbm>>
      %dma_start3A_79 = tpu.memref_slice %arg4[%multiple_of3A_77] : memref<320000xi32, #tpu.memory_space<hbm>> -> memref<80xi32, #tpu.memory_space<hbm>>
      tpu.enqueue_dma source(%dma_start3A_79 : memref<80xi32, #tpu.memory_space<hbm>>) target(%arg11 : memref<80xi32, #tpu.memory_space<vmem>>) target_semaphore(%arg26 : memref<!tpu.dma_semaphore, #tpu.memory_space<semaphore_mem>>)
      %dma_start3A_80 = tpu.memref_slice %arg5[%multiple_of3A_77] : memref<320000xi32, #tpu.memory_space<hbm>> -> memref<80xi32, #tpu.memory_space<hbm>>
      %dma_start3A_81 = tpu.memref_slice %arg5[%multiple_of3A_77] : memref<320000xi32, #tpu.memory_space<hbm>> -> memref<80xi32, #tpu.memory_space<hbm>>
      tpu.enqueue_dma source(%dma_start3A_81 : memref<80xi32, #tpu.memory_space<hbm>>) target(%arg16 : memref<80xi32, #tpu.memory_space<vmem>>) target_semaphore(%arg31 : memref<!tpu.dma_semaphore, #tpu.memory_space<semaphore_mem>>)
      %dma_wait3A = tpu.memref_slice %arg4[%multiple_of3A_50] : memref<320000xi32, #tpu.memory_space<hbm>> -> memref<80xi32, #tpu.memory_space<hbm>>
      %dma_wait3A_82 = tpu.memref_slice %arg4[%multiple_of3A_50] : memref<320000xi32, #tpu.memory_space<hbm>> -> memref<80xi32, #tpu.memory_space<hbm>>
      tpu.wait_dma2 semaphore(%arg22 : memref<!tpu.dma_semaphore, #tpu.memory_space<semaphore_mem>>) src(%dma_wait3A_82 : memref<80xi32, #tpu.memory_space<hbm>>) dst(%arg7 : memref<80xi32, #tpu.memory_space<vmem>>)
      %dma_start3A_83 = arith.constant 0 : i32
      %dma_start3A_84 = arith.constant 0 : i32
      %dma_start3A_85 = tpu.memref_slice %arg2[%dma_start3A_83, %dma_start3A_84] : memref<10000x128xf32, #tpu.memory_space<hbm>> -> memref<10000x128xf32, #tpu.memory_space<hbm>>
      tpu.enqueue_indirect_dma source(%dma_start3A_85 : memref<10000x128xf32, #tpu.memory_space<hbm>>) target(%arg17 : memref<80x128xf32, #tpu.memory_space<vmem>>) offsets(%arg7 : memref<80xi32, #tpu.memory_space<vmem>>) semaphore(%arg22 : memref<!tpu.dma_semaphore, #tpu.memory_space<semaphore_mem>>)
      %dma_wait3A_86 = tpu.memref_slice %arg4[%multiple_of3A_56] : memref<320000xi32, #tpu.memory_space<hbm>> -> memref<80xi32, #tpu.memory_space<hbm>>
      %dma_wait3A_87 = tpu.memref_slice %arg4[%multiple_of3A_56] : memref<320000xi32, #tpu.memory_space<hbm>> -> memref<80xi32, #tpu.memory_space<hbm>>
      tpu.wait_dma2 semaphore(%arg23 : memref<!tpu.dma_semaphore, #tpu.memory_space<semaphore_mem>>) src(%dma_wait3A_87 : memref<80xi32, #tpu.memory_space<hbm>>) dst(%arg8 : memref<80xi32, #tpu.memory_space<vmem>>)
      %dma_start3A_88 = arith.constant 0 : i32
      %dma_start3A_89 = arith.constant 0 : i32
      %dma_start3A_90 = tpu.memref_slice %arg2[%dma_start3A_88, %dma_start3A_89] : memref<10000x128xf32, #tpu.memory_space<hbm>> -> memref<10000x128xf32, #tpu.memory_space<hbm>>
      tpu.enqueue_indirect_dma source(%dma_start3A_90 : memref<10000x128xf32, #tpu.memory_space<hbm>>) target(%arg18 : memref<80x128xf32, #tpu.memory_space<vmem>>) offsets(%arg8 : memref<80xi32, #tpu.memory_space<vmem>>) semaphore(%arg23 : memref<!tpu.dma_semaphore, #tpu.memory_space<semaphore_mem>>)
      %dma_wait3A_91 = tpu.memref_slice %arg4[%multiple_of3A_63] : memref<320000xi32, #tpu.memory_space<hbm>> -> memref<80xi32, #tpu.memory_space<hbm>>
      %dma_wait3A_92 = tpu.memref_slice %arg4[%multiple_of3A_63] : memref<320000xi32, #tpu.memory_space<hbm>> -> memref<80xi32, #tpu.memory_space<hbm>>
      tpu.wait_dma2 semaphore(%arg24 : memref<!tpu.dma_semaphore, #tpu.memory_space<semaphore_mem>>) src(%dma_wait3A_92 : memref<80xi32, #tpu.memory_space<hbm>>) dst(%arg9 : memref<80xi32, #tpu.memory_space<vmem>>)
      %dma_start3A_93 = arith.constant 0 : i32
      %dma_start3A_94 = arith.constant 0 : i32
      %dma_start3A_95 = tpu.memref_slice %arg2[%dma_start3A_93, %dma_start3A_94] : memref<10000x128xf32, #tpu.memory_space<hbm>> -> memref<10000x128xf32, #tpu.memory_space<hbm>>
      tpu.enqueue_indirect_dma source(%dma_start3A_95 : memref<10000x128xf32, #tpu.memory_space<hbm>>) target(%arg19 : memref<80x128xf32, #tpu.memory_space<vmem>>) offsets(%arg9 : memref<80xi32, #tpu.memory_space<vmem>>) semaphore(%arg24 : memref<!tpu.dma_semaphore, #tpu.memory_space<semaphore_mem>>)
      %dma_wait3A_96 = tpu.memref_slice %arg4[%multiple_of3A_70] : memref<320000xi32, #tpu.memory_space<hbm>> -> memref<80xi32, #tpu.memory_space<hbm>>
      %dma_wait3A_97 = tpu.memref_slice %arg4[%multiple_of3A_70] : memref<320000xi32, #tpu.memory_space<hbm>> -> memref<80xi32, #tpu.memory_space<hbm>>
      tpu.wait_dma2 semaphore(%arg25 : memref<!tpu.dma_semaphore, #tpu.memory_space<semaphore_mem>>) src(%dma_wait3A_97 : memref<80xi32, #tpu.memory_space<hbm>>) dst(%arg10 : memref<80xi32, #tpu.memory_space<vmem>>)
      %dma_start3A_98 = arith.constant 0 : i32
      %dma_start3A_99 = arith.constant 0 : i32
      %dma_start3A_100 = tpu.memref_slice %arg2[%dma_start3A_98, %dma_start3A_99] : memref<10000x128xf32, #tpu.memory_space<hbm>> -> memref<10000x128xf32, #tpu.memory_space<hbm>>
      tpu.enqueue_indirect_dma source(%dma_start3A_100 : memref<10000x128xf32, #tpu.memory_space<hbm>>) target(%arg20 : memref<80x128xf32, #tpu.memory_space<vmem>>) offsets(%arg10 : memref<80xi32, #tpu.memory_space<vmem>>) semaphore(%arg25 : memref<!tpu.dma_semaphore, #tpu.memory_space<semaphore_mem>>)
      %dma_wait3A_101 = tpu.memref_slice %arg4[%multiple_of3A_77] : memref<320000xi32, #tpu.memory_space<hbm>> -> memref<80xi32, #tpu.memory_space<hbm>>
      %dma_wait3A_102 = tpu.memref_slice %arg4[%multiple_of3A_77] : memref<320000xi32, #tpu.memory_space<hbm>> -> memref<80xi32, #tpu.memory_space<hbm>>
      tpu.wait_dma2 semaphore(%arg26 : memref<!tpu.dma_semaphore, #tpu.memory_space<semaphore_mem>>) src(%dma_wait3A_102 : memref<80xi32, #tpu.memory_space<hbm>>) dst(%arg11 : memref<80xi32, #tpu.memory_space<vmem>>)
      %dma_start3A_103 = arith.constant 0 : i32
      %dma_start3A_104 = arith.constant 0 : i32
      %dma_start3A_105 = tpu.memref_slice %arg2[%dma_start3A_103, %dma_start3A_104] : memref<10000x128xf32, #tpu.memory_space<hbm>> -> memref<10000x128xf32, #tpu.memory_space<hbm>>
      tpu.enqueue_indirect_dma source(%dma_start3A_105 : memref<10000x128xf32, #tpu.memory_space<hbm>>) target(%arg21 : memref<80x128xf32, #tpu.memory_space<vmem>>) offsets(%arg11 : memref<80xi32, #tpu.memory_space<vmem>>) semaphore(%arg26 : memref<!tpu.dma_semaphore, #tpu.memory_space<semaphore_mem>>)
      %dma_wait3A_106 = arith.constant 0 : i32
      %dma_wait3A_107 = arith.constant 0 : i32
      %dma_wait3A_108 = tpu.memref_slice %arg2[%dma_wait3A_106, %dma_wait3A_107] : memref<10000x128xf32, #tpu.memory_space<hbm>> -> memref<10000x128xf32, #tpu.memory_space<hbm>>
      tpu.wait_indirect_dma semaphore(%arg22 : memref<!tpu.dma_semaphore, #tpu.memory_space<semaphore_mem>>) src(%dma_wait3A_108 : memref<10000x128xf32, #tpu.memory_space<hbm>>) dst(%arg17 : memref<80x128xf32, #tpu.memory_space<vmem>>)
      %dma_wait3A_109 = tpu.memref_slice %arg5[%multiple_of3A_50] : memref<320000xi32, #tpu.memory_space<hbm>> -> memref<80xi32, #tpu.memory_space<hbm>>
      %dma_wait3A_110 = tpu.memref_slice %arg5[%multiple_of3A_50] : memref<320000xi32, #tpu.memory_space<hbm>> -> memref<80xi32, #tpu.memory_space<hbm>>
      tpu.wait_dma2 semaphore(%arg27 : memref<!tpu.dma_semaphore, #tpu.memory_space<semaphore_mem>>) src(%dma_wait3A_110 : memref<80xi32, #tpu.memory_space<hbm>>) dst(%arg12 : memref<80xi32, #tpu.memory_space<vmem>>)
      %dma_start3A_111 = arith.constant 0 : i32
      %dma_start3A_112 = arith.constant 0 : i32
      %dma_start3A_113 = tpu.memref_slice %arg3[%dma_start3A_111, %dma_start3A_112] : memref<10000x128xf32, #tpu.memory_space<hbm>> -> memref<10000x128xf32, #tpu.memory_space<hbm>>
      tpu.enqueue_indirect_dma source(%dma_start3A_113 : memref<10000x128xf32, #tpu.memory_space<hbm>>) target(%arg17 : memref<80x128xf32, #tpu.memory_space<vmem>>) offsets(%arg12 : memref<80xi32, #tpu.memory_space<vmem>>) semaphore(%arg22 : memref<!tpu.dma_semaphore, #tpu.memory_space<semaphore_mem>>) {add = true}
      %dma_wait3A_114 = arith.constant 0 : i32
      %dma_wait3A_115 = arith.constant 0 : i32
      %dma_wait3A_116 = tpu.memref_slice %arg2[%dma_wait3A_114, %dma_wait3A_115] : memref<10000x128xf32, #tpu.memory_space<hbm>> -> memref<10000x128xf32, #tpu.memory_space<hbm>>
      tpu.wait_indirect_dma semaphore(%arg23 : memref<!tpu.dma_semaphore, #tpu.memory_space<semaphore_mem>>) src(%dma_wait3A_116 : memref<10000x128xf32, #tpu.memory_space<hbm>>) dst(%arg18 : memref<80x128xf32, #tpu.memory_space<vmem>>)
      %dma_wait3A_117 = tpu.memref_slice %arg5[%multiple_of3A_56] : memref<320000xi32, #tpu.memory_space<hbm>> -> memref<80xi32, #tpu.memory_space<hbm>>
      %dma_wait3A_118 = tpu.memref_slice %arg5[%multiple_of3A_56] : memref<320000xi32, #tpu.memory_space<hbm>> -> memref<80xi32, #tpu.memory_space<hbm>>
      tpu.wait_dma2 semaphore(%arg28 : memref<!tpu.dma_semaphore, #tpu.memory_space<semaphore_mem>>) src(%dma_wait3A_118 : memref<80xi32, #tpu.memory_space<hbm>>) dst(%arg13 : memref<80xi32, #tpu.memory_space<vmem>>)
      %dma_start3A_119 = arith.constant 0 : i32
      %dma_start3A_120 = arith.constant 0 : i32
      %dma_start3A_121 = tpu.memref_slice %arg3[%dma_start3A_119, %dma_start3A_120] : memref<10000x128xf32, #tpu.memory_space<hbm>> -> memref<10000x128xf32, #tpu.memory_space<hbm>>
      tpu.enqueue_indirect_dma source(%dma_start3A_121 : memref<10000x128xf32, #tpu.memory_space<hbm>>) target(%arg18 : memref<80x128xf32, #tpu.memory_space<vmem>>) offsets(%arg13 : memref<80xi32, #tpu.memory_space<vmem>>) semaphore(%arg23 : memref<!tpu.dma_semaphore, #tpu.memory_space<semaphore_mem>>) {add = true}
      %dma_wait3A_122 = arith.constant 0 : i32
      %dma_wait3A_123 = arith.constant 0 : i32
      %dma_wait3A_124 = tpu.memref_slice %arg2[%dma_wait3A_122, %dma_wait3A_123] : memref<10000x128xf32, #tpu.memory_space<hbm>> -> memref<10000x128xf32, #tpu.memory_space<hbm>>
      tpu.wait_indirect_dma semaphore(%arg24 : memref<!tpu.dma_semaphore, #tpu.memory_space<semaphore_mem>>) src(%dma_wait3A_124 : memref<10000x128xf32, #tpu.memory_space<hbm>>) dst(%arg19 : memref<80x128xf32, #tpu.memory_space<vmem>>)
      %dma_wait3A_125 = tpu.memref_slice %arg5[%multiple_of3A_63] : memref<320000xi32, #tpu.memory_space<hbm>> -> memref<80xi32, #tpu.memory_space<hbm>>
      %dma_wait3A_126 = tpu.memref_slice %arg5[%multiple_of3A_63] : memref<320000xi32, #tpu.memory_space<hbm>> -> memref<80xi32, #tpu.memory_space<hbm>>
      tpu.wait_dma2 semaphore(%arg29 : memref<!tpu.dma_semaphore, #tpu.memory_space<semaphore_mem>>) src(%dma_wait3A_126 : memref<80xi32, #tpu.memory_space<hbm>>) dst(%arg14 : memref<80xi32, #tpu.memory_space<vmem>>)
      %dma_start3A_127 = arith.constant 0 : i32
      %dma_start3A_128 = arith.constant 0 : i32
      %dma_start3A_129 = tpu.memref_slice %arg3[%dma_start3A_127, %dma_start3A_128] : memref<10000x128xf32, #tpu.memory_space<hbm>> -> memref<10000x128xf32, #tpu.memory_space<hbm>>
      tpu.enqueue_indirect_dma source(%dma_start3A_129 : memref<10000x128xf32, #tpu.memory_space<hbm>>) target(%arg19 : memref<80x128xf32, #tpu.memory_space<vmem>>) offsets(%arg14 : memref<80xi32, #tpu.memory_space<vmem>>) semaphore(%arg24 : memref<!tpu.dma_semaphore, #tpu.memory_space<semaphore_mem>>) {add = true}
      %dma_wait3A_130 = arith.constant 0 : i32
      %dma_wait3A_131 = arith.constant 0 : i32
      %dma_wait3A_132 = tpu.memref_slice %arg2[%dma_wait3A_130, %dma_wait3A_131] : memref<10000x128xf32, #tpu.memory_space<hbm>> -> memref<10000x128xf32, #tpu.memory_space<hbm>>
      tpu.wait_indirect_dma semaphore(%arg25 : memref<!tpu.dma_semaphore, #tpu.memory_space<semaphore_mem>>) src(%dma_wait3A_132 : memref<10000x128xf32, #tpu.memory_space<hbm>>) dst(%arg20 : memref<80x128xf32, #tpu.memory_space<vmem>>)
      %dma_wait3A_133 = tpu.memref_slice %arg5[%multiple_of3A_70] : memref<320000xi32, #tpu.memory_space<hbm>> -> memref<80xi32, #tpu.memory_space<hbm>>
      %dma_wait3A_134 = tpu.memref_slice %arg5[%multiple_of3A_70] : memref<320000xi32, #tpu.memory_space<hbm>> -> memref<80xi32, #tpu.memory_space<hbm>>
      tpu.wait_dma2 semaphore(%arg30 : memref<!tpu.dma_semaphore, #tpu.memory_space<semaphore_mem>>) src(%dma_wait3A_134 : memref<80xi32, #tpu.memory_space<hbm>>) dst(%arg15 : memref<80xi32, #tpu.memory_space<vmem>>)
      %dma_start3A_135 = arith.constant 0 : i32
      %dma_start3A_136 = arith.constant 0 : i32
      %dma_start3A_137 = tpu.memref_slice %arg3[%dma_start3A_135, %dma_start3A_136] : memref<10000x128xf32, #tpu.memory_space<hbm>> -> memref<10000x128xf32, #tpu.memory_space<hbm>>
      tpu.enqueue_indirect_dma source(%dma_start3A_137 : memref<10000x128xf32, #tpu.memory_space<hbm>>) target(%arg20 : memref<80x128xf32, #tpu.memory_space<vmem>>) offsets(%arg15 : memref<80xi32, #tpu.memory_space<vmem>>) semaphore(%arg25 : memref<!tpu.dma_semaphore, #tpu.memory_space<semaphore_mem>>) {add = true}
      %dma_wait3A_138 = arith.constant 0 : i32
      %dma_wait3A_139 = arith.constant 0 : i32
      %dma_wait3A_140 = tpu.memref_slice %arg2[%dma_wait3A_138, %dma_wait3A_139] : memref<10000x128xf32, #tpu.memory_space<hbm>> -> memref<10000x128xf32, #tpu.memory_space<hbm>>
      tpu.wait_indirect_dma semaphore(%arg26 : memref<!tpu.dma_semaphore, #tpu.memory_space<semaphore_mem>>) src(%dma_wait3A_140 : memref<10000x128xf32, #tpu.memory_space<hbm>>) dst(%arg21 : memref<80x128xf32, #tpu.memory_space<vmem>>)
      %dma_wait3A_141 = tpu.memref_slice %arg5[%multiple_of3A_77] : memref<320000xi32, #tpu.memory_space<hbm>> -> memref<80xi32, #tpu.memory_space<hbm>>
      %dma_wait3A_142 = tpu.memref_slice %arg5[%multiple_of3A_77] : memref<320000xi32, #tpu.memory_space<hbm>> -> memref<80xi32, #tpu.memory_space<hbm>>
      tpu.wait_dma2 semaphore(%arg31 : memref<!tpu.dma_semaphore, #tpu.memory_space<semaphore_mem>>) src(%dma_wait3A_142 : memref<80xi32, #tpu.memory_space<hbm>>) dst(%arg16 : memref<80xi32, #tpu.memory_space<vmem>>)
      %dma_start3A_143 = arith.constant 0 : i32
      %dma_start3A_144 = arith.constant 0 : i32
      %dma_start3A_145 = tpu.memref_slice %arg3[%dma_start3A_143, %dma_start3A_144] : memref<10000x128xf32, #tpu.memory_space<hbm>> -> memref<10000x128xf32, #tpu.memory_space<hbm>>
      tpu.enqueue_indirect_dma source(%dma_start3A_145 : memref<10000x128xf32, #tpu.memory_space<hbm>>) target(%arg21 : memref<80x128xf32, #tpu.memory_space<vmem>>) offsets(%arg16 : memref<80xi32, #tpu.memory_space<vmem>>) semaphore(%arg26 : memref<!tpu.dma_semaphore, #tpu.memory_space<semaphore_mem>>) {add = true}
      %dma_wait3A_146 = arith.constant 0 : i32
      %dma_wait3A_147 = arith.constant 0 : i32
      %dma_wait3A_148 = tpu.memref_slice %arg3[%dma_wait3A_146, %dma_wait3A_147] : memref<10000x128xf32, #tpu.memory_space<hbm>> -> memref<10000x128xf32, #tpu.memory_space<hbm>>
      tpu.wait_indirect_dma semaphore(%arg22 : memref<!tpu.dma_semaphore, #tpu.memory_space<semaphore_mem>>) src(%dma_wait3A_148 : memref<10000x128xf32, #tpu.memory_space<hbm>>) dst(%arg17 : memref<80x128xf32, #tpu.memory_space<vmem>>)
      %dma_start3A_149 = arith.constant 0 : i32
      %dma_start3A_150 = tpu.memref_slice %arg6[%multiple_of3A, %dma_start3A_149] : memref<64000x128xf32, #tpu.memory_space<hbm>> -> memref<80x128xf32, #tpu.memory_space<hbm>>
      %dma_start3A_151 = arith.constant 0 : i32
      %dma_start3A_152 = tpu.memref_slice %arg6[%multiple_of3A, %dma_start3A_151] : memref<64000x128xf32, #tpu.memory_space<hbm>> -> memref<80x128xf32, #tpu.memory_space<hbm>>
      tpu.enqueue_dma source(%arg17 : memref<80x128xf32, #tpu.memory_space<vmem>>) target(%dma_start3A_152 : memref<80x128xf32, #tpu.memory_space<hbm>>) target_semaphore(%arg22 : memref<!tpu.dma_semaphore, #tpu.memory_space<semaphore_mem>>)
      %dma_wait3A_153 = arith.constant 0 : i32
      %dma_wait3A_154 = arith.constant 0 : i32
      %dma_wait3A_155 = tpu.memref_slice %arg3[%dma_wait3A_153, %dma_wait3A_154] : memref<10000x128xf32, #tpu.memory_space<hbm>> -> memref<10000x128xf32, #tpu.memory_space<hbm>>
      tpu.wait_indirect_dma semaphore(%arg23 : memref<!tpu.dma_semaphore, #tpu.memory_space<semaphore_mem>>) src(%dma_wait3A_155 : memref<10000x128xf32, #tpu.memory_space<hbm>>) dst(%arg18 : memref<80x128xf32, #tpu.memory_space<vmem>>)
      %dma_start3A_156 = arith.constant 0 : i32
      %dma_start3A_157 = tpu.memref_slice %arg6[%multiple_of3A_23, %dma_start3A_156] : memref<64000x128xf32, #tpu.memory_space<hbm>> -> memref<80x128xf32, #tpu.memory_space<hbm>>
      %dma_start3A_158 = arith.constant 0 : i32
      %dma_start3A_159 = tpu.memref_slice %arg6[%multiple_of3A_23, %dma_start3A_158] : memref<64000x128xf32, #tpu.memory_space<hbm>> -> memref<80x128xf32, #tpu.memory_space<hbm>>
      tpu.enqueue_dma source(%arg18 : memref<80x128xf32, #tpu.memory_space<vmem>>) target(%dma_start3A_159 : memref<80x128xf32, #tpu.memory_space<hbm>>) target_semaphore(%arg23 : memref<!tpu.dma_semaphore, #tpu.memory_space<semaphore_mem>>)
      %dma_wait3A_160 = arith.constant 0 : i32
      %dma_wait3A_161 = arith.constant 0 : i32
      %dma_wait3A_162 = tpu.memref_slice %arg3[%dma_wait3A_160, %dma_wait3A_161] : memref<10000x128xf32, #tpu.memory_space<hbm>> -> memref<10000x128xf32, #tpu.memory_space<hbm>>
      tpu.wait_indirect_dma semaphore(%arg24 : memref<!tpu.dma_semaphore, #tpu.memory_space<semaphore_mem>>) src(%dma_wait3A_162 : memref<10000x128xf32, #tpu.memory_space<hbm>>) dst(%arg19 : memref<80x128xf32, #tpu.memory_space<vmem>>)
      %dma_start3A_163 = arith.constant 0 : i32
      %dma_start3A_164 = tpu.memref_slice %arg6[%multiple_of3A_31, %dma_start3A_163] : memref<64000x128xf32, #tpu.memory_space<hbm>> -> memref<80x128xf32, #tpu.memory_space<hbm>>
      %dma_start3A_165 = arith.constant 0 : i32
      %dma_start3A_166 = tpu.memref_slice %arg6[%multiple_of3A_31, %dma_start3A_165] : memref<64000x128xf32, #tpu.memory_space<hbm>> -> memref<80x128xf32, #tpu.memory_space<hbm>>
      tpu.enqueue_dma source(%arg19 : memref<80x128xf32, #tpu.memory_space<vmem>>) target(%dma_start3A_166 : memref<80x128xf32, #tpu.memory_space<hbm>>) target_semaphore(%arg24 : memref<!tpu.dma_semaphore, #tpu.memory_space<semaphore_mem>>)
      %dma_wait3A_167 = arith.constant 0 : i32
      %dma_wait3A_168 = arith.constant 0 : i32
      %dma_wait3A_169 = tpu.memref_slice %arg3[%dma_wait3A_167, %dma_wait3A_168] : memref<10000x128xf32, #tpu.memory_space<hbm>> -> memref<10000x128xf32, #tpu.memory_space<hbm>>
      tpu.wait_indirect_dma semaphore(%arg25 : memref<!tpu.dma_semaphore, #tpu.memory_space<semaphore_mem>>) src(%dma_wait3A_169 : memref<10000x128xf32, #tpu.memory_space<hbm>>) dst(%arg20 : memref<80x128xf32, #tpu.memory_space<vmem>>)
      %dma_start3A_170 = arith.constant 0 : i32
      %dma_start3A_171 = tpu.memref_slice %arg6[%multiple_of3A_39, %dma_start3A_170] : memref<64000x128xf32, #tpu.memory_space<hbm>> -> memref<80x128xf32, #tpu.memory_space<hbm>>
      %dma_start3A_172 = arith.constant 0 : i32
      %dma_start3A_173 = tpu.memref_slice %arg6[%multiple_of3A_39, %dma_start3A_172] : memref<64000x128xf32, #tpu.memory_space<hbm>> -> memref<80x128xf32, #tpu.memory_space<hbm>>
      tpu.enqueue_dma source(%arg20 : memref<80x128xf32, #tpu.memory_space<vmem>>) target(%dma_start3A_173 : memref<80x128xf32, #tpu.memory_space<hbm>>) target_semaphore(%arg25 : memref<!tpu.dma_semaphore, #tpu.memory_space<semaphore_mem>>)
      %dma_wait3A_174 = arith.constant 0 : i32
      %dma_wait3A_175 = arith.constant 0 : i32
      %dma_wait3A_176 = tpu.memref_slice %arg3[%dma_wait3A_174, %dma_wait3A_175] : memref<10000x128xf32, #tpu.memory_space<hbm>> -> memref<10000x128xf32, #tpu.memory_space<hbm>>
      tpu.wait_indirect_dma semaphore(%arg26 : memref<!tpu.dma_semaphore, #tpu.memory_space<semaphore_mem>>) src(%dma_wait3A_176 : memref<10000x128xf32, #tpu.memory_space<hbm>>) dst(%arg21 : memref<80x128xf32, #tpu.memory_space<vmem>>)
      %dma_start3A_177 = arith.constant 0 : i32
      %dma_start3A_178 = tpu.memref_slice %arg6[%multiple_of3A_47, %dma_start3A_177] : memref<64000x128xf32, #tpu.memory_space<hbm>> -> memref<80x128xf32, #tpu.memory_space<hbm>>
      %dma_start3A_179 = arith.constant 0 : i32
      %dma_start3A_180 = tpu.memref_slice %arg6[%multiple_of3A_47, %dma_start3A_179] : memref<64000x128xf32, #tpu.memory_space<hbm>> -> memref<80x128xf32, #tpu.memory_space<hbm>>
      tpu.enqueue_dma source(%arg21 : memref<80x128xf32, #tpu.memory_space<vmem>>) target(%dma_start3A_180 : memref<80x128xf32, #tpu.memory_space<hbm>>) target_semaphore(%arg26 : memref<!tpu.dma_semaphore, #tpu.memory_space<semaphore_mem>>)
      %dma_wait3A_181 = arith.constant 0 : i32
      %dma_wait3A_182 = tpu.memref_slice %arg6[%multiple_of3A, %dma_wait3A_181] : memref<64000x128xf32, #tpu.memory_space<hbm>> -> memref<80x128xf32, #tpu.memory_space<hbm>>
      %dma_wait3A_183 = arith.constant 0 : i32
      %dma_wait3A_184 = tpu.memref_slice %arg6[%multiple_of3A, %dma_wait3A_183] : memref<64000x128xf32, #tpu.memory_space<hbm>> -> memref<80x128xf32, #tpu.memory_space<hbm>>
      tpu.wait_dma2 semaphore(%arg22 : memref<!tpu.dma_semaphore, #tpu.memory_space<semaphore_mem>>) src(%arg17 : memref<80x128xf32, #tpu.memory_space<vmem>>) dst(%dma_wait3A_184 : memref<80x128xf32, #tpu.memory_space<hbm>>)
      %dma_wait3A_185 = arith.constant 0 : i32
      %dma_wait3A_186 = tpu.memref_slice %arg6[%multiple_of3A_23, %dma_wait3A_185] : memref<64000x128xf32, #tpu.memory_space<hbm>> -> memref<80x128xf32, #tpu.memory_space<hbm>>
      %dma_wait3A_187 = arith.constant 0 : i32
      %dma_wait3A_188 = tpu.memref_slice %arg6[%multiple_of3A_23, %dma_wait3A_187] : memref<64000x128xf32, #tpu.memory_space<hbm>> -> memref<80x128xf32, #tpu.memory_space<hbm>>
      tpu.wait_dma2 semaphore(%arg23 : memref<!tpu.dma_semaphore, #tpu.memory_space<semaphore_mem>>) src(%arg18 : memref<80x128xf32, #tpu.memory_space<vmem>>) dst(%dma_wait3A_188 : memref<80x128xf32, #tpu.memory_space<hbm>>)
      %dma_wait3A_189 = arith.constant 0 : i32
      %dma_wait3A_190 = tpu.memref_slice %arg6[%multiple_of3A_31, %dma_wait3A_189] : memref<64000x128xf32, #tpu.memory_space<hbm>> -> memref<80x128xf32, #tpu.memory_space<hbm>>
      %dma_wait3A_191 = arith.constant 0 : i32
      %dma_wait3A_192 = tpu.memref_slice %arg6[%multiple_of3A_31, %dma_wait3A_191] : memref<64000x128xf32, #tpu.memory_space<hbm>> -> memref<80x128xf32, #tpu.memory_space<hbm>>
      tpu.wait_dma2 semaphore(%arg24 : memref<!tpu.dma_semaphore, #tpu.memory_space<semaphore_mem>>) src(%arg19 : memref<80x128xf32, #tpu.memory_space<vmem>>) dst(%dma_wait3A_192 : memref<80x128xf32, #tpu.memory_space<hbm>>)
      %dma_wait3A_193 = arith.constant 0 : i32
      %dma_wait3A_194 = tpu.memref_slice %arg6[%multiple_of3A_39, %dma_wait3A_193] : memref<64000x128xf32, #tpu.memory_space<hbm>> -> memref<80x128xf32, #tpu.memory_space<hbm>>
      %dma_wait3A_195 = arith.constant 0 : i32
      %dma_wait3A_196 = tpu.memref_slice %arg6[%multiple_of3A_39, %dma_wait3A_195] : memref<64000x128xf32, #tpu.memory_space<hbm>> -> memref<80x128xf32, #tpu.memory_space<hbm>>
      tpu.wait_dma2 semaphore(%arg25 : memref<!tpu.dma_semaphore, #tpu.memory_space<semaphore_mem>>) src(%arg20 : memref<80x128xf32, #tpu.memory_space<vmem>>) dst(%dma_wait3A_196 : memref<80x128xf32, #tpu.memory_space<hbm>>)
      %dma_wait3A_197 = arith.constant 0 : i32
      %dma_wait3A_198 = tpu.memref_slice %arg6[%multiple_of3A_47, %dma_wait3A_197] : memref<64000x128xf32, #tpu.memory_space<hbm>> -> memref<80x128xf32, #tpu.memory_space<hbm>>
      %dma_wait3A_199 = arith.constant 0 : i32
      %dma_wait3A_200 = tpu.memref_slice %arg6[%multiple_of3A_47, %dma_wait3A_199] : memref<64000x128xf32, #tpu.memory_space<hbm>> -> memref<80x128xf32, #tpu.memory_space<hbm>>
      tpu.wait_dma2 semaphore(%arg26 : memref<!tpu.dma_semaphore, #tpu.memory_space<semaphore_mem>>) src(%arg21 : memref<80x128xf32, #tpu.memory_space<vmem>>) dst(%dma_wait3A_200 : memref<80x128xf32, #tpu.memory_space<hbm>>)
    }
    %scan3A_7 = arith.constant 5 : i32
    return
  }
}

#map = affine_map<(d0, d1) -> (0, 0)>
#map1 = affine_map<(d0, d1) -> (0)>
module attributes {stable_mosaic.version = 14 : i64} {
  func.func @gather_k(%arg0: i32, %arg1: i32, %arg2: memref<10000x128xf32, #tpu.memory_space<hbm>>, %arg3: memref<10000x128xf32, #tpu.memory_space<hbm>>, %arg4: memref<320000xi32, #tpu.memory_space<hbm>>, %arg5: memref<320000xi32, #tpu.memory_space<hbm>>, %arg6: memref<64000x128xf32, #tpu.memory_space<hbm>>, %arg7: memref<80xi32, #tpu.memory_space<vmem>>, %arg8: memref<80xi32, #tpu.memory_space<vmem>>, %arg9: memref<80xi32, #tpu.memory_space<vmem>>, %arg10: memref<80xi32, #tpu.memory_space<vmem>>, %arg11: memref<80xi32, #tpu.memory_space<vmem>>, %arg12: memref<80xi32, #tpu.memory_space<vmem>>, %arg13: memref<80xi32, #tpu.memory_space<vmem>>, %arg14: memref<80xi32, #tpu.memory_space<vmem>>, %arg15: memref<80xi32, #tpu.memory_space<vmem>>, %arg16: memref<80xi32, #tpu.memory_space<vmem>>, %arg17: memref<80x128xf32, #tpu.memory_space<vmem>>, %arg18: memref<80x128xf32, #tpu.memory_space<vmem>>, %arg19: memref<80x128xf32, #tpu.memory_space<vmem>>, %arg20: memref<80x128xf32, #tpu.memory_space<vmem>>, %arg21: memref<80x128xf32, #tpu.memory_space<vmem>>, %arg22: memref<!tpu.dma_semaphore, #tpu.memory_space<semaphore_mem>>, %arg23: memref<!tpu.dma_semaphore, #tpu.memory_space<semaphore_mem>>, %arg24: memref<!tpu.dma_semaphore, #tpu.memory_space<semaphore_mem>>, %arg25: memref<!tpu.dma_semaphore, #tpu.memory_space<semaphore_mem>>, %arg26: memref<!tpu.dma_semaphore, #tpu.memory_space<semaphore_mem>>, %arg27: memref<!tpu.dma_semaphore, #tpu.memory_space<semaphore_mem>>, %arg28: memref<!tpu.dma_semaphore, #tpu.memory_space<semaphore_mem>>, %arg29: memref<!tpu.dma_semaphore, #tpu.memory_space<semaphore_mem>>, %arg30: memref<!tpu.dma_semaphore, #tpu.memory_space<semaphore_mem>>, %arg31: memref<!tpu.dma_semaphore, #tpu.memory_space<semaphore_mem>>) attributes {dimension_semantics = [#tpu.dimension_semantics<core_parallel>, #tpu.dimension_semantics<subcore_parallel>], iteration_bounds = array<i64: 2, 16>, scalar_prefetch = 0 : i64, scratch_operands = 25 : i64, tpu.core_type = #tpu.core_type<sc_vector_subcore>, window_params = [{transform_indices = #map}, {transform_indices = #map}, {transform_indices = #map1}, {transform_indices = #map1}, {transform_indices = #map}]} {
    %mul3A = arith.constant 2 : i32
    %mul3A_0 = arith.muli %arg1, %mul3A : i32
    %add3A = arith.addi %mul3A_0, %arg0 : i32
    %mul3A_1 = arith.constant 2000 : i32
    %mul3A_2 = arith.muli %add3A, %mul3A_1 : i32
    %scan3A = arith.constant 0 : i32
    %scan3A_3 = arith.constant 0 : i32
    %scan3A_4 = arith.constant 5 : i32
    %scan3A_5 = arith.addi %scan3A_3, %scan3A_4 : i32
    %scan3A_6 = arith.constant 1 : i32
    scf.for %scan3A_8 = %scan3A_3 to %scan3A_5 step %scan3A_6  : i32 {
      %mul3A_9 = arith.constant 5 : i32
      %mul3A_10 = arith.muli %scan3A_8, %mul3A_9 : i32
      %add3A_11 = arith.constant 0 : i32
      %add3A_12 = arith.addi %mul3A_10, %add3A_11 : i32
      %mul3A_13 = arith.constant 80 : i32
      %mul3A_14 = arith.muli %add3A_12, %mul3A_13 : i32
      %add3A_15 = arith.addi %mul3A_2, %mul3A_14 : i32
      %multiple_of3A = tpu.assume_multiple %add3A_15, 8 : i32
      %mul3A_16 = arith.constant 5 : i32
      %mul3A_17 = arith.muli %scan3A_8, %mul3A_16 : i32
      %add3A_18 = arith.constant 1 : i32
      %add3A_19 = arith.addi %mul3A_17, %add3A_18 : i32
      %mul3A_20 = arith.constant 80 : i32
      %mul3A_21 = arith.muli %add3A_19, %mul3A_20 : i32
      %add3A_22 = arith.addi %mul3A_2, %mul3A_21 : i32
      %multiple_of3A_23 = tpu.assume_multiple %add3A_22, 8 : i32
      %mul3A_24 = arith.constant 5 : i32
      %mul3A_25 = arith.muli %scan3A_8, %mul3A_24 : i32
      %add3A_26 = arith.constant 2 : i32
      %add3A_27 = arith.addi %mul3A_25, %add3A_26 : i32
      %mul3A_28 = arith.constant 80 : i32
      %mul3A_29 = arith.muli %add3A_27, %mul3A_28 : i32
      %add3A_30 = arith.addi %mul3A_2, %mul3A_29 : i32
      %multiple_of3A_31 = tpu.assume_multiple %add3A_30, 8 : i32
      %mul3A_32 = arith.constant 5 : i32
      %mul3A_33 = arith.muli %scan3A_8, %mul3A_32 : i32
      %add3A_34 = arith.constant 3 : i32
      %add3A_35 = arith.addi %mul3A_33, %add3A_34 : i32
      %mul3A_36 = arith.constant 80 : i32
      %mul3A_37 = arith.muli %add3A_35, %mul3A_36 : i32
      %add3A_38 = arith.addi %mul3A_2, %mul3A_37 : i32
      %multiple_of3A_39 = tpu.assume_multiple %add3A_38, 8 : i32
      %mul3A_40 = arith.constant 5 : i32
      %mul3A_41 = arith.muli %scan3A_8, %mul3A_40 : i32
      %add3A_42 = arith.constant 4 : i32
      %add3A_43 = arith.addi %mul3A_41, %add3A_42 : i32
      %mul3A_44 = arith.constant 80 : i32
      %mul3A_45 = arith.muli %add3A_43, %mul3A_44 : i32
      %add3A_46 = arith.addi %mul3A_2, %mul3A_45 : i32
      %multiple_of3A_47 = tpu.assume_multiple %add3A_46, 8 : i32
      %add3A_48 = arith.constant 192000 : i32
      %add3A_49 = arith.addi %add3A_48, %multiple_of3A : i32
      %multiple_of3A_50 = tpu.assume_multiple %add3A_49, 8 : i32
      %dma_start3A = tpu.memref_slice %arg4[%multiple_of3A_50] : memref<320000xi32, #tpu.memory_space<hbm>> -> memref<80xi32, #tpu.memory_space<hbm>>
      %dma_start3A_51 = tpu.memref_slice %arg4[%multiple_of3A_50] : memref<320000xi32, #tpu.memory_space<hbm>> -> memref<80xi32, #tpu.memory_space<hbm>>
      tpu.enqueue_dma source(%dma_start3A_51 : memref<80xi32, #tpu.memory_space<hbm>>) target(%arg7 : memref<80xi32, #tpu.memory_space<vmem>>) target_semaphore(%arg22 : memref<!tpu.dma_semaphore, #tpu.memory_space<semaphore_mem>>)
      %dma_start3A_52 = tpu.memref_slice %arg5[%multiple_of3A_50] : memref<320000xi32, #tpu.memory_space<hbm>> -> memref<80xi32, #tpu.memory_space<hbm>>
      %dma_start3A_53 = tpu.memref_slice %arg5[%multiple_of3A_50] : memref<320000xi32, #tpu.memory_space<hbm>> -> memref<80xi32, #tpu.memory_space<hbm>>
      tpu.enqueue_dma source(%dma_start3A_53 : memref<80xi32, #tpu.memory_space<hbm>>) target(%arg12 : memref<80xi32, #tpu.memory_space<vmem>>) target_semaphore(%arg27 : memref<!tpu.dma_semaphore, #tpu.memory_space<semaphore_mem>>)
      %add3A_54 = arith.constant 192000 : i32
      %add3A_55 = arith.addi %add3A_54, %multiple_of3A_23 : i32
      %multiple_of3A_56 = tpu.assume_multiple %add3A_55, 8 : i32
      %dma_start3A_57 = tpu.memref_slice %arg4[%multiple_of3A_56] : memref<320000xi32, #tpu.memory_space<hbm>> -> memref<80xi32, #tpu.memory_space<hbm>>
      %dma_start3A_58 = tpu.memref_slice %arg4[%multiple_of3A_56] : memref<320000xi32, #tpu.memory_space<hbm>> -> memref<80xi32, #tpu.memory_space<hbm>>
      tpu.enqueue_dma source(%dma_start3A_58 : memref<80xi32, #tpu.memory_space<hbm>>) target(%arg8 : memref<80xi32, #tpu.memory_space<vmem>>) target_semaphore(%arg23 : memref<!tpu.dma_semaphore, #tpu.memory_space<semaphore_mem>>)
      %dma_start3A_59 = tpu.memref_slice %arg5[%multiple_of3A_56] : memref<320000xi32, #tpu.memory_space<hbm>> -> memref<80xi32, #tpu.memory_space<hbm>>
      %dma_start3A_60 = tpu.memref_slice %arg5[%multiple_of3A_56] : memref<320000xi32, #tpu.memory_space<hbm>> -> memref<80xi32, #tpu.memory_space<hbm>>
      tpu.enqueue_dma source(%dma_start3A_60 : memref<80xi32, #tpu.memory_space<hbm>>) target(%arg13 : memref<80xi32, #tpu.memory_space<vmem>>) target_semaphore(%arg28 : memref<!tpu.dma_semaphore, #tpu.memory_space<semaphore_mem>>)
      %add3A_61 = arith.constant 192000 : i32
      %add3A_62 = arith.addi %add3A_61, %multiple_of3A_31 : i32
      %multiple_of3A_63 = tpu.assume_multiple %add3A_62, 8 : i32
      %dma_start3A_64 = tpu.memref_slice %arg4[%multiple_of3A_63] : memref<320000xi32, #tpu.memory_space<hbm>> -> memref<80xi32, #tpu.memory_space<hbm>>
      %dma_start3A_65 = tpu.memref_slice %arg4[%multiple_of3A_63] : memref<320000xi32, #tpu.memory_space<hbm>> -> memref<80xi32, #tpu.memory_space<hbm>>
      tpu.enqueue_dma source(%dma_start3A_65 : memref<80xi32, #tpu.memory_space<hbm>>) target(%arg9 : memref<80xi32, #tpu.memory_space<vmem>>) target_semaphore(%arg24 : memref<!tpu.dma_semaphore, #tpu.memory_space<semaphore_mem>>)
      %dma_start3A_66 = tpu.memref_slice %arg5[%multiple_of3A_63] : memref<320000xi32, #tpu.memory_space<hbm>> -> memref<80xi32, #tpu.memory_space<hbm>>
      %dma_start3A_67 = tpu.memref_slice %arg5[%multiple_of3A_63] : memref<320000xi32, #tpu.memory_space<hbm>> -> memref<80xi32, #tpu.memory_space<hbm>>
      tpu.enqueue_dma source(%dma_start3A_67 : memref<80xi32, #tpu.memory_space<hbm>>) target(%arg14 : memref<80xi32, #tpu.memory_space<vmem>>) target_semaphore(%arg29 : memref<!tpu.dma_semaphore, #tpu.memory_space<semaphore_mem>>)
      %add3A_68 = arith.constant 192000 : i32
      %add3A_69 = arith.addi %add3A_68, %multiple_of3A_39 : i32
      %multiple_of3A_70 = tpu.assume_multiple %add3A_69, 8 : i32
      %dma_start3A_71 = tpu.memref_slice %arg4[%multiple_of3A_70] : memref<320000xi32, #tpu.memory_space<hbm>> -> memref<80xi32, #tpu.memory_space<hbm>>
      %dma_start3A_72 = tpu.memref_slice %arg4[%multiple_of3A_70] : memref<320000xi32, #tpu.memory_space<hbm>> -> memref<80xi32, #tpu.memory_space<hbm>>
      tpu.enqueue_dma source(%dma_start3A_72 : memref<80xi32, #tpu.memory_space<hbm>>) target(%arg10 : memref<80xi32, #tpu.memory_space<vmem>>) target_semaphore(%arg25 : memref<!tpu.dma_semaphore, #tpu.memory_space<semaphore_mem>>)
      %dma_start3A_73 = tpu.memref_slice %arg5[%multiple_of3A_70] : memref<320000xi32, #tpu.memory_space<hbm>> -> memref<80xi32, #tpu.memory_space<hbm>>
      %dma_start3A_74 = tpu.memref_slice %arg5[%multiple_of3A_70] : memref<320000xi32, #tpu.memory_space<hbm>> -> memref<80xi32, #tpu.memory_space<hbm>>
      tpu.enqueue_dma source(%dma_start3A_74 : memref<80xi32, #tpu.memory_space<hbm>>) target(%arg15 : memref<80xi32, #tpu.memory_space<vmem>>) target_semaphore(%arg30 : memref<!tpu.dma_semaphore, #tpu.memory_space<semaphore_mem>>)
      %add3A_75 = arith.constant 192000 : i32
      %add3A_76 = arith.addi %add3A_75, %multiple_of3A_47 : i32
      %multiple_of3A_77 = tpu.assume_multiple %add3A_76, 8 : i32
      %dma_start3A_78 = tpu.memref_slice %arg4[%multiple_of3A_77] : memref<320000xi32, #tpu.memory_space<hbm>> -> memref<80xi32, #tpu.memory_space<hbm>>
      %dma_start3A_79 = tpu.memref_slice %arg4[%multiple_of3A_77] : memref<320000xi32, #tpu.memory_space<hbm>> -> memref<80xi32, #tpu.memory_space<hbm>>
      tpu.enqueue_dma source(%dma_start3A_79 : memref<80xi32, #tpu.memory_space<hbm>>) target(%arg11 : memref<80xi32, #tpu.memory_space<vmem>>) target_semaphore(%arg26 : memref<!tpu.dma_semaphore, #tpu.memory_space<semaphore_mem>>)
      %dma_start3A_80 = tpu.memref_slice %arg5[%multiple_of3A_77] : memref<320000xi32, #tpu.memory_space<hbm>> -> memref<80xi32, #tpu.memory_space<hbm>>
      %dma_start3A_81 = tpu.memref_slice %arg5[%multiple_of3A_77] : memref<320000xi32, #tpu.memory_space<hbm>> -> memref<80xi32, #tpu.memory_space<hbm>>
      tpu.enqueue_dma source(%dma_start3A_81 : memref<80xi32, #tpu.memory_space<hbm>>) target(%arg16 : memref<80xi32, #tpu.memory_space<vmem>>) target_semaphore(%arg31 : memref<!tpu.dma_semaphore, #tpu.memory_space<semaphore_mem>>)
      %dma_wait3A = tpu.memref_slice %arg4[%multiple_of3A_50] : memref<320000xi32, #tpu.memory_space<hbm>> -> memref<80xi32, #tpu.memory_space<hbm>>
      %dma_wait3A_82 = tpu.memref_slice %arg4[%multiple_of3A_50] : memref<320000xi32, #tpu.memory_space<hbm>> -> memref<80xi32, #tpu.memory_space<hbm>>
      tpu.wait_dma2 semaphore(%arg22 : memref<!tpu.dma_semaphore, #tpu.memory_space<semaphore_mem>>) src(%dma_wait3A_82 : memref<80xi32, #tpu.memory_space<hbm>>) dst(%arg7 : memref<80xi32, #tpu.memory_space<vmem>>)
      %dma_start3A_83 = arith.constant 0 : i32
      %dma_start3A_84 = arith.constant 0 : i32
      %dma_start3A_85 = tpu.memref_slice %arg2[%dma_start3A_83, %dma_start3A_84] : memref<10000x128xf32, #tpu.memory_space<hbm>> -> memref<10000x128xf32, #tpu.memory_space<hbm>>
      tpu.enqueue_indirect_dma source(%dma_start3A_85 : memref<10000x128xf32, #tpu.memory_space<hbm>>) target(%arg17 : memref<80x128xf32, #tpu.memory_space<vmem>>) offsets(%arg7 : memref<80xi32, #tpu.memory_space<vmem>>) semaphore(%arg22 : memref<!tpu.dma_semaphore, #tpu.memory_space<semaphore_mem>>)
      %dma_wait3A_86 = tpu.memref_slice %arg4[%multiple_of3A_56] : memref<320000xi32, #tpu.memory_space<hbm>> -> memref<80xi32, #tpu.memory_space<hbm>>
      %dma_wait3A_87 = tpu.memref_slice %arg4[%multiple_of3A_56] : memref<320000xi32, #tpu.memory_space<hbm>> -> memref<80xi32, #tpu.memory_space<hbm>>
      tpu.wait_dma2 semaphore(%arg23 : memref<!tpu.dma_semaphore, #tpu.memory_space<semaphore_mem>>) src(%dma_wait3A_87 : memref<80xi32, #tpu.memory_space<hbm>>) dst(%arg8 : memref<80xi32, #tpu.memory_space<vmem>>)
      %dma_start3A_88 = arith.constant 0 : i32
      %dma_start3A_89 = arith.constant 0 : i32
      %dma_start3A_90 = tpu.memref_slice %arg2[%dma_start3A_88, %dma_start3A_89] : memref<10000x128xf32, #tpu.memory_space<hbm>> -> memref<10000x128xf32, #tpu.memory_space<hbm>>
      tpu.enqueue_indirect_dma source(%dma_start3A_90 : memref<10000x128xf32, #tpu.memory_space<hbm>>) target(%arg18 : memref<80x128xf32, #tpu.memory_space<vmem>>) offsets(%arg8 : memref<80xi32, #tpu.memory_space<vmem>>) semaphore(%arg23 : memref<!tpu.dma_semaphore, #tpu.memory_space<semaphore_mem>>)
      %dma_wait3A_91 = tpu.memref_slice %arg4[%multiple_of3A_63] : memref<320000xi32, #tpu.memory_space<hbm>> -> memref<80xi32, #tpu.memory_space<hbm>>
      %dma_wait3A_92 = tpu.memref_slice %arg4[%multiple_of3A_63] : memref<320000xi32, #tpu.memory_space<hbm>> -> memref<80xi32, #tpu.memory_space<hbm>>
      tpu.wait_dma2 semaphore(%arg24 : memref<!tpu.dma_semaphore, #tpu.memory_space<semaphore_mem>>) src(%dma_wait3A_92 : memref<80xi32, #tpu.memory_space<hbm>>) dst(%arg9 : memref<80xi32, #tpu.memory_space<vmem>>)
      %dma_start3A_93 = arith.constant 0 : i32
      %dma_start3A_94 = arith.constant 0 : i32
      %dma_start3A_95 = tpu.memref_slice %arg2[%dma_start3A_93, %dma_start3A_94] : memref<10000x128xf32, #tpu.memory_space<hbm>> -> memref<10000x128xf32, #tpu.memory_space<hbm>>
      tpu.enqueue_indirect_dma source(%dma_start3A_95 : memref<10000x128xf32, #tpu.memory_space<hbm>>) target(%arg19 : memref<80x128xf32, #tpu.memory_space<vmem>>) offsets(%arg9 : memref<80xi32, #tpu.memory_space<vmem>>) semaphore(%arg24 : memref<!tpu.dma_semaphore, #tpu.memory_space<semaphore_mem>>)
      %dma_wait3A_96 = tpu.memref_slice %arg4[%multiple_of3A_70] : memref<320000xi32, #tpu.memory_space<hbm>> -> memref<80xi32, #tpu.memory_space<hbm>>
      %dma_wait3A_97 = tpu.memref_slice %arg4[%multiple_of3A_70] : memref<320000xi32, #tpu.memory_space<hbm>> -> memref<80xi32, #tpu.memory_space<hbm>>
      tpu.wait_dma2 semaphore(%arg25 : memref<!tpu.dma_semaphore, #tpu.memory_space<semaphore_mem>>) src(%dma_wait3A_97 : memref<80xi32, #tpu.memory_space<hbm>>) dst(%arg10 : memref<80xi32, #tpu.memory_space<vmem>>)
      %dma_start3A_98 = arith.constant 0 : i32
      %dma_start3A_99 = arith.constant 0 : i32
      %dma_start3A_100 = tpu.memref_slice %arg2[%dma_start3A_98, %dma_start3A_99] : memref<10000x128xf32, #tpu.memory_space<hbm>> -> memref<10000x128xf32, #tpu.memory_space<hbm>>
      tpu.enqueue_indirect_dma source(%dma_start3A_100 : memref<10000x128xf32, #tpu.memory_space<hbm>>) target(%arg20 : memref<80x128xf32, #tpu.memory_space<vmem>>) offsets(%arg10 : memref<80xi32, #tpu.memory_space<vmem>>) semaphore(%arg25 : memref<!tpu.dma_semaphore, #tpu.memory_space<semaphore_mem>>)
      %dma_wait3A_101 = tpu.memref_slice %arg4[%multiple_of3A_77] : memref<320000xi32, #tpu.memory_space<hbm>> -> memref<80xi32, #tpu.memory_space<hbm>>
      %dma_wait3A_102 = tpu.memref_slice %arg4[%multiple_of3A_77] : memref<320000xi32, #tpu.memory_space<hbm>> -> memref<80xi32, #tpu.memory_space<hbm>>
      tpu.wait_dma2 semaphore(%arg26 : memref<!tpu.dma_semaphore, #tpu.memory_space<semaphore_mem>>) src(%dma_wait3A_102 : memref<80xi32, #tpu.memory_space<hbm>>) dst(%arg11 : memref<80xi32, #tpu.memory_space<vmem>>)
      %dma_start3A_103 = arith.constant 0 : i32
      %dma_start3A_104 = arith.constant 0 : i32
      %dma_start3A_105 = tpu.memref_slice %arg2[%dma_start3A_103, %dma_start3A_104] : memref<10000x128xf32, #tpu.memory_space<hbm>> -> memref<10000x128xf32, #tpu.memory_space<hbm>>
      tpu.enqueue_indirect_dma source(%dma_start3A_105 : memref<10000x128xf32, #tpu.memory_space<hbm>>) target(%arg21 : memref<80x128xf32, #tpu.memory_space<vmem>>) offsets(%arg11 : memref<80xi32, #tpu.memory_space<vmem>>) semaphore(%arg26 : memref<!tpu.dma_semaphore, #tpu.memory_space<semaphore_mem>>)
      %dma_wait3A_106 = arith.constant 0 : i32
      %dma_wait3A_107 = arith.constant 0 : i32
      %dma_wait3A_108 = tpu.memref_slice %arg2[%dma_wait3A_106, %dma_wait3A_107] : memref<10000x128xf32, #tpu.memory_space<hbm>> -> memref<10000x128xf32, #tpu.memory_space<hbm>>
      tpu.wait_indirect_dma semaphore(%arg22 : memref<!tpu.dma_semaphore, #tpu.memory_space<semaphore_mem>>) src(%dma_wait3A_108 : memref<10000x128xf32, #tpu.memory_space<hbm>>) dst(%arg17 : memref<80x128xf32, #tpu.memory_space<vmem>>)
      %dma_wait3A_109 = tpu.memref_slice %arg5[%multiple_of3A_50] : memref<320000xi32, #tpu.memory_space<hbm>> -> memref<80xi32, #tpu.memory_space<hbm>>
      %dma_wait3A_110 = tpu.memref_slice %arg5[%multiple_of3A_50] : memref<320000xi32, #tpu.memory_space<hbm>> -> memref<80xi32, #tpu.memory_space<hbm>>
      tpu.wait_dma2 semaphore(%arg27 : memref<!tpu.dma_semaphore, #tpu.memory_space<semaphore_mem>>) src(%dma_wait3A_110 : memref<80xi32, #tpu.memory_space<hbm>>) dst(%arg12 : memref<80xi32, #tpu.memory_space<vmem>>)
      %dma_start3A_111 = arith.constant 0 : i32
      %dma_start3A_112 = arith.constant 0 : i32
      %dma_start3A_113 = tpu.memref_slice %arg3[%dma_start3A_111, %dma_start3A_112] : memref<10000x128xf32, #tpu.memory_space<hbm>> -> memref<10000x128xf32, #tpu.memory_space<hbm>>
      tpu.enqueue_indirect_dma source(%dma_start3A_113 : memref<10000x128xf32, #tpu.memory_space<hbm>>) target(%arg17 : memref<80x128xf32, #tpu.memory_space<vmem>>) offsets(%arg12 : memref<80xi32, #tpu.memory_space<vmem>>) semaphore(%arg22 : memref<!tpu.dma_semaphore, #tpu.memory_space<semaphore_mem>>) {add = true}
      %dma_wait3A_114 = arith.constant 0 : i32
      %dma_wait3A_115 = arith.constant 0 : i32
      %dma_wait3A_116 = tpu.memref_slice %arg2[%dma_wait3A_114, %dma_wait3A_115] : memref<10000x128xf32, #tpu.memory_space<hbm>> -> memref<10000x128xf32, #tpu.memory_space<hbm>>
      tpu.wait_indirect_dma semaphore(%arg23 : memref<!tpu.dma_semaphore, #tpu.memory_space<semaphore_mem>>) src(%dma_wait3A_116 : memref<10000x128xf32, #tpu.memory_space<hbm>>) dst(%arg18 : memref<80x128xf32, #tpu.memory_space<vmem>>)
      %dma_wait3A_117 = tpu.memref_slice %arg5[%multiple_of3A_56] : memref<320000xi32, #tpu.memory_space<hbm>> -> memref<80xi32, #tpu.memory_space<hbm>>
      %dma_wait3A_118 = tpu.memref_slice %arg5[%multiple_of3A_56] : memref<320000xi32, #tpu.memory_space<hbm>> -> memref<80xi32, #tpu.memory_space<hbm>>
      tpu.wait_dma2 semaphore(%arg28 : memref<!tpu.dma_semaphore, #tpu.memory_space<semaphore_mem>>) src(%dma_wait3A_118 : memref<80xi32, #tpu.memory_space<hbm>>) dst(%arg13 : memref<80xi32, #tpu.memory_space<vmem>>)
      %dma_start3A_119 = arith.constant 0 : i32
      %dma_start3A_120 = arith.constant 0 : i32
      %dma_start3A_121 = tpu.memref_slice %arg3[%dma_start3A_119, %dma_start3A_120] : memref<10000x128xf32, #tpu.memory_space<hbm>> -> memref<10000x128xf32, #tpu.memory_space<hbm>>
      tpu.enqueue_indirect_dma source(%dma_start3A_121 : memref<10000x128xf32, #tpu.memory_space<hbm>>) target(%arg18 : memref<80x128xf32, #tpu.memory_space<vmem>>) offsets(%arg13 : memref<80xi32, #tpu.memory_space<vmem>>) semaphore(%arg23 : memref<!tpu.dma_semaphore, #tpu.memory_space<semaphore_mem>>) {add = true}
      %dma_wait3A_122 = arith.constant 0 : i32
      %dma_wait3A_123 = arith.constant 0 : i32
      %dma_wait3A_124 = tpu.memref_slice %arg2[%dma_wait3A_122, %dma_wait3A_123] : memref<10000x128xf32, #tpu.memory_space<hbm>> -> memref<10000x128xf32, #tpu.memory_space<hbm>>
      tpu.wait_indirect_dma semaphore(%arg24 : memref<!tpu.dma_semaphore, #tpu.memory_space<semaphore_mem>>) src(%dma_wait3A_124 : memref<10000x128xf32, #tpu.memory_space<hbm>>) dst(%arg19 : memref<80x128xf32, #tpu.memory_space<vmem>>)
      %dma_wait3A_125 = tpu.memref_slice %arg5[%multiple_of3A_63] : memref<320000xi32, #tpu.memory_space<hbm>> -> memref<80xi32, #tpu.memory_space<hbm>>
      %dma_wait3A_126 = tpu.memref_slice %arg5[%multiple_of3A_63] : memref<320000xi32, #tpu.memory_space<hbm>> -> memref<80xi32, #tpu.memory_space<hbm>>
      tpu.wait_dma2 semaphore(%arg29 : memref<!tpu.dma_semaphore, #tpu.memory_space<semaphore_mem>>) src(%dma_wait3A_126 : memref<80xi32, #tpu.memory_space<hbm>>) dst(%arg14 : memref<80xi32, #tpu.memory_space<vmem>>)
      %dma_start3A_127 = arith.constant 0 : i32
      %dma_start3A_128 = arith.constant 0 : i32
      %dma_start3A_129 = tpu.memref_slice %arg3[%dma_start3A_127, %dma_start3A_128] : memref<10000x128xf32, #tpu.memory_space<hbm>> -> memref<10000x128xf32, #tpu.memory_space<hbm>>
      tpu.enqueue_indirect_dma source(%dma_start3A_129 : memref<10000x128xf32, #tpu.memory_space<hbm>>) target(%arg19 : memref<80x128xf32, #tpu.memory_space<vmem>>) offsets(%arg14 : memref<80xi32, #tpu.memory_space<vmem>>) semaphore(%arg24 : memref<!tpu.dma_semaphore, #tpu.memory_space<semaphore_mem>>) {add = true}
      %dma_wait3A_130 = arith.constant 0 : i32
      %dma_wait3A_131 = arith.constant 0 : i32
      %dma_wait3A_132 = tpu.memref_slice %arg2[%dma_wait3A_130, %dma_wait3A_131] : memref<10000x128xf32, #tpu.memory_space<hbm>> -> memref<10000x128xf32, #tpu.memory_space<hbm>>
      tpu.wait_indirect_dma semaphore(%arg25 : memref<!tpu.dma_semaphore, #tpu.memory_space<semaphore_mem>>) src(%dma_wait3A_132 : memref<10000x128xf32, #tpu.memory_space<hbm>>) dst(%arg20 : memref<80x128xf32, #tpu.memory_space<vmem>>)
      %dma_wait3A_133 = tpu.memref_slice %arg5[%multiple_of3A_70] : memref<320000xi32, #tpu.memory_space<hbm>> -> memref<80xi32, #tpu.memory_space<hbm>>
      %dma_wait3A_134 = tpu.memref_slice %arg5[%multiple_of3A_70] : memref<320000xi32, #tpu.memory_space<hbm>> -> memref<80xi32, #tpu.memory_space<hbm>>
      tpu.wait_dma2 semaphore(%arg30 : memref<!tpu.dma_semaphore, #tpu.memory_space<semaphore_mem>>) src(%dma_wait3A_134 : memref<80xi32, #tpu.memory_space<hbm>>) dst(%arg15 : memref<80xi32, #tpu.memory_space<vmem>>)
      %dma_start3A_135 = arith.constant 0 : i32
      %dma_start3A_136 = arith.constant 0 : i32
      %dma_start3A_137 = tpu.memref_slice %arg3[%dma_start3A_135, %dma_start3A_136] : memref<10000x128xf32, #tpu.memory_space<hbm>> -> memref<10000x128xf32, #tpu.memory_space<hbm>>
      tpu.enqueue_indirect_dma source(%dma_start3A_137 : memref<10000x128xf32, #tpu.memory_space<hbm>>) target(%arg20 : memref<80x128xf32, #tpu.memory_space<vmem>>) offsets(%arg15 : memref<80xi32, #tpu.memory_space<vmem>>) semaphore(%arg25 : memref<!tpu.dma_semaphore, #tpu.memory_space<semaphore_mem>>) {add = true}
      %dma_wait3A_138 = arith.constant 0 : i32
      %dma_wait3A_139 = arith.constant 0 : i32
      %dma_wait3A_140 = tpu.memref_slice %arg2[%dma_wait3A_138, %dma_wait3A_139] : memref<10000x128xf32, #tpu.memory_space<hbm>> -> memref<10000x128xf32, #tpu.memory_space<hbm>>
      tpu.wait_indirect_dma semaphore(%arg26 : memref<!tpu.dma_semaphore, #tpu.memory_space<semaphore_mem>>) src(%dma_wait3A_140 : memref<10000x128xf32, #tpu.memory_space<hbm>>) dst(%arg21 : memref<80x128xf32, #tpu.memory_space<vmem>>)
      %dma_wait3A_141 = tpu.memref_slice %arg5[%multiple_of3A_77] : memref<320000xi32, #tpu.memory_space<hbm>> -> memref<80xi32, #tpu.memory_space<hbm>>
      %dma_wait3A_142 = tpu.memref_slice %arg5[%multiple_of3A_77] : memref<320000xi32, #tpu.memory_space<hbm>> -> memref<80xi32, #tpu.memory_space<hbm>>
      tpu.wait_dma2 semaphore(%arg31 : memref<!tpu.dma_semaphore, #tpu.memory_space<semaphore_mem>>) src(%dma_wait3A_142 : memref<80xi32, #tpu.memory_space<hbm>>) dst(%arg16 : memref<80xi32, #tpu.memory_space<vmem>>)
      %dma_start3A_143 = arith.constant 0 : i32
      %dma_start3A_144 = arith.constant 0 : i32
      %dma_start3A_145 = tpu.memref_slice %arg3[%dma_start3A_143, %dma_start3A_144] : memref<10000x128xf32, #tpu.memory_space<hbm>> -> memref<10000x128xf32, #tpu.memory_space<hbm>>
      tpu.enqueue_indirect_dma source(%dma_start3A_145 : memref<10000x128xf32, #tpu.memory_space<hbm>>) target(%arg21 : memref<80x128xf32, #tpu.memory_space<vmem>>) offsets(%arg16 : memref<80xi32, #tpu.memory_space<vmem>>) semaphore(%arg26 : memref<!tpu.dma_semaphore, #tpu.memory_space<semaphore_mem>>) {add = true}
      %dma_wait3A_146 = arith.constant 0 : i32
      %dma_wait3A_147 = arith.constant 0 : i32
      %dma_wait3A_148 = tpu.memref_slice %arg3[%dma_wait3A_146, %dma_wait3A_147] : memref<10000x128xf32, #tpu.memory_space<hbm>> -> memref<10000x128xf32, #tpu.memory_space<hbm>>
      tpu.wait_indirect_dma semaphore(%arg22 : memref<!tpu.dma_semaphore, #tpu.memory_space<semaphore_mem>>) src(%dma_wait3A_148 : memref<10000x128xf32, #tpu.memory_space<hbm>>) dst(%arg17 : memref<80x128xf32, #tpu.memory_space<vmem>>)
      %dma_start3A_149 = arith.constant 0 : i32
      %dma_start3A_150 = tpu.memref_slice %arg6[%multiple_of3A, %dma_start3A_149] : memref<64000x128xf32, #tpu.memory_space<hbm>> -> memref<80x128xf32, #tpu.memory_space<hbm>>
      %dma_start3A_151 = arith.constant 0 : i32
      %dma_start3A_152 = tpu.memref_slice %arg6[%multiple_of3A, %dma_start3A_151] : memref<64000x128xf32, #tpu.memory_space<hbm>> -> memref<80x128xf32, #tpu.memory_space<hbm>>
      tpu.enqueue_dma source(%arg17 : memref<80x128xf32, #tpu.memory_space<vmem>>) target(%dma_start3A_152 : memref<80x128xf32, #tpu.memory_space<hbm>>) target_semaphore(%arg22 : memref<!tpu.dma_semaphore, #tpu.memory_space<semaphore_mem>>)
      %dma_wait3A_153 = arith.constant 0 : i32
      %dma_wait3A_154 = arith.constant 0 : i32
      %dma_wait3A_155 = tpu.memref_slice %arg3[%dma_wait3A_153, %dma_wait3A_154] : memref<10000x128xf32, #tpu.memory_space<hbm>> -> memref<10000x128xf32, #tpu.memory_space<hbm>>
      tpu.wait_indirect_dma semaphore(%arg23 : memref<!tpu.dma_semaphore, #tpu.memory_space<semaphore_mem>>) src(%dma_wait3A_155 : memref<10000x128xf32, #tpu.memory_space<hbm>>) dst(%arg18 : memref<80x128xf32, #tpu.memory_space<vmem>>)
      %dma_start3A_156 = arith.constant 0 : i32
      %dma_start3A_157 = tpu.memref_slice %arg6[%multiple_of3A_23, %dma_start3A_156] : memref<64000x128xf32, #tpu.memory_space<hbm>> -> memref<80x128xf32, #tpu.memory_space<hbm>>
      %dma_start3A_158 = arith.constant 0 : i32
      %dma_start3A_159 = tpu.memref_slice %arg6[%multiple_of3A_23, %dma_start3A_158] : memref<64000x128xf32, #tpu.memory_space<hbm>> -> memref<80x128xf32, #tpu.memory_space<hbm>>
      tpu.enqueue_dma source(%arg18 : memref<80x128xf32, #tpu.memory_space<vmem>>) target(%dma_start3A_159 : memref<80x128xf32, #tpu.memory_space<hbm>>) target_semaphore(%arg23 : memref<!tpu.dma_semaphore, #tpu.memory_space<semaphore_mem>>)
      %dma_wait3A_160 = arith.constant 0 : i32
      %dma_wait3A_161 = arith.constant 0 : i32
      %dma_wait3A_162 = tpu.memref_slice %arg3[%dma_wait3A_160, %dma_wait3A_161] : memref<10000x128xf32, #tpu.memory_space<hbm>> -> memref<10000x128xf32, #tpu.memory_space<hbm>>
      tpu.wait_indirect_dma semaphore(%arg24 : memref<!tpu.dma_semaphore, #tpu.memory_space<semaphore_mem>>) src(%dma_wait3A_162 : memref<10000x128xf32, #tpu.memory_space<hbm>>) dst(%arg19 : memref<80x128xf32, #tpu.memory_space<vmem>>)
      %dma_start3A_163 = arith.constant 0 : i32
      %dma_start3A_164 = tpu.memref_slice %arg6[%multiple_of3A_31, %dma_start3A_163] : memref<64000x128xf32, #tpu.memory_space<hbm>> -> memref<80x128xf32, #tpu.memory_space<hbm>>
      %dma_start3A_165 = arith.constant 0 : i32
      %dma_start3A_166 = tpu.memref_slice %arg6[%multiple_of3A_31, %dma_start3A_165] : memref<64000x128xf32, #tpu.memory_space<hbm>> -> memref<80x128xf32, #tpu.memory_space<hbm>>
      tpu.enqueue_dma source(%arg19 : memref<80x128xf32, #tpu.memory_space<vmem>>) target(%dma_start3A_166 : memref<80x128xf32, #tpu.memory_space<hbm>>) target_semaphore(%arg24 : memref<!tpu.dma_semaphore, #tpu.memory_space<semaphore_mem>>)
      %dma_wait3A_167 = arith.constant 0 : i32
      %dma_wait3A_168 = arith.constant 0 : i32
      %dma_wait3A_169 = tpu.memref_slice %arg3[%dma_wait3A_167, %dma_wait3A_168] : memref<10000x128xf32, #tpu.memory_space<hbm>> -> memref<10000x128xf32, #tpu.memory_space<hbm>>
      tpu.wait_indirect_dma semaphore(%arg25 : memref<!tpu.dma_semaphore, #tpu.memory_space<semaphore_mem>>) src(%dma_wait3A_169 : memref<10000x128xf32, #tpu.memory_space<hbm>>) dst(%arg20 : memref<80x128xf32, #tpu.memory_space<vmem>>)
      %dma_start3A_170 = arith.constant 0 : i32
      %dma_start3A_171 = tpu.memref_slice %arg6[%multiple_of3A_39, %dma_start3A_170] : memref<64000x128xf32, #tpu.memory_space<hbm>> -> memref<80x128xf32, #tpu.memory_space<hbm>>
      %dma_start3A_172 = arith.constant 0 : i32
      %dma_start3A_173 = tpu.memref_slice %arg6[%multiple_of3A_39, %dma_start3A_172] : memref<64000x128xf32, #tpu.memory_space<hbm>> -> memref<80x128xf32, #tpu.memory_space<hbm>>
      tpu.enqueue_dma source(%arg20 : memref<80x128xf32, #tpu.memory_space<vmem>>) target(%dma_start3A_173 : memref<80x128xf32, #tpu.memory_space<hbm>>) target_semaphore(%arg25 : memref<!tpu.dma_semaphore, #tpu.memory_space<semaphore_mem>>)
      %dma_wait3A_174 = arith.constant 0 : i32
      %dma_wait3A_175 = arith.constant 0 : i32
      %dma_wait3A_176 = tpu.memref_slice %arg3[%dma_wait3A_174, %dma_wait3A_175] : memref<10000x128xf32, #tpu.memory_space<hbm>> -> memref<10000x128xf32, #tpu.memory_space<hbm>>
      tpu.wait_indirect_dma semaphore(%arg26 : memref<!tpu.dma_semaphore, #tpu.memory_space<semaphore_mem>>) src(%dma_wait3A_176 : memref<10000x128xf32, #tpu.memory_space<hbm>>) dst(%arg21 : memref<80x128xf32, #tpu.memory_space<vmem>>)
      %dma_start3A_177 = arith.constant 0 : i32
      %dma_start3A_178 = tpu.memref_slice %arg6[%multiple_of3A_47, %dma_start3A_177] : memref<64000x128xf32, #tpu.memory_space<hbm>> -> memref<80x128xf32, #tpu.memory_space<hbm>>
      %dma_start3A_179 = arith.constant 0 : i32
      %dma_start3A_180 = tpu.memref_slice %arg6[%multiple_of3A_47, %dma_start3A_179] : memref<64000x128xf32, #tpu.memory_space<hbm>> -> memref<80x128xf32, #tpu.memory_space<hbm>>
      tpu.enqueue_dma source(%arg21 : memref<80x128xf32, #tpu.memory_space<vmem>>) target(%dma_start3A_180 : memref<80x128xf32, #tpu.memory_space<hbm>>) target_semaphore(%arg26 : memref<!tpu.dma_semaphore, #tpu.memory_space<semaphore_mem>>)
      %dma_wait3A_181 = arith.constant 0 : i32
      %dma_wait3A_182 = tpu.memref_slice %arg6[%multiple_of3A, %dma_wait3A_181] : memref<64000x128xf32, #tpu.memory_space<hbm>> -> memref<80x128xf32, #tpu.memory_space<hbm>>
      %dma_wait3A_183 = arith.constant 0 : i32
      %dma_wait3A_184 = tpu.memref_slice %arg6[%multiple_of3A, %dma_wait3A_183] : memref<64000x128xf32, #tpu.memory_space<hbm>> -> memref<80x128xf32, #tpu.memory_space<hbm>>
      tpu.wait_dma2 semaphore(%arg22 : memref<!tpu.dma_semaphore, #tpu.memory_space<semaphore_mem>>) src(%arg17 : memref<80x128xf32, #tpu.memory_space<vmem>>) dst(%dma_wait3A_184 : memref<80x128xf32, #tpu.memory_space<hbm>>)
      %dma_wait3A_185 = arith.constant 0 : i32
      %dma_wait3A_186 = tpu.memref_slice %arg6[%multiple_of3A_23, %dma_wait3A_185] : memref<64000x128xf32, #tpu.memory_space<hbm>> -> memref<80x128xf32, #tpu.memory_space<hbm>>
      %dma_wait3A_187 = arith.constant 0 : i32
      %dma_wait3A_188 = tpu.memref_slice %arg6[%multiple_of3A_23, %dma_wait3A_187] : memref<64000x128xf32, #tpu.memory_space<hbm>> -> memref<80x128xf32, #tpu.memory_space<hbm>>
      tpu.wait_dma2 semaphore(%arg23 : memref<!tpu.dma_semaphore, #tpu.memory_space<semaphore_mem>>) src(%arg18 : memref<80x128xf32, #tpu.memory_space<vmem>>) dst(%dma_wait3A_188 : memref<80x128xf32, #tpu.memory_space<hbm>>)
      %dma_wait3A_189 = arith.constant 0 : i32
      %dma_wait3A_190 = tpu.memref_slice %arg6[%multiple_of3A_31, %dma_wait3A_189] : memref<64000x128xf32, #tpu.memory_space<hbm>> -> memref<80x128xf32, #tpu.memory_space<hbm>>
      %dma_wait3A_191 = arith.constant 0 : i32
      %dma_wait3A_192 = tpu.memref_slice %arg6[%multiple_of3A_31, %dma_wait3A_191] : memref<64000x128xf32, #tpu.memory_space<hbm>> -> memref<80x128xf32, #tpu.memory_space<hbm>>
      tpu.wait_dma2 semaphore(%arg24 : memref<!tpu.dma_semaphore, #tpu.memory_space<semaphore_mem>>) src(%arg19 : memref<80x128xf32, #tpu.memory_space<vmem>>) dst(%dma_wait3A_192 : memref<80x128xf32, #tpu.memory_space<hbm>>)
      %dma_wait3A_193 = arith.constant 0 : i32
      %dma_wait3A_194 = tpu.memref_slice %arg6[%multiple_of3A_39, %dma_wait3A_193] : memref<64000x128xf32, #tpu.memory_space<hbm>> -> memref<80x128xf32, #tpu.memory_space<hbm>>
      %dma_wait3A_195 = arith.constant 0 : i32
      %dma_wait3A_196 = tpu.memref_slice %arg6[%multiple_of3A_39, %dma_wait3A_195] : memref<64000x128xf32, #tpu.memory_space<hbm>> -> memref<80x128xf32, #tpu.memory_space<hbm>>
      tpu.wait_dma2 semaphore(%arg25 : memref<!tpu.dma_semaphore, #tpu.memory_space<semaphore_mem>>) src(%arg20 : memref<80x128xf32, #tpu.memory_space<vmem>>) dst(%dma_wait3A_196 : memref<80x128xf32, #tpu.memory_space<hbm>>)
      %dma_wait3A_197 = arith.constant 0 : i32
      %dma_wait3A_198 = tpu.memref_slice %arg6[%multiple_of3A_47, %dma_wait3A_197] : memref<64000x128xf32, #tpu.memory_space<hbm>> -> memref<80x128xf32, #tpu.memory_space<hbm>>
      %dma_wait3A_199 = arith.constant 0 : i32
      %dma_wait3A_200 = tpu.memref_slice %arg6[%multiple_of3A_47, %dma_wait3A_199] : memref<64000x128xf32, #tpu.memory_space<hbm>> -> memref<80x128xf32, #tpu.memory_space<hbm>>
      tpu.wait_dma2 semaphore(%arg26 : memref<!tpu.dma_semaphore, #tpu.memory_space<semaphore_mem>>) src(%arg21 : memref<80x128xf32, #tpu.memory_space<vmem>>) dst(%dma_wait3A_200 : memref<80x128xf32, #tpu.memory_space<hbm>>)
    }
    %scan3A_7 = arith.constant 5 : i32
    return
  }
}

#map = affine_map<(d0, d1) -> (0, 0)>
#map1 = affine_map<(d0, d1) -> (0)>
module attributes {stable_mosaic.version = 14 : i64} {
  func.func @gather_k(%arg0: i32, %arg1: i32, %arg2: memref<10000x128xf32, #tpu.memory_space<hbm>>, %arg3: memref<10000x128xf32, #tpu.memory_space<hbm>>, %arg4: memref<320000xi32, #tpu.memory_space<hbm>>, %arg5: memref<320000xi32, #tpu.memory_space<hbm>>, %arg6: memref<64000x128xf32, #tpu.memory_space<hbm>>, %arg7: memref<80xi32, #tpu.memory_space<vmem>>, %arg8: memref<80xi32, #tpu.memory_space<vmem>>, %arg9: memref<80xi32, #tpu.memory_space<vmem>>, %arg10: memref<80xi32, #tpu.memory_space<vmem>>, %arg11: memref<80xi32, #tpu.memory_space<vmem>>, %arg12: memref<80xi32, #tpu.memory_space<vmem>>, %arg13: memref<80xi32, #tpu.memory_space<vmem>>, %arg14: memref<80xi32, #tpu.memory_space<vmem>>, %arg15: memref<80xi32, #tpu.memory_space<vmem>>, %arg16: memref<80xi32, #tpu.memory_space<vmem>>, %arg17: memref<80x128xf32, #tpu.memory_space<vmem>>, %arg18: memref<80x128xf32, #tpu.memory_space<vmem>>, %arg19: memref<80x128xf32, #tpu.memory_space<vmem>>, %arg20: memref<80x128xf32, #tpu.memory_space<vmem>>, %arg21: memref<80x128xf32, #tpu.memory_space<vmem>>, %arg22: memref<!tpu.dma_semaphore, #tpu.memory_space<semaphore_mem>>, %arg23: memref<!tpu.dma_semaphore, #tpu.memory_space<semaphore_mem>>, %arg24: memref<!tpu.dma_semaphore, #tpu.memory_space<semaphore_mem>>, %arg25: memref<!tpu.dma_semaphore, #tpu.memory_space<semaphore_mem>>, %arg26: memref<!tpu.dma_semaphore, #tpu.memory_space<semaphore_mem>>, %arg27: memref<!tpu.dma_semaphore, #tpu.memory_space<semaphore_mem>>, %arg28: memref<!tpu.dma_semaphore, #tpu.memory_space<semaphore_mem>>, %arg29: memref<!tpu.dma_semaphore, #tpu.memory_space<semaphore_mem>>, %arg30: memref<!tpu.dma_semaphore, #tpu.memory_space<semaphore_mem>>, %arg31: memref<!tpu.dma_semaphore, #tpu.memory_space<semaphore_mem>>) attributes {dimension_semantics = [#tpu.dimension_semantics<core_parallel>, #tpu.dimension_semantics<subcore_parallel>], iteration_bounds = array<i64: 2, 16>, scalar_prefetch = 0 : i64, scratch_operands = 25 : i64, tpu.core_type = #tpu.core_type<sc_vector_subcore>, window_params = [{transform_indices = #map}, {transform_indices = #map}, {transform_indices = #map1}, {transform_indices = #map1}, {transform_indices = #map}]} {
    %mul3A = arith.constant 2 : i32
    %mul3A_0 = arith.muli %arg1, %mul3A : i32
    %add3A = arith.addi %mul3A_0, %arg0 : i32
    %mul3A_1 = arith.constant 2000 : i32
    %mul3A_2 = arith.muli %add3A, %mul3A_1 : i32
    %scan3A = arith.constant 0 : i32
    %scan3A_3 = arith.constant 0 : i32
    %scan3A_4 = arith.constant 5 : i32
    %scan3A_5 = arith.addi %scan3A_3, %scan3A_4 : i32
    %scan3A_6 = arith.constant 1 : i32
    scf.for %scan3A_8 = %scan3A_3 to %scan3A_5 step %scan3A_6  : i32 {
      %mul3A_9 = arith.constant 5 : i32
      %mul3A_10 = arith.muli %scan3A_8, %mul3A_9 : i32
      %add3A_11 = arith.constant 0 : i32
      %add3A_12 = arith.addi %mul3A_10, %add3A_11 : i32
      %mul3A_13 = arith.constant 80 : i32
      %mul3A_14 = arith.muli %add3A_12, %mul3A_13 : i32
      %add3A_15 = arith.addi %mul3A_2, %mul3A_14 : i32
      %multiple_of3A = tpu.assume_multiple %add3A_15, 8 : i32
      %mul3A_16 = arith.constant 5 : i32
      %mul3A_17 = arith.muli %scan3A_8, %mul3A_16 : i32
      %add3A_18 = arith.constant 1 : i32
      %add3A_19 = arith.addi %mul3A_17, %add3A_18 : i32
      %mul3A_20 = arith.constant 80 : i32
      %mul3A_21 = arith.muli %add3A_19, %mul3A_20 : i32
      %add3A_22 = arith.addi %mul3A_2, %mul3A_21 : i32
      %multiple_of3A_23 = tpu.assume_multiple %add3A_22, 8 : i32
      %mul3A_24 = arith.constant 5 : i32
      %mul3A_25 = arith.muli %scan3A_8, %mul3A_24 : i32
      %add3A_26 = arith.constant 2 : i32
      %add3A_27 = arith.addi %mul3A_25, %add3A_26 : i32
      %mul3A_28 = arith.constant 80 : i32
      %mul3A_29 = arith.muli %add3A_27, %mul3A_28 : i32
      %add3A_30 = arith.addi %mul3A_2, %mul3A_29 : i32
      %multiple_of3A_31 = tpu.assume_multiple %add3A_30, 8 : i32
      %mul3A_32 = arith.constant 5 : i32
      %mul3A_33 = arith.muli %scan3A_8, %mul3A_32 : i32
      %add3A_34 = arith.constant 3 : i32
      %add3A_35 = arith.addi %mul3A_33, %add3A_34 : i32
      %mul3A_36 = arith.constant 80 : i32
      %mul3A_37 = arith.muli %add3A_35, %mul3A_36 : i32
      %add3A_38 = arith.addi %mul3A_2, %mul3A_37 : i32
      %multiple_of3A_39 = tpu.assume_multiple %add3A_38, 8 : i32
      %mul3A_40 = arith.constant 5 : i32
      %mul3A_41 = arith.muli %scan3A_8, %mul3A_40 : i32
      %add3A_42 = arith.constant 4 : i32
      %add3A_43 = arith.addi %mul3A_41, %add3A_42 : i32
      %mul3A_44 = arith.constant 80 : i32
      %mul3A_45 = arith.muli %add3A_43, %mul3A_44 : i32
      %add3A_46 = arith.addi %mul3A_2, %mul3A_45 : i32
      %multiple_of3A_47 = tpu.assume_multiple %add3A_46, 8 : i32
      %add3A_48 = arith.constant 256000 : i32
      %add3A_49 = arith.addi %add3A_48, %multiple_of3A : i32
      %multiple_of3A_50 = tpu.assume_multiple %add3A_49, 8 : i32
      %dma_start3A = tpu.memref_slice %arg4[%multiple_of3A_50] : memref<320000xi32, #tpu.memory_space<hbm>> -> memref<80xi32, #tpu.memory_space<hbm>>
      %dma_start3A_51 = tpu.memref_slice %arg4[%multiple_of3A_50] : memref<320000xi32, #tpu.memory_space<hbm>> -> memref<80xi32, #tpu.memory_space<hbm>>
      tpu.enqueue_dma source(%dma_start3A_51 : memref<80xi32, #tpu.memory_space<hbm>>) target(%arg7 : memref<80xi32, #tpu.memory_space<vmem>>) target_semaphore(%arg22 : memref<!tpu.dma_semaphore, #tpu.memory_space<semaphore_mem>>)
      %dma_start3A_52 = tpu.memref_slice %arg5[%multiple_of3A_50] : memref<320000xi32, #tpu.memory_space<hbm>> -> memref<80xi32, #tpu.memory_space<hbm>>
      %dma_start3A_53 = tpu.memref_slice %arg5[%multiple_of3A_50] : memref<320000xi32, #tpu.memory_space<hbm>> -> memref<80xi32, #tpu.memory_space<hbm>>
      tpu.enqueue_dma source(%dma_start3A_53 : memref<80xi32, #tpu.memory_space<hbm>>) target(%arg12 : memref<80xi32, #tpu.memory_space<vmem>>) target_semaphore(%arg27 : memref<!tpu.dma_semaphore, #tpu.memory_space<semaphore_mem>>)
      %add3A_54 = arith.constant 256000 : i32
      %add3A_55 = arith.addi %add3A_54, %multiple_of3A_23 : i32
      %multiple_of3A_56 = tpu.assume_multiple %add3A_55, 8 : i32
      %dma_start3A_57 = tpu.memref_slice %arg4[%multiple_of3A_56] : memref<320000xi32, #tpu.memory_space<hbm>> -> memref<80xi32, #tpu.memory_space<hbm>>
      %dma_start3A_58 = tpu.memref_slice %arg4[%multiple_of3A_56] : memref<320000xi32, #tpu.memory_space<hbm>> -> memref<80xi32, #tpu.memory_space<hbm>>
      tpu.enqueue_dma source(%dma_start3A_58 : memref<80xi32, #tpu.memory_space<hbm>>) target(%arg8 : memref<80xi32, #tpu.memory_space<vmem>>) target_semaphore(%arg23 : memref<!tpu.dma_semaphore, #tpu.memory_space<semaphore_mem>>)
      %dma_start3A_59 = tpu.memref_slice %arg5[%multiple_of3A_56] : memref<320000xi32, #tpu.memory_space<hbm>> -> memref<80xi32, #tpu.memory_space<hbm>>
      %dma_start3A_60 = tpu.memref_slice %arg5[%multiple_of3A_56] : memref<320000xi32, #tpu.memory_space<hbm>> -> memref<80xi32, #tpu.memory_space<hbm>>
      tpu.enqueue_dma source(%dma_start3A_60 : memref<80xi32, #tpu.memory_space<hbm>>) target(%arg13 : memref<80xi32, #tpu.memory_space<vmem>>) target_semaphore(%arg28 : memref<!tpu.dma_semaphore, #tpu.memory_space<semaphore_mem>>)
      %add3A_61 = arith.constant 256000 : i32
      %add3A_62 = arith.addi %add3A_61, %multiple_of3A_31 : i32
      %multiple_of3A_63 = tpu.assume_multiple %add3A_62, 8 : i32
      %dma_start3A_64 = tpu.memref_slice %arg4[%multiple_of3A_63] : memref<320000xi32, #tpu.memory_space<hbm>> -> memref<80xi32, #tpu.memory_space<hbm>>
      %dma_start3A_65 = tpu.memref_slice %arg4[%multiple_of3A_63] : memref<320000xi32, #tpu.memory_space<hbm>> -> memref<80xi32, #tpu.memory_space<hbm>>
      tpu.enqueue_dma source(%dma_start3A_65 : memref<80xi32, #tpu.memory_space<hbm>>) target(%arg9 : memref<80xi32, #tpu.memory_space<vmem>>) target_semaphore(%arg24 : memref<!tpu.dma_semaphore, #tpu.memory_space<semaphore_mem>>)
      %dma_start3A_66 = tpu.memref_slice %arg5[%multiple_of3A_63] : memref<320000xi32, #tpu.memory_space<hbm>> -> memref<80xi32, #tpu.memory_space<hbm>>
      %dma_start3A_67 = tpu.memref_slice %arg5[%multiple_of3A_63] : memref<320000xi32, #tpu.memory_space<hbm>> -> memref<80xi32, #tpu.memory_space<hbm>>
      tpu.enqueue_dma source(%dma_start3A_67 : memref<80xi32, #tpu.memory_space<hbm>>) target(%arg14 : memref<80xi32, #tpu.memory_space<vmem>>) target_semaphore(%arg29 : memref<!tpu.dma_semaphore, #tpu.memory_space<semaphore_mem>>)
      %add3A_68 = arith.constant 256000 : i32
      %add3A_69 = arith.addi %add3A_68, %multiple_of3A_39 : i32
      %multiple_of3A_70 = tpu.assume_multiple %add3A_69, 8 : i32
      %dma_start3A_71 = tpu.memref_slice %arg4[%multiple_of3A_70] : memref<320000xi32, #tpu.memory_space<hbm>> -> memref<80xi32, #tpu.memory_space<hbm>>
      %dma_start3A_72 = tpu.memref_slice %arg4[%multiple_of3A_70] : memref<320000xi32, #tpu.memory_space<hbm>> -> memref<80xi32, #tpu.memory_space<hbm>>
      tpu.enqueue_dma source(%dma_start3A_72 : memref<80xi32, #tpu.memory_space<hbm>>) target(%arg10 : memref<80xi32, #tpu.memory_space<vmem>>) target_semaphore(%arg25 : memref<!tpu.dma_semaphore, #tpu.memory_space<semaphore_mem>>)
      %dma_start3A_73 = tpu.memref_slice %arg5[%multiple_of3A_70] : memref<320000xi32, #tpu.memory_space<hbm>> -> memref<80xi32, #tpu.memory_space<hbm>>
      %dma_start3A_74 = tpu.memref_slice %arg5[%multiple_of3A_70] : memref<320000xi32, #tpu.memory_space<hbm>> -> memref<80xi32, #tpu.memory_space<hbm>>
      tpu.enqueue_dma source(%dma_start3A_74 : memref<80xi32, #tpu.memory_space<hbm>>) target(%arg15 : memref<80xi32, #tpu.memory_space<vmem>>) target_semaphore(%arg30 : memref<!tpu.dma_semaphore, #tpu.memory_space<semaphore_mem>>)
      %add3A_75 = arith.constant 256000 : i32
      %add3A_76 = arith.addi %add3A_75, %multiple_of3A_47 : i32
      %multiple_of3A_77 = tpu.assume_multiple %add3A_76, 8 : i32
      %dma_start3A_78 = tpu.memref_slice %arg4[%multiple_of3A_77] : memref<320000xi32, #tpu.memory_space<hbm>> -> memref<80xi32, #tpu.memory_space<hbm>>
      %dma_start3A_79 = tpu.memref_slice %arg4[%multiple_of3A_77] : memref<320000xi32, #tpu.memory_space<hbm>> -> memref<80xi32, #tpu.memory_space<hbm>>
      tpu.enqueue_dma source(%dma_start3A_79 : memref<80xi32, #tpu.memory_space<hbm>>) target(%arg11 : memref<80xi32, #tpu.memory_space<vmem>>) target_semaphore(%arg26 : memref<!tpu.dma_semaphore, #tpu.memory_space<semaphore_mem>>)
      %dma_start3A_80 = tpu.memref_slice %arg5[%multiple_of3A_77] : memref<320000xi32, #tpu.memory_space<hbm>> -> memref<80xi32, #tpu.memory_space<hbm>>
      %dma_start3A_81 = tpu.memref_slice %arg5[%multiple_of3A_77] : memref<320000xi32, #tpu.memory_space<hbm>> -> memref<80xi32, #tpu.memory_space<hbm>>
      tpu.enqueue_dma source(%dma_start3A_81 : memref<80xi32, #tpu.memory_space<hbm>>) target(%arg16 : memref<80xi32, #tpu.memory_space<vmem>>) target_semaphore(%arg31 : memref<!tpu.dma_semaphore, #tpu.memory_space<semaphore_mem>>)
      %dma_wait3A = tpu.memref_slice %arg4[%multiple_of3A_50] : memref<320000xi32, #tpu.memory_space<hbm>> -> memref<80xi32, #tpu.memory_space<hbm>>
      %dma_wait3A_82 = tpu.memref_slice %arg4[%multiple_of3A_50] : memref<320000xi32, #tpu.memory_space<hbm>> -> memref<80xi32, #tpu.memory_space<hbm>>
      tpu.wait_dma2 semaphore(%arg22 : memref<!tpu.dma_semaphore, #tpu.memory_space<semaphore_mem>>) src(%dma_wait3A_82 : memref<80xi32, #tpu.memory_space<hbm>>) dst(%arg7 : memref<80xi32, #tpu.memory_space<vmem>>)
      %dma_start3A_83 = arith.constant 0 : i32
      %dma_start3A_84 = arith.constant 0 : i32
      %dma_start3A_85 = tpu.memref_slice %arg2[%dma_start3A_83, %dma_start3A_84] : memref<10000x128xf32, #tpu.memory_space<hbm>> -> memref<10000x128xf32, #tpu.memory_space<hbm>>
      tpu.enqueue_indirect_dma source(%dma_start3A_85 : memref<10000x128xf32, #tpu.memory_space<hbm>>) target(%arg17 : memref<80x128xf32, #tpu.memory_space<vmem>>) offsets(%arg7 : memref<80xi32, #tpu.memory_space<vmem>>) semaphore(%arg22 : memref<!tpu.dma_semaphore, #tpu.memory_space<semaphore_mem>>)
      %dma_wait3A_86 = tpu.memref_slice %arg4[%multiple_of3A_56] : memref<320000xi32, #tpu.memory_space<hbm>> -> memref<80xi32, #tpu.memory_space<hbm>>
      %dma_wait3A_87 = tpu.memref_slice %arg4[%multiple_of3A_56] : memref<320000xi32, #tpu.memory_space<hbm>> -> memref<80xi32, #tpu.memory_space<hbm>>
      tpu.wait_dma2 semaphore(%arg23 : memref<!tpu.dma_semaphore, #tpu.memory_space<semaphore_mem>>) src(%dma_wait3A_87 : memref<80xi32, #tpu.memory_space<hbm>>) dst(%arg8 : memref<80xi32, #tpu.memory_space<vmem>>)
      %dma_start3A_88 = arith.constant 0 : i32
      %dma_start3A_89 = arith.constant 0 : i32
      %dma_start3A_90 = tpu.memref_slice %arg2[%dma_start3A_88, %dma_start3A_89] : memref<10000x128xf32, #tpu.memory_space<hbm>> -> memref<10000x128xf32, #tpu.memory_space<hbm>>
      tpu.enqueue_indirect_dma source(%dma_start3A_90 : memref<10000x128xf32, #tpu.memory_space<hbm>>) target(%arg18 : memref<80x128xf32, #tpu.memory_space<vmem>>) offsets(%arg8 : memref<80xi32, #tpu.memory_space<vmem>>) semaphore(%arg23 : memref<!tpu.dma_semaphore, #tpu.memory_space<semaphore_mem>>)
      %dma_wait3A_91 = tpu.memref_slice %arg4[%multiple_of3A_63] : memref<320000xi32, #tpu.memory_space<hbm>> -> memref<80xi32, #tpu.memory_space<hbm>>
      %dma_wait3A_92 = tpu.memref_slice %arg4[%multiple_of3A_63] : memref<320000xi32, #tpu.memory_space<hbm>> -> memref<80xi32, #tpu.memory_space<hbm>>
      tpu.wait_dma2 semaphore(%arg24 : memref<!tpu.dma_semaphore, #tpu.memory_space<semaphore_mem>>) src(%dma_wait3A_92 : memref<80xi32, #tpu.memory_space<hbm>>) dst(%arg9 : memref<80xi32, #tpu.memory_space<vmem>>)
      %dma_start3A_93 = arith.constant 0 : i32
      %dma_start3A_94 = arith.constant 0 : i32
      %dma_start3A_95 = tpu.memref_slice %arg2[%dma_start3A_93, %dma_start3A_94] : memref<10000x128xf32, #tpu.memory_space<hbm>> -> memref<10000x128xf32, #tpu.memory_space<hbm>>
      tpu.enqueue_indirect_dma source(%dma_start3A_95 : memref<10000x128xf32, #tpu.memory_space<hbm>>) target(%arg19 : memref<80x128xf32, #tpu.memory_space<vmem>>) offsets(%arg9 : memref<80xi32, #tpu.memory_space<vmem>>) semaphore(%arg24 : memref<!tpu.dma_semaphore, #tpu.memory_space<semaphore_mem>>)
      %dma_wait3A_96 = tpu.memref_slice %arg4[%multiple_of3A_70] : memref<320000xi32, #tpu.memory_space<hbm>> -> memref<80xi32, #tpu.memory_space<hbm>>
      %dma_wait3A_97 = tpu.memref_slice %arg4[%multiple_of3A_70] : memref<320000xi32, #tpu.memory_space<hbm>> -> memref<80xi32, #tpu.memory_space<hbm>>
      tpu.wait_dma2 semaphore(%arg25 : memref<!tpu.dma_semaphore, #tpu.memory_space<semaphore_mem>>) src(%dma_wait3A_97 : memref<80xi32, #tpu.memory_space<hbm>>) dst(%arg10 : memref<80xi32, #tpu.memory_space<vmem>>)
      %dma_start3A_98 = arith.constant 0 : i32
      %dma_start3A_99 = arith.constant 0 : i32
      %dma_start3A_100 = tpu.memref_slice %arg2[%dma_start3A_98, %dma_start3A_99] : memref<10000x128xf32, #tpu.memory_space<hbm>> -> memref<10000x128xf32, #tpu.memory_space<hbm>>
      tpu.enqueue_indirect_dma source(%dma_start3A_100 : memref<10000x128xf32, #tpu.memory_space<hbm>>) target(%arg20 : memref<80x128xf32, #tpu.memory_space<vmem>>) offsets(%arg10 : memref<80xi32, #tpu.memory_space<vmem>>) semaphore(%arg25 : memref<!tpu.dma_semaphore, #tpu.memory_space<semaphore_mem>>)
      %dma_wait3A_101 = tpu.memref_slice %arg4[%multiple_of3A_77] : memref<320000xi32, #tpu.memory_space<hbm>> -> memref<80xi32, #tpu.memory_space<hbm>>
      %dma_wait3A_102 = tpu.memref_slice %arg4[%multiple_of3A_77] : memref<320000xi32, #tpu.memory_space<hbm>> -> memref<80xi32, #tpu.memory_space<hbm>>
      tpu.wait_dma2 semaphore(%arg26 : memref<!tpu.dma_semaphore, #tpu.memory_space<semaphore_mem>>) src(%dma_wait3A_102 : memref<80xi32, #tpu.memory_space<hbm>>) dst(%arg11 : memref<80xi32, #tpu.memory_space<vmem>>)
      %dma_start3A_103 = arith.constant 0 : i32
      %dma_start3A_104 = arith.constant 0 : i32
      %dma_start3A_105 = tpu.memref_slice %arg2[%dma_start3A_103, %dma_start3A_104] : memref<10000x128xf32, #tpu.memory_space<hbm>> -> memref<10000x128xf32, #tpu.memory_space<hbm>>
      tpu.enqueue_indirect_dma source(%dma_start3A_105 : memref<10000x128xf32, #tpu.memory_space<hbm>>) target(%arg21 : memref<80x128xf32, #tpu.memory_space<vmem>>) offsets(%arg11 : memref<80xi32, #tpu.memory_space<vmem>>) semaphore(%arg26 : memref<!tpu.dma_semaphore, #tpu.memory_space<semaphore_mem>>)
      %dma_wait3A_106 = arith.constant 0 : i32
      %dma_wait3A_107 = arith.constant 0 : i32
      %dma_wait3A_108 = tpu.memref_slice %arg2[%dma_wait3A_106, %dma_wait3A_107] : memref<10000x128xf32, #tpu.memory_space<hbm>> -> memref<10000x128xf32, #tpu.memory_space<hbm>>
      tpu.wait_indirect_dma semaphore(%arg22 : memref<!tpu.dma_semaphore, #tpu.memory_space<semaphore_mem>>) src(%dma_wait3A_108 : memref<10000x128xf32, #tpu.memory_space<hbm>>) dst(%arg17 : memref<80x128xf32, #tpu.memory_space<vmem>>)
      %dma_wait3A_109 = tpu.memref_slice %arg5[%multiple_of3A_50] : memref<320000xi32, #tpu.memory_space<hbm>> -> memref<80xi32, #tpu.memory_space<hbm>>
      %dma_wait3A_110 = tpu.memref_slice %arg5[%multiple_of3A_50] : memref<320000xi32, #tpu.memory_space<hbm>> -> memref<80xi32, #tpu.memory_space<hbm>>
      tpu.wait_dma2 semaphore(%arg27 : memref<!tpu.dma_semaphore, #tpu.memory_space<semaphore_mem>>) src(%dma_wait3A_110 : memref<80xi32, #tpu.memory_space<hbm>>) dst(%arg12 : memref<80xi32, #tpu.memory_space<vmem>>)
      %dma_start3A_111 = arith.constant 0 : i32
      %dma_start3A_112 = arith.constant 0 : i32
      %dma_start3A_113 = tpu.memref_slice %arg3[%dma_start3A_111, %dma_start3A_112] : memref<10000x128xf32, #tpu.memory_space<hbm>> -> memref<10000x128xf32, #tpu.memory_space<hbm>>
      tpu.enqueue_indirect_dma source(%dma_start3A_113 : memref<10000x128xf32, #tpu.memory_space<hbm>>) target(%arg17 : memref<80x128xf32, #tpu.memory_space<vmem>>) offsets(%arg12 : memref<80xi32, #tpu.memory_space<vmem>>) semaphore(%arg22 : memref<!tpu.dma_semaphore, #tpu.memory_space<semaphore_mem>>) {add = true}
      %dma_wait3A_114 = arith.constant 0 : i32
      %dma_wait3A_115 = arith.constant 0 : i32
      %dma_wait3A_116 = tpu.memref_slice %arg2[%dma_wait3A_114, %dma_wait3A_115] : memref<10000x128xf32, #tpu.memory_space<hbm>> -> memref<10000x128xf32, #tpu.memory_space<hbm>>
      tpu.wait_indirect_dma semaphore(%arg23 : memref<!tpu.dma_semaphore, #tpu.memory_space<semaphore_mem>>) src(%dma_wait3A_116 : memref<10000x128xf32, #tpu.memory_space<hbm>>) dst(%arg18 : memref<80x128xf32, #tpu.memory_space<vmem>>)
      %dma_wait3A_117 = tpu.memref_slice %arg5[%multiple_of3A_56] : memref<320000xi32, #tpu.memory_space<hbm>> -> memref<80xi32, #tpu.memory_space<hbm>>
      %dma_wait3A_118 = tpu.memref_slice %arg5[%multiple_of3A_56] : memref<320000xi32, #tpu.memory_space<hbm>> -> memref<80xi32, #tpu.memory_space<hbm>>
      tpu.wait_dma2 semaphore(%arg28 : memref<!tpu.dma_semaphore, #tpu.memory_space<semaphore_mem>>) src(%dma_wait3A_118 : memref<80xi32, #tpu.memory_space<hbm>>) dst(%arg13 : memref<80xi32, #tpu.memory_space<vmem>>)
      %dma_start3A_119 = arith.constant 0 : i32
      %dma_start3A_120 = arith.constant 0 : i32
      %dma_start3A_121 = tpu.memref_slice %arg3[%dma_start3A_119, %dma_start3A_120] : memref<10000x128xf32, #tpu.memory_space<hbm>> -> memref<10000x128xf32, #tpu.memory_space<hbm>>
      tpu.enqueue_indirect_dma source(%dma_start3A_121 : memref<10000x128xf32, #tpu.memory_space<hbm>>) target(%arg18 : memref<80x128xf32, #tpu.memory_space<vmem>>) offsets(%arg13 : memref<80xi32, #tpu.memory_space<vmem>>) semaphore(%arg23 : memref<!tpu.dma_semaphore, #tpu.memory_space<semaphore_mem>>) {add = true}
      %dma_wait3A_122 = arith.constant 0 : i32
      %dma_wait3A_123 = arith.constant 0 : i32
      %dma_wait3A_124 = tpu.memref_slice %arg2[%dma_wait3A_122, %dma_wait3A_123] : memref<10000x128xf32, #tpu.memory_space<hbm>> -> memref<10000x128xf32, #tpu.memory_space<hbm>>
      tpu.wait_indirect_dma semaphore(%arg24 : memref<!tpu.dma_semaphore, #tpu.memory_space<semaphore_mem>>) src(%dma_wait3A_124 : memref<10000x128xf32, #tpu.memory_space<hbm>>) dst(%arg19 : memref<80x128xf32, #tpu.memory_space<vmem>>)
      %dma_wait3A_125 = tpu.memref_slice %arg5[%multiple_of3A_63] : memref<320000xi32, #tpu.memory_space<hbm>> -> memref<80xi32, #tpu.memory_space<hbm>>
      %dma_wait3A_126 = tpu.memref_slice %arg5[%multiple_of3A_63] : memref<320000xi32, #tpu.memory_space<hbm>> -> memref<80xi32, #tpu.memory_space<hbm>>
      tpu.wait_dma2 semaphore(%arg29 : memref<!tpu.dma_semaphore, #tpu.memory_space<semaphore_mem>>) src(%dma_wait3A_126 : memref<80xi32, #tpu.memory_space<hbm>>) dst(%arg14 : memref<80xi32, #tpu.memory_space<vmem>>)
      %dma_start3A_127 = arith.constant 0 : i32
      %dma_start3A_128 = arith.constant 0 : i32
      %dma_start3A_129 = tpu.memref_slice %arg3[%dma_start3A_127, %dma_start3A_128] : memref<10000x128xf32, #tpu.memory_space<hbm>> -> memref<10000x128xf32, #tpu.memory_space<hbm>>
      tpu.enqueue_indirect_dma source(%dma_start3A_129 : memref<10000x128xf32, #tpu.memory_space<hbm>>) target(%arg19 : memref<80x128xf32, #tpu.memory_space<vmem>>) offsets(%arg14 : memref<80xi32, #tpu.memory_space<vmem>>) semaphore(%arg24 : memref<!tpu.dma_semaphore, #tpu.memory_space<semaphore_mem>>) {add = true}
      %dma_wait3A_130 = arith.constant 0 : i32
      %dma_wait3A_131 = arith.constant 0 : i32
      %dma_wait3A_132 = tpu.memref_slice %arg2[%dma_wait3A_130, %dma_wait3A_131] : memref<10000x128xf32, #tpu.memory_space<hbm>> -> memref<10000x128xf32, #tpu.memory_space<hbm>>
      tpu.wait_indirect_dma semaphore(%arg25 : memref<!tpu.dma_semaphore, #tpu.memory_space<semaphore_mem>>) src(%dma_wait3A_132 : memref<10000x128xf32, #tpu.memory_space<hbm>>) dst(%arg20 : memref<80x128xf32, #tpu.memory_space<vmem>>)
      %dma_wait3A_133 = tpu.memref_slice %arg5[%multiple_of3A_70] : memref<320000xi32, #tpu.memory_space<hbm>> -> memref<80xi32, #tpu.memory_space<hbm>>
      %dma_wait3A_134 = tpu.memref_slice %arg5[%multiple_of3A_70] : memref<320000xi32, #tpu.memory_space<hbm>> -> memref<80xi32, #tpu.memory_space<hbm>>
      tpu.wait_dma2 semaphore(%arg30 : memref<!tpu.dma_semaphore, #tpu.memory_space<semaphore_mem>>) src(%dma_wait3A_134 : memref<80xi32, #tpu.memory_space<hbm>>) dst(%arg15 : memref<80xi32, #tpu.memory_space<vmem>>)
      %dma_start3A_135 = arith.constant 0 : i32
      %dma_start3A_136 = arith.constant 0 : i32
      %dma_start3A_137 = tpu.memref_slice %arg3[%dma_start3A_135, %dma_start3A_136] : memref<10000x128xf32, #tpu.memory_space<hbm>> -> memref<10000x128xf32, #tpu.memory_space<hbm>>
      tpu.enqueue_indirect_dma source(%dma_start3A_137 : memref<10000x128xf32, #tpu.memory_space<hbm>>) target(%arg20 : memref<80x128xf32, #tpu.memory_space<vmem>>) offsets(%arg15 : memref<80xi32, #tpu.memory_space<vmem>>) semaphore(%arg25 : memref<!tpu.dma_semaphore, #tpu.memory_space<semaphore_mem>>) {add = true}
      %dma_wait3A_138 = arith.constant 0 : i32
      %dma_wait3A_139 = arith.constant 0 : i32
      %dma_wait3A_140 = tpu.memref_slice %arg2[%dma_wait3A_138, %dma_wait3A_139] : memref<10000x128xf32, #tpu.memory_space<hbm>> -> memref<10000x128xf32, #tpu.memory_space<hbm>>
      tpu.wait_indirect_dma semaphore(%arg26 : memref<!tpu.dma_semaphore, #tpu.memory_space<semaphore_mem>>) src(%dma_wait3A_140 : memref<10000x128xf32, #tpu.memory_space<hbm>>) dst(%arg21 : memref<80x128xf32, #tpu.memory_space<vmem>>)
      %dma_wait3A_141 = tpu.memref_slice %arg5[%multiple_of3A_77] : memref<320000xi32, #tpu.memory_space<hbm>> -> memref<80xi32, #tpu.memory_space<hbm>>
      %dma_wait3A_142 = tpu.memref_slice %arg5[%multiple_of3A_77] : memref<320000xi32, #tpu.memory_space<hbm>> -> memref<80xi32, #tpu.memory_space<hbm>>
      tpu.wait_dma2 semaphore(%arg31 : memref<!tpu.dma_semaphore, #tpu.memory_space<semaphore_mem>>) src(%dma_wait3A_142 : memref<80xi32, #tpu.memory_space<hbm>>) dst(%arg16 : memref<80xi32, #tpu.memory_space<vmem>>)
      %dma_start3A_143 = arith.constant 0 : i32
      %dma_start3A_144 = arith.constant 0 : i32
      %dma_start3A_145 = tpu.memref_slice %arg3[%dma_start3A_143, %dma_start3A_144] : memref<10000x128xf32, #tpu.memory_space<hbm>> -> memref<10000x128xf32, #tpu.memory_space<hbm>>
      tpu.enqueue_indirect_dma source(%dma_start3A_145 : memref<10000x128xf32, #tpu.memory_space<hbm>>) target(%arg21 : memref<80x128xf32, #tpu.memory_space<vmem>>) offsets(%arg16 : memref<80xi32, #tpu.memory_space<vmem>>) semaphore(%arg26 : memref<!tpu.dma_semaphore, #tpu.memory_space<semaphore_mem>>) {add = true}
      %dma_wait3A_146 = arith.constant 0 : i32
      %dma_wait3A_147 = arith.constant 0 : i32
      %dma_wait3A_148 = tpu.memref_slice %arg3[%dma_wait3A_146, %dma_wait3A_147] : memref<10000x128xf32, #tpu.memory_space<hbm>> -> memref<10000x128xf32, #tpu.memory_space<hbm>>
      tpu.wait_indirect_dma semaphore(%arg22 : memref<!tpu.dma_semaphore, #tpu.memory_space<semaphore_mem>>) src(%dma_wait3A_148 : memref<10000x128xf32, #tpu.memory_space<hbm>>) dst(%arg17 : memref<80x128xf32, #tpu.memory_space<vmem>>)
      %dma_start3A_149 = arith.constant 0 : i32
      %dma_start3A_150 = tpu.memref_slice %arg6[%multiple_of3A, %dma_start3A_149] : memref<64000x128xf32, #tpu.memory_space<hbm>> -> memref<80x128xf32, #tpu.memory_space<hbm>>
      %dma_start3A_151 = arith.constant 0 : i32
      %dma_start3A_152 = tpu.memref_slice %arg6[%multiple_of3A, %dma_start3A_151] : memref<64000x128xf32, #tpu.memory_space<hbm>> -> memref<80x128xf32, #tpu.memory_space<hbm>>
      tpu.enqueue_dma source(%arg17 : memref<80x128xf32, #tpu.memory_space<vmem>>) target(%dma_start3A_152 : memref<80x128xf32, #tpu.memory_space<hbm>>) target_semaphore(%arg22 : memref<!tpu.dma_semaphore, #tpu.memory_space<semaphore_mem>>)
      %dma_wait3A_153 = arith.constant 0 : i32
      %dma_wait3A_154 = arith.constant 0 : i32
      %dma_wait3A_155 = tpu.memref_slice %arg3[%dma_wait3A_153, %dma_wait3A_154] : memref<10000x128xf32, #tpu.memory_space<hbm>> -> memref<10000x128xf32, #tpu.memory_space<hbm>>
      tpu.wait_indirect_dma semaphore(%arg23 : memref<!tpu.dma_semaphore, #tpu.memory_space<semaphore_mem>>) src(%dma_wait3A_155 : memref<10000x128xf32, #tpu.memory_space<hbm>>) dst(%arg18 : memref<80x128xf32, #tpu.memory_space<vmem>>)
      %dma_start3A_156 = arith.constant 0 : i32
      %dma_start3A_157 = tpu.memref_slice %arg6[%multiple_of3A_23, %dma_start3A_156] : memref<64000x128xf32, #tpu.memory_space<hbm>> -> memref<80x128xf32, #tpu.memory_space<hbm>>
      %dma_start3A_158 = arith.constant 0 : i32
      %dma_start3A_159 = tpu.memref_slice %arg6[%multiple_of3A_23, %dma_start3A_158] : memref<64000x128xf32, #tpu.memory_space<hbm>> -> memref<80x128xf32, #tpu.memory_space<hbm>>
      tpu.enqueue_dma source(%arg18 : memref<80x128xf32, #tpu.memory_space<vmem>>) target(%dma_start3A_159 : memref<80x128xf32, #tpu.memory_space<hbm>>) target_semaphore(%arg23 : memref<!tpu.dma_semaphore, #tpu.memory_space<semaphore_mem>>)
      %dma_wait3A_160 = arith.constant 0 : i32
      %dma_wait3A_161 = arith.constant 0 : i32
      %dma_wait3A_162 = tpu.memref_slice %arg3[%dma_wait3A_160, %dma_wait3A_161] : memref<10000x128xf32, #tpu.memory_space<hbm>> -> memref<10000x128xf32, #tpu.memory_space<hbm>>
      tpu.wait_indirect_dma semaphore(%arg24 : memref<!tpu.dma_semaphore, #tpu.memory_space<semaphore_mem>>) src(%dma_wait3A_162 : memref<10000x128xf32, #tpu.memory_space<hbm>>) dst(%arg19 : memref<80x128xf32, #tpu.memory_space<vmem>>)
      %dma_start3A_163 = arith.constant 0 : i32
      %dma_start3A_164 = tpu.memref_slice %arg6[%multiple_of3A_31, %dma_start3A_163] : memref<64000x128xf32, #tpu.memory_space<hbm>> -> memref<80x128xf32, #tpu.memory_space<hbm>>
      %dma_start3A_165 = arith.constant 0 : i32
      %dma_start3A_166 = tpu.memref_slice %arg6[%multiple_of3A_31, %dma_start3A_165] : memref<64000x128xf32, #tpu.memory_space<hbm>> -> memref<80x128xf32, #tpu.memory_space<hbm>>
      tpu.enqueue_dma source(%arg19 : memref<80x128xf32, #tpu.memory_space<vmem>>) target(%dma_start3A_166 : memref<80x128xf32, #tpu.memory_space<hbm>>) target_semaphore(%arg24 : memref<!tpu.dma_semaphore, #tpu.memory_space<semaphore_mem>>)
      %dma_wait3A_167 = arith.constant 0 : i32
      %dma_wait3A_168 = arith.constant 0 : i32
      %dma_wait3A_169 = tpu.memref_slice %arg3[%dma_wait3A_167, %dma_wait3A_168] : memref<10000x128xf32, #tpu.memory_space<hbm>> -> memref<10000x128xf32, #tpu.memory_space<hbm>>
      tpu.wait_indirect_dma semaphore(%arg25 : memref<!tpu.dma_semaphore, #tpu.memory_space<semaphore_mem>>) src(%dma_wait3A_169 : memref<10000x128xf32, #tpu.memory_space<hbm>>) dst(%arg20 : memref<80x128xf32, #tpu.memory_space<vmem>>)
      %dma_start3A_170 = arith.constant 0 : i32
      %dma_start3A_171 = tpu.memref_slice %arg6[%multiple_of3A_39, %dma_start3A_170] : memref<64000x128xf32, #tpu.memory_space<hbm>> -> memref<80x128xf32, #tpu.memory_space<hbm>>
      %dma_start3A_172 = arith.constant 0 : i32
      %dma_start3A_173 = tpu.memref_slice %arg6[%multiple_of3A_39, %dma_start3A_172] : memref<64000x128xf32, #tpu.memory_space<hbm>> -> memref<80x128xf32, #tpu.memory_space<hbm>>
      tpu.enqueue_dma source(%arg20 : memref<80x128xf32, #tpu.memory_space<vmem>>) target(%dma_start3A_173 : memref<80x128xf32, #tpu.memory_space<hbm>>) target_semaphore(%arg25 : memref<!tpu.dma_semaphore, #tpu.memory_space<semaphore_mem>>)
      %dma_wait3A_174 = arith.constant 0 : i32
      %dma_wait3A_175 = arith.constant 0 : i32
      %dma_wait3A_176 = tpu.memref_slice %arg3[%dma_wait3A_174, %dma_wait3A_175] : memref<10000x128xf32, #tpu.memory_space<hbm>> -> memref<10000x128xf32, #tpu.memory_space<hbm>>
      tpu.wait_indirect_dma semaphore(%arg26 : memref<!tpu.dma_semaphore, #tpu.memory_space<semaphore_mem>>) src(%dma_wait3A_176 : memref<10000x128xf32, #tpu.memory_space<hbm>>) dst(%arg21 : memref<80x128xf32, #tpu.memory_space<vmem>>)
      %dma_start3A_177 = arith.constant 0 : i32
      %dma_start3A_178 = tpu.memref_slice %arg6[%multiple_of3A_47, %dma_start3A_177] : memref<64000x128xf32, #tpu.memory_space<hbm>> -> memref<80x128xf32, #tpu.memory_space<hbm>>
      %dma_start3A_179 = arith.constant 0 : i32
      %dma_start3A_180 = tpu.memref_slice %arg6[%multiple_of3A_47, %dma_start3A_179] : memref<64000x128xf32, #tpu.memory_space<hbm>> -> memref<80x128xf32, #tpu.memory_space<hbm>>
      tpu.enqueue_dma source(%arg21 : memref<80x128xf32, #tpu.memory_space<vmem>>) target(%dma_start3A_180 : memref<80x128xf32, #tpu.memory_space<hbm>>) target_semaphore(%arg26 : memref<!tpu.dma_semaphore, #tpu.memory_space<semaphore_mem>>)
      %dma_wait3A_181 = arith.constant 0 : i32
      %dma_wait3A_182 = tpu.memref_slice %arg6[%multiple_of3A, %dma_wait3A_181] : memref<64000x128xf32, #tpu.memory_space<hbm>> -> memref<80x128xf32, #tpu.memory_space<hbm>>
      %dma_wait3A_183 = arith.constant 0 : i32
      %dma_wait3A_184 = tpu.memref_slice %arg6[%multiple_of3A, %dma_wait3A_183] : memref<64000x128xf32, #tpu.memory_space<hbm>> -> memref<80x128xf32, #tpu.memory_space<hbm>>
      tpu.wait_dma2 semaphore(%arg22 : memref<!tpu.dma_semaphore, #tpu.memory_space<semaphore_mem>>) src(%arg17 : memref<80x128xf32, #tpu.memory_space<vmem>>) dst(%dma_wait3A_184 : memref<80x128xf32, #tpu.memory_space<hbm>>)
      %dma_wait3A_185 = arith.constant 0 : i32
      %dma_wait3A_186 = tpu.memref_slice %arg6[%multiple_of3A_23, %dma_wait3A_185] : memref<64000x128xf32, #tpu.memory_space<hbm>> -> memref<80x128xf32, #tpu.memory_space<hbm>>
      %dma_wait3A_187 = arith.constant 0 : i32
      %dma_wait3A_188 = tpu.memref_slice %arg6[%multiple_of3A_23, %dma_wait3A_187] : memref<64000x128xf32, #tpu.memory_space<hbm>> -> memref<80x128xf32, #tpu.memory_space<hbm>>
      tpu.wait_dma2 semaphore(%arg23 : memref<!tpu.dma_semaphore, #tpu.memory_space<semaphore_mem>>) src(%arg18 : memref<80x128xf32, #tpu.memory_space<vmem>>) dst(%dma_wait3A_188 : memref<80x128xf32, #tpu.memory_space<hbm>>)
      %dma_wait3A_189 = arith.constant 0 : i32
      %dma_wait3A_190 = tpu.memref_slice %arg6[%multiple_of3A_31, %dma_wait3A_189] : memref<64000x128xf32, #tpu.memory_space<hbm>> -> memref<80x128xf32, #tpu.memory_space<hbm>>
      %dma_wait3A_191 = arith.constant 0 : i32
      %dma_wait3A_192 = tpu.memref_slice %arg6[%multiple_of3A_31, %dma_wait3A_191] : memref<64000x128xf32, #tpu.memory_space<hbm>> -> memref<80x128xf32, #tpu.memory_space<hbm>>
      tpu.wait_dma2 semaphore(%arg24 : memref<!tpu.dma_semaphore, #tpu.memory_space<semaphore_mem>>) src(%arg19 : memref<80x128xf32, #tpu.memory_space<vmem>>) dst(%dma_wait3A_192 : memref<80x128xf32, #tpu.memory_space<hbm>>)
      %dma_wait3A_193 = arith.constant 0 : i32
      %dma_wait3A_194 = tpu.memref_slice %arg6[%multiple_of3A_39, %dma_wait3A_193] : memref<64000x128xf32, #tpu.memory_space<hbm>> -> memref<80x128xf32, #tpu.memory_space<hbm>>
      %dma_wait3A_195 = arith.constant 0 : i32
      %dma_wait3A_196 = tpu.memref_slice %arg6[%multiple_of3A_39, %dma_wait3A_195] : memref<64000x128xf32, #tpu.memory_space<hbm>> -> memref<80x128xf32, #tpu.memory_space<hbm>>
      tpu.wait_dma2 semaphore(%arg25 : memref<!tpu.dma_semaphore, #tpu.memory_space<semaphore_mem>>) src(%arg20 : memref<80x128xf32, #tpu.memory_space<vmem>>) dst(%dma_wait3A_196 : memref<80x128xf32, #tpu.memory_space<hbm>>)
      %dma_wait3A_197 = arith.constant 0 : i32
      %dma_wait3A_198 = tpu.memref_slice %arg6[%multiple_of3A_47, %dma_wait3A_197] : memref<64000x128xf32, #tpu.memory_space<hbm>> -> memref<80x128xf32, #tpu.memory_space<hbm>>
      %dma_wait3A_199 = arith.constant 0 : i32
      %dma_wait3A_200 = tpu.memref_slice %arg6[%multiple_of3A_47, %dma_wait3A_199] : memref<64000x128xf32, #tpu.memory_space<hbm>> -> memref<80x128xf32, #tpu.memory_space<hbm>>
      tpu.wait_dma2 semaphore(%arg26 : memref<!tpu.dma_semaphore, #tpu.memory_space<semaphore_mem>>) src(%arg21 : memref<80x128xf32, #tpu.memory_space<vmem>>) dst(%dma_wait3A_200 : memref<80x128xf32, #tpu.memory_space<hbm>>)
    }
    %scan3A_7 = arith.constant 5 : i32
    return
  }
}

#map = affine_map<(d0, d1) -> (0, 0)>
#map1 = affine_map<(d0, d1) -> (0)>
#map2 = affine_map<(d0, d1) -> (0, 0, 0)>
module attributes {stable_mosaic.version = 14 : i64} {
  func.func @scatter_k(%arg0: i32, %arg1: i32, %arg2: memref<320000x128xf32, #tpu.memory_space<hbm>>, %arg3: memref<320000xi32, #tpu.memory_space<hbm>>, %arg4: memref<10000x128xf32, #tpu.memory_space<hbm>>, %arg5: memref<2x10000x128xf32, #tpu.memory_space<hbm>>, %arg6: memref<40xi32, #tpu.memory_space<vmem>>, %arg7: memref<40xi32, #tpu.memory_space<vmem>>, %arg8: memref<40xi32, #tpu.memory_space<vmem>>, %arg9: memref<40xi32, #tpu.memory_space<vmem>>, %arg10: memref<40xi32, #tpu.memory_space<vmem>>, %arg11: memref<40x128xf32, #tpu.memory_space<vmem>>, %arg12: memref<40x128xf32, #tpu.memory_space<vmem>>, %arg13: memref<40x128xf32, #tpu.memory_space<vmem>>, %arg14: memref<40x128xf32, #tpu.memory_space<vmem>>, %arg15: memref<40x128xf32, #tpu.memory_space<vmem>>, %arg16: memref<10000x128xf32, #tpu.memory_space<vmem_shared>>, %arg17: memref<!tpu.dma_semaphore, #tpu.memory_space<semaphore_mem>>, %arg18: memref<!tpu.dma_semaphore, #tpu.memory_space<semaphore_mem>>, %arg19: memref<!tpu.dma_semaphore, #tpu.memory_space<semaphore_mem>>, %arg20: memref<!tpu.dma_semaphore, #tpu.memory_space<semaphore_mem>>, %arg21: memref<!tpu.dma_semaphore, #tpu.memory_space<semaphore_mem>>, %arg22: memref<!tpu.dma_semaphore, #tpu.memory_space<semaphore_mem>>, %arg23: memref<!tpu.dma_semaphore, #tpu.memory_space<semaphore_mem>>, %arg24: memref<!tpu.dma_semaphore, #tpu.memory_space<semaphore_mem>>, %arg25: memref<!tpu.dma_semaphore, #tpu.memory_space<semaphore_mem>>, %arg26: memref<!tpu.dma_semaphore, #tpu.memory_space<semaphore_mem>>) attributes {dimension_semantics = [#tpu.dimension_semantics<core_parallel>, #tpu.dimension_semantics<subcore_parallel>], iteration_bounds = array<i64: 2, 16>, scalar_prefetch = 0 : i64, scratch_operands = 21 : i64, tpu.core_type = #tpu.core_type<sc_vector_subcore>, window_params = [{transform_indices = #map}, {transform_indices = #map1}, {transform_indices = #map}, {transform_indices = #map2}]} {
    %mul3A = arith.constant 2 : i32
    %mul3A_0 = arith.muli %arg1, %mul3A : i32
    %add3A = arith.addi %mul3A_0, %arg0 : i32
    %mul3A_1 = arith.constant 624 : i32
    %mul3A_2 = arith.muli %arg1, %mul3A_1 : i32
    %multiple_of3A = tpu.assume_multiple %mul3A_2, 8 : i32
    "tpu.region"() ({
      %run_scoped3A = tpu.sem_alloc : memref<!tpu.dma_semaphore, #tpu.memory_space<semaphore_mem>>
      %dma_start3A = arith.constant 0 : i32
      %dma_start3A_18 = tpu.memref_slice %arg16[%multiple_of3A, %dma_start3A] : memref<10000x128xf32, #tpu.memory_space<vmem_shared>> -> memref<624x128xf32, #tpu.memory_space<vmem_shared>>
      %dma_start3A_19 = arith.constant 0 : i32
      %dma_start3A_20 = tpu.memref_slice %arg4[%multiple_of3A, %dma_start3A_19] : memref<10000x128xf32, #tpu.memory_space<hbm>> -> memref<624x128xf32, #tpu.memory_space<hbm>>
      tpu.enqueue_dma source(%dma_start3A_20 : memref<624x128xf32, #tpu.memory_space<hbm>>) target(%dma_start3A_18 : memref<624x128xf32, #tpu.memory_space<vmem_shared>>) target_semaphore(%run_scoped3A : memref<!tpu.dma_semaphore, #tpu.memory_space<semaphore_mem>>)
      %dma_wait3A = arith.constant 0 : i32
      %dma_wait3A_21 = tpu.memref_slice %arg16[%multiple_of3A, %dma_wait3A] : memref<10000x128xf32, #tpu.memory_space<vmem_shared>> -> memref<624x128xf32, #tpu.memory_space<vmem_shared>>
      %dma_wait3A_22 = arith.constant 0 : i32
      %dma_wait3A_23 = tpu.memref_slice %arg4[%multiple_of3A, %dma_wait3A_22] : memref<10000x128xf32, #tpu.memory_space<hbm>> -> memref<624x128xf32, #tpu.memory_space<hbm>>
      tpu.wait_dma2 semaphore(%run_scoped3A : memref<!tpu.dma_semaphore, #tpu.memory_space<semaphore_mem>>) src(%dma_wait3A_23 : memref<624x128xf32, #tpu.memory_space<hbm>>) dst(%dma_wait3A_21 : memref<624x128xf32, #tpu.memory_space<vmem_shared>>)
      tpu.yield
    }) : () -> ()
    %eq3A = arith.constant 15 : i32
    %eq3A_3 = arith.cmpi eq, %arg1, %eq3A : i32
    %convert_element_type3A = arith.extui %eq3A_3 : i1 to i32
    %cond3A = arith.constant 0 : i32
    %cond3A_4 = arith.cmpi ne, %convert_element_type3A, %cond3A : i32
    scf.if %cond3A_4 {
      "tpu.region"() ({
        %run_scoped3A = tpu.sem_alloc : memref<!tpu.dma_semaphore, #tpu.memory_space<semaphore_mem>>
        %dma_start3A = arith.constant 9984 : i32
        %dma_start3A_18 = arith.constant 0 : i32
        %dma_start3A_19 = tpu.memref_slice %arg16[%dma_start3A, %dma_start3A_18] : memref<10000x128xf32, #tpu.memory_space<vmem_shared>> -> memref<16x128xf32, #tpu.memory_space<vmem_shared>>
        %dma_start3A_20 = arith.constant 9984 : i32
        %dma_start3A_21 = arith.constant 0 : i32
        %dma_start3A_22 = tpu.memref_slice %arg4[%dma_start3A_20, %dma_start3A_21] : memref<10000x128xf32, #tpu.memory_space<hbm>> -> memref<16x128xf32, #tpu.memory_space<hbm>>
        tpu.enqueue_dma source(%dma_start3A_22 : memref<16x128xf32, #tpu.memory_space<hbm>>) target(%dma_start3A_19 : memref<16x128xf32, #tpu.memory_space<vmem_shared>>) target_semaphore(%run_scoped3A : memref<!tpu.dma_semaphore, #tpu.memory_space<semaphore_mem>>)
        %dma_wait3A = arith.constant 9984 : i32
        %dma_wait3A_23 = arith.constant 0 : i32
        %dma_wait3A_24 = tpu.memref_slice %arg16[%dma_wait3A, %dma_wait3A_23] : memref<10000x128xf32, #tpu.memory_space<vmem_shared>> -> memref<16x128xf32, #tpu.memory_space<vmem_shared>>
        %dma_wait3A_25 = arith.constant 9984 : i32
        %dma_wait3A_26 = arith.constant 0 : i32
        %dma_wait3A_27 = tpu.memref_slice %arg4[%dma_wait3A_25, %dma_wait3A_26] : memref<10000x128xf32, #tpu.memory_space<hbm>> -> memref<16x128xf32, #tpu.memory_space<hbm>>
        tpu.wait_dma2 semaphore(%run_scoped3A : memref<!tpu.dma_semaphore, #tpu.memory_space<semaphore_mem>>) src(%dma_wait3A_27 : memref<16x128xf32, #tpu.memory_space<hbm>>) dst(%dma_wait3A_24 : memref<16x128xf32, #tpu.memory_space<vmem_shared>>)
        tpu.yield
      }) : () -> ()
    } else {
    }
    %barrier3A = arith.constant 0 : index
    tpu.barrier barrier_id(%barrier3A)
    %mul3A_5 = arith.constant 10000 : i32
    %mul3A_6 = arith.muli %add3A, %mul3A_5 : i32
    %scan3A = arith.constant 0 : i32
    %scan3A_7 = arith.constant 0 : i32
    %scan3A_8 = arith.constant 50 : i32
    %scan3A_9 = arith.addi %scan3A_7, %scan3A_8 : i32
    %scan3A_10 = arith.constant 1 : i32
    scf.for %scan3A_18 = %scan3A_7 to %scan3A_9 step %scan3A_10  : i32 {
      %mul3A_19 = arith.constant 5 : i32
      %mul3A_20 = arith.muli %scan3A_18, %mul3A_19 : i32
      %add3A_21 = arith.constant 0 : i32
      %add3A_22 = arith.addi %mul3A_20, %add3A_21 : i32
      %mul3A_23 = arith.constant 40 : i32
      %mul3A_24 = arith.muli %add3A_22, %mul3A_23 : i32
      %add3A_25 = arith.addi %mul3A_6, %mul3A_24 : i32
      %multiple_of3A_26 = tpu.assume_multiple %add3A_25, 8 : i32
      %mul3A_27 = arith.constant 5 : i32
      %mul3A_28 = arith.muli %scan3A_18, %mul3A_27 : i32
      %add3A_29 = arith.constant 1 : i32
      %add3A_30 = arith.addi %mul3A_28, %add3A_29 : i32
      %mul3A_31 = arith.constant 40 : i32
      %mul3A_32 = arith.muli %add3A_30, %mul3A_31 : i32
      %add3A_33 = arith.addi %mul3A_6, %mul3A_32 : i32
      %multiple_of3A_34 = tpu.assume_multiple %add3A_33, 8 : i32
      %mul3A_35 = arith.constant 5 : i32
      %mul3A_36 = arith.muli %scan3A_18, %mul3A_35 : i32
      %add3A_37 = arith.constant 2 : i32
      %add3A_38 = arith.addi %mul3A_36, %add3A_37 : i32
      %mul3A_39 = arith.constant 40 : i32
      %mul3A_40 = arith.muli %add3A_38, %mul3A_39 : i32
      %add3A_41 = arith.addi %mul3A_6, %mul3A_40 : i32
      %multiple_of3A_42 = tpu.assume_multiple %add3A_41, 8 : i32
      %mul3A_43 = arith.constant 5 : i32
      %mul3A_44 = arith.muli %scan3A_18, %mul3A_43 : i32
      %add3A_45 = arith.constant 3 : i32
      %add3A_46 = arith.addi %mul3A_44, %add3A_45 : i32
      %mul3A_47 = arith.constant 40 : i32
      %mul3A_48 = arith.muli %add3A_46, %mul3A_47 : i32
      %add3A_49 = arith.addi %mul3A_6, %mul3A_48 : i32
      %multiple_of3A_50 = tpu.assume_multiple %add3A_49, 8 : i32
      %mul3A_51 = arith.constant 5 : i32
      %mul3A_52 = arith.muli %scan3A_18, %mul3A_51 : i32
      %add3A_53 = arith.constant 4 : i32
      %add3A_54 = arith.addi %mul3A_52, %add3A_53 : i32
      %mul3A_55 = arith.constant 40 : i32
      %mul3A_56 = arith.muli %add3A_54, %mul3A_55 : i32
      %add3A_57 = arith.addi %mul3A_6, %mul3A_56 : i32
      %multiple_of3A_58 = tpu.assume_multiple %add3A_57, 8 : i32
      %dma_start3A = tpu.memref_slice %arg3[%multiple_of3A_26] : memref<320000xi32, #tpu.memory_space<hbm>> -> memref<40xi32, #tpu.memory_space<hbm>>
      %dma_start3A_59 = tpu.memref_slice %arg3[%multiple_of3A_26] : memref<320000xi32, #tpu.memory_space<hbm>> -> memref<40xi32, #tpu.memory_space<hbm>>
      tpu.enqueue_dma source(%dma_start3A_59 : memref<40xi32, #tpu.memory_space<hbm>>) target(%arg6 : memref<40xi32, #tpu.memory_space<vmem>>) target_semaphore(%arg17 : memref<!tpu.dma_semaphore, #tpu.memory_space<semaphore_mem>>)
      %dma_start3A_60 = arith.constant 0 : i32
      %dma_start3A_61 = tpu.memref_slice %arg2[%multiple_of3A_26, %dma_start3A_60] : memref<320000x128xf32, #tpu.memory_space<hbm>> -> memref<40x128xf32, #tpu.memory_space<hbm>>
      %dma_start3A_62 = arith.constant 0 : i32
      %dma_start3A_63 = tpu.memref_slice %arg2[%multiple_of3A_26, %dma_start3A_62] : memref<320000x128xf32, #tpu.memory_space<hbm>> -> memref<40x128xf32, #tpu.memory_space<hbm>>
      tpu.enqueue_dma source(%dma_start3A_63 : memref<40x128xf32, #tpu.memory_space<hbm>>) target(%arg11 : memref<40x128xf32, #tpu.memory_space<vmem>>) target_semaphore(%arg22 : memref<!tpu.dma_semaphore, #tpu.memory_space<semaphore_mem>>)
      %dma_start3A_64 = tpu.memref_slice %arg3[%multiple_of3A_34] : memref<320000xi32, #tpu.memory_space<hbm>> -> memref<40xi32, #tpu.memory_space<hbm>>
      %dma_start3A_65 = tpu.memref_slice %arg3[%multiple_of3A_34] : memref<320000xi32, #tpu.memory_space<hbm>> -> memref<40xi32, #tpu.memory_space<hbm>>
      tpu.enqueue_dma source(%dma_start3A_65 : memref<40xi32, #tpu.memory_space<hbm>>) target(%arg7 : memref<40xi32, #tpu.memory_space<vmem>>) target_semaphore(%arg18 : memref<!tpu.dma_semaphore, #tpu.memory_space<semaphore_mem>>)
      %dma_start3A_66 = arith.constant 0 : i32
      %dma_start3A_67 = tpu.memref_slice %arg2[%multiple_of3A_34, %dma_start3A_66] : memref<320000x128xf32, #tpu.memory_space<hbm>> -> memref<40x128xf32, #tpu.memory_space<hbm>>
      %dma_start3A_68 = arith.constant 0 : i32
      %dma_start3A_69 = tpu.memref_slice %arg2[%multiple_of3A_34, %dma_start3A_68] : memref<320000x128xf32, #tpu.memory_space<hbm>> -> memref<40x128xf32, #tpu.memory_space<hbm>>
      tpu.enqueue_dma source(%dma_start3A_69 : memref<40x128xf32, #tpu.memory_space<hbm>>) target(%arg12 : memref<40x128xf32, #tpu.memory_space<vmem>>) target_semaphore(%arg23 : memref<!tpu.dma_semaphore, #tpu.memory_space<semaphore_mem>>)
      %dma_start3A_70 = tpu.memref_slice %arg3[%multiple_of3A_42] : memref<320000xi32, #tpu.memory_space<hbm>> -> memref<40xi32, #tpu.memory_space<hbm>>
      %dma_start3A_71 = tpu.memref_slice %arg3[%multiple_of3A_42] : memref<320000xi32, #tpu.memory_space<hbm>> -> memref<40xi32, #tpu.memory_space<hbm>>
      tpu.enqueue_dma source(%dma_start3A_71 : memref<40xi32, #tpu.memory_space<hbm>>) target(%arg8 : memref<40xi32, #tpu.memory_space<vmem>>) target_semaphore(%arg19 : memref<!tpu.dma_semaphore, #tpu.memory_space<semaphore_mem>>)
      %dma_start3A_72 = arith.constant 0 : i32
      %dma_start3A_73 = tpu.memref_slice %arg2[%multiple_of3A_42, %dma_start3A_72] : memref<320000x128xf32, #tpu.memory_space<hbm>> -> memref<40x128xf32, #tpu.memory_space<hbm>>
      %dma_start3A_74 = arith.constant 0 : i32
      %dma_start3A_75 = tpu.memref_slice %arg2[%multiple_of3A_42, %dma_start3A_74] : memref<320000x128xf32, #tpu.memory_space<hbm>> -> memref<40x128xf32, #tpu.memory_space<hbm>>
      tpu.enqueue_dma source(%dma_start3A_75 : memref<40x128xf32, #tpu.memory_space<hbm>>) target(%arg13 : memref<40x128xf32, #tpu.memory_space<vmem>>) target_semaphore(%arg24 : memref<!tpu.dma_semaphore, #tpu.memory_space<semaphore_mem>>)
      %dma_start3A_76 = tpu.memref_slice %arg3[%multiple_of3A_50] : memref<320000xi32, #tpu.memory_space<hbm>> -> memref<40xi32, #tpu.memory_space<hbm>>
      %dma_start3A_77 = tpu.memref_slice %arg3[%multiple_of3A_50] : memref<320000xi32, #tpu.memory_space<hbm>> -> memref<40xi32, #tpu.memory_space<hbm>>
      tpu.enqueue_dma source(%dma_start3A_77 : memref<40xi32, #tpu.memory_space<hbm>>) target(%arg9 : memref<40xi32, #tpu.memory_space<vmem>>) target_semaphore(%arg20 : memref<!tpu.dma_semaphore, #tpu.memory_space<semaphore_mem>>)
      %dma_start3A_78 = arith.constant 0 : i32
      %dma_start3A_79 = tpu.memref_slice %arg2[%multiple_of3A_50, %dma_start3A_78] : memref<320000x128xf32, #tpu.memory_space<hbm>> -> memref<40x128xf32, #tpu.memory_space<hbm>>
      %dma_start3A_80 = arith.constant 0 : i32
      %dma_start3A_81 = tpu.memref_slice %arg2[%multiple_of3A_50, %dma_start3A_80] : memref<320000x128xf32, #tpu.memory_space<hbm>> -> memref<40x128xf32, #tpu.memory_space<hbm>>
      tpu.enqueue_dma source(%dma_start3A_81 : memref<40x128xf32, #tpu.memory_space<hbm>>) target(%arg14 : memref<40x128xf32, #tpu.memory_space<vmem>>) target_semaphore(%arg25 : memref<!tpu.dma_semaphore, #tpu.memory_space<semaphore_mem>>)
      %dma_start3A_82 = tpu.memref_slice %arg3[%multiple_of3A_58] : memref<320000xi32, #tpu.memory_space<hbm>> -> memref<40xi32, #tpu.memory_space<hbm>>
      %dma_start3A_83 = tpu.memref_slice %arg3[%multiple_of3A_58] : memref<320000xi32, #tpu.memory_space<hbm>> -> memref<40xi32, #tpu.memory_space<hbm>>
      tpu.enqueue_dma source(%dma_start3A_83 : memref<40xi32, #tpu.memory_space<hbm>>) target(%arg10 : memref<40xi32, #tpu.memory_space<vmem>>) target_semaphore(%arg21 : memref<!tpu.dma_semaphore, #tpu.memory_space<semaphore_mem>>)
      %dma_start3A_84 = arith.constant 0 : i32
      %dma_start3A_85 = tpu.memref_slice %arg2[%multiple_of3A_58, %dma_start3A_84] : memref<320000x128xf32, #tpu.memory_space<hbm>> -> memref<40x128xf32, #tpu.memory_space<hbm>>
      %dma_start3A_86 = arith.constant 0 : i32
      %dma_start3A_87 = tpu.memref_slice %arg2[%multiple_of3A_58, %dma_start3A_86] : memref<320000x128xf32, #tpu.memory_space<hbm>> -> memref<40x128xf32, #tpu.memory_space<hbm>>
      tpu.enqueue_dma source(%dma_start3A_87 : memref<40x128xf32, #tpu.memory_space<hbm>>) target(%arg15 : memref<40x128xf32, #tpu.memory_space<vmem>>) target_semaphore(%arg26 : memref<!tpu.dma_semaphore, #tpu.memory_space<semaphore_mem>>)
      %dma_wait3A = tpu.memref_slice %arg3[%multiple_of3A_26] : memref<320000xi32, #tpu.memory_space<hbm>> -> memref<40xi32, #tpu.memory_space<hbm>>
      %dma_wait3A_88 = tpu.memref_slice %arg3[%multiple_of3A_26] : memref<320000xi32, #tpu.memory_space<hbm>> -> memref<40xi32, #tpu.memory_space<hbm>>
      tpu.wait_dma2 semaphore(%arg17 : memref<!tpu.dma_semaphore, #tpu.memory_space<semaphore_mem>>) src(%dma_wait3A_88 : memref<40xi32, #tpu.memory_space<hbm>>) dst(%arg6 : memref<40xi32, #tpu.memory_space<vmem>>)
      %dma_wait3A_89 = arith.constant 0 : i32
      %dma_wait3A_90 = tpu.memref_slice %arg2[%multiple_of3A_26, %dma_wait3A_89] : memref<320000x128xf32, #tpu.memory_space<hbm>> -> memref<40x128xf32, #tpu.memory_space<hbm>>
      %dma_wait3A_91 = arith.constant 0 : i32
      %dma_wait3A_92 = tpu.memref_slice %arg2[%multiple_of3A_26, %dma_wait3A_91] : memref<320000x128xf32, #tpu.memory_space<hbm>> -> memref<40x128xf32, #tpu.memory_space<hbm>>
      tpu.wait_dma2 semaphore(%arg22 : memref<!tpu.dma_semaphore, #tpu.memory_space<semaphore_mem>>) src(%dma_wait3A_92 : memref<40x128xf32, #tpu.memory_space<hbm>>) dst(%arg11 : memref<40x128xf32, #tpu.memory_space<vmem>>)
      %dma_start3A_93 = arith.constant 0 : i32
      %dma_start3A_94 = arith.constant 0 : i32
      %dma_start3A_95 = tpu.memref_slice %arg16[%dma_start3A_93, %dma_start3A_94] : memref<10000x128xf32, #tpu.memory_space<vmem_shared>> -> memref<10000x128xf32, #tpu.memory_space<vmem_shared>>
      tpu.enqueue_indirect_dma source(%arg11 : memref<40x128xf32, #tpu.memory_space<vmem>>) target(%dma_start3A_95 : memref<10000x128xf32, #tpu.memory_space<vmem_shared>>) offsets(%arg6 : memref<40xi32, #tpu.memory_space<vmem>>) semaphore(%arg17 : memref<!tpu.dma_semaphore, #tpu.memory_space<semaphore_mem>>) {add = true}
      %dma_wait3A_96 = tpu.memref_slice %arg3[%multiple_of3A_34] : memref<320000xi32, #tpu.memory_space<hbm>> -> memref<40xi32, #tpu.memory_space<hbm>>
      %dma_wait3A_97 = tpu.memref_slice %arg3[%multiple_of3A_34] : memref<320000xi32, #tpu.memory_space<hbm>> -> memref<40xi32, #tpu.memory_space<hbm>>
      tpu.wait_dma2 semaphore(%arg18 : memref<!tpu.dma_semaphore, #tpu.memory_space<semaphore_mem>>) src(%dma_wait3A_97 : memref<40xi32, #tpu.memory_space<hbm>>) dst(%arg7 : memref<40xi32, #tpu.memory_space<vmem>>)
      %dma_wait3A_98 = arith.constant 0 : i32
      %dma_wait3A_99 = tpu.memref_slice %arg2[%multiple_of3A_34, %dma_wait3A_98] : memref<320000x128xf32, #tpu.memory_space<hbm>> -> memref<40x128xf32, #tpu.memory_space<hbm>>
      %dma_wait3A_100 = arith.constant 0 : i32
      %dma_wait3A_101 = tpu.memref_slice %arg2[%multiple_of3A_34, %dma_wait3A_100] : memref<320000x128xf32, #tpu.memory_space<hbm>> -> memref<40x128xf32, #tpu.memory_space<hbm>>
      tpu.wait_dma2 semaphore(%arg23 : memref<!tpu.dma_semaphore, #tpu.memory_space<semaphore_mem>>) src(%dma_wait3A_101 : memref<40x128xf32, #tpu.memory_space<hbm>>) dst(%arg12 : memref<40x128xf32, #tpu.memory_space<vmem>>)
      %dma_start3A_102 = arith.constant 0 : i32
      %dma_start3A_103 = arith.constant 0 : i32
      %dma_start3A_104 = tpu.memref_slice %arg16[%dma_start3A_102, %dma_start3A_103] : memref<10000x128xf32, #tpu.memory_space<vmem_shared>> -> memref<10000x128xf32, #tpu.memory_space<vmem_shared>>
      tpu.enqueue_indirect_dma source(%arg12 : memref<40x128xf32, #tpu.memory_space<vmem>>) target(%dma_start3A_104 : memref<10000x128xf32, #tpu.memory_space<vmem_shared>>) offsets(%arg7 : memref<40xi32, #tpu.memory_space<vmem>>) semaphore(%arg18 : memref<!tpu.dma_semaphore, #tpu.memory_space<semaphore_mem>>) {add = true}
      %dma_wait3A_105 = tpu.memref_slice %arg3[%multiple_of3A_42] : memref<320000xi32, #tpu.memory_space<hbm>> -> memref<40xi32, #tpu.memory_space<hbm>>
      %dma_wait3A_106 = tpu.memref_slice %arg3[%multiple_of3A_42] : memref<320000xi32, #tpu.memory_space<hbm>> -> memref<40xi32, #tpu.memory_space<hbm>>
      tpu.wait_dma2 semaphore(%arg19 : memref<!tpu.dma_semaphore, #tpu.memory_space<semaphore_mem>>) src(%dma_wait3A_106 : memref<40xi32, #tpu.memory_space<hbm>>) dst(%arg8 : memref<40xi32, #tpu.memory_space<vmem>>)
      %dma_wait3A_107 = arith.constant 0 : i32
      %dma_wait3A_108 = tpu.memref_slice %arg2[%multiple_of3A_42, %dma_wait3A_107] : memref<320000x128xf32, #tpu.memory_space<hbm>> -> memref<40x128xf32, #tpu.memory_space<hbm>>
      %dma_wait3A_109 = arith.constant 0 : i32
      %dma_wait3A_110 = tpu.memref_slice %arg2[%multiple_of3A_42, %dma_wait3A_109] : memref<320000x128xf32, #tpu.memory_space<hbm>> -> memref<40x128xf32, #tpu.memory_space<hbm>>
      tpu.wait_dma2 semaphore(%arg24 : memref<!tpu.dma_semaphore, #tpu.memory_space<semaphore_mem>>) src(%dma_wait3A_110 : memref<40x128xf32, #tpu.memory_space<hbm>>) dst(%arg13 : memref<40x128xf32, #tpu.memory_space<vmem>>)
      %dma_start3A_111 = arith.constant 0 : i32
      %dma_start3A_112 = arith.constant 0 : i32
      %dma_start3A_113 = tpu.memref_slice %arg16[%dma_start3A_111, %dma_start3A_112] : memref<10000x128xf32, #tpu.memory_space<vmem_shared>> -> memref<10000x128xf32, #tpu.memory_space<vmem_shared>>
      tpu.enqueue_indirect_dma source(%arg13 : memref<40x128xf32, #tpu.memory_space<vmem>>) target(%dma_start3A_113 : memref<10000x128xf32, #tpu.memory_space<vmem_shared>>) offsets(%arg8 : memref<40xi32, #tpu.memory_space<vmem>>) semaphore(%arg19 : memref<!tpu.dma_semaphore, #tpu.memory_space<semaphore_mem>>) {add = true}
      %dma_wait3A_114 = tpu.memref_slice %arg3[%multiple_of3A_50] : memref<320000xi32, #tpu.memory_space<hbm>> -> memref<40xi32, #tpu.memory_space<hbm>>
      %dma_wait3A_115 = tpu.memref_slice %arg3[%multiple_of3A_50] : memref<320000xi32, #tpu.memory_space<hbm>> -> memref<40xi32, #tpu.memory_space<hbm>>
      tpu.wait_dma2 semaphore(%arg20 : memref<!tpu.dma_semaphore, #tpu.memory_space<semaphore_mem>>) src(%dma_wait3A_115 : memref<40xi32, #tpu.memory_space<hbm>>) dst(%arg9 : memref<40xi32, #tpu.memory_space<vmem>>)
      %dma_wait3A_116 = arith.constant 0 : i32
      %dma_wait3A_117 = tpu.memref_slice %arg2[%multiple_of3A_50, %dma_wait3A_116] : memref<320000x128xf32, #tpu.memory_space<hbm>> -> memref<40x128xf32, #tpu.memory_space<hbm>>
      %dma_wait3A_118 = arith.constant 0 : i32
      %dma_wait3A_119 = tpu.memref_slice %arg2[%multiple_of3A_50, %dma_wait3A_118] : memref<320000x128xf32, #tpu.memory_space<hbm>> -> memref<40x128xf32, #tpu.memory_space<hbm>>
      tpu.wait_dma2 semaphore(%arg25 : memref<!tpu.dma_semaphore, #tpu.memory_space<semaphore_mem>>) src(%dma_wait3A_119 : memref<40x128xf32, #tpu.memory_space<hbm>>) dst(%arg14 : memref<40x128xf32, #tpu.memory_space<vmem>>)
      %dma_start3A_120 = arith.constant 0 : i32
      %dma_start3A_121 = arith.constant 0 : i32
      %dma_start3A_122 = tpu.memref_slice %arg16[%dma_start3A_120, %dma_start3A_121] : memref<10000x128xf32, #tpu.memory_space<vmem_shared>> -> memref<10000x128xf32, #tpu.memory_space<vmem_shared>>
      tpu.enqueue_indirect_dma source(%arg14 : memref<40x128xf32, #tpu.memory_space<vmem>>) target(%dma_start3A_122 : memref<10000x128xf32, #tpu.memory_space<vmem_shared>>) offsets(%arg9 : memref<40xi32, #tpu.memory_space<vmem>>) semaphore(%arg20 : memref<!tpu.dma_semaphore, #tpu.memory_space<semaphore_mem>>) {add = true}
      %dma_wait3A_123 = tpu.memref_slice %arg3[%multiple_of3A_58] : memref<320000xi32, #tpu.memory_space<hbm>> -> memref<40xi32, #tpu.memory_space<hbm>>
      %dma_wait3A_124 = tpu.memref_slice %arg3[%multiple_of3A_58] : memref<320000xi32, #tpu.memory_space<hbm>> -> memref<40xi32, #tpu.memory_space<hbm>>
      tpu.wait_dma2 semaphore(%arg21 : memref<!tpu.dma_semaphore, #tpu.memory_space<semaphore_mem>>) src(%dma_wait3A_124 : memref<40xi32, #tpu.memory_space<hbm>>) dst(%arg10 : memref<40xi32, #tpu.memory_space<vmem>>)
      %dma_wait3A_125 = arith.constant 0 : i32
      %dma_wait3A_126 = tpu.memref_slice %arg2[%multiple_of3A_58, %dma_wait3A_125] : memref<320000x128xf32, #tpu.memory_space<hbm>> -> memref<40x128xf32, #tpu.memory_space<hbm>>
      %dma_wait3A_127 = arith.constant 0 : i32
      %dma_wait3A_128 = tpu.memref_slice %arg2[%multiple_of3A_58, %dma_wait3A_127] : memref<320000x128xf32, #tpu.memory_space<hbm>> -> memref<40x128xf32, #tpu.memory_space<hbm>>
      tpu.wait_dma2 semaphore(%arg26 : memref<!tpu.dma_semaphore, #tpu.memory_space<semaphore_mem>>) src(%dma_wait3A_128 : memref<40x128xf32, #tpu.memory_space<hbm>>) dst(%arg15 : memref<40x128xf32, #tpu.memory_space<vmem>>)
      %dma_start3A_129 = arith.constant 0 : i32
      %dma_start3A_130 = arith.constant 0 : i32
      %dma_start3A_131 = tpu.memref_slice %arg16[%dma_start3A_129, %dma_start3A_130] : memref<10000x128xf32, #tpu.memory_space<vmem_shared>> -> memref<10000x128xf32, #tpu.memory_space<vmem_shared>>
      tpu.enqueue_indirect_dma source(%arg15 : memref<40x128xf32, #tpu.memory_space<vmem>>) target(%dma_start3A_131 : memref<10000x128xf32, #tpu.memory_space<vmem_shared>>) offsets(%arg10 : memref<40xi32, #tpu.memory_space<vmem>>) semaphore(%arg21 : memref<!tpu.dma_semaphore, #tpu.memory_space<semaphore_mem>>) {add = true}
      %dma_wait3A_132 = arith.constant 0 : i32
      %dma_wait3A_133 = arith.constant 0 : i32
      %dma_wait3A_134 = tpu.memref_slice %arg16[%dma_wait3A_132, %dma_wait3A_133] : memref<10000x128xf32, #tpu.memory_space<vmem_shared>> -> memref<10000x128xf32, #tpu.memory_space<vmem_shared>>
      tpu.wait_indirect_dma semaphore(%arg17 : memref<!tpu.dma_semaphore, #tpu.memory_space<semaphore_mem>>) src(%arg11 : memref<40x128xf32, #tpu.memory_space<vmem>>) dst(%dma_wait3A_134 : memref<10000x128xf32, #tpu.memory_space<vmem_shared>>)
      %dma_wait3A_135 = arith.constant 0 : i32
      %dma_wait3A_136 = arith.constant 0 : i32
      %dma_wait3A_137 = tpu.memref_slice %arg16[%dma_wait3A_135, %dma_wait3A_136] : memref<10000x128xf32, #tpu.memory_space<vmem_shared>> -> memref<10000x128xf32, #tpu.memory_space<vmem_shared>>
      tpu.wait_indirect_dma semaphore(%arg18 : memref<!tpu.dma_semaphore, #tpu.memory_space<semaphore_mem>>) src(%arg12 : memref<40x128xf32, #tpu.memory_space<vmem>>) dst(%dma_wait3A_137 : memref<10000x128xf32, #tpu.memory_space<vmem_shared>>)
      %dma_wait3A_138 = arith.constant 0 : i32
      %dma_wait3A_139 = arith.constant 0 : i32
      %dma_wait3A_140 = tpu.memref_slice %arg16[%dma_wait3A_138, %dma_wait3A_139] : memref<10000x128xf32, #tpu.memory_space<vmem_shared>> -> memref<10000x128xf32, #tpu.memory_space<vmem_shared>>
      tpu.wait_indirect_dma semaphore(%arg19 : memref<!tpu.dma_semaphore, #tpu.memory_space<semaphore_mem>>) src(%arg13 : memref<40x128xf32, #tpu.memory_space<vmem>>) dst(%dma_wait3A_140 : memref<10000x128xf32, #tpu.memory_space<vmem_shared>>)
      %dma_wait3A_141 = arith.constant 0 : i32
      %dma_wait3A_142 = arith.constant 0 : i32
      %dma_wait3A_143 = tpu.memref_slice %arg16[%dma_wait3A_141, %dma_wait3A_142] : memref<10000x128xf32, #tpu.memory_space<vmem_shared>> -> memref<10000x128xf32, #tpu.memory_space<vmem_shared>>
      tpu.wait_indirect_dma semaphore(%arg20 : memref<!tpu.dma_semaphore, #tpu.memory_space<semaphore_mem>>) src(%arg14 : memref<40x128xf32, #tpu.memory_space<vmem>>) dst(%dma_wait3A_143 : memref<10000x128xf32, #tpu.memory_space<vmem_shared>>)
      %dma_wait3A_144 = arith.constant 0 : i32
      %dma_wait3A_145 = arith.constant 0 : i32
      %dma_wait3A_146 = tpu.memref_slice %arg16[%dma_wait3A_144, %dma_wait3A_145] : memref<10000x128xf32, #tpu.memory_space<vmem_shared>> -> memref<10000x128xf32, #tpu.memory_space<vmem_shared>>
      tpu.wait_indirect_dma semaphore(%arg21 : memref<!tpu.dma_semaphore, #tpu.memory_space<semaphore_mem>>) src(%arg15 : memref<40x128xf32, #tpu.memory_space<vmem>>) dst(%dma_wait3A_146 : memref<10000x128xf32, #tpu.memory_space<vmem_shared>>)
    }
    %scan3A_11 = arith.constant 50 : i32
    %barrier3A_12 = arith.constant 0 : index
    tpu.barrier barrier_id(%barrier3A_12)
    "tpu.region"() ({
      %run_scoped3A = tpu.sem_alloc : memref<!tpu.dma_semaphore, #tpu.memory_space<semaphore_mem>>
      %dma_start3A = arith.constant 0 : i32
      %dma_start3A_18 = tpu.memref_slice %arg5[%arg0, %multiple_of3A, %dma_start3A] : memref<2x10000x128xf32, #tpu.memory_space<hbm>> -> memref<1x624x128xf32, #tpu.memory_space<hbm>>
      %dma_start3A_19 = tpu.memref_squeeze %dma_start3A_18 : memref<1x624x128xf32, #tpu.memory_space<hbm>> -> memref<624x128xf32, #tpu.memory_space<hbm>>
      %dma_start3A_20 = arith.constant 0 : i32
      %dma_start3A_21 = tpu.memref_slice %arg16[%multiple_of3A, %dma_start3A_20] : memref<10000x128xf32, #tpu.memory_space<vmem_shared>> -> memref<624x128xf32, #tpu.memory_space<vmem_shared>>
      tpu.enqueue_dma source(%dma_start3A_21 : memref<624x128xf32, #tpu.memory_space<vmem_shared>>) target(%dma_start3A_19 : memref<624x128xf32, #tpu.memory_space<hbm>>) target_semaphore(%run_scoped3A : memref<!tpu.dma_semaphore, #tpu.memory_space<semaphore_mem>>)
      %dma_wait3A = arith.constant 0 : i32
      %dma_wait3A_22 = tpu.memref_slice %arg5[%arg0, %multiple_of3A, %dma_wait3A] : memref<2x10000x128xf32, #tpu.memory_space<hbm>> -> memref<1x624x128xf32, #tpu.memory_space<hbm>>
      %dma_wait3A_23 = tpu.memref_squeeze %dma_wait3A_22 : memref<1x624x128xf32, #tpu.memory_space<hbm>> -> memref<624x128xf32, #tpu.memory_space<hbm>>
      %dma_wait3A_24 = arith.constant 0 : i32
      %dma_wait3A_25 = tpu.memref_slice %arg16[%multiple_of3A, %dma_wait3A_24] : memref<10000x128xf32, #tpu.memory_space<vmem_shared>> -> memref<624x128xf32, #tpu.memory_space<vmem_shared>>
      tpu.wait_dma2 semaphore(%run_scoped3A : memref<!tpu.dma_semaphore, #tpu.memory_space<semaphore_mem>>) src(%dma_wait3A_25 : memref<624x128xf32, #tpu.memory_space<vmem_shared>>) dst(%dma_wait3A_23 : memref<624x128xf32, #tpu.memory_space<hbm>>)
      tpu.yield
    }) : () -> ()
    %eq3A_13 = arith.constant 15 : i32
    %eq3A_14 = arith.cmpi eq, %arg1, %eq3A_13 : i32
    %convert_element_type3A_15 = arith.extui %eq3A_14 : i1 to i32
    %cond3A_16 = arith.constant 0 : i32
    %cond3A_17 = arith.cmpi ne, %convert_element_type3A_15, %cond3A_16 : i32
    scf.if %cond3A_17 {
      "tpu.region"() ({
        %run_scoped3A = tpu.sem_alloc : memref<!tpu.dma_semaphore, #tpu.memory_space<semaphore_mem>>
        %dma_start3A = arith.constant 9984 : i32
        %dma_start3A_18 = arith.constant 0 : i32
        %dma_start3A_19 = tpu.memref_slice %arg5[%arg0, %dma_start3A, %dma_start3A_18] : memref<2x10000x128xf32, #tpu.memory_space<hbm>> -> memref<1x16x128xf32, #tpu.memory_space<hbm>>
        %dma_start3A_20 = tpu.memref_squeeze %dma_start3A_19 : memref<1x16x128xf32, #tpu.memory_space<hbm>> -> memref<16x128xf32, #tpu.memory_space<hbm>>
        %dma_start3A_21 = arith.constant 9984 : i32
        %dma_start3A_22 = arith.constant 0 : i32
        %dma_start3A_23 = tpu.memref_slice %arg16[%dma_start3A_21, %dma_start3A_22] : memref<10000x128xf32, #tpu.memory_space<vmem_shared>> -> memref<16x128xf32, #tpu.memory_space<vmem_shared>>
        tpu.enqueue_dma source(%dma_start3A_23 : memref<16x128xf32, #tpu.memory_space<vmem_shared>>) target(%dma_start3A_20 : memref<16x128xf32, #tpu.memory_space<hbm>>) target_semaphore(%run_scoped3A : memref<!tpu.dma_semaphore, #tpu.memory_space<semaphore_mem>>)
        %dma_wait3A = arith.constant 9984 : i32
        %dma_wait3A_24 = arith.constant 0 : i32
        %dma_wait3A_25 = tpu.memref_slice %arg5[%arg0, %dma_wait3A, %dma_wait3A_24] : memref<2x10000x128xf32, #tpu.memory_space<hbm>> -> memref<1x16x128xf32, #tpu.memory_space<hbm>>
        %dma_wait3A_26 = tpu.memref_squeeze %dma_wait3A_25 : memref<1x16x128xf32, #tpu.memory_space<hbm>> -> memref<16x128xf32, #tpu.memory_space<hbm>>
        %dma_wait3A_27 = arith.constant 9984 : i32
        %dma_wait3A_28 = arith.constant 0 : i32
        %dma_wait3A_29 = tpu.memref_slice %arg16[%dma_wait3A_27, %dma_wait3A_28] : memref<10000x128xf32, #tpu.memory_space<vmem_shared>> -> memref<16x128xf32, #tpu.memory_space<vmem_shared>>
        tpu.wait_dma2 semaphore(%run_scoped3A : memref<!tpu.dma_semaphore, #tpu.memory_space<semaphore_mem>>) src(%dma_wait3A_29 : memref<16x128xf32, #tpu.memory_space<vmem_shared>>) dst(%dma_wait3A_26 : memref<16x128xf32, #tpu.memory_space<hbm>>)
        tpu.yield
      }) : () -> ()
    } else {
    }
    return
  }
}

module attributes {stable_mosaic.version = 14 : i64} {
  func.func @_proj_body(%arg0: i32, %arg1: memref<1000x128xf32, #tpu.memory_space<vmem>>, %arg2: memref<128x128xf32, #tpu.memory_space<vmem>>, %arg3: memref<128x128xf32, #tpu.memory_space<vmem>>, %arg4: memref<1000x128xf32, #tpu.memory_space<vmem>>, %arg5: memref<1000x128xf32, #tpu.memory_space<vmem>>) attributes {dimension_semantics = [#tpu.dimension_semantics<arbitrary>], iteration_bounds = array<i64: 10>, scalar_prefetch = 0 : i64, scratch_operands = 0 : i64, tpu.core_type = #tpu.core_type<tc>, window_params = [{transform_indices = @transform_0, window_bounds = array<i64: 1000, 128>}, {pipeline_mode = #tpu.pipeline_mode<synchronous>, transform_indices = @transform_1, window_bounds = array<i64: 128, 128>}, {pipeline_mode = #tpu.pipeline_mode<synchronous>, transform_indices = @transform_2, window_bounds = array<i64: 128, 128>}, {transform_indices = @transform_3, window_bounds = array<i64: 1000, 128>}, {transform_indices = @transform_4, window_bounds = array<i64: 1000, 128>}]} {
    %get3A = arith.constant 0 : index
    %get3A_0 = arith.constant 0 : index
    %get3A_1 = vector.load %arg1[%get3A, %get3A_0] : memref<1000x128xf32, #tpu.memory_space<vmem>>, vector<1000x128xf32>
    %get3A_2 = arith.constant 0 : index
    %get3A_3 = arith.constant 0 : index
    %get3A_4 = vector.load %arg2[%get3A_2, %get3A_3] : memref<128x128xf32, #tpu.memory_space<vmem>>, vector<128x128xf32>
    %dot_general3A = arith.constant dense<0.000000e+00> : vector<1000x128xf32>
    %dot_general3A_5 = tpu.matmul %get3A_1, %get3A_4, %dot_general3A {dimension_numbers = #tpu.dot_dimension_numbers<[1], [0], [0], [1], [0, 0, 1, 1], [], []>, transpose_lhs_hint = false} : vector<1000x128xf32>, vector<128x128xf32>, vector<1000x128xf32> -> vector<1000x128xf32>
    %swap3A = arith.constant 0 : index
    %swap3A_6 = arith.constant 0 : index
    %swap3A_7 = vector.load %arg4[%swap3A, %swap3A_6] : memref<1000x128xf32, #tpu.memory_space<vmem>>, vector<1000x128xf32>
    tpu.vector_store %arg4[%swap3A, %swap3A_6], %dot_general3A_5 {strides = array<i32>} : memref<1000x128xf32, #tpu.memory_space<vmem>>, vector<1000x128xf32>,
    %get3A_8 = arith.constant 0 : index
    %get3A_9 = arith.constant 0 : index
    %get3A_10 = vector.load %arg3[%get3A_8, %get3A_9] : memref<128x128xf32, #tpu.memory_space<vmem>>, vector<128x128xf32>
    %dot_general3A_11 = arith.constant dense<0.000000e+00> : vector<1000x128xf32>
    %dot_general3A_12 = tpu.matmul %get3A_1, %get3A_10, %dot_general3A_11 {dimension_numbers = #tpu.dot_dimension_numbers<[1], [0], [0], [1], [0, 0, 1, 1], [], []>, transpose_lhs_hint = false} : vector<1000x128xf32>, vector<128x128xf32>, vector<1000x128xf32> -> vector<1000x128xf32>
    %swap3A_13 = arith.constant 0 : index
    %swap3A_14 = arith.constant 0 : index
    %swap3A_15 = vector.load %arg5[%swap3A_13, %swap3A_14] : memref<1000x128xf32, #tpu.memory_space<vmem>>, vector<1000x128xf32>
    tpu.vector_store %arg5[%swap3A_13, %swap3A_14], %dot_general3A_12 {strides = array<i32>} : memref<1000x128xf32, #tpu.memory_space<vmem>>, vector<1000x128xf32>,
    return
  }
  func.func @transform_0(%arg0: i32) -> (i32, i32) {
    %c0_i32 = arith.constant 0 : i32
    %c0_i32_0 = arith.constant 0 : i32
    return %arg0, %c0_i32 : i32, i32
  }
  func.func @transform_1(%arg0: i32) -> (i32, i32) {
    %c0_i32 = arith.constant 0 : i32
    %c0_i32_0 = arith.constant 0 : i32
    %c0_i32_1 = arith.constant 0 : i32
    return %c0_i32, %c0_i32_0 : i32, i32
  }
  func.func @transform_2(%arg0: i32) -> (i32, i32) {
    %c0_i32 = arith.constant 0 : i32
    %c0_i32_0 = arith.constant 0 : i32
    %c0_i32_1 = arith.constant 0 : i32
    return %c0_i32, %c0_i32_0 : i32, i32
  }
  func.func @transform_3(%arg0: i32) -> (i32, i32) {
    %c0_i32 = arith.constant 0 : i32
    %c0_i32_0 = arith.constant 0 : i32
    return %arg0, %c0_i32 : i32, i32
  }
  func.func @transform_4(%arg0: i32) -> (i32, i32) {
    %c0_i32 = arith.constant 0 : i32
    %c0_i32_0 = arith.constant 0 : i32
    return %arg0, %c0_i32 : i32, i32
  }
}

module attributes {stable_mosaic.version = 14 : i64} {
  func.func @_edge_mlp_body(%arg0: i32, %arg1: memref<64000x128xf32, #tpu.memory_space<any>>, %arg2: memref<3200x128xf32, #tpu.memory_space<vmem>>, %arg3: memref<16x3200xf32, #tpu.memory_space<vmem>>, %arg4: memref<16x128xf32, #tpu.memory_space<vmem>>, %arg5: memref<128xf32, #tpu.memory_space<vmem>>, %arg6: memref<128xf32, #tpu.memory_space<vmem>>, %arg7: memref<128xf32, #tpu.memory_space<vmem>>, %arg8: memref<128x128xf32, #tpu.memory_space<vmem>>, %arg9: memref<128xf32, #tpu.memory_space<vmem>>, %arg10: memref<3200x128xf32, #tpu.memory_space<vmem>>) attributes {dimension_semantics = [#tpu.dimension_semantics<arbitrary>], iteration_bounds = array<i64: 20>, scalar_prefetch = 0 : i64, scratch_operands = 0 : i64, tpu.core_type = #tpu.core_type<tc>, window_params = [{}, {transform_indices = @transform_1, window_bounds = array<i64: 3200, 128>}, {transform_indices = @transform_2, window_bounds = array<i64: 16, 3200>}, {pipeline_mode = #tpu.pipeline_mode<synchronous>, transform_indices = @transform_3, window_bounds = array<i64: 16, 128>}, {pipeline_mode = #tpu.pipeline_mode<synchronous>, transform_indices = @transform_4, window_bounds = array<i64: 128>}, {pipeline_mode = #tpu.pipeline_mode<synchronous>, transform_indices = @transform_5, window_bounds = array<i64: 128>}, {pipeline_mode = #tpu.pipeline_mode<synchronous>, transform_indices = @transform_6, window_bounds = array<i64: 128>}, {pipeline_mode = #tpu.pipeline_mode<synchronous>, transform_indices = @transform_7, window_bounds = array<i64: 128, 128>}, {pipeline_mode = #tpu.pipeline_mode<synchronous>, transform_indices = @transform_8, window_bounds = array<i64: 128>}, {transform_indices = @transform_9, window_bounds = array<i64: 3200, 128>}]} {
    %get3A = arith.constant 0 : index
    %get3A_0 = arith.constant 0 : index
    %get3A_1 = vector.load %arg2[%get3A, %get3A_0] : memref<3200x128xf32, #tpu.memory_space<vmem>>, vector<3200x128xf32>
    %get3A_2 = arith.constant 0 : index
    %get3A_3 = arith.constant 0 : index
    %get3A_4 = vector.load %arg3[%get3A_2, %get3A_3] : memref<16x3200xf32, #tpu.memory_space<vmem>>, vector<16x3200xf32>
    %get3A_5 = arith.constant 0 : index
    %get3A_6 = arith.constant 0 : index
    %get3A_7 = vector.load %arg4[%get3A_5, %get3A_6] : memref<16x128xf32, #tpu.memory_space<vmem>>, vector<16x128xf32>
    %dot_general3A = arith.constant dense<0.000000e+00> : vector<3200x128xf32>
    %dot_general3A_8 = tpu.matmul %get3A_4, %get3A_7, %dot_general3A {dimension_numbers = #tpu.dot_dimension_numbers<[0], [0], [1], [1], [0, 1, 1, 1], [], []>, transpose_lhs_hint = false} : vector<16x3200xf32>, vector<16x128xf32>, vector<3200x128xf32> -> vector<3200x128xf32>
    %add3A = arith.addf %get3A_1, %dot_general3A_8 : vector<3200x128xf32>
    %get3A_9 = arith.constant 0 : index
    %get3A_10 = vector.load %arg5[%get3A_9] : memref<128xf32, #tpu.memory_space<vmem>>, vector<128xf32>
    %broadcast_in_dim3A = vector.shape_cast %get3A_10 : vector<128xf32> to vector<1x128xf32>
    %add3A_11 = vector.broadcast %broadcast_in_dim3A : vector<1x128xf32> to vector<3200x128xf32>
    %add3A_12 = arith.addf %add3A, %add3A_11 : vector<3200x128xf32>
    %reduce_sum3A = arith.constant dense<0.000000e+00> : vector<3200xf32>
    %reduce_sum3A_13 = vector.multi_reduction <add>, %add3A_12, %reduce_sum3A [1] : vector<3200x128xf32> to vector<3200xf32>
    %broadcast_in_dim3A_14 = vector.shape_cast %reduce_sum3A_13 : vector<3200xf32> to vector<3200x1xf32>
    %div3A = arith.constant 1.280000e+02 : f32
    %div3A_15 = vector.broadcast %div3A : f32 to vector<3200x1xf32>
    %div3A_16 = arith.divf %broadcast_in_dim3A_14, %div3A_15 : vector<3200x1xf32>
    %sub3A = vector.broadcast %div3A_16 : vector<3200x1xf32> to vector<3200x128xf32>
    %sub3A_17 = arith.subf %add3A_12, %sub3A : vector<3200x128xf32>
    %mul3A = arith.mulf %sub3A_17, %sub3A_17 : vector<3200x128xf32>
    %reduce_sum3A_18 = arith.constant dense<0.000000e+00> : vector<3200xf32>
    %reduce_sum3A_19 = vector.multi_reduction <add>, %mul3A, %reduce_sum3A_18 [1] : vector<3200x128xf32> to vector<3200xf32>
    %broadcast_in_dim3A_20 = vector.shape_cast %reduce_sum3A_19 : vector<3200xf32> to vector<3200x1xf32>
    %div3A_21 = arith.constant 1.280000e+02 : f32
    %div3A_22 = vector.broadcast %div3A_21 : f32 to vector<3200x1xf32>
    %div3A_23 = arith.divf %broadcast_in_dim3A_20, %div3A_22 : vector<3200x1xf32>
    %add3A_24 = arith.constant 9.99999974E-6 : f32
    %add3A_25 = vector.broadcast %add3A_24 : f32 to vector<3200x1xf32>
    %add3A_26 = arith.addf %div3A_23, %add3A_25 : vector<3200x1xf32>
    %sqrt3A = math.sqrt %add3A_26 : vector<3200x1xf32>
    %div3A_27 = vector.broadcast %sqrt3A : vector<3200x1xf32> to vector<3200x128xf32>
    %div3A_28 = arith.divf %sub3A_17, %div3A_27 : vector<3200x128xf32>
    %get3A_29 = arith.constant 0 : index
    %get3A_30 = vector.load %arg6[%get3A_29] : memref<128xf32, #tpu.memory_space<vmem>>, vector<128xf32>
    %broadcast_in_dim3A_31 = vector.shape_cast %get3A_30 : vector<128xf32> to vector<1x128xf32>
    %mul3A_32 = vector.broadcast %broadcast_in_dim3A_31 : vector<1x128xf32> to vector<3200x128xf32>
    %mul3A_33 = arith.mulf %div3A_28, %mul3A_32 : vector<3200x128xf32>
    %get3A_34 = arith.constant 0 : index
    %get3A_35 = vector.load %arg7[%get3A_34] : memref<128xf32, #tpu.memory_space<vmem>>, vector<128xf32>
    %broadcast_in_dim3A_36 = vector.shape_cast %get3A_35 : vector<128xf32> to vector<1x128xf32>
    %add3A_37 = vector.broadcast %broadcast_in_dim3A_36 : vector<1x128xf32> to vector<3200x128xf32>
    %add3A_38 = arith.addf %mul3A_33, %add3A_37 : vector<3200x128xf32>
    %logistic3A = arith.negf %add3A_38 : vector<3200x128xf32>
    %logistic3A_39 = math.exp %logistic3A : vector<3200x128xf32>
    %logistic3A_40 = arith.constant 1.000000e+00 : f32
    %logistic3A_41 = vector.broadcast %logistic3A_40 : f32 to vector<3200x128xf32>
    %logistic3A_42 = arith.addf %logistic3A_41, %logistic3A_39 : vector<3200x128xf32>
    %logistic3A_43 = arith.divf %logistic3A_41, %logistic3A_42 : vector<3200x128xf32>
    %mul3A_44 = arith.mulf %add3A_38, %logistic3A_43 : vector<3200x128xf32>
    %get3A_45 = arith.constant 0 : index
    %get3A_46 = arith.constant 0 : index
    %get3A_47 = vector.load %arg8[%get3A_45, %get3A_46] : memref<128x128xf32, #tpu.memory_space<vmem>>, vector<128x128xf32>
    %dot_general3A_48 = arith.constant dense<0.000000e+00> : vector<3200x128xf32>
    %dot_general3A_49 = tpu.matmul %mul3A_44, %get3A_47, %dot_general3A_48 {dimension_numbers = #tpu.dot_dimension_numbers<[1], [0], [0], [1], [0, 0, 1, 1], [], []>, transpose_lhs_hint = false} : vector<3200x128xf32>, vector<128x128xf32>, vector<3200x128xf32> -> vector<3200x128xf32>
    %get3A_50 = arith.constant 0 : index
    %get3A_51 = vector.load %arg9[%get3A_50] : memref<128xf32, #tpu.memory_space<vmem>>, vector<128xf32>
    %broadcast_in_dim3A_52 = vector.shape_cast %get3A_51 : vector<128xf32> to vector<1x128xf32>
    %add3A_53 = vector.broadcast %broadcast_in_dim3A_52 : vector<1x128xf32> to vector<3200x128xf32>
    %add3A_54 = arith.addf %dot_general3A_49, %add3A_53 : vector<3200x128xf32>
    %logistic3A_55 = arith.negf %add3A_54 : vector<3200x128xf32>
    %logistic3A_56 = math.exp %logistic3A_55 : vector<3200x128xf32>
    %logistic3A_57 = arith.constant 1.000000e+00 : f32
    %logistic3A_58 = vector.broadcast %logistic3A_57 : f32 to vector<3200x128xf32>
    %logistic3A_59 = arith.addf %logistic3A_58, %logistic3A_56 : vector<3200x128xf32>
    %logistic3A_60 = arith.divf %logistic3A_58, %logistic3A_59 : vector<3200x128xf32>
    %mul3A_61 = arith.mulf %add3A_54, %logistic3A_60 : vector<3200x128xf32>
    %swap3A = arith.constant 0 : index
    %swap3A_62 = arith.constant 0 : index
    %swap3A_63 = vector.load %arg10[%swap3A, %swap3A_62] : memref<3200x128xf32, #tpu.memory_space<vmem>>, vector<3200x128xf32>
    tpu.vector_store %arg10[%swap3A, %swap3A_62], %mul3A_61 {strides = array<i32>} : memref<3200x128xf32, #tpu.memory_space<vmem>>, vector<3200x128xf32>,
    return
  }
  func.func @transform_1(%arg0: i32) -> (i32, i32) {
    %c0_i32 = arith.constant 0 : i32
    %c0_i32_0 = arith.constant 0 : i32
    return %arg0, %c0_i32 : i32, i32
  }
  func.func @transform_2(%arg0: i32) -> (i32, i32) {
    %add3A = arith.constant 0 : i32
    %add3A_0 = arith.addi %add3A, %arg0 : i32
    %c0_i32 = arith.constant 0 : i32
    %c0_i32_1 = arith.constant 0 : i32
    return %c0_i32, %add3A_0 : i32, i32
  }
  func.func @transform_3(%arg0: i32) -> (i32, i32) {
    %c0_i32 = arith.constant 0 : i32
    %c0_i32_0 = arith.constant 0 : i32
    %c0_i32_1 = arith.constant 0 : i32
    return %c0_i32, %c0_i32_0 : i32, i32
  }
  func.func @transform_4(%arg0: i32) -> i32 {
    %c0_i32 = arith.constant 0 : i32
    %c0_i32_0 = arith.constant 0 : i32
    return %c0_i32 : i32
  }
  func.func @transform_5(%arg0: i32) -> i32 {
    %c0_i32 = arith.constant 0 : i32
    %c0_i32_0 = arith.constant 0 : i32
    return %c0_i32 : i32
  }
  func.func @transform_6(%arg0: i32) -> i32 {
    %c0_i32 = arith.constant 0 : i32
    %c0_i32_0 = arith.constant 0 : i32
    return %c0_i32 : i32
  }
  func.func @transform_7(%arg0: i32) -> (i32, i32) {
    %c0_i32 = arith.constant 0 : i32
    %c0_i32_0 = arith.constant 0 : i32
    %c0_i32_1 = arith.constant 0 : i32
    return %c0_i32, %c0_i32_0 : i32, i32
  }
  func.func @transform_8(%arg0: i32) -> i32 {
    %c0_i32 = arith.constant 0 : i32
    %c0_i32_0 = arith.constant 0 : i32
    return %c0_i32 : i32
  }
  func.func @transform_9(%arg0: i32) -> (i32, i32) {
    %add3A = arith.constant 0 : i32
    %add3A_0 = arith.addi %add3A, %arg0 : i32
    %c0_i32 = arith.constant 0 : i32
    %c0_i32_1 = arith.constant 0 : i32
    return %add3A_0, %c0_i32 : i32, i32
  }
}

module attributes {stable_mosaic.version = 14 : i64} {
  func.func @_edge_mlp_body(%arg0: i32, %arg1: memref<320000x128xf32, #tpu.memory_space<any>>, %arg2: memref<3200x128xf32, #tpu.memory_space<vmem>>, %arg3: memref<16x3200xf32, #tpu.memory_space<vmem>>, %arg4: memref<16x128xf32, #tpu.memory_space<vmem>>, %arg5: memref<128xf32, #tpu.memory_space<vmem>>, %arg6: memref<128xf32, #tpu.memory_space<vmem>>, %arg7: memref<128xf32, #tpu.memory_space<vmem>>, %arg8: memref<128x128xf32, #tpu.memory_space<vmem>>, %arg9: memref<128xf32, #tpu.memory_space<vmem>>, %arg10: memref<3200x128xf32, #tpu.memory_space<vmem>>) attributes {dimension_semantics = [#tpu.dimension_semantics<arbitrary>], iteration_bounds = array<i64: 20>, scalar_prefetch = 0 : i64, scratch_operands = 0 : i64, tpu.core_type = #tpu.core_type<tc>, window_params = [{}, {transform_indices = @transform_1, window_bounds = array<i64: 3200, 128>}, {transform_indices = @transform_2, window_bounds = array<i64: 16, 3200>}, {pipeline_mode = #tpu.pipeline_mode<synchronous>, transform_indices = @transform_3, window_bounds = array<i64: 16, 128>}, {pipeline_mode = #tpu.pipeline_mode<synchronous>, transform_indices = @transform_4, window_bounds = array<i64: 128>}, {pipeline_mode = #tpu.pipeline_mode<synchronous>, transform_indices = @transform_5, window_bounds = array<i64: 128>}, {pipeline_mode = #tpu.pipeline_mode<synchronous>, transform_indices = @transform_6, window_bounds = array<i64: 128>}, {pipeline_mode = #tpu.pipeline_mode<synchronous>, transform_indices = @transform_7, window_bounds = array<i64: 128, 128>}, {pipeline_mode = #tpu.pipeline_mode<synchronous>, transform_indices = @transform_8, window_bounds = array<i64: 128>}, {transform_indices = @transform_9, window_bounds = array<i64: 3200, 128>}]} {
    %get3A = arith.constant 0 : index
    %get3A_0 = arith.constant 0 : index
    %get3A_1 = vector.load %arg2[%get3A, %get3A_0] : memref<3200x128xf32, #tpu.memory_space<vmem>>, vector<3200x128xf32>
    %get3A_2 = arith.constant 0 : index
    %get3A_3 = arith.constant 0 : index
    %get3A_4 = vector.load %arg3[%get3A_2, %get3A_3] : memref<16x3200xf32, #tpu.memory_space<vmem>>, vector<16x3200xf32>
    %get3A_5 = arith.constant 0 : index
    %get3A_6 = arith.constant 0 : index
    %get3A_7 = vector.load %arg4[%get3A_5, %get3A_6] : memref<16x128xf32, #tpu.memory_space<vmem>>, vector<16x128xf32>
    %dot_general3A = arith.constant dense<0.000000e+00> : vector<3200x128xf32>
    %dot_general3A_8 = tpu.matmul %get3A_4, %get3A_7, %dot_general3A {dimension_numbers = #tpu.dot_dimension_numbers<[0], [0], [1], [1], [0, 1, 1, 1], [], []>, transpose_lhs_hint = false} : vector<16x3200xf32>, vector<16x128xf32>, vector<3200x128xf32> -> vector<3200x128xf32>
    %add3A = arith.addf %get3A_1, %dot_general3A_8 : vector<3200x128xf32>
    %get3A_9 = arith.constant 0 : index
    %get3A_10 = vector.load %arg5[%get3A_9] : memref<128xf32, #tpu.memory_space<vmem>>, vector<128xf32>
    %broadcast_in_dim3A = vector.shape_cast %get3A_10 : vector<128xf32> to vector<1x128xf32>
    %add3A_11 = vector.broadcast %broadcast_in_dim3A : vector<1x128xf32> to vector<3200x128xf32>
    %add3A_12 = arith.addf %add3A, %add3A_11 : vector<3200x128xf32>
    %reduce_sum3A = arith.constant dense<0.000000e+00> : vector<3200xf32>
    %reduce_sum3A_13 = vector.multi_reduction <add>, %add3A_12, %reduce_sum3A [1] : vector<3200x128xf32> to vector<3200xf32>
    %broadcast_in_dim3A_14 = vector.shape_cast %reduce_sum3A_13 : vector<3200xf32> to vector<3200x1xf32>
    %div3A = arith.constant 1.280000e+02 : f32
    %div3A_15 = vector.broadcast %div3A : f32 to vector<3200x1xf32>
    %div3A_16 = arith.divf %broadcast_in_dim3A_14, %div3A_15 : vector<3200x1xf32>
    %sub3A = vector.broadcast %div3A_16 : vector<3200x1xf32> to vector<3200x128xf32>
    %sub3A_17 = arith.subf %add3A_12, %sub3A : vector<3200x128xf32>
    %mul3A = arith.mulf %sub3A_17, %sub3A_17 : vector<3200x128xf32>
    %reduce_sum3A_18 = arith.constant dense<0.000000e+00> : vector<3200xf32>
    %reduce_sum3A_19 = vector.multi_reduction <add>, %mul3A, %reduce_sum3A_18 [1] : vector<3200x128xf32> to vector<3200xf32>
    %broadcast_in_dim3A_20 = vector.shape_cast %reduce_sum3A_19 : vector<3200xf32> to vector<3200x1xf32>
    %div3A_21 = arith.constant 1.280000e+02 : f32
    %div3A_22 = vector.broadcast %div3A_21 : f32 to vector<3200x1xf32>
    %div3A_23 = arith.divf %broadcast_in_dim3A_20, %div3A_22 : vector<3200x1xf32>
    %add3A_24 = arith.constant 9.99999974E-6 : f32
    %add3A_25 = vector.broadcast %add3A_24 : f32 to vector<3200x1xf32>
    %add3A_26 = arith.addf %div3A_23, %add3A_25 : vector<3200x1xf32>
    %sqrt3A = math.sqrt %add3A_26 : vector<3200x1xf32>
    %div3A_27 = vector.broadcast %sqrt3A : vector<3200x1xf32> to vector<3200x128xf32>
    %div3A_28 = arith.divf %sub3A_17, %div3A_27 : vector<3200x128xf32>
    %get3A_29 = arith.constant 0 : index
    %get3A_30 = vector.load %arg6[%get3A_29] : memref<128xf32, #tpu.memory_space<vmem>>, vector<128xf32>
    %broadcast_in_dim3A_31 = vector.shape_cast %get3A_30 : vector<128xf32> to vector<1x128xf32>
    %mul3A_32 = vector.broadcast %broadcast_in_dim3A_31 : vector<1x128xf32> to vector<3200x128xf32>
    %mul3A_33 = arith.mulf %div3A_28, %mul3A_32 : vector<3200x128xf32>
    %get3A_34 = arith.constant 0 : index
    %get3A_35 = vector.load %arg7[%get3A_34] : memref<128xf32, #tpu.memory_space<vmem>>, vector<128xf32>
    %broadcast_in_dim3A_36 = vector.shape_cast %get3A_35 : vector<128xf32> to vector<1x128xf32>
    %add3A_37 = vector.broadcast %broadcast_in_dim3A_36 : vector<1x128xf32> to vector<3200x128xf32>
    %add3A_38 = arith.addf %mul3A_33, %add3A_37 : vector<3200x128xf32>
    %logistic3A = arith.negf %add3A_38 : vector<3200x128xf32>
    %logistic3A_39 = math.exp %logistic3A : vector<3200x128xf32>
    %logistic3A_40 = arith.constant 1.000000e+00 : f32
    %logistic3A_41 = vector.broadcast %logistic3A_40 : f32 to vector<3200x128xf32>
    %logistic3A_42 = arith.addf %logistic3A_41, %logistic3A_39 : vector<3200x128xf32>
    %logistic3A_43 = arith.divf %logistic3A_41, %logistic3A_42 : vector<3200x128xf32>
    %mul3A_44 = arith.mulf %add3A_38, %logistic3A_43 : vector<3200x128xf32>
    %get3A_45 = arith.constant 0 : index
    %get3A_46 = arith.constant 0 : index
    %get3A_47 = vector.load %arg8[%get3A_45, %get3A_46] : memref<128x128xf32, #tpu.memory_space<vmem>>, vector<128x128xf32>
    %dot_general3A_48 = arith.constant dense<0.000000e+00> : vector<3200x128xf32>
    %dot_general3A_49 = tpu.matmul %mul3A_44, %get3A_47, %dot_general3A_48 {dimension_numbers = #tpu.dot_dimension_numbers<[1], [0], [0], [1], [0, 0, 1, 1], [], []>, transpose_lhs_hint = false} : vector<3200x128xf32>, vector<128x128xf32>, vector<3200x128xf32> -> vector<3200x128xf32>
    %get3A_50 = arith.constant 0 : index
    %get3A_51 = vector.load %arg9[%get3A_50] : memref<128xf32, #tpu.memory_space<vmem>>, vector<128xf32>
    %broadcast_in_dim3A_52 = vector.shape_cast %get3A_51 : vector<128xf32> to vector<1x128xf32>
    %add3A_53 = vector.broadcast %broadcast_in_dim3A_52 : vector<1x128xf32> to vector<3200x128xf32>
    %add3A_54 = arith.addf %dot_general3A_49, %add3A_53 : vector<3200x128xf32>
    %logistic3A_55 = arith.negf %add3A_54 : vector<3200x128xf32>
    %logistic3A_56 = math.exp %logistic3A_55 : vector<3200x128xf32>
    %logistic3A_57 = arith.constant 1.000000e+00 : f32
    %logistic3A_58 = vector.broadcast %logistic3A_57 : f32 to vector<3200x128xf32>
    %logistic3A_59 = arith.addf %logistic3A_58, %logistic3A_56 : vector<3200x128xf32>
    %logistic3A_60 = arith.divf %logistic3A_58, %logistic3A_59 : vector<3200x128xf32>
    %mul3A_61 = arith.mulf %add3A_54, %logistic3A_60 : vector<3200x128xf32>
    %swap3A = arith.constant 0 : index
    %swap3A_62 = arith.constant 0 : index
    %swap3A_63 = vector.load %arg10[%swap3A, %swap3A_62] : memref<3200x128xf32, #tpu.memory_space<vmem>>, vector<3200x128xf32>
    tpu.vector_store %arg10[%swap3A, %swap3A_62], %mul3A_61 {strides = array<i32>} : memref<3200x128xf32, #tpu.memory_space<vmem>>, vector<3200x128xf32>,
    return
  }
  func.func @transform_1(%arg0: i32) -> (i32, i32) {
    %c0_i32 = arith.constant 0 : i32
    %c0_i32_0 = arith.constant 0 : i32
    return %arg0, %c0_i32 : i32, i32
  }
  func.func @transform_2(%arg0: i32) -> (i32, i32) {
    %add3A = arith.constant 20 : i32
    %add3A_0 = arith.addi %add3A, %arg0 : i32
    %c0_i32 = arith.constant 0 : i32
    %c0_i32_1 = arith.constant 0 : i32
    return %c0_i32, %add3A_0 : i32, i32
  }
  func.func @transform_3(%arg0: i32) -> (i32, i32) {
    %c0_i32 = arith.constant 0 : i32
    %c0_i32_0 = arith.constant 0 : i32
    %c0_i32_1 = arith.constant 0 : i32
    return %c0_i32, %c0_i32_0 : i32, i32
  }
  func.func @transform_4(%arg0: i32) -> i32 {
    %c0_i32 = arith.constant 0 : i32
    %c0_i32_0 = arith.constant 0 : i32
    return %c0_i32 : i32
  }
  func.func @transform_5(%arg0: i32) -> i32 {
    %c0_i32 = arith.constant 0 : i32
    %c0_i32_0 = arith.constant 0 : i32
    return %c0_i32 : i32
  }
  func.func @transform_6(%arg0: i32) -> i32 {
    %c0_i32 = arith.constant 0 : i32
    %c0_i32_0 = arith.constant 0 : i32
    return %c0_i32 : i32
  }
  func.func @transform_7(%arg0: i32) -> (i32, i32) {
    %c0_i32 = arith.constant 0 : i32
    %c0_i32_0 = arith.constant 0 : i32
    %c0_i32_1 = arith.constant 0 : i32
    return %c0_i32, %c0_i32_0 : i32, i32
  }
  func.func @transform_8(%arg0: i32) -> i32 {
    %c0_i32 = arith.constant 0 : i32
    %c0_i32_0 = arith.constant 0 : i32
    return %c0_i32 : i32
  }
  func.func @transform_9(%arg0: i32) -> (i32, i32) {
    %add3A = arith.constant 20 : i32
    %add3A_0 = arith.addi %add3A, %arg0 : i32
    %c0_i32 = arith.constant 0 : i32
    %c0_i32_1 = arith.constant 0 : i32
    return %add3A_0, %c0_i32 : i32, i32
  }
}

module attributes {stable_mosaic.version = 14 : i64} {
  func.func @_edge_mlp_body(%arg0: i32, %arg1: memref<320000x128xf32, #tpu.memory_space<any>>, %arg2: memref<3200x128xf32, #tpu.memory_space<vmem>>, %arg3: memref<16x3200xf32, #tpu.memory_space<vmem>>, %arg4: memref<16x128xf32, #tpu.memory_space<vmem>>, %arg5: memref<128xf32, #tpu.memory_space<vmem>>, %arg6: memref<128xf32, #tpu.memory_space<vmem>>, %arg7: memref<128xf32, #tpu.memory_space<vmem>>, %arg8: memref<128x128xf32, #tpu.memory_space<vmem>>, %arg9: memref<128xf32, #tpu.memory_space<vmem>>, %arg10: memref<3200x128xf32, #tpu.memory_space<vmem>>) attributes {dimension_semantics = [#tpu.dimension_semantics<arbitrary>], iteration_bounds = array<i64: 20>, scalar_prefetch = 0 : i64, scratch_operands = 0 : i64, tpu.core_type = #tpu.core_type<tc>, window_params = [{}, {transform_indices = @transform_1, window_bounds = array<i64: 3200, 128>}, {transform_indices = @transform_2, window_bounds = array<i64: 16, 3200>}, {pipeline_mode = #tpu.pipeline_mode<synchronous>, transform_indices = @transform_3, window_bounds = array<i64: 16, 128>}, {pipeline_mode = #tpu.pipeline_mode<synchronous>, transform_indices = @transform_4, window_bounds = array<i64: 128>}, {pipeline_mode = #tpu.pipeline_mode<synchronous>, transform_indices = @transform_5, window_bounds = array<i64: 128>}, {pipeline_mode = #tpu.pipeline_mode<synchronous>, transform_indices = @transform_6, window_bounds = array<i64: 128>}, {pipeline_mode = #tpu.pipeline_mode<synchronous>, transform_indices = @transform_7, window_bounds = array<i64: 128, 128>}, {pipeline_mode = #tpu.pipeline_mode<synchronous>, transform_indices = @transform_8, window_bounds = array<i64: 128>}, {transform_indices = @transform_9, window_bounds = array<i64: 3200, 128>}]} {
    %get3A = arith.constant 0 : index
    %get3A_0 = arith.constant 0 : index
    %get3A_1 = vector.load %arg2[%get3A, %get3A_0] : memref<3200x128xf32, #tpu.memory_space<vmem>>, vector<3200x128xf32>
    %get3A_2 = arith.constant 0 : index
    %get3A_3 = arith.constant 0 : index
    %get3A_4 = vector.load %arg3[%get3A_2, %get3A_3] : memref<16x3200xf32, #tpu.memory_space<vmem>>, vector<16x3200xf32>
    %get3A_5 = arith.constant 0 : index
    %get3A_6 = arith.constant 0 : index
    %get3A_7 = vector.load %arg4[%get3A_5, %get3A_6] : memref<16x128xf32, #tpu.memory_space<vmem>>, vector<16x128xf32>
    %dot_general3A = arith.constant dense<0.000000e+00> : vector<3200x128xf32>
    %dot_general3A_8 = tpu.matmul %get3A_4, %get3A_7, %dot_general3A {dimension_numbers = #tpu.dot_dimension_numbers<[0], [0], [1], [1], [0, 1, 1, 1], [], []>, transpose_lhs_hint = false} : vector<16x3200xf32>, vector<16x128xf32>, vector<3200x128xf32> -> vector<3200x128xf32>
    %add3A = arith.addf %get3A_1, %dot_general3A_8 : vector<3200x128xf32>
    %get3A_9 = arith.constant 0 : index
    %get3A_10 = vector.load %arg5[%get3A_9] : memref<128xf32, #tpu.memory_space<vmem>>, vector<128xf32>
    %broadcast_in_dim3A = vector.shape_cast %get3A_10 : vector<128xf32> to vector<1x128xf32>
    %add3A_11 = vector.broadcast %broadcast_in_dim3A : vector<1x128xf32> to vector<3200x128xf32>
    %add3A_12 = arith.addf %add3A, %add3A_11 : vector<3200x128xf32>
    %reduce_sum3A = arith.constant dense<0.000000e+00> : vector<3200xf32>
    %reduce_sum3A_13 = vector.multi_reduction <add>, %add3A_12, %reduce_sum3A [1] : vector<3200x128xf32> to vector<3200xf32>
    %broadcast_in_dim3A_14 = vector.shape_cast %reduce_sum3A_13 : vector<3200xf32> to vector<3200x1xf32>
    %div3A = arith.constant 1.280000e+02 : f32
    %div3A_15 = vector.broadcast %div3A : f32 to vector<3200x1xf32>
    %div3A_16 = arith.divf %broadcast_in_dim3A_14, %div3A_15 : vector<3200x1xf32>
    %sub3A = vector.broadcast %div3A_16 : vector<3200x1xf32> to vector<3200x128xf32>
    %sub3A_17 = arith.subf %add3A_12, %sub3A : vector<3200x128xf32>
    %mul3A = arith.mulf %sub3A_17, %sub3A_17 : vector<3200x128xf32>
    %reduce_sum3A_18 = arith.constant dense<0.000000e+00> : vector<3200xf32>
    %reduce_sum3A_19 = vector.multi_reduction <add>, %mul3A, %reduce_sum3A_18 [1] : vector<3200x128xf32> to vector<3200xf32>
    %broadcast_in_dim3A_20 = vector.shape_cast %reduce_sum3A_19 : vector<3200xf32> to vector<3200x1xf32>
    %div3A_21 = arith.constant 1.280000e+02 : f32
    %div3A_22 = vector.broadcast %div3A_21 : f32 to vector<3200x1xf32>
    %div3A_23 = arith.divf %broadcast_in_dim3A_20, %div3A_22 : vector<3200x1xf32>
    %add3A_24 = arith.constant 9.99999974E-6 : f32
    %add3A_25 = vector.broadcast %add3A_24 : f32 to vector<3200x1xf32>
    %add3A_26 = arith.addf %div3A_23, %add3A_25 : vector<3200x1xf32>
    %sqrt3A = math.sqrt %add3A_26 : vector<3200x1xf32>
    %div3A_27 = vector.broadcast %sqrt3A : vector<3200x1xf32> to vector<3200x128xf32>
    %div3A_28 = arith.divf %sub3A_17, %div3A_27 : vector<3200x128xf32>
    %get3A_29 = arith.constant 0 : index
    %get3A_30 = vector.load %arg6[%get3A_29] : memref<128xf32, #tpu.memory_space<vmem>>, vector<128xf32>
    %broadcast_in_dim3A_31 = vector.shape_cast %get3A_30 : vector<128xf32> to vector<1x128xf32>
    %mul3A_32 = vector.broadcast %broadcast_in_dim3A_31 : vector<1x128xf32> to vector<3200x128xf32>
    %mul3A_33 = arith.mulf %div3A_28, %mul3A_32 : vector<3200x128xf32>
    %get3A_34 = arith.constant 0 : index
    %get3A_35 = vector.load %arg7[%get3A_34] : memref<128xf32, #tpu.memory_space<vmem>>, vector<128xf32>
    %broadcast_in_dim3A_36 = vector.shape_cast %get3A_35 : vector<128xf32> to vector<1x128xf32>
    %add3A_37 = vector.broadcast %broadcast_in_dim3A_36 : vector<1x128xf32> to vector<3200x128xf32>
    %add3A_38 = arith.addf %mul3A_33, %add3A_37 : vector<3200x128xf32>
    %logistic3A = arith.negf %add3A_38 : vector<3200x128xf32>
    %logistic3A_39 = math.exp %logistic3A : vector<3200x128xf32>
    %logistic3A_40 = arith.constant 1.000000e+00 : f32
    %logistic3A_41 = vector.broadcast %logistic3A_40 : f32 to vector<3200x128xf32>
    %logistic3A_42 = arith.addf %logistic3A_41, %logistic3A_39 : vector<3200x128xf32>
    %logistic3A_43 = arith.divf %logistic3A_41, %logistic3A_42 : vector<3200x128xf32>
    %mul3A_44 = arith.mulf %add3A_38, %logistic3A_43 : vector<3200x128xf32>
    %get3A_45 = arith.constant 0 : index
    %get3A_46 = arith.constant 0 : index
    %get3A_47 = vector.load %arg8[%get3A_45, %get3A_46] : memref<128x128xf32, #tpu.memory_space<vmem>>, vector<128x128xf32>
    %dot_general3A_48 = arith.constant dense<0.000000e+00> : vector<3200x128xf32>
    %dot_general3A_49 = tpu.matmul %mul3A_44, %get3A_47, %dot_general3A_48 {dimension_numbers = #tpu.dot_dimension_numbers<[1], [0], [0], [1], [0, 0, 1, 1], [], []>, transpose_lhs_hint = false} : vector<3200x128xf32>, vector<128x128xf32>, vector<3200x128xf32> -> vector<3200x128xf32>
    %get3A_50 = arith.constant 0 : index
    %get3A_51 = vector.load %arg9[%get3A_50] : memref<128xf32, #tpu.memory_space<vmem>>, vector<128xf32>
    %broadcast_in_dim3A_52 = vector.shape_cast %get3A_51 : vector<128xf32> to vector<1x128xf32>
    %add3A_53 = vector.broadcast %broadcast_in_dim3A_52 : vector<1x128xf32> to vector<3200x128xf32>
    %add3A_54 = arith.addf %dot_general3A_49, %add3A_53 : vector<3200x128xf32>
    %logistic3A_55 = arith.negf %add3A_54 : vector<3200x128xf32>
    %logistic3A_56 = math.exp %logistic3A_55 : vector<3200x128xf32>
    %logistic3A_57 = arith.constant 1.000000e+00 : f32
    %logistic3A_58 = vector.broadcast %logistic3A_57 : f32 to vector<3200x128xf32>
    %logistic3A_59 = arith.addf %logistic3A_58, %logistic3A_56 : vector<3200x128xf32>
    %logistic3A_60 = arith.divf %logistic3A_58, %logistic3A_59 : vector<3200x128xf32>
    %mul3A_61 = arith.mulf %add3A_54, %logistic3A_60 : vector<3200x128xf32>
    %swap3A = arith.constant 0 : index
    %swap3A_62 = arith.constant 0 : index
    %swap3A_63 = vector.load %arg10[%swap3A, %swap3A_62] : memref<3200x128xf32, #tpu.memory_space<vmem>>, vector<3200x128xf32>
    tpu.vector_store %arg10[%swap3A, %swap3A_62], %mul3A_61 {strides = array<i32>} : memref<3200x128xf32, #tpu.memory_space<vmem>>, vector<3200x128xf32>,
    return
  }
  func.func @transform_1(%arg0: i32) -> (i32, i32) {
    %c0_i32 = arith.constant 0 : i32
    %c0_i32_0 = arith.constant 0 : i32
    return %arg0, %c0_i32 : i32, i32
  }
  func.func @transform_2(%arg0: i32) -> (i32, i32) {
    %add3A = arith.constant 40 : i32
    %add3A_0 = arith.addi %add3A, %arg0 : i32
    %c0_i32 = arith.constant 0 : i32
    %c0_i32_1 = arith.constant 0 : i32
    return %c0_i32, %add3A_0 : i32, i32
  }
  func.func @transform_3(%arg0: i32) -> (i32, i32) {
    %c0_i32 = arith.constant 0 : i32
    %c0_i32_0 = arith.constant 0 : i32
    %c0_i32_1 = arith.constant 0 : i32
    return %c0_i32, %c0_i32_0 : i32, i32
  }
  func.func @transform_4(%arg0: i32) -> i32 {
    %c0_i32 = arith.constant 0 : i32
    %c0_i32_0 = arith.constant 0 : i32
    return %c0_i32 : i32
  }
  func.func @transform_5(%arg0: i32) -> i32 {
    %c0_i32 = arith.constant 0 : i32
    %c0_i32_0 = arith.constant 0 : i32
    return %c0_i32 : i32
  }
  func.func @transform_6(%arg0: i32) -> i32 {
    %c0_i32 = arith.constant 0 : i32
    %c0_i32_0 = arith.constant 0 : i32
    return %c0_i32 : i32
  }
  func.func @transform_7(%arg0: i32) -> (i32, i32) {
    %c0_i32 = arith.constant 0 : i32
    %c0_i32_0 = arith.constant 0 : i32
    %c0_i32_1 = arith.constant 0 : i32
    return %c0_i32, %c0_i32_0 : i32, i32
  }
  func.func @transform_8(%arg0: i32) -> i32 {
    %c0_i32 = arith.constant 0 : i32
    %c0_i32_0 = arith.constant 0 : i32
    return %c0_i32 : i32
  }
  func.func @transform_9(%arg0: i32) -> (i32, i32) {
    %add3A = arith.constant 40 : i32
    %add3A_0 = arith.addi %add3A, %arg0 : i32
    %c0_i32 = arith.constant 0 : i32
    %c0_i32_1 = arith.constant 0 : i32
    return %add3A_0, %c0_i32 : i32, i32
  }
}

module attributes {stable_mosaic.version = 14 : i64} {
  func.func @_edge_mlp_body(%arg0: i32, %arg1: memref<320000x128xf32, #tpu.memory_space<any>>, %arg2: memref<3200x128xf32, #tpu.memory_space<vmem>>, %arg3: memref<16x3200xf32, #tpu.memory_space<vmem>>, %arg4: memref<16x128xf32, #tpu.memory_space<vmem>>, %arg5: memref<128xf32, #tpu.memory_space<vmem>>, %arg6: memref<128xf32, #tpu.memory_space<vmem>>, %arg7: memref<128xf32, #tpu.memory_space<vmem>>, %arg8: memref<128x128xf32, #tpu.memory_space<vmem>>, %arg9: memref<128xf32, #tpu.memory_space<vmem>>, %arg10: memref<3200x128xf32, #tpu.memory_space<vmem>>) attributes {dimension_semantics = [#tpu.dimension_semantics<arbitrary>], iteration_bounds = array<i64: 20>, scalar_prefetch = 0 : i64, scratch_operands = 0 : i64, tpu.core_type = #tpu.core_type<tc>, window_params = [{}, {transform_indices = @transform_1, window_bounds = array<i64: 3200, 128>}, {transform_indices = @transform_2, window_bounds = array<i64: 16, 3200>}, {pipeline_mode = #tpu.pipeline_mode<synchronous>, transform_indices = @transform_3, window_bounds = array<i64: 16, 128>}, {pipeline_mode = #tpu.pipeline_mode<synchronous>, transform_indices = @transform_4, window_bounds = array<i64: 128>}, {pipeline_mode = #tpu.pipeline_mode<synchronous>, transform_indices = @transform_5, window_bounds = array<i64: 128>}, {pipeline_mode = #tpu.pipeline_mode<synchronous>, transform_indices = @transform_6, window_bounds = array<i64: 128>}, {pipeline_mode = #tpu.pipeline_mode<synchronous>, transform_indices = @transform_7, window_bounds = array<i64: 128, 128>}, {pipeline_mode = #tpu.pipeline_mode<synchronous>, transform_indices = @transform_8, window_bounds = array<i64: 128>}, {transform_indices = @transform_9, window_bounds = array<i64: 3200, 128>}]} {
    %get3A = arith.constant 0 : index
    %get3A_0 = arith.constant 0 : index
    %get3A_1 = vector.load %arg2[%get3A, %get3A_0] : memref<3200x128xf32, #tpu.memory_space<vmem>>, vector<3200x128xf32>
    %get3A_2 = arith.constant 0 : index
    %get3A_3 = arith.constant 0 : index
    %get3A_4 = vector.load %arg3[%get3A_2, %get3A_3] : memref<16x3200xf32, #tpu.memory_space<vmem>>, vector<16x3200xf32>
    %get3A_5 = arith.constant 0 : index
    %get3A_6 = arith.constant 0 : index
    %get3A_7 = vector.load %arg4[%get3A_5, %get3A_6] : memref<16x128xf32, #tpu.memory_space<vmem>>, vector<16x128xf32>
    %dot_general3A = arith.constant dense<0.000000e+00> : vector<3200x128xf32>
    %dot_general3A_8 = tpu.matmul %get3A_4, %get3A_7, %dot_general3A {dimension_numbers = #tpu.dot_dimension_numbers<[0], [0], [1], [1], [0, 1, 1, 1], [], []>, transpose_lhs_hint = false} : vector<16x3200xf32>, vector<16x128xf32>, vector<3200x128xf32> -> vector<3200x128xf32>
    %add3A = arith.addf %get3A_1, %dot_general3A_8 : vector<3200x128xf32>
    %get3A_9 = arith.constant 0 : index
    %get3A_10 = vector.load %arg5[%get3A_9] : memref<128xf32, #tpu.memory_space<vmem>>, vector<128xf32>
    %broadcast_in_dim3A = vector.shape_cast %get3A_10 : vector<128xf32> to vector<1x128xf32>
    %add3A_11 = vector.broadcast %broadcast_in_dim3A : vector<1x128xf32> to vector<3200x128xf32>
    %add3A_12 = arith.addf %add3A, %add3A_11 : vector<3200x128xf32>
    %reduce_sum3A = arith.constant dense<0.000000e+00> : vector<3200xf32>
    %reduce_sum3A_13 = vector.multi_reduction <add>, %add3A_12, %reduce_sum3A [1] : vector<3200x128xf32> to vector<3200xf32>
    %broadcast_in_dim3A_14 = vector.shape_cast %reduce_sum3A_13 : vector<3200xf32> to vector<3200x1xf32>
    %div3A = arith.constant 1.280000e+02 : f32
    %div3A_15 = vector.broadcast %div3A : f32 to vector<3200x1xf32>
    %div3A_16 = arith.divf %broadcast_in_dim3A_14, %div3A_15 : vector<3200x1xf32>
    %sub3A = vector.broadcast %div3A_16 : vector<3200x1xf32> to vector<3200x128xf32>
    %sub3A_17 = arith.subf %add3A_12, %sub3A : vector<3200x128xf32>
    %mul3A = arith.mulf %sub3A_17, %sub3A_17 : vector<3200x128xf32>
    %reduce_sum3A_18 = arith.constant dense<0.000000e+00> : vector<3200xf32>
    %reduce_sum3A_19 = vector.multi_reduction <add>, %mul3A, %reduce_sum3A_18 [1] : vector<3200x128xf32> to vector<3200xf32>
    %broadcast_in_dim3A_20 = vector.shape_cast %reduce_sum3A_19 : vector<3200xf32> to vector<3200x1xf32>
    %div3A_21 = arith.constant 1.280000e+02 : f32
    %div3A_22 = vector.broadcast %div3A_21 : f32 to vector<3200x1xf32>
    %div3A_23 = arith.divf %broadcast_in_dim3A_20, %div3A_22 : vector<3200x1xf32>
    %add3A_24 = arith.constant 9.99999974E-6 : f32
    %add3A_25 = vector.broadcast %add3A_24 : f32 to vector<3200x1xf32>
    %add3A_26 = arith.addf %div3A_23, %add3A_25 : vector<3200x1xf32>
    %sqrt3A = math.sqrt %add3A_26 : vector<3200x1xf32>
    %div3A_27 = vector.broadcast %sqrt3A : vector<3200x1xf32> to vector<3200x128xf32>
    %div3A_28 = arith.divf %sub3A_17, %div3A_27 : vector<3200x128xf32>
    %get3A_29 = arith.constant 0 : index
    %get3A_30 = vector.load %arg6[%get3A_29] : memref<128xf32, #tpu.memory_space<vmem>>, vector<128xf32>
    %broadcast_in_dim3A_31 = vector.shape_cast %get3A_30 : vector<128xf32> to vector<1x128xf32>
    %mul3A_32 = vector.broadcast %broadcast_in_dim3A_31 : vector<1x128xf32> to vector<3200x128xf32>
    %mul3A_33 = arith.mulf %div3A_28, %mul3A_32 : vector<3200x128xf32>
    %get3A_34 = arith.constant 0 : index
    %get3A_35 = vector.load %arg7[%get3A_34] : memref<128xf32, #tpu.memory_space<vmem>>, vector<128xf32>
    %broadcast_in_dim3A_36 = vector.shape_cast %get3A_35 : vector<128xf32> to vector<1x128xf32>
    %add3A_37 = vector.broadcast %broadcast_in_dim3A_36 : vector<1x128xf32> to vector<3200x128xf32>
    %add3A_38 = arith.addf %mul3A_33, %add3A_37 : vector<3200x128xf32>
    %logistic3A = arith.negf %add3A_38 : vector<3200x128xf32>
    %logistic3A_39 = math.exp %logistic3A : vector<3200x128xf32>
    %logistic3A_40 = arith.constant 1.000000e+00 : f32
    %logistic3A_41 = vector.broadcast %logistic3A_40 : f32 to vector<3200x128xf32>
    %logistic3A_42 = arith.addf %logistic3A_41, %logistic3A_39 : vector<3200x128xf32>
    %logistic3A_43 = arith.divf %logistic3A_41, %logistic3A_42 : vector<3200x128xf32>
    %mul3A_44 = arith.mulf %add3A_38, %logistic3A_43 : vector<3200x128xf32>
    %get3A_45 = arith.constant 0 : index
    %get3A_46 = arith.constant 0 : index
    %get3A_47 = vector.load %arg8[%get3A_45, %get3A_46] : memref<128x128xf32, #tpu.memory_space<vmem>>, vector<128x128xf32>
    %dot_general3A_48 = arith.constant dense<0.000000e+00> : vector<3200x128xf32>
    %dot_general3A_49 = tpu.matmul %mul3A_44, %get3A_47, %dot_general3A_48 {dimension_numbers = #tpu.dot_dimension_numbers<[1], [0], [0], [1], [0, 0, 1, 1], [], []>, transpose_lhs_hint = false} : vector<3200x128xf32>, vector<128x128xf32>, vector<3200x128xf32> -> vector<3200x128xf32>
    %get3A_50 = arith.constant 0 : index
    %get3A_51 = vector.load %arg9[%get3A_50] : memref<128xf32, #tpu.memory_space<vmem>>, vector<128xf32>
    %broadcast_in_dim3A_52 = vector.shape_cast %get3A_51 : vector<128xf32> to vector<1x128xf32>
    %add3A_53 = vector.broadcast %broadcast_in_dim3A_52 : vector<1x128xf32> to vector<3200x128xf32>
    %add3A_54 = arith.addf %dot_general3A_49, %add3A_53 : vector<3200x128xf32>
    %logistic3A_55 = arith.negf %add3A_54 : vector<3200x128xf32>
    %logistic3A_56 = math.exp %logistic3A_55 : vector<3200x128xf32>
    %logistic3A_57 = arith.constant 1.000000e+00 : f32
    %logistic3A_58 = vector.broadcast %logistic3A_57 : f32 to vector<3200x128xf32>
    %logistic3A_59 = arith.addf %logistic3A_58, %logistic3A_56 : vector<3200x128xf32>
    %logistic3A_60 = arith.divf %logistic3A_58, %logistic3A_59 : vector<3200x128xf32>
    %mul3A_61 = arith.mulf %add3A_54, %logistic3A_60 : vector<3200x128xf32>
    %swap3A = arith.constant 0 : index
    %swap3A_62 = arith.constant 0 : index
    %swap3A_63 = vector.load %arg10[%swap3A, %swap3A_62] : memref<3200x128xf32, #tpu.memory_space<vmem>>, vector<3200x128xf32>
    tpu.vector_store %arg10[%swap3A, %swap3A_62], %mul3A_61 {strides = array<i32>} : memref<3200x128xf32, #tpu.memory_space<vmem>>, vector<3200x128xf32>,
    return
  }
  func.func @transform_1(%arg0: i32) -> (i32, i32) {
    %c0_i32 = arith.constant 0 : i32
    %c0_i32_0 = arith.constant 0 : i32
    return %arg0, %c0_i32 : i32, i32
  }
  func.func @transform_2(%arg0: i32) -> (i32, i32) {
    %add3A = arith.constant 60 : i32
    %add3A_0 = arith.addi %add3A, %arg0 : i32
    %c0_i32 = arith.constant 0 : i32
    %c0_i32_1 = arith.constant 0 : i32
    return %c0_i32, %add3A_0 : i32, i32
  }
  func.func @transform_3(%arg0: i32) -> (i32, i32) {
    %c0_i32 = arith.constant 0 : i32
    %c0_i32_0 = arith.constant 0 : i32
    %c0_i32_1 = arith.constant 0 : i32
    return %c0_i32, %c0_i32_0 : i32, i32
  }
  func.func @transform_4(%arg0: i32) -> i32 {
    %c0_i32 = arith.constant 0 : i32
    %c0_i32_0 = arith.constant 0 : i32
    return %c0_i32 : i32
  }
  func.func @transform_5(%arg0: i32) -> i32 {
    %c0_i32 = arith.constant 0 : i32
    %c0_i32_0 = arith.constant 0 : i32
    return %c0_i32 : i32
  }
  func.func @transform_6(%arg0: i32) -> i32 {
    %c0_i32 = arith.constant 0 : i32
    %c0_i32_0 = arith.constant 0 : i32
    return %c0_i32 : i32
  }
  func.func @transform_7(%arg0: i32) -> (i32, i32) {
    %c0_i32 = arith.constant 0 : i32
    %c0_i32_0 = arith.constant 0 : i32
    %c0_i32_1 = arith.constant 0 : i32
    return %c0_i32, %c0_i32_0 : i32, i32
  }
  func.func @transform_8(%arg0: i32) -> i32 {
    %c0_i32 = arith.constant 0 : i32
    %c0_i32_0 = arith.constant 0 : i32
    return %c0_i32 : i32
  }
  func.func @transform_9(%arg0: i32) -> (i32, i32) {
    %add3A = arith.constant 60 : i32
    %add3A_0 = arith.addi %add3A, %arg0 : i32
    %c0_i32 = arith.constant 0 : i32
    %c0_i32_1 = arith.constant 0 : i32
    return %add3A_0, %c0_i32 : i32, i32
  }
}

module attributes {stable_mosaic.version = 14 : i64} {
  func.func @_edge_mlp_body(%arg0: i32, %arg1: memref<320000x128xf32, #tpu.memory_space<any>>, %arg2: memref<3200x128xf32, #tpu.memory_space<vmem>>, %arg3: memref<16x3200xf32, #tpu.memory_space<vmem>>, %arg4: memref<16x128xf32, #tpu.memory_space<vmem>>, %arg5: memref<128xf32, #tpu.memory_space<vmem>>, %arg6: memref<128xf32, #tpu.memory_space<vmem>>, %arg7: memref<128xf32, #tpu.memory_space<vmem>>, %arg8: memref<128x128xf32, #tpu.memory_space<vmem>>, %arg9: memref<128xf32, #tpu.memory_space<vmem>>, %arg10: memref<3200x128xf32, #tpu.memory_space<vmem>>) attributes {dimension_semantics = [#tpu.dimension_semantics<arbitrary>], iteration_bounds = array<i64: 20>, scalar_prefetch = 0 : i64, scratch_operands = 0 : i64, tpu.core_type = #tpu.core_type<tc>, window_params = [{}, {transform_indices = @transform_1, window_bounds = array<i64: 3200, 128>}, {transform_indices = @transform_2, window_bounds = array<i64: 16, 3200>}, {pipeline_mode = #tpu.pipeline_mode<synchronous>, transform_indices = @transform_3, window_bounds = array<i64: 16, 128>}, {pipeline_mode = #tpu.pipeline_mode<synchronous>, transform_indices = @transform_4, window_bounds = array<i64: 128>}, {pipeline_mode = #tpu.pipeline_mode<synchronous>, transform_indices = @transform_5, window_bounds = array<i64: 128>}, {pipeline_mode = #tpu.pipeline_mode<synchronous>, transform_indices = @transform_6, window_bounds = array<i64: 128>}, {pipeline_mode = #tpu.pipeline_mode<synchronous>, transform_indices = @transform_7, window_bounds = array<i64: 128, 128>}, {pipeline_mode = #tpu.pipeline_mode<synchronous>, transform_indices = @transform_8, window_bounds = array<i64: 128>}, {transform_indices = @transform_9, window_bounds = array<i64: 3200, 128>}]} {
    %get3A = arith.constant 0 : index
    %get3A_0 = arith.constant 0 : index
    %get3A_1 = vector.load %arg2[%get3A, %get3A_0] : memref<3200x128xf32, #tpu.memory_space<vmem>>, vector<3200x128xf32>
    %get3A_2 = arith.constant 0 : index
    %get3A_3 = arith.constant 0 : index
    %get3A_4 = vector.load %arg3[%get3A_2, %get3A_3] : memref<16x3200xf32, #tpu.memory_space<vmem>>, vector<16x3200xf32>
    %get3A_5 = arith.constant 0 : index
    %get3A_6 = arith.constant 0 : index
    %get3A_7 = vector.load %arg4[%get3A_5, %get3A_6] : memref<16x128xf32, #tpu.memory_space<vmem>>, vector<16x128xf32>
    %dot_general3A = arith.constant dense<0.000000e+00> : vector<3200x128xf32>
    %dot_general3A_8 = tpu.matmul %get3A_4, %get3A_7, %dot_general3A {dimension_numbers = #tpu.dot_dimension_numbers<[0], [0], [1], [1], [0, 1, 1, 1], [], []>, transpose_lhs_hint = false} : vector<16x3200xf32>, vector<16x128xf32>, vector<3200x128xf32> -> vector<3200x128xf32>
    %add3A = arith.addf %get3A_1, %dot_general3A_8 : vector<3200x128xf32>
    %get3A_9 = arith.constant 0 : index
    %get3A_10 = vector.load %arg5[%get3A_9] : memref<128xf32, #tpu.memory_space<vmem>>, vector<128xf32>
    %broadcast_in_dim3A = vector.shape_cast %get3A_10 : vector<128xf32> to vector<1x128xf32>
    %add3A_11 = vector.broadcast %broadcast_in_dim3A : vector<1x128xf32> to vector<3200x128xf32>
    %add3A_12 = arith.addf %add3A, %add3A_11 : vector<3200x128xf32>
    %reduce_sum3A = arith.constant dense<0.000000e+00> : vector<3200xf32>
    %reduce_sum3A_13 = vector.multi_reduction <add>, %add3A_12, %reduce_sum3A [1] : vector<3200x128xf32> to vector<3200xf32>
    %broadcast_in_dim3A_14 = vector.shape_cast %reduce_sum3A_13 : vector<3200xf32> to vector<3200x1xf32>
    %div3A = arith.constant 1.280000e+02 : f32
    %div3A_15 = vector.broadcast %div3A : f32 to vector<3200x1xf32>
    %div3A_16 = arith.divf %broadcast_in_dim3A_14, %div3A_15 : vector<3200x1xf32>
    %sub3A = vector.broadcast %div3A_16 : vector<3200x1xf32> to vector<3200x128xf32>
    %sub3A_17 = arith.subf %add3A_12, %sub3A : vector<3200x128xf32>
    %mul3A = arith.mulf %sub3A_17, %sub3A_17 : vector<3200x128xf32>
    %reduce_sum3A_18 = arith.constant dense<0.000000e+00> : vector<3200xf32>
    %reduce_sum3A_19 = vector.multi_reduction <add>, %mul3A, %reduce_sum3A_18 [1] : vector<3200x128xf32> to vector<3200xf32>
    %broadcast_in_dim3A_20 = vector.shape_cast %reduce_sum3A_19 : vector<3200xf32> to vector<3200x1xf32>
    %div3A_21 = arith.constant 1.280000e+02 : f32
    %div3A_22 = vector.broadcast %div3A_21 : f32 to vector<3200x1xf32>
    %div3A_23 = arith.divf %broadcast_in_dim3A_20, %div3A_22 : vector<3200x1xf32>
    %add3A_24 = arith.constant 9.99999974E-6 : f32
    %add3A_25 = vector.broadcast %add3A_24 : f32 to vector<3200x1xf32>
    %add3A_26 = arith.addf %div3A_23, %add3A_25 : vector<3200x1xf32>
    %sqrt3A = math.sqrt %add3A_26 : vector<3200x1xf32>
    %div3A_27 = vector.broadcast %sqrt3A : vector<3200x1xf32> to vector<3200x128xf32>
    %div3A_28 = arith.divf %sub3A_17, %div3A_27 : vector<3200x128xf32>
    %get3A_29 = arith.constant 0 : index
    %get3A_30 = vector.load %arg6[%get3A_29] : memref<128xf32, #tpu.memory_space<vmem>>, vector<128xf32>
    %broadcast_in_dim3A_31 = vector.shape_cast %get3A_30 : vector<128xf32> to vector<1x128xf32>
    %mul3A_32 = vector.broadcast %broadcast_in_dim3A_31 : vector<1x128xf32> to vector<3200x128xf32>
    %mul3A_33 = arith.mulf %div3A_28, %mul3A_32 : vector<3200x128xf32>
    %get3A_34 = arith.constant 0 : index
    %get3A_35 = vector.load %arg7[%get3A_34] : memref<128xf32, #tpu.memory_space<vmem>>, vector<128xf32>
    %broadcast_in_dim3A_36 = vector.shape_cast %get3A_35 : vector<128xf32> to vector<1x128xf32>
    %add3A_37 = vector.broadcast %broadcast_in_dim3A_36 : vector<1x128xf32> to vector<3200x128xf32>
    %add3A_38 = arith.addf %mul3A_33, %add3A_37 : vector<3200x128xf32>
    %logistic3A = arith.negf %add3A_38 : vector<3200x128xf32>
    %logistic3A_39 = math.exp %logistic3A : vector<3200x128xf32>
    %logistic3A_40 = arith.constant 1.000000e+00 : f32
    %logistic3A_41 = vector.broadcast %logistic3A_40 : f32 to vector<3200x128xf32>
    %logistic3A_42 = arith.addf %logistic3A_41, %logistic3A_39 : vector<3200x128xf32>
    %logistic3A_43 = arith.divf %logistic3A_41, %logistic3A_42 : vector<3200x128xf32>
    %mul3A_44 = arith.mulf %add3A_38, %logistic3A_43 : vector<3200x128xf32>
    %get3A_45 = arith.constant 0 : index
    %get3A_46 = arith.constant 0 : index
    %get3A_47 = vector.load %arg8[%get3A_45, %get3A_46] : memref<128x128xf32, #tpu.memory_space<vmem>>, vector<128x128xf32>
    %dot_general3A_48 = arith.constant dense<0.000000e+00> : vector<3200x128xf32>
    %dot_general3A_49 = tpu.matmul %mul3A_44, %get3A_47, %dot_general3A_48 {dimension_numbers = #tpu.dot_dimension_numbers<[1], [0], [0], [1], [0, 0, 1, 1], [], []>, transpose_lhs_hint = false} : vector<3200x128xf32>, vector<128x128xf32>, vector<3200x128xf32> -> vector<3200x128xf32>
    %get3A_50 = arith.constant 0 : index
    %get3A_51 = vector.load %arg9[%get3A_50] : memref<128xf32, #tpu.memory_space<vmem>>, vector<128xf32>
    %broadcast_in_dim3A_52 = vector.shape_cast %get3A_51 : vector<128xf32> to vector<1x128xf32>
    %add3A_53 = vector.broadcast %broadcast_in_dim3A_52 : vector<1x128xf32> to vector<3200x128xf32>
    %add3A_54 = arith.addf %dot_general3A_49, %add3A_53 : vector<3200x128xf32>
    %logistic3A_55 = arith.negf %add3A_54 : vector<3200x128xf32>
    %logistic3A_56 = math.exp %logistic3A_55 : vector<3200x128xf32>
    %logistic3A_57 = arith.constant 1.000000e+00 : f32
    %logistic3A_58 = vector.broadcast %logistic3A_57 : f32 to vector<3200x128xf32>
    %logistic3A_59 = arith.addf %logistic3A_58, %logistic3A_56 : vector<3200x128xf32>
    %logistic3A_60 = arith.divf %logistic3A_58, %logistic3A_59 : vector<3200x128xf32>
    %mul3A_61 = arith.mulf %add3A_54, %logistic3A_60 : vector<3200x128xf32>
    %swap3A = arith.constant 0 : index
    %swap3A_62 = arith.constant 0 : index
    %swap3A_63 = vector.load %arg10[%swap3A, %swap3A_62] : memref<3200x128xf32, #tpu.memory_space<vmem>>, vector<3200x128xf32>
    tpu.vector_store %arg10[%swap3A, %swap3A_62], %mul3A_61 {strides = array<i32>} : memref<3200x128xf32, #tpu.memory_space<vmem>>, vector<3200x128xf32>,
    return
  }
  func.func @transform_1(%arg0: i32) -> (i32, i32) {
    %c0_i32 = arith.constant 0 : i32
    %c0_i32_0 = arith.constant 0 : i32
    return %arg0, %c0_i32 : i32, i32
  }
  func.func @transform_2(%arg0: i32) -> (i32, i32) {
    %add3A = arith.constant 80 : i32
    %add3A_0 = arith.addi %add3A, %arg0 : i32
    %c0_i32 = arith.constant 0 : i32
    %c0_i32_1 = arith.constant 0 : i32
    return %c0_i32, %add3A_0 : i32, i32
  }
  func.func @transform_3(%arg0: i32) -> (i32, i32) {
    %c0_i32 = arith.constant 0 : i32
    %c0_i32_0 = arith.constant 0 : i32
    %c0_i32_1 = arith.constant 0 : i32
    return %c0_i32, %c0_i32_0 : i32, i32
  }
  func.func @transform_4(%arg0: i32) -> i32 {
    %c0_i32 = arith.constant 0 : i32
    %c0_i32_0 = arith.constant 0 : i32
    return %c0_i32 : i32
  }
  func.func @transform_5(%arg0: i32) -> i32 {
    %c0_i32 = arith.constant 0 : i32
    %c0_i32_0 = arith.constant 0 : i32
    return %c0_i32 : i32
  }
  func.func @transform_6(%arg0: i32) -> i32 {
    %c0_i32 = arith.constant 0 : i32
    %c0_i32_0 = arith.constant 0 : i32
    return %c0_i32 : i32
  }
  func.func @transform_7(%arg0: i32) -> (i32, i32) {
    %c0_i32 = arith.constant 0 : i32
    %c0_i32_0 = arith.constant 0 : i32
    %c0_i32_1 = arith.constant 0 : i32
    return %c0_i32, %c0_i32_0 : i32, i32
  }
  func.func @transform_8(%arg0: i32) -> i32 {
    %c0_i32 = arith.constant 0 : i32
    %c0_i32_0 = arith.constant 0 : i32
    return %c0_i32 : i32
  }
  func.func @transform_9(%arg0: i32) -> (i32, i32) {
    %add3A = arith.constant 80 : i32
    %add3A_0 = arith.addi %add3A, %arg0 : i32
    %c0_i32 = arith.constant 0 : i32
    %c0_i32_1 = arith.constant 0 : i32
    return %add3A_0, %c0_i32 : i32, i32
  }
}

module attributes {stable_mosaic.version = 14 : i64} {
  func.func @_node_mlp_body(%arg0: i32, %arg1: memref<1000x128xf32, #tpu.memory_space<vmem>>, %arg2: memref<1000x128xf32, #tpu.memory_space<vmem>>, %arg3: memref<1000x128xf32, #tpu.memory_space<vmem>>, %arg4: memref<128x128xf32, #tpu.memory_space<vmem>>, %arg5: memref<128x128xf32, #tpu.memory_space<vmem>>, %arg6: memref<128xf32, #tpu.memory_space<vmem>>, %arg7: memref<128xf32, #tpu.memory_space<vmem>>, %arg8: memref<128xf32, #tpu.memory_space<vmem>>, %arg9: memref<128x128xf32, #tpu.memory_space<vmem>>, %arg10: memref<128xf32, #tpu.memory_space<vmem>>, %arg11: memref<1000x128xf32, #tpu.memory_space<vmem>>) attributes {dimension_semantics = [#tpu.dimension_semantics<arbitrary>], iteration_bounds = array<i64: 10>, scalar_prefetch = 0 : i64, scratch_operands = 0 : i64, tpu.core_type = #tpu.core_type<tc>, window_params = [{transform_indices = @transform_0, window_bounds = array<i64: 1000, 128>}, {transform_indices = @transform_1, window_bounds = array<i64: 1000, 128>}, {transform_indices = @transform_2, window_bounds = array<i64: 1000, 128>}, {pipeline_mode = #tpu.pipeline_mode<synchronous>, transform_indices = @transform_3, window_bounds = array<i64: 128, 128>}, {pipeline_mode = #tpu.pipeline_mode<synchronous>, transform_indices = @transform_4, window_bounds = array<i64: 128, 128>}, {pipeline_mode = #tpu.pipeline_mode<synchronous>, transform_indices = @transform_5, window_bounds = array<i64: 128>}, {pipeline_mode = #tpu.pipeline_mode<synchronous>, transform_indices = @transform_6, window_bounds = array<i64: 128>}, {pipeline_mode = #tpu.pipeline_mode<synchronous>, transform_indices = @transform_7, window_bounds = array<i64: 128>}, {pipeline_mode = #tpu.pipeline_mode<synchronous>, transform_indices = @transform_8, window_bounds = array<i64: 128, 128>}, {pipeline_mode = #tpu.pipeline_mode<synchronous>, transform_indices = @transform_9, window_bounds = array<i64: 128>}, {transform_indices = @transform_10, window_bounds = array<i64: 1000, 128>}]} {
    %get3A = arith.constant 0 : index
    %get3A_0 = arith.constant 0 : index
    %get3A_1 = vector.load %arg1[%get3A, %get3A_0] : memref<1000x128xf32, #tpu.memory_space<vmem>>, vector<1000x128xf32>
    %get3A_2 = arith.constant 0 : index
    %get3A_3 = arith.constant 0 : index
    %get3A_4 = vector.load %arg2[%get3A_2, %get3A_3] : memref<1000x128xf32, #tpu.memory_space<vmem>>, vector<1000x128xf32>
    %get3A_5 = arith.constant 0 : index
    %get3A_6 = arith.constant 0 : index
    %get3A_7 = vector.load %arg3[%get3A_5, %get3A_6] : memref<1000x128xf32, #tpu.memory_space<vmem>>, vector<1000x128xf32>
    %add3A = arith.addf %get3A_4, %get3A_7 : vector<1000x128xf32>
    %mul3A = arith.constant 0.00999999977 : f32
    %mul3A_8 = vector.broadcast %mul3A : f32 to vector<1000x128xf32>
    %mul3A_9 = arith.mulf %add3A, %mul3A_8 : vector<1000x128xf32>
    %get3A_10 = arith.constant 0 : index
    %get3A_11 = arith.constant 0 : index
    %get3A_12 = vector.load %arg4[%get3A_10, %get3A_11] : memref<128x128xf32, #tpu.memory_space<vmem>>, vector<128x128xf32>
    %dot_general3A = arith.constant dense<0.000000e+00> : vector<1000x128xf32>
    %dot_general3A_13 = tpu.matmul %get3A_1, %get3A_12, %dot_general3A {dimension_numbers = #tpu.dot_dimension_numbers<[1], [0], [0], [1], [0, 0, 1, 1], [], []>, transpose_lhs_hint = false} : vector<1000x128xf32>, vector<128x128xf32>, vector<1000x128xf32> -> vector<1000x128xf32>
    %get3A_14 = arith.constant 0 : index
    %get3A_15 = arith.constant 0 : index
    %get3A_16 = vector.load %arg5[%get3A_14, %get3A_15] : memref<128x128xf32, #tpu.memory_space<vmem>>, vector<128x128xf32>
    %dot_general3A_17 = arith.constant dense<0.000000e+00> : vector<1000x128xf32>
    %dot_general3A_18 = tpu.matmul %mul3A_9, %get3A_16, %dot_general3A_17 {dimension_numbers = #tpu.dot_dimension_numbers<[1], [0], [0], [1], [0, 0, 1, 1], [], []>, transpose_lhs_hint = false} : vector<1000x128xf32>, vector<128x128xf32>, vector<1000x128xf32> -> vector<1000x128xf32>
    %add3A_19 = arith.addf %dot_general3A_13, %dot_general3A_18 : vector<1000x128xf32>
    %get3A_20 = arith.constant 0 : index
    %get3A_21 = vector.load %arg6[%get3A_20] : memref<128xf32, #tpu.memory_space<vmem>>, vector<128xf32>
    %broadcast_in_dim3A = vector.shape_cast %get3A_21 : vector<128xf32> to vector<1x128xf32>
    %add3A_22 = vector.broadcast %broadcast_in_dim3A : vector<1x128xf32> to vector<1000x128xf32>
    %add3A_23 = arith.addf %add3A_19, %add3A_22 : vector<1000x128xf32>
    %reduce_sum3A = arith.constant dense<0.000000e+00> : vector<1000xf32>
    %reduce_sum3A_24 = vector.multi_reduction <add>, %add3A_23, %reduce_sum3A [1] : vector<1000x128xf32> to vector<1000xf32>
    %broadcast_in_dim3A_25 = vector.shape_cast %reduce_sum3A_24 : vector<1000xf32> to vector<1000x1xf32>
    %div3A = arith.constant 1.280000e+02 : f32
    %div3A_26 = vector.broadcast %div3A : f32 to vector<1000x1xf32>
    %div3A_27 = arith.divf %broadcast_in_dim3A_25, %div3A_26 : vector<1000x1xf32>
    %sub3A = vector.broadcast %div3A_27 : vector<1000x1xf32> to vector<1000x128xf32>
    %sub3A_28 = arith.subf %add3A_23, %sub3A : vector<1000x128xf32>
    %mul3A_29 = arith.mulf %sub3A_28, %sub3A_28 : vector<1000x128xf32>
    %reduce_sum3A_30 = arith.constant dense<0.000000e+00> : vector<1000xf32>
    %reduce_sum3A_31 = vector.multi_reduction <add>, %mul3A_29, %reduce_sum3A_30 [1] : vector<1000x128xf32> to vector<1000xf32>
    %broadcast_in_dim3A_32 = vector.shape_cast %reduce_sum3A_31 : vector<1000xf32> to vector<1000x1xf32>
    %div3A_33 = arith.constant 1.280000e+02 : f32
    %div3A_34 = vector.broadcast %div3A_33 : f32 to vector<1000x1xf32>
    %div3A_35 = arith.divf %broadcast_in_dim3A_32, %div3A_34 : vector<1000x1xf32>
    %add3A_36 = arith.constant 9.99999974E-6 : f32
    %add3A_37 = vector.broadcast %add3A_36 : f32 to vector<1000x1xf32>
    %add3A_38 = arith.addf %div3A_35, %add3A_37 : vector<1000x1xf32>
    %sqrt3A = math.sqrt %add3A_38 : vector<1000x1xf32>
    %div3A_39 = vector.broadcast %sqrt3A : vector<1000x1xf32> to vector<1000x128xf32>
    %div3A_40 = arith.divf %sub3A_28, %div3A_39 : vector<1000x128xf32>
    %get3A_41 = arith.constant 0 : index
    %get3A_42 = vector.load %arg7[%get3A_41] : memref<128xf32, #tpu.memory_space<vmem>>, vector<128xf32>
    %broadcast_in_dim3A_43 = vector.shape_cast %get3A_42 : vector<128xf32> to vector<1x128xf32>
    %mul3A_44 = vector.broadcast %broadcast_in_dim3A_43 : vector<1x128xf32> to vector<1000x128xf32>
    %mul3A_45 = arith.mulf %div3A_40, %mul3A_44 : vector<1000x128xf32>
    %get3A_46 = arith.constant 0 : index
    %get3A_47 = vector.load %arg8[%get3A_46] : memref<128xf32, #tpu.memory_space<vmem>>, vector<128xf32>
    %broadcast_in_dim3A_48 = vector.shape_cast %get3A_47 : vector<128xf32> to vector<1x128xf32>
    %add3A_49 = vector.broadcast %broadcast_in_dim3A_48 : vector<1x128xf32> to vector<1000x128xf32>
    %add3A_50 = arith.addf %mul3A_45, %add3A_49 : vector<1000x128xf32>
    %logistic3A = arith.negf %add3A_50 : vector<1000x128xf32>
    %logistic3A_51 = math.exp %logistic3A : vector<1000x128xf32>
    %logistic3A_52 = arith.constant 1.000000e+00 : f32
    %logistic3A_53 = vector.broadcast %logistic3A_52 : f32 to vector<1000x128xf32>
    %logistic3A_54 = arith.addf %logistic3A_53, %logistic3A_51 : vector<1000x128xf32>
    %logistic3A_55 = arith.divf %logistic3A_53, %logistic3A_54 : vector<1000x128xf32>
    %mul3A_56 = arith.mulf %add3A_50, %logistic3A_55 : vector<1000x128xf32>
    %get3A_57 = arith.constant 0 : index
    %get3A_58 = arith.constant 0 : index
    %get3A_59 = vector.load %arg9[%get3A_57, %get3A_58] : memref<128x128xf32, #tpu.memory_space<vmem>>, vector<128x128xf32>
    %dot_general3A_60 = arith.constant dense<0.000000e+00> : vector<1000x128xf32>
    %dot_general3A_61 = tpu.matmul %mul3A_56, %get3A_59, %dot_general3A_60 {dimension_numbers = #tpu.dot_dimension_numbers<[1], [0], [0], [1], [0, 0, 1, 1], [], []>, transpose_lhs_hint = false} : vector<1000x128xf32>, vector<128x128xf32>, vector<1000x128xf32> -> vector<1000x128xf32>
    %add3A_62 = arith.addf %get3A_1, %dot_general3A_61 : vector<1000x128xf32>
    %get3A_63 = arith.constant 0 : index
    %get3A_64 = vector.load %arg10[%get3A_63] : memref<128xf32, #tpu.memory_space<vmem>>, vector<128xf32>
    %broadcast_in_dim3A_65 = vector.shape_cast %get3A_64 : vector<128xf32> to vector<1x128xf32>
    %add3A_66 = vector.broadcast %broadcast_in_dim3A_65 : vector<1x128xf32> to vector<1000x128xf32>
    %add3A_67 = arith.addf %add3A_62, %add3A_66 : vector<1000x128xf32>
    %swap3A = arith.constant 0 : index
    %swap3A_68 = arith.constant 0 : index
    %swap3A_69 = vector.load %arg11[%swap3A, %swap3A_68] : memref<1000x128xf32, #tpu.memory_space<vmem>>, vector<1000x128xf32>
    tpu.vector_store %arg11[%swap3A, %swap3A_68], %add3A_67 {strides = array<i32>} : memref<1000x128xf32, #tpu.memory_space<vmem>>, vector<1000x128xf32>,
    return
  }
  func.func @transform_0(%arg0: i32) -> (i32, i32) {
    %c0_i32 = arith.constant 0 : i32
    %c0_i32_0 = arith.constant 0 : i32
    return %arg0, %c0_i32 : i32, i32
  }
  func.func @transform_1(%arg0: i32) -> (i32, i32) {
    %c0_i32 = arith.constant 0 : i32
    %c0_i32_0 = arith.constant 0 : i32
    return %arg0, %c0_i32 : i32, i32
  }
  func.func @transform_2(%arg0: i32) -> (i32, i32) {
    %c0_i32 = arith.constant 0 : i32
    %c0_i32_0 = arith.constant 0 : i32
    return %arg0, %c0_i32 : i32, i32
  }
  func.func @transform_3(%arg0: i32) -> (i32, i32) {
    %c0_i32 = arith.constant 0 : i32
    %c0_i32_0 = arith.constant 0 : i32
    %c0_i32_1 = arith.constant 0 : i32
    return %c0_i32, %c0_i32_0 : i32, i32
  }
  func.func @transform_4(%arg0: i32) -> (i32, i32) {
    %c0_i32 = arith.constant 0 : i32
    %c0_i32_0 = arith.constant 0 : i32
    %c0_i32_1 = arith.constant 0 : i32
    return %c0_i32, %c0_i32_0 : i32, i32
  }
  func.func @transform_5(%arg0: i32) -> i32 {
    %c0_i32 = arith.constant 0 : i32
    %c0_i32_0 = arith.constant 0 : i32
    return %c0_i32 : i32
  }
  func.func @transform_6(%arg0: i32) -> i32 {
    %c0_i32 = arith.constant 0 : i32
    %c0_i32_0 = arith.constant 0 : i32
    return %c0_i32 : i32
  }
  func.func @transform_7(%arg0: i32) -> i32 {
    %c0_i32 = arith.constant 0 : i32
    %c0_i32_0 = arith.constant 0 : i32
    return %c0_i32 : i32
  }
  func.func @transform_8(%arg0: i32) -> (i32, i32) {
    %c0_i32 = arith.constant 0 : i32
    %c0_i32_0 = arith.constant 0 : i32
    %c0_i32_1 = arith.constant 0 : i32
    return %c0_i32, %c0_i32_0 : i32, i32
  }
  func.func @transform_9(%arg0: i32) -> i32 {
    %c0_i32 = arith.constant 0 : i32
    %c0_i32_0 = arith.constant 0 : i32
    return %c0_i32 : i32
  }
  func.func @transform_10(%arg0: i32) -> (i32, i32) {
    %c0_i32 = arith.constant 0 : i32
    %c0_i32_0 = arith.constant 0 : i32
    return %arg0, %c0_i32 : i32, i32
  }
}

</mosaic_0001>

<sc_bundles>
// kernel: kernel.15.cloned.1.call-start
scs
__scs_entry_jumppad:
0x0: {  	(pc) =	sbr.rel $0x88, $3  }
0x1: {  	(tag) =	ssettag $0x0;
	lr =	simm.s32 $0x1  }
0x2: {  	[smem:$0x3F92] =	sst lr;
	_ =	strace $0xD0000000  }
0x3: {  	_ = 	snop  }
0x4: {  	_ = 	snop  }
0x5: {  	_ = 	snop  }
0x6: {  	_ = 	snop  }
0x7: {  	_ = 	snop  }
__scs_overlays_trampoline_lowered:
0x8: {  	[smem:$0x3FA1] =	sst s0  }
0x9: {  	[smem:$0x3FA2] =	sst s1  }
0xa: {  	[smem:$0x3FA3] =	sst s2  }
0xb: {  	[smem:$0x3FA4] =	sst s3  }
0xc: {  	[smem:$0x3FA5] =	sst s4  }
0xd: {  	[smem:$0x3FA6] =	sst s5  }
0xe: {  	[smem:$0x3FA7] =	sst s6  }
0xf: {  	[smem:$0x3FA8] =	sst s7  }
0x10: {  	[smem:$0x3FA9] =	sst s8  }
0x11: {  	[smem:$0x3FAA] =	sst s9;
	s0 =	simm.s32 @!p0 $0x0  }
0x12: {  	s1 =	sld [smem:$0x3F90];
	s0 =	simm.s32 @p0 $0x1  }
0x13: {  	[smem:$0x3FAB] =	sst s0;
	s0 =	simm.s32 @!p1 $0x0  }
0x14: {  	s2 =	sld [smem:$0x3F8F];
	s0 =	simm.s32 @p1 $0x1  }
0x15: {  	[smem:$0x3FAC] =	sst s0;
	s0 =	simm.s32 @!p2 $0x0  }
0x16: {  	s3 =	sld [smem:$0x3FDB];
	s0 =	simm.s32 @p2 $0x1  }
0x17: {  	s4 =	simm.s32 $0x1BF5;
	[smem:$0x3FAE] =	sst s0  }
0x18: {  	s0 =	sld [smem:$0x3F91];
	_ =	swait.ge [sflag:s4], $0x0  }
0x19: {  	s7 =	sld [smem:$0x3F92]  }
0x1a: {  	s8 =	sadd.s32 $0xFFFFE003, lr  }
0x1b: {  	s9 =	sadd.s32 $0xFFFFFEF7, lr;
	s5 =	simm.s32 $0xFFFFFFFF;
	p2 =	slt.u32 s8, $0xFFFFF086  }
0x1c: {  	p1 =	slt.u32 s9, $0xF7A;
	s5 =	simm.s32 @!p2 $0x0  }
0x1d: {  	s5 =	simm.s32 @p1 $0x1;
	p0 =	seq.s32 s7, s2  }
0x1e: {  	s7 =	smul.u32 @!p0 $0xF7A, s2;
	p2 =	seq.s32 @!p0 s5, $0x0  }
0x1f: {  	s9 =	smul.u32 $0xF7A, s1;
	s8 =	simm.s32 @!p0 $0x1BF5;
	p2 =	por !p2, p0  }
0x20: {  	[sflag:s8] =	ssyncset.s32 @!p0 $0xFFFFF086;
	s6 =	sadd.s32 @!p0 s3, s7;
	s7 =	simm.s32 @!p0 $0x108  }
0x21: {  	s3 =	sadd.s32 s3, s9;
	s6 =	sadd.s32 @!p0 $0x88, s6;
	s7 =	simm.s32 @p2 $0x1082  }
0x22: {  	[simem:s7], [sflag:s8] =	dma.local @!p0 [hbm:s6], $0xF7A  }
0x23: {  	s9 =	sor.u32 $0xD0000000, s2;
	s6 =	simm.s32 $0x108;
	_ =	swait.ge @!p0 [sflag:s8], $0x0  }
0x24: {  	s3 =	sadd.s32 $0x88, s3;
	s6 =	simm.s32 @!p1 $0x1082;
	[sflag:s4] =	ssyncset.s32 $0xFFFFF086  }
0x25: {  	[simem:s6], [sflag:s4] =	dma.local [hbm:s3], $0xF7A  }
0x26: {  	[smem:$0x3F92] =	sst s1;
	(tag) =	ssettag s2;
	_ =	strace s9  }
0x27: {  	s1 =	sld [smem:$0x3FA2]  }
0x28: {  	s2 =	sld [smem:$0x3FA3]  }
0x29: {  	s4 =	sld [smem:$0x3FA5]  }
0x2a: {  	p0 =	seq.s32 s5, $0x0;
	s5 =	sld [smem:$0x3FA6]  }
0x2b: {  	s6 =	sld [smem:$0x3FA7]  }
0x2c: {  	s7 =	sld [smem:$0x3FA8]  }
0x2d: {  	s3 =	simm.s32 $0x108;
	s8 =	sld [smem:$0x3FA9]  }
0x2e: {  	s3 =	simm.s32 @!p0 $0x1082;
	s9 =	sld [smem:$0x3FAA]  }
0x2f: {  	lr =	sadd.s32 s0, s3;
	s0 =	sld [smem:$0x3FA1]  }
0x30: {  	s3 =	sld [smem:$0x3FA4]  }
0x31: {  	[smem:$0x3FAD] =	sst s10  }
0x32: {  	s10 =	sld [smem:$0x3FAB];
	_ =	sdelay $0x3  }
0x33: {  	p0 =	seq.s32 s10, $0x1;
	s10 =	sld [smem:$0x3FAD];
	_ =	sdelay $0x3  }
0x34: {  	[smem:$0x3FAD] =	sst s10  }
0x35: {  	s10 =	sld [smem:$0x3FAC];
	_ =	sdelay $0x3  }
0x36: {  	p1 =	seq.s32 s10, $0x1;
	s10 =	sld [smem:$0x3FAD];
	_ =	sdelay $0x3  }
0x37: {  	[smem:$0x3FAD] =	sst s10  }
0x38: {  	s10 =	sld [smem:$0x3FAE]  }
0x39: {  	_ = 	snop;
	(pc) =	sbr.ind lr, $3  }
0x3a: {  	_ = 	snop  }
0x3b: {  	_ = 	snop  }
0x3c: {  	p2 =	seq.s32 s10, $0x1;
	s10 =	sld [smem:$0x3FAD]  }
0x3d: {  	_ =	shalt  }
0x3e: {  	_ =	shalt  }
0x3f: {  	_ =	shalt  }
0x40: {  	_ =	shalt  }
0x41: {  	_ =	shalt  }
0x42: {  	_ =	shalt  }
0x43: {  	_ =	shalt  }
0x44: {  	_ =	shalt  }
0x45: {  	_ =	shalt  }
0x46: {  	_ =	shalt  }
0x47: {  	_ =	shalt  }
0x48: {  	_ =	shalt  }
0x49: {  	_ =	shalt  }
0x4a: {  	_ =	shalt  }
0x4b: {  	_ =	shalt  }
0x4c: {  	_ =	shalt  }
0x4d: {  	_ =	shalt  }
0x4e: {  	_ =	shalt  }
0x4f: {  	_ =	shalt  }
0x50: {  	_ =	shalt  }
0x51: {  	_ =	shalt  }
0x52: {  	_ =	shalt  }
0x53: {  	_ =	shalt  }
0x54: {  	_ =	shalt  }
0x55: {  	_ =	shalt  }
0x56: {  	_ =	shalt  }
0x57: {  	_ =	shalt  }
0x58: {  	_ =	shalt  }
0x59: {  	_ =	shalt  }
0x5a: {  	_ =	shalt  }
0x5b: {  	_ =	shalt  }
0x5c: {  	_ =	shalt  }
0x5d: {  	_ =	shalt  }
0x5e: {  	_ =	shalt  }
0x5f: {  	_ =	shalt  }
0x60: {  	_ =	shalt  }
0x61: {  	_ =	shalt  }
0x62: {  	_ =	shalt  }
0x63: {  	_ =	shalt  }
0x64: {  	_ =	shalt  }
0x65: {  	_ =	shalt  }
0x66: {  	_ =	shalt  }
0x67: {  	_ =	shalt  }
0x68: {  	_ =	shalt  }
0x69: {  	_ =	shalt  }
0x6a: {  	_ =	shalt  }
0x6b: {  	_ =	shalt  }
0x6c: {  	_ =	shalt  }
0x6d: {  	_ =	shalt  }
0x6e: {  	_ =	shalt  }
0x6f: {  	_ =	shalt  }
0x70: {  	_ =	shalt  }
0x71: {  	_ =	shalt  }
0x72: {  	_ =	shalt  }
0x73: {  	_ =	shalt  }
0x74: {  	_ =	shalt  }
0x75: {  	_ =	shalt  }
0x76: {  	_ =	shalt  }
0x77: {  	_ =	shalt  }
0x78: {  	_ =	shalt  }
0x79: {  	_ =	shalt  }
0x7a: {  	_ =	shalt  }
0x7b: {  	_ =	shalt  }
0x7c: {  	_ =	shalt  }
0x7d: {  	_ =	shalt  }
0x7e: {  	_ =	shalt  }
0x7f: {  	_ =	shalt  }
0x80: {  	_ =	shalt  }
0x81: {  	_ =	shalt  }
0x82: {  	_ =	shalt  }
0x83: {  	_ =	shalt  }
0x84: {  	_ =	shalt  }
0x85: {  	_ =	shalt  }
0x86: {  	_ =	shalt  }
0x87: {  	_ =	shalt  }
.Lfunc_end0:
.L_simem_size_0:
called_computation_lowered:
.L_overlay_start_0:
0x88: {  	s2 =	sld [smem:$0x3FD9]  }
0x89: {  	s3 =	sld [smem:$0x3FFE];
	_ =	sdelay $0x1  }
0x8a: {  	s1 =	srdreg.scid  }
0x8b: {  	s0 =	sand.u32 $0x1, s1  }
0x8c: {  	s14 =	sshll.u32 s0, $0xA;
	s2 =	sadd.s32 s3, s2  }
0x8d: {  	s2 =	sadd.s32 s2, s14  }
0x8e: {  	[smem:$0x3FB9] =	sst s2  }
0x8f: {  	_ = 	snop  }
0x90: {  	s2 =	sld [smem:$0x3FD0];
	_ =	sdelay $0x2  }
0x91: {  	s15 =	simm.s32 $0xE;
	s4 =	simm.s32 $0x10  }
0x92: {  	[smem:s4], [sflag:s15] =	dma.local [hbm:s2], $0x1  }
0x93: {  	_ =	swait.eq [sflag:s15], $0x1  }
0x94: {  	[sflag:s15] =	ssyncset.done $0x0  }
0x95: {  	[sflag:s15] =	ssyncadd.s32 $0xFFFFFFFF  }
0x96: {  	s16 =	sld [smem:$0x10];
	(tm) =	ssettm $0x1  }
0x97: {  	s17 =	sld [smem:$0x3FFB];
	_ =	sdelay $0x3  }
0x98: {  	_ =	strace s17  }
0x99: {  	s3 =	sld [smem:$0x3FFC];
	_ =	sdelay $0x3  }
0x9a: {  	_ =	strace s3  }
0x9b: {  	s3 =	sld [smem:$0x3FFD];
	_ =	sdelay $0x3  }
0x9c: {  	_ =	strace s3  }
0x9d: {  	_ =	strace $0x8FFFFFFF  }
0x9e: {  	s18 =	sld [smem:$0x3FDB];
	_ =	sdelay $0x1  }
0x9f: {  	s19 =	simm.s32 $_scs_section_size  }
0xa0: {  	s5 =	simm.s32 $_size__tile_overlayer_lowered;
	s6 =	simm.s32 $_tile_overlayer_lowered  }
0xa1: {  	s22 =	simm.s32 $0x1BFF;
	s21 =	sshll.u32 s6, $0x1;
	s3 =	sadd.s32 s19, s18  }
0xa2: {  	s7 =	simm.s32 $0x0;
	s20 =	sshll.u32 s5, $0x1;
	s5 =	sadd.s32 s21, s3  }
0xa3: {  	[timem:s7], [sflag:s22] =	dma.local [hbm:s5], s20  }
0xa4: {  	_ =	swait.ge [sflag:s22], s20  }
0xa5: {  	s4 =	ssub.s32 $0x0, s20;
	[sflag:s22] =	ssyncset.done $0x0  }
0xa6: {  	[sflag:s22] =	ssyncadd.s32 s4;
	_ =	sdelay $0x1  }
0xa7: {  	s23 =	simm.s32 $0x1B8B  }
0xa8: {  	_ =	swait.ge [sflag:s23], $0x1  }
0xa9: {  	[sflag:s23] =	ssyncset.done $0x0  }
0xaa: {  	s25 =	simm.s32 $0x1B8E;
	s24 =	sld [smem:$0x3FFE];
	[sflag:s23] =	ssyncadd.s32 $0xFFFFFFFF  }
0xab: {  	s26 =	simm.s32 $execute0_lowered;
	[smem:$0x3FD2] =	sst s25  }
0xac: {  	s5 =	sshll.u32 s26, $0x1;
	_ =	strace $0x80000046;
	[dreg:$0x1] =	wrdreg $0xFFFFFFFF  }
0xad: {  	s28 =	simm.s32 $_size_execute0_lowered;
	s3 =	sadd.s32 s3, s5;
	[dreg:$0x0] =	wrdreg $0x0  }
0xae: {  	s5 =	sshll.u32 s28, $0x1;
	[dreg:$0x2] =	wrdreg s3  }
0xaf: {  	[dreg:$0x3] =	wrdreg s5  }
0xb0: {  	[dreg:$0x4] =	wrdreg $0xC0  }
0xb1: {  	_ =	task [dreg:s7], $0x5FFFF  }
0xb2: {  	[dreg:$0x1] =	wrdreg $0xFFFFFFFF  }
0xb3: {  	[dreg:$0x0] =	wrdreg $0x60  }
0xb4: {  	[dreg:$0x2] =	wrdreg s16  }
0xb5: {  	[dreg:$0x3] =	wrdreg s24  }
0xb6: {  	[dreg:$0x4] =	wrdreg $0x9  }
0xb7: {  	_ =	task.clear_ibuf [dreg:s7], $0x5FFFF;
	_ =	strace $0x90000046  }
0xb8: {  	s29 =	simm.s32 $0x9;
	_ =	strace $0x80000048  }
0xb9: {  	_ =	swait.ge [sflag:s29], $0x1  }
0xba: {  	[sflag:s29] =	ssyncadd.s32 $0xFFFFFFFF  }
0xbb: {  	_ =	strace $0x90000048  }
0xbc: {  	_ =	sfence  }
0xbd: {  	s30 =	sld [smem:$0x0];
	_ =	sdelay $0x2  }
0xbe: {  	s31 =	sshll.u32 s1, $0xD;
	s1 =	sshrl.u32 s1, $0x2  }
0xbf: {  	s3 =	sand.u32 $0x4000, s31;
	s1 =	sadd.s32 s1, s30  }
0xc0: {  	s0 =	sor.u32 s3, s0;
	s1 =	sshll.u32 s1, $0x11  }
0xc1: {  	s0 =	sor.u32 s1, s0  }
0xc2: {  	s0 =	sadd.s32 $0x8F2B, s0  }
0xc3: {  	[sflag:s0] =	ssyncadd.remote.s32 $0x1  }
0xc4: {  	_ =	sfence.sel $0xFFFF  }
0xc5: {  	[dreg:$0x0] =	wrdreg $0xFFFFFFFF;
	(pc) =	sbr.abs _section_cstart, $3  }
0xc6: {  	[dreg:$0x1] =	wrdreg $0xFFFFFFFF  }
0xc7: {  	_ =	task.clear_ibuf [dreg:s7], $0x2FFFF;
	_ =	strace $0x9FFFFFFF  }
0xc8: {  	(tm) =	ssettm $0x7FFFFFFF  }
0xc9: {  	_ =	shalt  }
tec
execute0_lowered:
.L_overlay_start_1:
0x0: {  	(tag) =	ssettag $0x1  }
0x1: {  	s2 =	rddreg [dreg:$0x0]  }
0x2: {  	s0 =	rddreg [dreg:$0x1];
	s8 =	stileid.u32  }
0x3: {  	s1 =	srdreg.scid;
	s3 =	simm.s32 $0x0;
	s28 =	simm.s32 $0x7  }
0x4: {  	s29 =	simm.s32 $0x8;
	s30 =	simm.s32 $0x9;
	s31 =	simm.s32 $0x6  }
0x5: {  	s1 =	sand.u32 $0x1, s1;
	s5 =	smul.u32 $0xFA0, s8;
	[smem:$0x7FF] =	sst s3  }
0x6: {  	s4 =	sadd.s32 $0x18C00, s0;
	s7 =	sadd.s32 $0xEE00, s0;
	s8 =	smul.u32 $0xFA00, s8  }
0x7: {  	s26 =	sadd.s32 $0x5000, s0;
	s6 =	smul.u32 $0x7D0, s1;
	s9 =	ssub.s32 $0x2, s1  }
0x8: {  	_ =	strace $0x80000047;
	s1 =	smul.u32 $0x7D00, s1;
	s10 =	sshrl.u32 s9, $0x1  }
0x9: {  	s0 =	sadd.s32 s8, s0;
	s5 =	sadd.s32 s6, s5;
	s9 =	ssub.s32 s9, s10  }
0xa: {  	s0 =	sadd.s32 s1, s0;
	s1 =	simm.s32 $0x280;
	s11 =	sadd.s32 $0x140, s5  }
0xb: {  	s8 =	smax.u32 s9, $0x1;
	s12 =	sadd.s32 $0xF0, s5;
	s16 =	sadd.s32 $0xA0, s5  }
0xc: {  	s20 =	sadd.s32 $0x50, s5;
	s5 =	sshrl.u32 s5, $0x3;
	s0 =	sadd.s32 $0x41200, s0  }
0xd: {  	s9 =	simm.s32 $0x100;
	s10 =	sshrl.u32 s11, $0x3;
	[dreg:$0xd] =	wrdreg s8  }
0xe: {  	s14 =	sshrl.u32 s12, $0x3;
	s18 =	sshrl.u32 s16, $0x3;
	s22 =	sshrl.u32 s20, $0x3  }
0xf: {  	s25 =	sadd.s32 s5, s26;
	[dreg:$0xe] =	wrdreg s0;
	s8 =	simm.s32 $0x300  }
0x10: {  	s12 =	simm.s32 $0x400;
	s11 =	sadd.s32 s10, s26;
	[dreg:$0xb] =	wrdreg s25  }
0x11: {  	s16 =	simm.s32 $0x1;
	s13 =	sadd.s32 s10, s7;
	[dreg:$0x3] =	wrdreg s11  }
0x12: {  	s20 =	simm.s32 $0x5500;
	s15 =	sadd.s32 s14, s26;
	[dreg:$0x4] =	wrdreg s13  }
0x13: {  	s0 =	simm.s32 $0xA;
	s17 =	sadd.s32 s14, s7;
	[dreg:$0x5] =	wrdreg s15  }
0x14: {  	s19 =	sadd.s32 s18, s26;
	s21 =	sadd.s32 s18, s7;
	[dreg:$0x6] =	wrdreg s17  }
0x15: {  	s23 =	sadd.s32 s22, s26;
	s24 =	sadd.s32 s22, s7;
	[dreg:$0x7] =	wrdreg s19  }
0x16: {  	s26 =	sadd.s32 s5, s7;
	s7 =	simm.s32 $0x80;
	[dreg:$0x8] =	wrdreg s21  }
0x17: {  	s10 =	simm.s32 $0x380;
	s14 =	simm.s32 $0x480;
	[dreg:$0x9] =	wrdreg s23  }
0x18: {  	s18 =	simm.s32 $0x2D00;
	s22 =	simm.s32 $0x7D00;
	[dreg:$0xa] =	wrdreg s24  }
0x19: {  	s25 =	simm.s32 $0x5;
	s5 =	simm.s32 $0x0;
	[dreg:$0xc] =	wrdreg s26  }
0x1a: {  	s11 =	simm.s32 $0x180;
	s13 =	simm.s32 $0x200;
	s17 =	simm.s32 $0x50  }
0x1b: {  	s15 =	simm.s32 $0x500;
	s19 =	simm.s32 $0x2;
	s21 =	simm.s32 $0x3  }
0x1c: {  	s23 =	simm.s32 $0x4;
	s24 =	simm.s32 $0xA500;
	s26 =	simm.s32 $0x6  }
.LBB2_1:
0x1d: {  	[dreg:$0xf] =	wrdreg s5  }
0x1e: {  	s5 =	rddreg [dreg:$0xc]  }
0x1f: {  	s6 =	rddreg [dreg:$0xb];
	s5 =	sadd.s32 $0x0, s5  }
0x20: {  	[tilespmem:s3], [sflag:$0x1] =	stream.linear.gather [hbm4b:s5+s3], $0x50, $0x38;
	[tilespmem:$0xCD00] =	vst v63  }
0x21: {  	s6 =	sadd.s32 $0x0, s6;
	s5 =	rddreg [dreg:$0xa]  }
0x22: {  	[tilespmem:s1], [sflag:$0x6] =	stream.linear.gather [hbm4b:s6+s3], $0x50, $0x38;
	[tilespmem:$0xCD00] =	vst v63  }
0x23: {  	s5 =	sadd.s32 $0x0, s5;
	s6 =	rddreg [dreg:$0x9]  }
0x24: {  	[tilespmem:s7], [sflag:$0x2] =	stream.linear.gather [hbm4b:s5+s3], $0x50, $0x38;
	[tilespmem:$0xCD00] =	vst v63  }
0x25: {  	s6 =	sadd.s32 $0x0, s6;
	s5 =	rddreg [dreg:$0x8]  }
0x26: {  	[tilespmem:s8], [sflag:$0x7] =	stream.linear.gather [hbm4b:s6+s3], $0x50, $0x38;
	[tilespmem:$0xCD00] =	vst v63  }
0x27: {  	s5 =	sadd.s32 $0x0, s5;
	s6 =	rddreg [dreg:$0x7]  }
0x28: {  	[tilespmem:s9], [sflag:$0x3] =	stream.linear.gather [hbm4b:s5+s3], $0x50, $0x38;
	[tilespmem:$0xCD00] =	vst v63  }
0x29: {  	s6 =	sadd.s32 $0x0, s6;
	s5 =	rddreg [dreg:$0x6]  }
0x2a: {  	[tilespmem:s10], [sflag:$0x8] =	stream.linear.gather [hbm4b:s6+s3], $0x50, $0x38;
	[tilespmem:$0xCD00] =	vst v63  }
0x2b: {  	s5 =	sadd.s32 $0x0, s5;
	s6 =	rddreg [dreg:$0x5]  }
0x2c: {  	[tilespmem:s11], [sflag:$0x4] =	stream.linear.gather [hbm4b:s5+s3], $0x50, $0x38;
	[tilespmem:$0xCD00] =	vst v63  }
0x2d: {  	s6 =	sadd.s32 $0x0, s6;
	s5 =	rddreg [dreg:$0x4]  }
0x2e: {  	[tilespmem:s12], [sflag:$0x9] =	stream.linear.gather [hbm4b:s6+s3], $0x50, $0x38;
	[tilespmem:$0xCD00] =	vst v63  }
0x2f: {  	s5 =	sadd.s32 $0x0, s5;
	s6 =	rddreg [dreg:$0x3]  }
0x30: {  	[tilespmem:s13], [sflag:$0x5] =	stream.linear.gather [hbm4b:s5+s3], $0x50, $0x38;
	[tilespmem:$0xCD00] =	vst v63  }
0x31: {  	s6 =	sadd.s32 $0x0, s6  }
0x32: {  	[tilespmem:s14], [sflag:$0xA] =	stream.linear.gather [hbm4b:s6+s3], $0x50, $0x38;
	[tilespmem:$0xCD00] =	vst v63  }
0x33: {  	_ =	swait.ge [sflag:s16], $0x50  }
0x34: {  	[sflag:s16] =	ssyncset.done $0x0  }
0x35: {  	[sflag:s16] =	ssyncadd.s32 $0xFFFFFFB0  }
0x36: {  	[tilespmem:s15], [sflag:$0x1] =	stream.indirect.gather [hbm4b:s2+s17], $0x80, s3, s17, $0xb8;
	[tilespmem:$0xCD00] =	vst v63  }
0x37: {  	_ =	swait.ge [sflag:s19], $0x50  }
0x38: {  	[sflag:s19] =	ssyncset.done $0x0  }
0x39: {  	[sflag:s19] =	ssyncadd.s32 $0xFFFFFFB0  }
0x3a: {  	[tilespmem:s18], [sflag:$0x2] =	stream.indirect.gather [hbm4b:s2+s17], $0x80, s7, s17, $0xb8;
	[tilespmem:$0xCD00] =	vst v63  }
0x3b: {  	_ =	swait.ge [sflag:s21], $0x50  }
0x3c: {  	[sflag:s21] =	ssyncset.done $0x0  }
0x3d: {  	[sflag:s21] =	ssyncadd.s32 $0xFFFFFFB0  }
0x3e: {  	[tilespmem:s20], [sflag:$0x3] =	stream.indirect.gather [hbm4b:s2+s17], $0x80, s9, s17, $0xb8;
	[tilespmem:$0xCD00] =	vst v63  }
0x3f: {  	_ =	swait.ge [sflag:s23], $0x50  }
0x40: {  	[sflag:s23] =	ssyncset.done $0x0  }
0x41: {  	[sflag:s23] =	ssyncadd.s32 $0xFFFFFFB0  }
0x42: {  	[tilespmem:s22], [sflag:$0x4] =	stream.indirect.gather [hbm4b:s2+s17], $0x80, s11, s17, $0xb8;
	[tilespmem:$0xCD00] =	vst v63  }
0x43: {  	_ =	swait.ge [sflag:s25], $0x50  }
0x44: {  	[sflag:s25] =	ssyncset.done $0x0  }
0x45: {  	[sflag:s25] =	ssyncadd.s32 $0xFFFFFFB0  }
0x46: {  	[tilespmem:s24], [sflag:$0x5] =	stream.indirect.gather [hbm4b:s2+s17], $0x80, s13, s17, $0xb8;
	[tilespmem:$0xCD00] =	vst v63  }
0x47: {  	_ =	swait.ge [sflag:s16], $0x2800  }
0x48: {  	[sflag:s16] =	ssyncset.done $0x0  }
0x49: {  	[sflag:s16] =	ssyncadd.s32 $0xFFFFD800  }
0x4a: {  	_ =	swait.ge [sflag:s26], $0x50  }
0x4b: {  	[sflag:s26] =	ssyncset.done $0x0  }
0x4c: {  	[sflag:s26] =	ssyncadd.s32 $0xFFFFFFB0  }
0x4d: {  	[tilespmem:s15], [sflag:$0x1] =	stream.indirect.gather.add.f32 [hbm:s4], $0x80, s1, s17, $0xb8;
	[tilespmem:$0xCD00] =	vst v63  }
0x4e: {  	_ =	swait.ge [sflag:s19], $0x2800  }
0x4f: {  	[sflag:s19] =	ssyncset.done $0x0  }
0x50: {  	[sflag:s19] =	ssyncadd.s32 $0xFFFFD800  }
0x51: {  	_ =	swait.ge [sflag:s28], $0x50  }
0x52: {  	[sflag:s28] =	ssyncset.done $0x0  }
0x53: {  	[sflag:s28] =	ssyncadd.s32 $0xFFFFFFB0  }
0x54: {  	[tilespmem:s18], [sflag:$0x2] =	stream.indirect.gather.add.f32 [hbm:s4], $0x80, s8, s17, $0xb8;
	[tilespmem:$0xCD00] =	vst v63  }
0x55: {  	_ =	swait.ge [sflag:s21], $0x2800  }
0x56: {  	[sflag:s21] =	ssyncset.done $0x0  }
0x57: {  	[sflag:s21] =	ssyncadd.s32 $0xFFFFD800  }
0x58: {  	_ =	swait.ge [sflag:s29], $0x50  }
0x59: {  	[sflag:s29] =	ssyncset.done $0x0  }
0x5a: {  	[sflag:s29] =	ssyncadd.s32 $0xFFFFFFB0  }
0x5b: {  	[tilespmem:s20], [sflag:$0x3] =	stream.indirect.gather.add.f32 [hbm:s4], $0x80, s10, s17, $0xb8;
	[tilespmem:$0xCD00] =	vst v63  }
0x5c: {  	_ =	swait.ge [sflag:s23], $0x2800  }
0x5d: {  	[sflag:s23] =	ssyncset.done $0x0  }
0x5e: {  	[sflag:s23] =	ssyncadd.s32 $0xFFFFD800  }
0x5f: {  	_ =	swait.ge [sflag:s30], $0x50  }
0x60: {  	[sflag:s30] =	ssyncset.done $0x0  }
0x61: {  	[sflag:s30] =	ssyncadd.s32 $0xFFFFFFB0  }
0x62: {  	[tilespmem:s22], [sflag:$0x4] =	stream.indirect.gather.add.f32 [hbm:s4], $0x80, s12, s17, $0xb8;
	[tilespmem:$0xCD00] =	vst v63  }
0x63: {  	_ =	swait.ge [sflag:s25], $0x2800  }
0x64: {  	[sflag:s25] =	ssyncset.done $0x0  }
0x65: {  	[sflag:s25] =	ssyncadd.s32 $0xFFFFD800  }
0x66: {  	_ =	swait.ge [sflag:s0], $0x50  }
0x67: {  	[sflag:s0] =	ssyncset.done $0x0  }
0x68: {  	[sflag:s0] =	ssyncadd.s32 $0xFFFFFFB0  }
0x69: {  	[tilespmem:s24], [sflag:$0x5] =	stream.indirect.gather.add.f32 [hbm:s4], $0x80, s14, s17, $0xb8;
	[tilespmem:$0xCD00] =	vst v63  }
0x6a: {  	_ =	swait.ge [sflag:s16], $0x2800  }
0x6b: {  	[sflag:s16] =	ssyncset.done $0x0;
	s6 =	rddreg [dreg:$0xe]  }
0x6c: {  	[sflag:s16] =	ssyncadd.s32 $0xFFFFD800;
	s14 =	sadd.s32 $0xFFFFEC00, s6  }
0x6d: {  	[hbm4b:s14+s3] =	stream.linear.scatter [tilespmem:s15], [sflag:$0x1], $0x2800, $0x38;
	[tilespmem:$0xCD00] =	vst v63  }
0x6e: {  	_ =	swait.ge [sflag:s19], $0x2800  }
0x6f: {  	[sflag:s19] =	ssyncset.done $0x0  }
0x70: {  	s15 =	sadd.s32 $0xFFFFF100, s6;
	[sflag:s19] =	ssyncadd.s32 $0xFFFFD800  }
0x71: {  	[hbm4b:s15+s3] =	stream.linear.scatter [tilespmem:s18], [sflag:$0x2], $0x2800, $0x38;
	[tilespmem:$0xCD00] =	vst v63  }
0x72: {  	_ =	swait.ge [sflag:s21], $0x2800  }
0x73: {  	[sflag:s21] =	ssyncset.done $0x0  }
0x74: {  	s18 =	sadd.s32 $0xFFFFF600, s6;
	[sflag:s21] =	ssyncadd.s32 $0xFFFFD800  }
0x75: {  	[hbm4b:s18+s3] =	stream.linear.scatter [tilespmem:s20], [sflag:$0x3], $0x2800, $0x38;
	[tilespmem:$0xCD00] =	vst v63  }
0x76: {  	_ =	swait.ge [sflag:s23], $0x2800  }
0x77: {  	[sflag:s23] =	ssyncset.done $0x0  }
0x78: {  	s26 =	sadd.s32 $0xFFFFFB00, s6;
	[sflag:s23] =	ssyncadd.s32 $0xFFFFD800  }
0x79: {  	[hbm4b:s26+s3] =	stream.linear.scatter [tilespmem:s22], [sflag:$0x4], $0x2800, $0x38;
	[tilespmem:$0xCD00] =	vst v63  }
0x7a: {  	_ =	swait.ge [sflag:s25], $0x2800  }
0x7b: {  	[sflag:s25] =	ssyncset.done $0x0  }
0x7c: {  	[sflag:s25] =	ssyncadd.s32 $0xFFFFD800  }
0x7d: {  	[hbm4b:s6+s3] =	stream.linear.scatter [tilespmem:s24], [sflag:$0x5], $0x2800, $0x38;
	[tilespmem:$0xCD00] =	vst v63  }
0x7e: {  	_ =	swait.ge [sflag:s16], $0x2800  }
0x7f: {  	[sflag:s16] =	ssyncset.done $0x0  }
0x80: {  	[sflag:s16] =	ssyncadd.s32 $0xFFFFD800  }
0x81: {  	_ =	swait.ge [sflag:s19], $0x2800  }
0x82: {  	[sflag:s19] =	ssyncset.done $0x0  }
0x83: {  	[sflag:s19] =	ssyncadd.s32 $0xFFFFD800  }
0x84: {  	_ =	swait.ge [sflag:s21], $0x2800  }
0x85: {  	[sflag:s21] =	ssyncset.done $0x0  }
0x86: {  	s5 =	simm.s32 $0x32;
	[sflag:s21] =	ssyncadd.s32 $0xFFFFD800  }
0x87: {  	s11 =	simm.s32 $0x7;
	s28 =	simm.s32 $0x5500;
	_ =	swait.ge [sflag:s23], $0x2800  }
0x88: {  	s29 =	simm.s32 $0x7D00;
	s10 =	simm.s32 $0x8;
	[sflag:s23] =	ssyncset.done $0x0  }
0x89: {  	s30 =	simm.s32 $0xA500;
	s15 =	simm.s32 $0x9;
	[sflag:s23] =	ssyncadd.s32 $0xFFFFD800  }
0x8a: {  	s26 =	simm.s32 $0x2D00;
	s24 =	simm.s32 $0x500;
	_ =	swait.ge [sflag:s25], $0x2800  }
.LBB2_2:
0x8b: {  	s1 =	rddreg [dreg:$0xc];
	s7 =	smov.u32 s5;
	[sflag:s25] =	ssyncset.done $0x0  }
0x8c: {  	s8 =	rddreg [dreg:$0xb];
	s1 =	sadd.s32 s7, s1;
	[sflag:s25] =	ssyncadd.s32 $0xFFFFD800  }
0x8d: {  	[tilespmem:s3], [sflag:$0x1] =	stream.linear.gather [hbm4b:s1+s3], $0x50, $0x38;
	[tilespmem:$0xCD00] =	vst v63  }
0x8e: {  	s9 =	rddreg [dreg:$0xa];
	s22 =	simm.s32 $0x280;
	s8 =	sadd.s32 s7, s8  }
0x8f: {  	[tilespmem:s22], [sflag:$0x6] =	stream.linear.gather [hbm4b:s8+s3], $0x50, $0x38;
	[tilespmem:$0xCD00] =	vst v63  }
0x90: {  	s12 =	rddreg [dreg:$0x9];
	s0 =	simm.s32 $0x80;
	s13 =	sadd.s32 s7, s9  }
0x91: {  	[tilespmem:s0], [sflag:$0x2] =	stream.linear.gather [hbm4b:s13+s3], $0x50, $0x38;
	[tilespmem:$0xCD00] =	vst v63  }
0x92: {  	s14 =	rddreg [dreg:$0x8];
	s18 =	sadd.s32 s7, s12;
	s13 =	simm.s32 $0x300  }
0x93: {  	[tilespmem:s13], [sflag:$0x7] =	stream.linear.gather [hbm4b:s18+s3], $0x50, $0x38;
	[tilespmem:$0xCD00] =	vst v63  }
0x94: {  	s20 =	rddreg [dreg:$0x7];
	s12 =	sadd.s32 s7, s14;
	s18 =	simm.s32 $0x100  }
0x95: {  	[tilespmem:s18], [sflag:$0x3] =	stream.linear.gather [hbm4b:s12+s3], $0x50, $0x38;
	[tilespmem:$0xCD00] =	vst v63  }
0x96: {  	s14 =	rddreg [dreg:$0x6];
	s12 =	sadd.s32 s7, s20;
	s20 =	simm.s32 $0x380  }
0x97: {  	[tilespmem:s20], [sflag:$0x8] =	stream.linear.gather [hbm4b:s12+s3], $0x50, $0x38;
	[tilespmem:$0xCD00] =	vst v63  }
0x98: {  	s14 =	sadd.s32 s7, s14;
	s8 =	rddreg [dreg:$0x5];
	s12 =	simm.s32 $0x180  }
0x99: {  	[tilespmem:s12], [sflag:$0x4] =	stream.linear.gather [hbm4b:s14+s3], $0x50, $0x38;
	[tilespmem:$0xCD00] =	vst v63  }
0x9a: {  	s9 =	rddreg [dreg:$0x4];
	s1 =	sadd.s32 s7, s8;
	s14 =	simm.s32 $0x400  }
0x9b: {  	[tilespmem:s14], [sflag:$0x9] =	stream.linear.gather [hbm4b:s1+s3], $0x50, $0x38;
	[tilespmem:$0xCD00] =	vst v63  }
0x9c: {  	s8 =	rddreg [dreg:$0x3];
	s1 =	sadd.s32 s7, s9;
	s9 =	simm.s32 $0x200  }
0x9d: {  	[tilespmem:s9], [sflag:$0x5] =	stream.linear.gather [hbm4b:s1+s3], $0x50, $0x38;
	[tilespmem:$0xCD00] =	vst v63  }
0x9e: {  	s7 =	sadd.s32 s7, s8;
	s8 =	simm.s32 $0x480  }
0x9f: {  	[tilespmem:s8], [sflag:$0xA] =	stream.linear.gather [hbm4b:s7+s3], $0x50, $0x38;
	[tilespmem:$0xCD00] =	vst v63  }
0xa0: {  	_ =	swait.ge [sflag:s16], $0x50  }
0xa1: {  	[sflag:s16] =	ssyncset.done $0x0  }
0xa2: {  	[sflag:s16] =	ssyncadd.s32 $0xFFFFFFB0  }
0xa3: {  	[tilespmem:s24], [sflag:$0x1] =	stream.indirect.gather [hbm4b:s2+s17], $0x80, s3, s17, $0xb8;
	[tilespmem:$0xCD00] =	vst v63  }
0xa4: {  	_ =	swait.ge [sflag:s19], $0x50  }
0xa5: {  	[sflag:s19] =	ssyncset.done $0x0  }
0xa6: {  	[sflag:s19] =	ssyncadd.s32 $0xFFFFFFB0  }
0xa7: {  	[tilespmem:s26], [sflag:$0x2] =	stream.indirect.gather [hbm4b:s2+s17], $0x80, s0, s17, $0xb8;
	[tilespmem:$0xCD00] =	vst v63  }
0xa8: {  	_ =	swait.ge [sflag:s21], $0x50  }
0xa9: {  	[sflag:s21] =	ssyncset.done $0x0  }
0xaa: {  	[sflag:s21] =	ssyncadd.s32 $0xFFFFFFB0  }
0xab: {  	[tilespmem:s28], [sflag:$0x3] =	stream.indirect.gather [hbm4b:s2+s17], $0x80, s18, s17, $0xb8;
	[tilespmem:$0xCD00] =	vst v63  }
0xac: {  	_ =	swait.ge [sflag:s23], $0x50  }
0xad: {  	[sflag:s23] =	ssyncset.done $0x0  }
0xae: {  	[sflag:s23] =	ssyncadd.s32 $0xFFFFFFB0  }
0xaf: {  	[tilespmem:s29], [sflag:$0x4] =	stream.indirect.gather [hbm4b:s2+s17], $0x80, s12, s17, $0xb8;
	[tilespmem:$0xCD00] =	vst v63  }
0xb0: {  	_ =	swait.ge [sflag:s25], $0x50  }
0xb1: {  	[sflag:s25] =	ssyncset.done $0x0  }
0xb2: {  	[sflag:s25] =	ssyncadd.s32 $0xFFFFFFB0  }
0xb3: {  	[tilespmem:s30], [sflag:$0x5] =	stream.indirect.gather [hbm4b:s2+s17], $0x80, s9, s17, $0xb8;
	[tilespmem:$0xCD00] =	vst v63  }
0xb4: {  	_ =	swait.ge [sflag:s16], $0x2800  }
0xb5: {  	[sflag:s16] =	ssyncset.done $0x0  }
0xb6: {  	[sflag:s16] =	ssyncadd.s32 $0xFFFFD800  }
0xb7: {  	_ =	swait.ge [sflag:s31], $0x50  }
0xb8: {  	[sflag:s31] =	ssyncset.done $0x0  }
0xb9: {  	[sflag:s31] =	ssyncadd.s32 $0xFFFFFFB0  }
0xba: {  	[tilespmem:s24], [sflag:$0x1] =	stream.indirect.gather.add.f32 [hbm:s4], $0x80, s22, s17, $0xb8;
	[tilespmem:$0xCD00] =	vst v63  }
0xbb: {  	_ =	swait.ge [sflag:s19], $0x2800  }
0xbc: {  	[sflag:s19] =	ssyncset.done $0x0  }
0xbd: {  	[sflag:s19] =	ssyncadd.s32 $0xFFFFD800  }
0xbe: {  	_ =	swait.ge [sflag:s11], $0x50  }
0xbf: {  	[sflag:s11] =	ssyncset.done $0x0  }
0xc0: {  	[sflag:s11] =	ssyncadd.s32 $0xFFFFFFB0  }
0xc1: {  	[tilespmem:s26], [sflag:$0x2] =	stream.indirect.gather.add.f32 [hbm:s4], $0x80, s13, s17, $0xb8;
	[tilespmem:$0xCD00] =	vst v63  }
0xc2: {  	_ =	swait.ge [sflag:s21], $0x2800  }
0xc3: {  	[sflag:s21] =	ssyncset.done $0x0  }
0xc4: {  	[sflag:s21] =	ssyncadd.s32 $0xFFFFD800  }
0xc5: {  	_ =	swait.ge [sflag:s10], $0x50  }
0xc6: {  	[sflag:s10] =	ssyncset.done $0x0  }
0xc7: {  	[sflag:s10] =	ssyncadd.s32 $0xFFFFFFB0  }
0xc8: {  	[tilespmem:s28], [sflag:$0x3] =	stream.indirect.gather.add.f32 [hbm:s4], $0x80, s20, s17, $0xb8;
	[tilespmem:$0xCD00] =	vst v63  }
0xc9: {  	_ =	swait.ge [sflag:s23], $0x2800  }
0xca: {  	[sflag:s23] =	ssyncset.done $0x0  }
0xcb: {  	[sflag:s23] =	ssyncadd.s32 $0xFFFFD800  }
0xcc: {  	_ =	swait.ge [sflag:s15], $0x50  }
0xcd: {  	[sflag:s15] =	ssyncset.done $0x0  }
0xce: {  	[sflag:s15] =	ssyncadd.s32 $0xFFFFFFB0  }
0xcf: {  	[tilespmem:s29], [sflag:$0x4] =	stream.indirect.gather.add.f32 [hbm:s4], $0x80, s14, s17, $0xb8;
	[tilespmem:$0xCD00] =	vst v63  }
0xd0: {  	_ =	swait.ge [sflag:s25], $0x2800  }
0xd1: {  	[sflag:s25] =	ssyncset.done $0x0  }
0xd2: {  	s0 =	simm.s32 $0xA;
	[sflag:s25] =	ssyncadd.s32 $0xFFFFD800  }
0xd3: {  	_ =	swait.ge [sflag:s0], $0x50  }
0xd4: {  	[sflag:s0] =	ssyncset.done $0x0  }
0xd5: {  	[sflag:s0] =	ssyncadd.s32 $0xFFFFFFB0  }
0xd6: {  	[tilespmem:s30], [sflag:$0x5] =	stream.indirect.gather.add.f32 [hbm:s4], $0x80, s8, s17, $0xb8;
	[tilespmem:$0xCD00] =	vst v63  }
0xd7: {  	_ =	swait.ge [sflag:s16], $0x2800  }
0xd8: {  	s6 =	sadd.s32 $0x1900, s6;
	[sflag:s16] =	ssyncset.done $0x0  }
0xd9: {  	s14 =	sadd.s32 $0xFFFFEC00, s6;
	[sflag:s16] =	ssyncadd.s32 $0xFFFFD800  }
0xda: {  	[hbm4b:s14+s3] =	stream.linear.scatter [tilespmem:s24], [sflag:$0x1], $0x2800, $0x38;
	[tilespmem:$0xCD00] =	vst v63  }
0xdb: {  	_ =	swait.ge [sflag:s19], $0x2800  }
0xdc: {  	[sflag:s19] =	ssyncset.done $0x0  }
0xdd: {  	s18 =	sadd.s32 $0xFFFFF100, s6;
	[sflag:s19] =	ssyncadd.s32 $0xFFFFD800  }
0xde: {  	[hbm4b:s18+s3] =	stream.linear.scatter [tilespmem:s26], [sflag:$0x2], $0x2800, $0x38;
	[tilespmem:$0xCD00] =	vst v63  }
0xdf: {  	_ =	swait.ge [sflag:s21], $0x2800  }
0xe0: {  	[sflag:s21] =	ssyncset.done $0x0  }
0xe1: {  	s20 =	sadd.s32 $0xFFFFF600, s6;
	[sflag:s21] =	ssyncadd.s32 $0xFFFFD800  }
0xe2: {  	[hbm4b:s20+s3] =	stream.linear.scatter [tilespmem:s28], [sflag:$0x3], $0x2800, $0x38;
	[tilespmem:$0xCD00] =	vst v63  }
0xe3: {  	_ =	swait.ge [sflag:s23], $0x2800  }
0xe4: {  	[sflag:s23] =	ssyncset.done $0x0  }
0xe5: {  	s22 =	sadd.s32 $0xFFFFFB00, s6;
	[sflag:s23] =	ssyncadd.s32 $0xFFFFD800  }
0xe6: {  	[hbm4b:s22+s3] =	stream.linear.scatter [tilespmem:s29], [sflag:$0x4], $0x2800, $0x38;
	[tilespmem:$0xCD00] =	vst v63  }
0xe7: {  	_ =	swait.ge [sflag:s25], $0x2800  }
0xe8: {  	[sflag:s25] =	ssyncset.done $0x0  }
0xe9: {  	[sflag:s25] =	ssyncadd.s32 $0xFFFFD800  }
0xea: {  	[hbm4b:s6+s3] =	stream.linear.scatter [tilespmem:s30], [sflag:$0x5], $0x2800, $0x38;
	[tilespmem:$0xCD00] =	vst v63  }
0xeb: {  	_ =	swait.ge [sflag:s16], $0x2800  }
0xec: {  	[sflag:s16] =	ssyncset.done $0x0  }
0xed: {  	[sflag:s16] =	ssyncadd.s32 $0xFFFFD800  }
0xee: {  	_ =	swait.ge [sflag:s19], $0x2800  }
0xef: {  	[sflag:s19] =	ssyncset.done $0x0  }
0xf0: {  	[sflag:s19] =	ssyncadd.s32 $0xFFFFD800  }
0xf1: {  	_ =	swait.ge [sflag:s21], $0x2800  }
0xf2: {  	p0 =	sne.s32 s5, $0xC8;
	[sflag:s21] =	ssyncset.done $0x0  }
.Ltmp0:
0xf3: {  	[sflag:s21] =	ssyncadd.s32 $0xFFFFD800;
	(pc) =	sbr.rel @p0 .LBB2_2-.Ltmp0, $4  }
0xf4: {  	_ =	swait.ge [sflag:s23], $0x2800  }
0xf5: {  	[sflag:s23] =	ssyncset.done $0x0  }
0xf6: {  	[sflag:s23] =	ssyncadd.s32 $0xFFFFD800  }
0xf7: {  	s5 =	sadd.s32 $0x32, s5;
	_ =	swait.ge [sflag:s25], $0x2800  }
0xf8: {  	s5 =	rddreg [dreg:$0xf]  }
0xf9: {  	[sflag:s25] =	ssyncset.done $0x0;
	s1 =	rddreg [dreg:$0xd];
	s7 =	simm.s32 $0x80  }
0xfa: {  	s8 =	simm.s32 $0x300;
	s9 =	simm.s32 $0x100;
	s5 =	sadd.s32 $0x1, s5  }
0xfb: {  	s10 =	simm.s32 $0x380;
	s11 =	simm.s32 $0x180;
	p0 =	sne.s32 s5, s1  }
.Ltmp1:
0xfc: {  	s12 =	simm.s32 $0x400;
	s13 =	simm.s32 $0x200;
	(pc) =	sbr.rel @p0 .LBB2_1-.Ltmp1, $4  }
0xfd: {  	s14 =	simm.s32 $0x480;
	s15 =	simm.s32 $0x500;
	s18 =	simm.s32 $0x2D00  }
0xfe: {  	s20 =	simm.s32 $0x5500;
	s22 =	simm.s32 $0x7D00;
	s24 =	simm.s32 $0xA500  }
0xff: {  	s26 =	simm.s32 $0x6;
	s28 =	simm.s32 $0x7;
	s29 =	simm.s32 $0x8  }
0x100: {  	s30 =	simm.s32 $0x9;
	[sflag:s25] =	ssyncadd.s32 $0xFFFFD800;
	s1 =	simm.s32 $0x280  }
0x101: {  	_ =	sfence.sel $0x180000  }
0x102: {  	[bflag:$0x0] =	sbarrier.arrive $0xFFFF  }
0x103: {  	_ =	strace $0x90000047  }
0x104: {  	s0 =	stileid.u32;
	[bflag:$0x2] =	sbarrier.arrive $0xFFFF  }
0x105: {  	p0 =	sne.s32 s0, $0x0;
	s0 =	rddreg [dreg:$0x2]  }
0x106: {  	s0 =	sadd.s32 @!p0 $0x100000, s0  }
0x107: {  	[sflag:s0] =	ssyncadd.tile.s32 @!p0 $0x1;
	_ =	shalt  }
.Lfunc_end2:
_tile_overlayer_lowered:
.L_overlay_start_2:
0x108: {  	(tag) =	ssettag $0x2  }
0x109: {  	s0 =	rddreg [dreg:$0x0];
	s2 =	stileid.u32  }
0x10a: {  	s1 =	rddreg [dreg:$0x1];
	p0 =	sne.s32 s2, $0x0  }
0x10b: {  	s3 =	rddreg [dreg:$0x2];
	[bflag:$0x3] =	sbarrier.arrive $0xFFFF;
	s2 =	simm.s32 @!p0 $0x1C0B  }
0x10c: {  	[timem:s3], [sflag:s2] =	dma.local @!p0 [hbm:s0], s1  }
0x10d: {  	s0 =	simm.s32 @!p0 $0xB  }
0x10e: {  	_ =	swait.ge @!p0 [sflag:s0], s1  }
0x10f: {  	s1 =	ssub.s32 @!p0 $0x0, s1;
	[sflag:s0] =	ssyncset.done @!p0 $0x0  }
0x110: {  	[sflag:s0] =	ssyncadd.s32 @!p0 s1  }
0x111: {  	[bflag:$0x3] =	sbarrier.arrive $0xFFFF  }
0x112: {  	_ =	shalt  }

// kernel: kernel.18.cloned.1.call-start
scs
__scs_entry_jumppad:
0x0: {  	(pc) =	sbr.rel $0x88, $3  }
0x1: {  	(tag) =	ssettag $0x0;
	lr =	simm.s32 $0x1  }
0x2: {  	[smem:$0x3F92] =	sst lr;
	_ =	strace $0xD0000000  }
0x3: {  	_ = 	snop  }
0x4: {  	_ = 	snop  }
0x5: {  	_ = 	snop  }
0x6: {  	_ = 	snop  }
0x7: {  	_ = 	snop  }
__scs_overlays_trampoline_lowered:
0x8: {  	[smem:$0x3FA1] =	sst s0  }
0x9: {  	[smem:$0x3FA2] =	sst s1  }
0xa: {  	[smem:$0x3FA3] =	sst s2  }
0xb: {  	[smem:$0x3FA4] =	sst s3  }
0xc: {  	[smem:$0x3FA5] =	sst s4  }
0xd: {  	[smem:$0x3FA6] =	sst s5  }
0xe: {  	[smem:$0x3FA7] =	sst s6  }
0xf: {  	[smem:$0x3FA8] =	sst s7  }
0x10: {  	[smem:$0x3FA9] =	sst s8  }
0x11: {  	[smem:$0x3FAA] =	sst s9;
	s0 =	simm.s32 @!p0 $0x0  }
0x12: {  	s1 =	sld [smem:$0x3F90];
	s0 =	simm.s32 @p0 $0x1  }
0x13: {  	[smem:$0x3FAB] =	sst s0;
	s0 =	simm.s32 @!p1 $0x0  }
0x14: {  	s2 =	sld [smem:$0x3F8F];
	s0 =	simm.s32 @p1 $0x1  }
0x15: {  	[smem:$0x3FAC] =	sst s0;
	s0 =	simm.s32 @!p2 $0x0  }
0x16: {  	s3 =	sld [smem:$0x3FDB];
	s0 =	simm.s32 @p2 $0x1  }
0x17: {  	s4 =	simm.s32 $0x1BF5;
	[smem:$0x3FAE] =	sst s0  }
0x18: {  	s0 =	sld [smem:$0x3F91];
	_ =	swait.ge [sflag:s4], $0x0  }
0x19: {  	s7 =	sld [smem:$0x3F92]  }
0x1a: {  	s8 =	sadd.s32 $0xFFFFE003, lr  }
0x1b: {  	s9 =	sadd.s32 $0xFFFFFEF7, lr;
	s5 =	simm.s32 $0xFFFFFFFF;
	p2 =	slt.u32 s8, $0xFFFFF086  }
0x1c: {  	p1 =	slt.u32 s9, $0xF7A;
	s5 =	simm.s32 @!p2 $0x0  }
0x1d: {  	s5 =	simm.s32 @p1 $0x1;
	p0 =	seq.s32 s7, s2  }
0x1e: {  	s7 =	smul.u32 @!p0 $0xF7A, s2;
	p2 =	seq.s32 @!p0 s5, $0x0  }
0x1f: {  	s9 =	smul.u32 $0xF7A, s1;
	s8 =	simm.s32 @!p0 $0x1BF5;
	p2 =	por !p2, p0  }
0x20: {  	[sflag:s8] =	ssyncset.s32 @!p0 $0xFFFFF086;
	s6 =	sadd.s32 @!p0 s3, s7;
	s7 =	simm.s32 @!p0 $0x108  }
0x21: {  	s3 =	sadd.s32 s3, s9;
	s6 =	sadd.s32 @!p0 $0x88, s6;
	s7 =	simm.s32 @p2 $0x1082  }
0x22: {  	[simem:s7], [sflag:s8] =	dma.local @!p0 [hbm:s6], $0xF7A  }
0x23: {  	s9 =	sor.u32 $0xD0000000, s2;
	s6 =	simm.s32 $0x108;
	_ =	swait.ge @!p0 [sflag:s8], $0x0  }
0x24: {  	s3 =	sadd.s32 $0x88, s3;
	s6 =	simm.s32 @!p1 $0x1082;
	[sflag:s4] =	ssyncset.s32 $0xFFFFF086  }
0x25: {  	[simem:s6], [sflag:s4] =	dma.local [hbm:s3], $0xF7A  }
0x26: {  	[smem:$0x3F92] =	sst s1;
	(tag) =	ssettag s2;
	_ =	strace s9  }
0x27: {  	s1 =	sld [smem:$0x3FA2]  }
0x28: {  	s2 =	sld [smem:$0x3FA3]  }
0x29: {  	s4 =	sld [smem:$0x3FA5]  }
0x2a: {  	p0 =	seq.s32 s5, $0x0;
	s5 =	sld [smem:$0x3FA6]  }
0x2b: {  	s6 =	sld [smem:$0x3FA7]  }
0x2c: {  	s7 =	sld [smem:$0x3FA8]  }
0x2d: {  	s3 =	simm.s32 $0x108;
	s8 =	sld [smem:$0x3FA9]  }
0x2e: {  	s3 =	simm.s32 @!p0 $0x1082;
	s9 =	sld [smem:$0x3FAA]  }
0x2f: {  	lr =	sadd.s32 s0, s3;
	s0 =	sld [smem:$0x3FA1]  }
0x30: {  	s3 =	sld [smem:$0x3FA4]  }
0x31: {  	[smem:$0x3FAD] =	sst s10  }
0x32: {  	s10 =	sld [smem:$0x3FAB];
	_ =	sdelay $0x3  }
0x33: {  	p0 =	seq.s32 s10, $0x1;
	s10 =	sld [smem:$0x3FAD];
	_ =	sdelay $0x3  }
0x34: {  	[smem:$0x3FAD] =	sst s10  }
0x35: {  	s10 =	sld [smem:$0x3FAC];
	_ =	sdelay $0x3  }
0x36: {  	p1 =	seq.s32 s10, $0x1;
	s10 =	sld [smem:$0x3FAD];
	_ =	sdelay $0x3  }
0x37: {  	[smem:$0x3FAD] =	sst s10  }
0x38: {  	s10 =	sld [smem:$0x3FAE]  }
0x39: {  	_ = 	snop;
	(pc) =	sbr.ind lr, $3  }
0x3a: {  	_ = 	snop  }
0x3b: {  	_ = 	snop  }
0x3c: {  	p2 =	seq.s32 s10, $0x1;
	s10 =	sld [smem:$0x3FAD]  }
0x3d: {  	_ =	shalt  }
0x3e: {  	_ =	shalt  }
0x3f: {  	_ =	shalt  }
0x40: {  	_ =	shalt  }
0x41: {  	_ =	shalt  }
0x42: {  	_ =	shalt  }
0x43: {  	_ =	shalt  }
0x44: {  	_ =	shalt  }
0x45: {  	_ =	shalt  }
0x46: {  	_ =	shalt  }
0x47: {  	_ =	shalt  }
0x48: {  	_ =	shalt  }
0x49: {  	_ =	shalt  }
0x4a: {  	_ =	shalt  }
0x4b: {  	_ =	shalt  }
0x4c: {  	_ =	shalt  }
0x4d: {  	_ =	shalt  }
0x4e: {  	_ =	shalt  }
0x4f: {  	_ =	shalt  }
0x50: {  	_ =	shalt  }
0x51: {  	_ =	shalt  }
0x52: {  	_ =	shalt  }
0x53: {  	_ =	shalt  }
0x54: {  	_ =	shalt  }
0x55: {  	_ =	shalt  }
0x56: {  	_ =	shalt  }
0x57: {  	_ =	shalt  }
0x58: {  	_ =	shalt  }
0x59: {  	_ =	shalt  }
0x5a: {  	_ =	shalt  }
0x5b: {  	_ =	shalt  }
0x5c: {  	_ =	shalt  }
0x5d: {  	_ =	shalt  }
0x5e: {  	_ =	shalt  }
0x5f: {  	_ =	shalt  }
0x60: {  	_ =	shalt  }
0x61: {  	_ =	shalt  }
0x62: {  	_ =	shalt  }
0x63: {  	_ =	shalt  }
0x64: {  	_ =	shalt  }
0x65: {  	_ =	shalt  }
0x66: {  	_ =	shalt  }
0x67: {  	_ =	shalt  }
0x68: {  	_ =	shalt  }
0x69: {  	_ =	shalt  }
0x6a: {  	_ =	shalt  }
0x6b: {  	_ =	shalt  }
0x6c: {  	_ =	shalt  }
0x6d: {  	_ =	shalt  }
0x6e: {  	_ =	shalt  }
0x6f: {  	_ =	shalt  }
0x70: {  	_ =	shalt  }
0x71: {  	_ =	shalt  }
0x72: {  	_ =	shalt  }
0x73: {  	_ =	shalt  }
0x74: {  	_ =	shalt  }
0x75: {  	_ =	shalt  }
0x76: {  	_ =	shalt  }
0x77: {  	_ =	shalt  }
0x78: {  	_ =	shalt  }
0x79: {  	_ =	shalt  }
0x7a: {  	_ =	shalt  }
0x7b: {  	_ =	shalt  }
0x7c: {  	_ =	shalt  }
0x7d: {  	_ =	shalt  }
0x7e: {  	_ =	shalt  }
0x7f: {  	_ =	shalt  }
0x80: {  	_ =	shalt  }
0x81: {  	_ =	shalt  }
0x82: {  	_ =	shalt  }
0x83: {  	_ =	shalt  }
0x84: {  	_ =	shalt  }
0x85: {  	_ =	shalt  }
0x86: {  	_ =	shalt  }
0x87: {  	_ =	shalt  }
.Lfunc_end0:
.L_simem_size_0:
called_computation.1_lowered:
.L_overlay_start_0:
0x88: {  	s2 =	sld [smem:$0x3FD9]  }
0x89: {  	s3 =	sld [smem:$0x3FFE];
	_ =	sdelay $0x1  }
0x8a: {  	s1 =	srdreg.scid  }
0x8b: {  	s0 =	sand.u32 $0x1, s1  }
0x8c: {  	s15 =	sshll.u32 s0, $0xA;
	s2 =	sadd.s32 s3, s2  }
0x8d: {  	s2 =	sadd.s32 s2, s15  }
0x8e: {  	[smem:$0x3FB9] =	sst s2  }
0x8f: {  	_ = 	snop  }
0x90: {  	s2 =	sld [smem:$0x3FD0];
	_ =	sdelay $0x2  }
0x91: {  	s16 =	simm.s32 $0xE;
	s4 =	simm.s32 $0x10  }
0x92: {  	[smem:s4], [sflag:s16] =	dma.local [hbm:s2], $0x1  }
0x93: {  	_ =	swait.eq [sflag:s16], $0x1  }
0x94: {  	[sflag:s16] =	ssyncset.done $0x0  }
0x95: {  	[sflag:s16] =	ssyncadd.s32 $0xFFFFFFFF  }
0x96: {  	s17 =	sld [smem:$0x10];
	(tm) =	ssettm $0x1  }
0x97: {  	s18 =	sld [smem:$0x3FFB];
	_ =	sdelay $0x3  }
0x98: {  	_ =	strace s18  }
0x99: {  	s2 =	sld [smem:$0x3FFC];
	_ =	sdelay $0x3  }
0x9a: {  	_ =	strace s2  }
0x9b: {  	s2 =	sld [smem:$0x3FFD];
	_ =	sdelay $0x3  }
0x9c: {  	_ =	strace s2  }
0x9d: {  	_ =	strace $0x8FFFFFFF  }
0x9e: {  	s19 =	sld [smem:$0x3FDB];
	_ =	sdelay $0x1  }
0x9f: {  	s20 =	simm.s32 $_scs_section_size  }
0xa0: {  	s5 =	simm.s32 $_size__tile_overlayer_lowered;
	s6 =	simm.s32 $_tile_overlayer_lowered  }
0xa1: {  	s7 =	simm.s32 $0x1BFF;
	s21 =	sshll.u32 s6, $0x1;
	s4 =	sadd.s32 s20, s19  }
0xa2: {  	s22 =	simm.s32 $0x0;
	s5 =	sshll.u32 s5, $0x1;
	s6 =	sadd.s32 s21, s4  }
0xa3: {  	[timem:s22], [sflag:s7] =	dma.local [hbm:s6], s5  }
0xa4: {  	_ =	swait.ge [sflag:s7], s5  }
0xa5: {  	s5 =	ssub.s32 $0x0, s5;
	[sflag:s7] =	ssyncset.done $0x0  }
0xa6: {  	[sflag:s7] =	ssyncadd.s32 s5;
	_ =	sdelay $0x1  }
0xa7: {  	s23 =	simm.s32 $0x1B8B  }
0xa8: {  	_ =	swait.ge [sflag:s23], $0x1  }
0xa9: {  	[sflag:s23] =	ssyncset.done $0x0  }
0xaa: {  	[sflag:s23] =	ssyncadd.s32 $0xFFFFFFFF  }
0xab: {  	s5 =	sld [smem:$0x0]  }
0xac: {  	s6 =	sand.u32 $0xFFFFFFFE, s1  }
0xad: {  	p0 =	sne.s32 s1, s6  }
0xae: {  	s6 =	sshll.u32 @p0 s6, $0xE  }
0xaf: {  	s6 =	sadd.s32 @p0 $0x11B8D, s6;
	s7 =	sshll.u32 @p0 s5, $0x11  }
0xb0: {  	s6 =	sor.u32 @p0 s7, s6  }
0xb1: {  	[sflag:s6] =	ssyncadd.remote.s32 @p0 $0x1;
	_ =	sdelay $0x1  }
0xb2: {  	s6 =	simm.s32 @p0 $0x1B8D  }
0xb3: {  	_ =	swait.eq @p0 [sflag:s6], $0x1  }
0xb4: {  	[sflag:s6] =	ssyncadd.s32 @p0 $0xFFFFFFFF  }
0xb5: {  	s7 =	sshll.u32 @!p0 s1, $0xE  }
0xb6: {  	s7 =	sor.u32 @!p0 $0x4000, s7;
	s6 =	simm.s32 @!p0 $0x1B8D  }
0xb7: {  	s5 =	sshll.u32 @!p0 s5, $0x11;
	s7 =	sadd.s32 @!p0 $0x11B8D, s7;
	_ =	swait.eq @!p0 [sflag:s6], $0x1  }
0xb8: {  	s5 =	sor.u32 @!p0 s5, s7;
	[sflag:s6] =	ssyncadd.s32 @!p0 $0xFFFFFFFF  }
0xb9: {  	s25 =	simm.s32 $0x1B8E;
	s24 =	sld [smem:$0x3FFE];
	[sflag:s5] =	ssyncadd.remote.s32 @!p0 $0x1  }
0xba: {  	s26 =	simm.s32 $execute0_lowered;
	[smem:$0x3FD2] =	sst s25  }
0xbb: {  	s6 =	sshll.u32 s26, $0x1;
	_ =	strace $0x80000049;
	[dreg:$0x1] =	wrdreg $0xFFFFFFFF  }
0xbc: {  	s28 =	simm.s32 $_size_execute0_lowered;
	s4 =	sadd.s32 s4, s6;
	[dreg:$0x0] =	wrdreg $0x0  }
0xbd: {  	s6 =	sshll.u32 s28, $0x1;
	[dreg:$0x2] =	wrdreg s4  }
0xbe: {  	[dreg:$0x3] =	wrdreg s6  }
0xbf: {  	[dreg:$0x4] =	wrdreg $0xC0  }
0xc0: {  	_ =	task [dreg:s22], $0x5FFFF  }
0xc1: {  	[dreg:$0x1] =	wrdreg $0xFFFFFFFF  }
0xc2: {  	[dreg:$0x0] =	wrdreg $0x60  }
0xc3: {  	[dreg:$0x2] =	wrdreg s17  }
0xc4: {  	[dreg:$0x3] =	wrdreg s24  }
0xc5: {  	[dreg:$0x4] =	wrdreg $0xA  }
0xc6: {  	_ =	task.clear_ibuf [dreg:s22], $0x5FFFF;
	_ =	strace $0x90000049  }
0xc7: {  	s29 =	simm.s32 $0xA;
	_ =	strace $0x8000004B  }
0xc8: {  	_ =	swait.ge [sflag:s29], $0x1  }
0xc9: {  	[sflag:s29] =	ssyncadd.s32 $0xFFFFFFFF  }
0xca: {  	_ =	strace $0x9000004B  }
0xcb: {  	_ =	sfence  }
0xcc: {  	s30 =	sld [smem:$0x0];
	_ =	sdelay $0x2  }
0xcd: {  	s31 =	sshll.u32 s1, $0xD;
	s1 =	sshrl.u32 s1, $0x2  }
0xce: {  	s4 =	sand.u32 $0x4000, s31;
	s1 =	sadd.s32 s1, s30  }
0xcf: {  	s0 =	sor.u32 s4, s0;
	s1 =	sshll.u32 s1, $0x11  }
0xd0: {  	s0 =	sor.u32 s1, s0  }
0xd1: {  	s0 =	sadd.s32 $0x8F2B, s0  }
0xd2: {  	[sflag:s0] =	ssyncadd.remote.s32 $0x1  }
0xd3: {  	_ =	sfence.sel $0xFFFF  }
0xd4: {  	[dreg:$0x0] =	wrdreg $0xFFFFFFFF;
	(pc) =	sbr.abs _section_cstart, $3  }
0xd5: {  	[dreg:$0x1] =	wrdreg $0xFFFFFFFF  }
0xd6: {  	_ =	task.clear_ibuf [dreg:s22], $0x2FFFF;
	_ =	strace $0x9FFFFFFF  }
0xd7: {  	(tm) =	ssettm $0x7FFFFFFF  }
tec
execute0_lowered:
.L_overlay_start_1:
0x0: {  	(tag) =	ssettag $0x1  }
0x1: {  	s2 =	rddreg [dreg:$0x0]  }
0x2: {  	s0 =	rddreg [dreg:$0x1];
	s3 =	simm.s32 $0x0;
	s9 =	stileid.u32  }
0x3: {  	s1 =	srdreg.scid;
	s28 =	simm.s32 $0x7;
	s29 =	simm.s32 $0x8  }
0x4: {  	s30 =	simm.s32 $0x9;
	s31 =	simm.s32 $0x6;
	[smem:$0x7FF] =	sst s3  }
0x5: {  	s1 =	sand.u32 $0x1, s1;
	s5 =	smul.u32 $0xFA0, s9;
	s4 =	sadd.s32 $0x18C00, s0  }
0x6: {  	s7 =	sadd.s32 $0xEE00, s0;
	s9 =	smul.u32 $0xFA00, s9;
	s25 =	sadd.s32 $0x5000, s0  }
0x7: {  	_ =	strace $0x8000004A;
	s6 =	smul.u32 $0x7D0, s1;
	s8 =	ssub.s32 $0x2, s1  }
0x8: {  	s1 =	smul.u32 $0x7D00, s1;
	s10 =	sshrl.u32 s8, $0x1;
	s0 =	sadd.s32 s9, s0  }
0x9: {  	s9 =	simm.s32 $0x100;
	s5 =	sadd.s32 s6, s5;
	s8 =	ssub.s32 s8, s10  }
0xa: {  	s0 =	sadd.s32 s1, s0;
	s1 =	simm.s32 $0x280;
	s10 =	simm.s32 $0x380  }
0xb: {  	s26 =	sadd.s32 $0xFB40, s5;
	s8 =	smax.u32 s8, $0x1;
	s13 =	sadd.s32 $0xFAF0, s5  }
0xc: {  	s16 =	sadd.s32 $0xFAA0, s5;
	s20 =	sadd.s32 $0xFA50, s5;
	s5 =	sadd.s32 $0xFA00, s5  }
0xd: {  	s0 =	sadd.s32 $0x13B200, s0;
	[dreg:$0xd] =	wrdreg s8;
	s11 =	sshrl.u32 s26, $0x3  }
0xe: {  	s14 =	sshrl.u32 s13, $0x3;
	s18 =	sshrl.u32 s16, $0x3;
	s22 =	sshrl.u32 s20, $0x3  }
0xf: {  	s5 =	sshrl.u32 s5, $0x3;
	[dreg:$0xe] =	wrdreg s0;
	s12 =	sadd.s32 s11, s25  }
0x10: {  	s13 =	simm.s32 $0x200;
	s8 =	sadd.s32 s11, s7;
	[dreg:$0x3] =	wrdreg s12  }
0x11: {  	s16 =	simm.s32 $0x1;
	s15 =	sadd.s32 s14, s25;
	[dreg:$0x4] =	wrdreg s8  }
0x12: {  	s20 =	simm.s32 $0x5500;
	s17 =	sadd.s32 s14, s7;
	[dreg:$0x5] =	wrdreg s15  }
0x13: {  	s0 =	simm.s32 $0xA;
	s19 =	sadd.s32 s18, s25;
	[dreg:$0x6] =	wrdreg s17  }
0x14: {  	s21 =	sadd.s32 s18, s7;
	s23 =	sadd.s32 s22, s25;
	[dreg:$0x7] =	wrdreg s19  }
0x15: {  	s24 =	sadd.s32 s22, s7;
	s25 =	sadd.s32 s5, s25;
	[dreg:$0x8] =	wrdreg s21  }
0x16: {  	s26 =	sadd.s32 s5, s7;
	s7 =	simm.s32 $0x80;
	[dreg:$0x9] =	wrdreg s23  }
0x17: {  	s11 =	simm.s32 $0x180;
	s14 =	simm.s32 $0x480;
	[dreg:$0xa] =	wrdreg s24  }
0x18: {  	s18 =	simm.s32 $0x2D00;
	s22 =	simm.s32 $0x7D00;
	[dreg:$0xb] =	wrdreg s25  }
0x19: {  	s5 =	simm.s32 $0x0;
	[dreg:$0xc] =	wrdreg s26;
	s8 =	simm.s32 $0x300  }
0x1a: {  	s12 =	simm.s32 $0x400;
	s17 =	simm.s32 $0x50;
	s15 =	simm.s32 $0x500  }
0x1b: {  	s19 =	simm.s32 $0x2;
	s21 =	simm.s32 $0x3;
	s23 =	simm.s32 $0x4  }
0x1c: {  	s25 =	simm.s32 $0x5;
	s24 =	simm.s32 $0xA500;
	s26 =	simm.s32 $0x6  }
.LBB2_1:
0x1d: {  	[dreg:$0xf] =	wrdreg s5  }
0x1e: {  	s5 =	rddreg [dreg:$0xc]  }
0x1f: {  	s6 =	rddreg [dreg:$0xb];
	s5 =	sadd.s32 $0x0, s5  }
0x20: {  	[tilespmem:s3], [sflag:$0x1] =	stream.linear.gather [hbm4b:s5+s3], $0x50, $0x38;
	[tilespmem:$0xCD00] =	vst v63  }
0x21: {  	s6 =	sadd.s32 $0x0, s6;
	s5 =	rddreg [dreg:$0xa]  }
0x22: {  	[tilespmem:s1], [sflag:$0x6] =	stream.linear.gather [hbm4b:s6+s3], $0x50, $0x38;
	[tilespmem:$0xCD00] =	vst v63  }
0x23: {  	s5 =	sadd.s32 $0x0, s5;
	s6 =	rddreg [dreg:$0x9]  }
0x24: {  	[tilespmem:s7], [sflag:$0x2] =	stream.linear.gather [hbm4b:s5+s3], $0x50, $0x38;
	[tilespmem:$0xCD00] =	vst v63  }
0x25: {  	s6 =	sadd.s32 $0x0, s6;
	s5 =	rddreg [dreg:$0x8]  }
0x26: {  	[tilespmem:s8], [sflag:$0x7] =	stream.linear.gather [hbm4b:s6+s3], $0x50, $0x38;
	[tilespmem:$0xCD00] =	vst v63  }
0x27: {  	s5 =	sadd.s32 $0x0, s5;
	s6 =	rddreg [dreg:$0x7]  }
0x28: {  	[tilespmem:s9], [sflag:$0x3] =	stream.linear.gather [hbm4b:s5+s3], $0x50, $0x38;
	[tilespmem:$0xCD00] =	vst v63  }
0x29: {  	s6 =	sadd.s32 $0x0, s6;
	s5 =	rddreg [dreg:$0x6]  }
0x2a: {  	[tilespmem:s10], [sflag:$0x8] =	stream.linear.gather [hbm4b:s6+s3], $0x50, $0x38;
	[tilespmem:$0xCD00] =	vst v63  }
0x2b: {  	s5 =	sadd.s32 $0x0, s5;
	s6 =	rddreg [dreg:$0x5]  }
0x2c: {  	[tilespmem:s11], [sflag:$0x4] =	stream.linear.gather [hbm4b:s5+s3], $0x50, $0x38;
	[tilespmem:$0xCD00] =	vst v63  }
0x2d: {  	s6 =	sadd.s32 $0x0, s6;
	s5 =	rddreg [dreg:$0x4]  }
0x2e: {  	[tilespmem:s12], [sflag:$0x9] =	stream.linear.gather [hbm4b:s6+s3], $0x50, $0x38;
	[tilespmem:$0xCD00] =	vst v63  }
0x2f: {  	s5 =	sadd.s32 $0x0, s5;
	s6 =	rddreg [dreg:$0x3]  }
0x30: {  	[tilespmem:s13], [sflag:$0x5] =	stream.linear.gather [hbm4b:s5+s3], $0x50, $0x38;
	[tilespmem:$0xCD00] =	vst v63  }
0x31: {  	s6 =	sadd.s32 $0x0, s6  }
0x32: {  	[tilespmem:s14], [sflag:$0xA] =	stream.linear.gather [hbm4b:s6+s3], $0x50, $0x38;
	[tilespmem:$0xCD00] =	vst v63  }
0x33: {  	_ =	swait.ge [sflag:s16], $0x50  }
0x34: {  	[sflag:s16] =	ssyncset.done $0x0  }
0x35: {  	[sflag:s16] =	ssyncadd.s32 $0xFFFFFFB0  }
0x36: {  	[tilespmem:s15], [sflag:$0x1] =	stream.indirect.gather [hbm4b:s2+s17], $0x80, s3, s17, $0xb8;
	[tilespmem:$0xCD00] =	vst v63  }
0x37: {  	_ =	swait.ge [sflag:s19], $0x50  }
0x38: {  	[sflag:s19] =	ssyncset.done $0x0  }
0x39: {  	[sflag:s19] =	ssyncadd.s32 $0xFFFFFFB0  }
0x3a: {  	[tilespmem:s18], [sflag:$0x2] =	stream.indirect.gather [hbm4b:s2+s17], $0x80, s7, s17, $0xb8;
	[tilespmem:$0xCD00] =	vst v63  }
0x3b: {  	_ =	swait.ge [sflag:s21], $0x50  }
0x3c: {  	[sflag:s21] =	ssyncset.done $0x0  }
0x3d: {  	[sflag:s21] =	ssyncadd.s32 $0xFFFFFFB0  }
0x3e: {  	[tilespmem:s20], [sflag:$0x3] =	stream.indirect.gather [hbm4b:s2+s17], $0x80, s9, s17, $0xb8;
	[tilespmem:$0xCD00] =	vst v63  }
0x3f: {  	_ =	swait.ge [sflag:s23], $0x50  }
0x40: {  	[sflag:s23] =	ssyncset.done $0x0  }
0x41: {  	[sflag:s23] =	ssyncadd.s32 $0xFFFFFFB0  }
0x42: {  	[tilespmem:s22], [sflag:$0x4] =	stream.indirect.gather [hbm4b:s2+s17], $0x80, s11, s17, $0xb8;
	[tilespmem:$0xCD00] =	vst v63  }
0x43: {  	_ =	swait.ge [sflag:s25], $0x50  }
0x44: {  	[sflag:s25] =	ssyncset.done $0x0  }
0x45: {  	[sflag:s25] =	ssyncadd.s32 $0xFFFFFFB0  }
0x46: {  	[tilespmem:s24], [sflag:$0x5] =	stream.indirect.gather [hbm4b:s2+s17], $0x80, s13, s17, $0xb8;
	[tilespmem:$0xCD00] =	vst v63  }
0x47: {  	_ =	swait.ge [sflag:s16], $0x2800  }
0x48: {  	[sflag:s16] =	ssyncset.done $0x0  }
0x49: {  	[sflag:s16] =	ssyncadd.s32 $0xFFFFD800  }
0x4a: {  	_ =	swait.ge [sflag:s26], $0x50  }
0x4b: {  	[sflag:s26] =	ssyncset.done $0x0  }
0x4c: {  	[sflag:s26] =	ssyncadd.s32 $0xFFFFFFB0  }
0x4d: {  	[tilespmem:s15], [sflag:$0x1] =	stream.indirect.gather.add.f32 [hbm:s4], $0x80, s1, s17, $0xb8;
	[tilespmem:$0xCD00] =	vst v63  }
0x4e: {  	_ =	swait.ge [sflag:s19], $0x2800  }
0x4f: {  	[sflag:s19] =	ssyncset.done $0x0  }
0x50: {  	[sflag:s19] =	ssyncadd.s32 $0xFFFFD800  }
0x51: {  	_ =	swait.ge [sflag:s28], $0x50  }
0x52: {  	[sflag:s28] =	ssyncset.done $0x0  }
0x53: {  	[sflag:s28] =	ssyncadd.s32 $0xFFFFFFB0  }
0x54: {  	[tilespmem:s18], [sflag:$0x2] =	stream.indirect.gather.add.f32 [hbm:s4], $0x80, s8, s17, $0xb8;
	[tilespmem:$0xCD00] =	vst v63  }
0x55: {  	_ =	swait.ge [sflag:s21], $0x2800  }
0x56: {  	[sflag:s21] =	ssyncset.done $0x0  }
0x57: {  	[sflag:s21] =	ssyncadd.s32 $0xFFFFD800  }
0x58: {  	_ =	swait.ge [sflag:s29], $0x50  }
0x59: {  	[sflag:s29] =	ssyncset.done $0x0  }
0x5a: {  	[sflag:s29] =	ssyncadd.s32 $0xFFFFFFB0  }
0x5b: {  	[tilespmem:s20], [sflag:$0x3] =	stream.indirect.gather.add.f32 [hbm:s4], $0x80, s10, s17, $0xb8;
	[tilespmem:$0xCD00] =	vst v63  }
0x5c: {  	_ =	swait.ge [sflag:s23], $0x2800  }
0x5d: {  	[sflag:s23] =	ssyncset.done $0x0  }
0x5e: {  	[sflag:s23] =	ssyncadd.s32 $0xFFFFD800  }
0x5f: {  	_ =	swait.ge [sflag:s30], $0x50  }
0x60: {  	[sflag:s30] =	ssyncset.done $0x0  }
0x61: {  	[sflag:s30] =	ssyncadd.s32 $0xFFFFFFB0  }
0x62: {  	[tilespmem:s22], [sflag:$0x4] =	stream.indirect.gather.add.f32 [hbm:s4], $0x80, s12, s17, $0xb8;
	[tilespmem:$0xCD00] =	vst v63  }
0x63: {  	_ =	swait.ge [sflag:s25], $0x2800  }
0x64: {  	[sflag:s25] =	ssyncset.done $0x0  }
0x65: {  	[sflag:s25] =	ssyncadd.s32 $0xFFFFD800  }
0x66: {  	_ =	swait.ge [sflag:s0], $0x50  }
0x67: {  	[sflag:s0] =	ssyncset.done $0x0  }
0x68: {  	[sflag:s0] =	ssyncadd.s32 $0xFFFFFFB0  }
0x69: {  	[tilespmem:s24], [sflag:$0x5] =	stream.indirect.gather.add.f32 [hbm:s4], $0x80, s14, s17, $0xb8;
	[tilespmem:$0xCD00] =	vst v63  }
0x6a: {  	_ =	swait.ge [sflag:s16], $0x2800  }
0x6b: {  	[sflag:s16] =	ssyncset.done $0x0;
	s6 =	rddreg [dreg:$0xe]  }
0x6c: {  	[sflag:s16] =	ssyncadd.s32 $0xFFFFD800;
	s14 =	sadd.s32 $0xFFFFEC00, s6  }
0x6d: {  	[hbm4b:s14+s3] =	stream.linear.scatter [tilespmem:s15], [sflag:$0x1], $0x2800, $0x38;
	[tilespmem:$0xCD00] =	vst v63  }
0x6e: {  	_ =	swait.ge [sflag:s19], $0x2800  }
0x6f: {  	[sflag:s19] =	ssyncset.done $0x0  }
0x70: {  	s15 =	sadd.s32 $0xFFFFF100, s6;
	[sflag:s19] =	ssyncadd.s32 $0xFFFFD800  }
0x71: {  	[hbm4b:s15+s3] =	stream.linear.scatter [tilespmem:s18], [sflag:$0x2], $0x2800, $0x38;
	[tilespmem:$0xCD00] =	vst v63  }
0x72: {  	_ =	swait.ge [sflag:s21], $0x2800  }
0x73: {  	[sflag:s21] =	ssyncset.done $0x0  }
0x74: {  	s18 =	sadd.s32 $0xFFFFF600, s6;
	[sflag:s21] =	ssyncadd.s32 $0xFFFFD800  }
0x75: {  	[hbm4b:s18+s3] =	stream.linear.scatter [tilespmem:s20], [sflag:$0x3], $0x2800, $0x38;
	[tilespmem:$0xCD00] =	vst v63  }
0x76: {  	_ =	swait.ge [sflag:s23], $0x2800  }
0x77: {  	[sflag:s23] =	ssyncset.done $0x0  }
0x78: {  	s26 =	sadd.s32 $0xFFFFFB00, s6;
	[sflag:s23] =	ssyncadd.s32 $0xFFFFD800  }
0x79: {  	[hbm4b:s26+s3] =	stream.linear.scatter [tilespmem:s22], [sflag:$0x4], $0x2800, $0x38;
	[tilespmem:$0xCD00] =	vst v63  }
0x7a: {  	_ =	swait.ge [sflag:s25], $0x2800  }
0x7b: {  	[sflag:s25] =	ssyncset.done $0x0  }
0x7c: {  	[sflag:s25] =	ssyncadd.s32 $0xFFFFD800  }
0x7d: {  	[hbm4b:s6+s3] =	stream.linear.scatter [tilespmem:s24], [sflag:$0x5], $0x2800, $0x38;
	[tilespmem:$0xCD00] =	vst v63  }
0x7e: {  	_ =	swait.ge [sflag:s16], $0x2800  }
0x7f: {  	[sflag:s16] =	ssyncset.done $0x0  }
0x80: {  	[sflag:s16] =	ssyncadd.s32 $0xFFFFD800  }
0x81: {  	_ =	swait.ge [sflag:s19], $0x2800  }
0x82: {  	[sflag:s19] =	ssyncset.done $0x0  }
0x83: {  	[sflag:s19] =	ssyncadd.s32 $0xFFFFD800  }
0x84: {  	_ =	swait.ge [sflag:s21], $0x2800  }
0x85: {  	[sflag:s21] =	ssyncset.done $0x0  }
0x86: {  	s5 =	simm.s32 $0x32;
	[sflag:s21] =	ssyncadd.s32 $0xFFFFD800  }
0x87: {  	s11 =	simm.s32 $0x7;
	s28 =	simm.s32 $0x5500;
	_ =	swait.ge [sflag:s23], $0x2800  }
0x88: {  	s29 =	simm.s32 $0x7D00;
	s10 =	simm.s32 $0x8;
	[sflag:s23] =	ssyncset.done $0x0  }
0x89: {  	s30 =	simm.s32 $0xA500;
	s15 =	simm.s32 $0x9;
	[sflag:s23] =	ssyncadd.s32 $0xFFFFD800  }
0x8a: {  	s26 =	simm.s32 $0x2D00;
	s24 =	simm.s32 $0x500;
	_ =	swait.ge [sflag:s25], $0x2800  }
.LBB2_2:
0x8b: {  	s1 =	rddreg [dreg:$0xc];
	s7 =	smov.u32 s5;
	[sflag:s25] =	ssyncset.done $0x0  }
0x8c: {  	s8 =	rddreg [dreg:$0xb];
	s1 =	sadd.s32 s7, s1;
	[sflag:s25] =	ssyncadd.s32 $0xFFFFD800  }
0x8d: {  	[tilespmem:s3], [sflag:$0x1] =	stream.linear.gather [hbm4b:s1+s3], $0x50, $0x38;
	[tilespmem:$0xCD00] =	vst v63  }
0x8e: {  	s9 =	rddreg [dreg:$0xa];
	s22 =	simm.s32 $0x280;
	s8 =	sadd.s32 s7, s8  }
0x8f: {  	[tilespmem:s22], [sflag:$0x6] =	stream.linear.gather [hbm4b:s8+s3], $0x50, $0x38;
	[tilespmem:$0xCD00] =	vst v63  }
0x90: {  	s12 =	rddreg [dreg:$0x9];
	s0 =	simm.s32 $0x80;
	s13 =	sadd.s32 s7, s9  }
0x91: {  	[tilespmem:s0], [sflag:$0x2] =	stream.linear.gather [hbm4b:s13+s3], $0x50, $0x38;
	[tilespmem:$0xCD00] =	vst v63  }
0x92: {  	s14 =	rddreg [dreg:$0x8];
	s18 =	sadd.s32 s7, s12;
	s13 =	simm.s32 $0x300  }
0x93: {  	[tilespmem:s13], [sflag:$0x7] =	stream.linear.gather [hbm4b:s18+s3], $0x50, $0x38;
	[tilespmem:$0xCD00] =	vst v63  }
0x94: {  	s20 =	rddreg [dreg:$0x7];
	s12 =	sadd.s32 s7, s14;
	s18 =	simm.s32 $0x100  }
0x95: {  	[tilespmem:s18], [sflag:$0x3] =	stream.linear.gather [hbm4b:s12+s3], $0x50, $0x38;
	[tilespmem:$0xCD00] =	vst v63  }
0x96: {  	s14 =	rddreg [dreg:$0x6];
	s12 =	sadd.s32 s7, s20;
	s20 =	simm.s32 $0x380  }
0x97: {  	[tilespmem:s20], [sflag:$0x8] =	stream.linear.gather [hbm4b:s12+s3], $0x50, $0x38;
	[tilespmem:$0xCD00] =	vst v63  }
0x98: {  	s14 =	sadd.s32 s7, s14;
	s8 =	rddreg [dreg:$0x5];
	s12 =	simm.s32 $0x180  }
0x99: {  	[tilespmem:s12], [sflag:$0x4] =	stream.linear.gather [hbm4b:s14+s3], $0x50, $0x38;
	[tilespmem:$0xCD00] =	vst v63  }
0x9a: {  	s9 =	rddreg [dreg:$0x4];
	s1 =	sadd.s32 s7, s8;
	s14 =	simm.s32 $0x400  }
0x9b: {  	[tilespmem:s14], [sflag:$0x9] =	stream.linear.gather [hbm4b:s1+s3], $0x50, $0x38;
	[tilespmem:$0xCD00] =	vst v63  }
0x9c: {  	s8 =	rddreg [dreg:$0x3];
	s1 =	sadd.s32 s7, s9;
	s9 =	simm.s32 $0x200  }
0x9d: {  	[tilespmem:s9], [sflag:$0x5] =	stream.linear.gather [hbm4b:s1+s3], $0x50, $0x38;
	[tilespmem:$0xCD00] =	vst v63  }
0x9e: {  	s7 =	sadd.s32 s7, s8;
	s8 =	simm.s32 $0x480  }
0x9f: {  	[tilespmem:s8], [sflag:$0xA] =	stream.linear.gather [hbm4b:s7+s3], $0x50, $0x38;
	[tilespmem:$0xCD00] =	vst v63  }
0xa0: {  	_ =	swait.ge [sflag:s16], $0x50  }
0xa1: {  	[sflag:s16] =	ssyncset.done $0x0  }
0xa2: {  	[sflag:s16] =	ssyncadd.s32 $0xFFFFFFB0  }
0xa3: {  	[tilespmem:s24], [sflag:$0x1] =	stream.indirect.gather [hbm4b:s2+s17], $0x80, s3, s17, $0xb8;
	[tilespmem:$0xCD00] =	vst v63  }
0xa4: {  	_ =	swait.ge [sflag:s19], $0x50  }
0xa5: {  	[sflag:s19] =	ssyncset.done $0x0  }
0xa6: {  	[sflag:s19] =	ssyncadd.s32 $0xFFFFFFB0  }
0xa7: {  	[tilespmem:s26], [sflag:$0x2] =	stream.indirect.gather [hbm4b:s2+s17], $0x80, s0, s17, $0xb8;
	[tilespmem:$0xCD00] =	vst v63  }
0xa8: {  	_ =	swait.ge [sflag:s21], $0x50  }
0xa9: {  	[sflag:s21] =	ssyncset.done $0x0  }
0xaa: {  	[sflag:s21] =	ssyncadd.s32 $0xFFFFFFB0  }
0xab: {  	[tilespmem:s28], [sflag:$0x3] =	stream.indirect.gather [hbm4b:s2+s17], $0x80, s18, s17, $0xb8;
	[tilespmem:$0xCD00] =	vst v63  }
0xac: {  	_ =	swait.ge [sflag:s23], $0x50  }
0xad: {  	[sflag:s23] =	ssyncset.done $0x0  }
0xae: {  	[sflag:s23] =	ssyncadd.s32 $0xFFFFFFB0  }
0xaf: {  	[tilespmem:s29], [sflag:$0x4] =	stream.indirect.gather [hbm4b:s2+s17], $0x80, s12, s17, $0xb8;
	[tilespmem:$0xCD00] =	vst v63  }
0xb0: {  	_ =	swait.ge [sflag:s25], $0x50  }
0xb1: {  	[sflag:s25] =	ssyncset.done $0x0  }
0xb2: {  	[sflag:s25] =	ssyncadd.s32 $0xFFFFFFB0  }
0xb3: {  	[tilespmem:s30], [sflag:$0x5] =	stream.indirect.gather [hbm4b:s2+s17], $0x80, s9, s17, $0xb8;
	[tilespmem:$0xCD00] =	vst v63  }
0xb4: {  	_ =	swait.ge [sflag:s16], $0x2800  }
0xb5: {  	[sflag:s16] =	ssyncset.done $0x0  }
0xb6: {  	[sflag:s16] =	ssyncadd.s32 $0xFFFFD800  }
0xb7: {  	_ =	swait.ge [sflag:s31], $0x50  }
0xb8: {  	[sflag:s31] =	ssyncset.done $0x0  }
0xb9: {  	[sflag:s31] =	ssyncadd.s32 $0xFFFFFFB0  }
0xba: {  	[tilespmem:s24], [sflag:$0x1] =	stream.indirect.gather.add.f32 [hbm:s4], $0x80, s22, s17, $0xb8;
	[tilespmem:$0xCD00] =	vst v63  }
0xbb: {  	_ =	swait.ge [sflag:s19], $0x2800  }
0xbc: {  	[sflag:s19] =	ssyncset.done $0x0  }
0xbd: {  	[sflag:s19] =	ssyncadd.s32 $0xFFFFD800  }
0xbe: {  	_ =	swait.ge [sflag:s11], $0x50  }
0xbf: {  	[sflag:s11] =	ssyncset.done $0x0  }
0xc0: {  	[sflag:s11] =	ssyncadd.s32 $0xFFFFFFB0  }
0xc1: {  	[tilespmem:s26], [sflag:$0x2] =	stream.indirect.gather.add.f32 [hbm:s4], $0x80, s13, s17, $0xb8;
	[tilespmem:$0xCD00] =	vst v63  }
0xc2: {  	_ =	swait.ge [sflag:s21], $0x2800  }
0xc3: {  	[sflag:s21] =	ssyncset.done $0x0  }
0xc4: {  	[sflag:s21] =	ssyncadd.s32 $0xFFFFD800  }
0xc5: {  	_ =	swait.ge [sflag:s10], $0x50  }
0xc6: {  	[sflag:s10] =	ssyncset.done $0x0  }
0xc7: {  	[sflag:s10] =	ssyncadd.s32 $0xFFFFFFB0  }
0xc8: {  	[tilespmem:s28], [sflag:$0x3] =	stream.indirect.gather.add.f32 [hbm:s4], $0x80, s20, s17, $0xb8;
	[tilespmem:$0xCD00] =	vst v63  }
0xc9: {  	_ =	swait.ge [sflag:s23], $0x2800  }
0xca: {  	[sflag:s23] =	ssyncset.done $0x0  }
0xcb: {  	[sflag:s23] =	ssyncadd.s32 $0xFFFFD800  }
0xcc: {  	_ =	swait.ge [sflag:s15], $0x50  }
0xcd: {  	[sflag:s15] =	ssyncset.done $0x0  }
0xce: {  	[sflag:s15] =	ssyncadd.s32 $0xFFFFFFB0  }
0xcf: {  	[tilespmem:s29], [sflag:$0x4] =	stream.indirect.gather.add.f32 [hbm:s4], $0x80, s14, s17, $0xb8;
	[tilespmem:$0xCD00] =	vst v63  }
0xd0: {  	_ =	swait.ge [sflag:s25], $0x2800  }
0xd1: {  	[sflag:s25] =	ssyncset.done $0x0  }
0xd2: {  	s0 =	simm.s32 $0xA;
	[sflag:s25] =	ssyncadd.s32 $0xFFFFD800  }
0xd3: {  	_ =	swait.ge [sflag:s0], $0x50  }
0xd4: {  	[sflag:s0] =	ssyncset.done $0x0  }
0xd5: {  	[sflag:s0] =	ssyncadd.s32 $0xFFFFFFB0  }
0xd6: {  	[tilespmem:s30], [sflag:$0x5] =	stream.indirect.gather.add.f32 [hbm:s4], $0x80, s8, s17, $0xb8;
	[tilespmem:$0xCD00] =	vst v63  }
0xd7: {  	_ =	swait.ge [sflag:s16], $0x2800  }
0xd8: {  	s6 =	sadd.s32 $0x1900, s6;
	[sflag:s16] =	ssyncset.done $0x0  }
0xd9: {  	s14 =	sadd.s32 $0xFFFFEC00, s6;
	[sflag:s16] =	ssyncadd.s32 $0xFFFFD800  }
0xda: {  	[hbm4b:s14+s3] =	stream.linear.scatter [tilespmem:s24], [sflag:$0x1], $0x2800, $0x38;
	[tilespmem:$0xCD00] =	vst v63  }
0xdb: {  	_ =	swait.ge [sflag:s19], $0x2800  }
0xdc: {  	[sflag:s19] =	ssyncset.done $0x0  }
0xdd: {  	s18 =	sadd.s32 $0xFFFFF100, s6;
	[sflag:s19] =	ssyncadd.s32 $0xFFFFD800  }
0xde: {  	[hbm4b:s18+s3] =	stream.linear.scatter [tilespmem:s26], [sflag:$0x2], $0x2800, $0x38;
	[tilespmem:$0xCD00] =	vst v63  }
0xdf: {  	_ =	swait.ge [sflag:s21], $0x2800  }
0xe0: {  	[sflag:s21] =	ssyncset.done $0x0  }
0xe1: {  	s20 =	sadd.s32 $0xFFFFF600, s6;
	[sflag:s21] =	ssyncadd.s32 $0xFFFFD800  }
0xe2: {  	[hbm4b:s20+s3] =	stream.linear.scatter [tilespmem:s28], [sflag:$0x3], $0x2800, $0x38;
	[tilespmem:$0xCD00] =	vst v63  }
0xe3: {  	_ =	swait.ge [sflag:s23], $0x2800  }
0xe4: {  	[sflag:s23] =	ssyncset.done $0x0  }
0xe5: {  	s22 =	sadd.s32 $0xFFFFFB00, s6;
	[sflag:s23] =	ssyncadd.s32 $0xFFFFD800  }
0xe6: {  	[hbm4b:s22+s3] =	stream.linear.scatter [tilespmem:s29], [sflag:$0x4], $0x2800, $0x38;
	[tilespmem:$0xCD00] =	vst v63  }
0xe7: {  	_ =	swait.ge [sflag:s25], $0x2800  }
0xe8: {  	[sflag:s25] =	ssyncset.done $0x0  }
0xe9: {  	[sflag:s25] =	ssyncadd.s32 $0xFFFFD800  }
0xea: {  	[hbm4b:s6+s3] =	stream.linear.scatter [tilespmem:s30], [sflag:$0x5], $0x2800, $0x38;
	[tilespmem:$0xCD00] =	vst v63  }
0xeb: {  	_ =	swait.ge [sflag:s16], $0x2800  }
0xec: {  	[sflag:s16] =	ssyncset.done $0x0  }
0xed: {  	[sflag:s16] =	ssyncadd.s32 $0xFFFFD800  }
0xee: {  	_ =	swait.ge [sflag:s19], $0x2800  }
0xef: {  	[sflag:s19] =	ssyncset.done $0x0  }
0xf0: {  	[sflag:s19] =	ssyncadd.s32 $0xFFFFD800  }
0xf1: {  	_ =	swait.ge [sflag:s21], $0x2800  }
0xf2: {  	p0 =	sne.s32 s5, $0xC8;
	[sflag:s21] =	ssyncset.done $0x0  }
.Ltmp0:
0xf3: {  	[sflag:s21] =	ssyncadd.s32 $0xFFFFD800;
	(pc) =	sbr.rel @p0 .LBB2_2-.Ltmp0, $4  }
0xf4: {  	_ =	swait.ge [sflag:s23], $0x2800  }
0xf5: {  	[sflag:s23] =	ssyncset.done $0x0  }
0xf6: {  	[sflag:s23] =	ssyncadd.s32 $0xFFFFD800  }
0xf7: {  	s5 =	sadd.s32 $0x32, s5;
	_ =	swait.ge [sflag:s25], $0x2800  }
0xf8: {  	s5 =	rddreg [dreg:$0xf]  }
0xf9: {  	[sflag:s25] =	ssyncset.done $0x0;
	s1 =	rddreg [dreg:$0xd];
	s7 =	simm.s32 $0x80  }
0xfa: {  	s8 =	simm.s32 $0x300;
	s9 =	simm.s32 $0x100;
	s5 =	sadd.s32 $0x1, s5  }
0xfb: {  	s10 =	simm.s32 $0x380;
	s11 =	simm.s32 $0x180;
	p0 =	sne.s32 s5, s1  }
.Ltmp1:
0xfc: {  	s12 =	simm.s32 $0x400;
	s13 =	simm.s32 $0x200;
	(pc) =	sbr.rel @p0 .LBB2_1-.Ltmp1, $4  }
0xfd: {  	s14 =	simm.s32 $0x480;
	s15 =	simm.s32 $0x500;
	s18 =	simm.s32 $0x2D00  }
0xfe: {  	s20 =	simm.s32 $0x5500;
	s22 =	simm.s32 $0x7D00;
	s24 =	simm.s32 $0xA500  }
0xff: {  	s26 =	simm.s32 $0x6;
	s28 =	simm.s32 $0x7;
	s29 =	simm.s32 $0x8  }
0x100: {  	s30 =	simm.s32 $0x9;
	[sflag:s25] =	ssyncadd.s32 $0xFFFFD800;
	s1 =	simm.s32 $0x280  }
0x101: {  	_ =	sfence.sel $0x180000  }
0x102: {  	[bflag:$0x0] =	sbarrier.arrive $0xFFFF  }
0x103: {  	_ =	strace $0x9000004A  }
0x104: {  	s0 =	stileid.u32;
	[bflag:$0x2] =	sbarrier.arrive $0xFFFF  }
0x105: {  	p0 =	sne.s32 s0, $0x0;
	s0 =	rddreg [dreg:$0x2]  }
0x106: {  	s0 =	sadd.s32 @!p0 $0x100000, s0  }
0x107: {  	[sflag:s0] =	ssyncadd.tile.s32 @!p0 $0x1;
	_ =	shalt  }
.Lfunc_end2:
_tile_overlayer_lowered:
.L_overlay_start_2:
0x108: {  	(tag) =	ssettag $0x2  }
0x109: {  	s0 =	rddreg [dreg:$0x0];
	s2 =	stileid.u32  }
0x10a: {  	s1 =	rddreg [dreg:$0x1];
	p0 =	sne.s32 s2, $0x0  }
0x10b: {  	s3 =	rddreg [dreg:$0x2];
	[bflag:$0x3] =	sbarrier.arrive $0xFFFF;
	s2 =	simm.s32 @!p0 $0x1C0B  }
0x10c: {  	[timem:s3], [sflag:s2] =	dma.local @!p0 [hbm:s0], s1  }
0x10d: {  	s0 =	simm.s32 @!p0 $0xB  }
0x10e: {  	_ =	swait.ge @!p0 [sflag:s0], s1  }
0x10f: {  	s1 =	ssub.s32 @!p0 $0x0, s1;
	[sflag:s0] =	ssyncset.done @!p0 $0x0  }
0x110: {  	[sflag:s0] =	ssyncadd.s32 @!p0 s1  }
0x111: {  	[bflag:$0x3] =	sbarrier.arrive $0xFFFF  }
0x112: {  	_ =	shalt  }

// kernel: kernel.21.cloned.1.call-start
scs
__scs_entry_jumppad:
0x0: {  	(pc) =	sbr.rel $0x88, $3  }
0x1: {  	(tag) =	ssettag $0x0;
	lr =	simm.s32 $0x1  }
0x2: {  	[smem:$0x3F92] =	sst lr;
	_ =	strace $0xD0000000  }
0x3: {  	_ = 	snop  }
0x4: {  	_ = 	snop  }
0x5: {  	_ = 	snop  }
0x6: {  	_ = 	snop  }
0x7: {  	_ = 	snop  }
__scs_overlays_trampoline_lowered:
0x8: {  	[smem:$0x3FA1] =	sst s0  }
0x9: {  	[smem:$0x3FA2] =	sst s1  }
0xa: {  	[smem:$0x3FA3] =	sst s2  }
0xb: {  	[smem:$0x3FA4] =	sst s3  }
0xc: {  	[smem:$0x3FA5] =	sst s4  }
0xd: {  	[smem:$0x3FA6] =	sst s5  }
0xe: {  	[smem:$0x3FA7] =	sst s6  }
0xf: {  	[smem:$0x3FA8] =	sst s7  }
0x10: {  	[smem:$0x3FA9] =	sst s8  }
0x11: {  	[smem:$0x3FAA] =	sst s9;
	s0 =	simm.s32 @!p0 $0x0  }
0x12: {  	s1 =	sld [smem:$0x3F90];
	s0 =	simm.s32 @p0 $0x1  }
0x13: {  	[smem:$0x3FAB] =	sst s0;
	s0 =	simm.s32 @!p1 $0x0  }
0x14: {  	s2 =	sld [smem:$0x3F8F];
	s0 =	simm.s32 @p1 $0x1  }
0x15: {  	[smem:$0x3FAC] =	sst s0;
	s0 =	simm.s32 @!p2 $0x0  }
0x16: {  	s3 =	sld [smem:$0x3FDB];
	s0 =	simm.s32 @p2 $0x1  }
0x17: {  	s4 =	simm.s32 $0x1BF5;
	[smem:$0x3FAE] =	sst s0  }
0x18: {  	s0 =	sld [smem:$0x3F91];
	_ =	swait.ge [sflag:s4], $0x0  }
0x19: {  	s7 =	sld [smem:$0x3F92]  }
0x1a: {  	s8 =	sadd.s32 $0xFFFFE003, lr  }
0x1b: {  	s9 =	sadd.s32 $0xFFFFFEF7, lr;
	s5 =	simm.s32 $0xFFFFFFFF;
	p2 =	slt.u32 s8, $0xFFFFF086  }
0x1c: {  	p1 =	slt.u32 s9, $0xF7A;
	s5 =	simm.s32 @!p2 $0x0  }
0x1d: {  	s5 =	simm.s32 @p1 $0x1;
	p0 =	seq.s32 s7, s2  }
0x1e: {  	s7 =	smul.u32 @!p0 $0xF7A, s2;
	p2 =	seq.s32 @!p0 s5, $0x0  }
0x1f: {  	s9 =	smul.u32 $0xF7A, s1;
	s8 =	simm.s32 @!p0 $0x1BF5;
	p2 =	por !p2, p0  }
0x20: {  	[sflag:s8] =	ssyncset.s32 @!p0 $0xFFFFF086;
	s6 =	sadd.s32 @!p0 s3, s7;
	s7 =	simm.s32 @!p0 $0x108  }
0x21: {  	s3 =	sadd.s32 s3, s9;
	s6 =	sadd.s32 @!p0 $0x88, s6;
	s7 =	simm.s32 @p2 $0x1082  }
0x22: {  	[simem:s7], [sflag:s8] =	dma.local @!p0 [hbm:s6], $0xF7A  }
0x23: {  	s9 =	sor.u32 $0xD0000000, s2;
	s6 =	simm.s32 $0x108;
	_ =	swait.ge @!p0 [sflag:s8], $0x0  }
0x24: {  	s3 =	sadd.s32 $0x88, s3;
	s6 =	simm.s32 @!p1 $0x1082;
	[sflag:s4] =	ssyncset.s32 $0xFFFFF086  }
0x25: {  	[simem:s6], [sflag:s4] =	dma.local [hbm:s3], $0xF7A  }
0x26: {  	[smem:$0x3F92] =	sst s1;
	(tag) =	ssettag s2;
	_ =	strace s9  }
0x27: {  	s1 =	sld [smem:$0x3FA2]  }
0x28: {  	s2 =	sld [smem:$0x3FA3]  }
0x29: {  	s4 =	sld [smem:$0x3FA5]  }
0x2a: {  	p0 =	seq.s32 s5, $0x0;
	s5 =	sld [smem:$0x3FA6]  }
0x2b: {  	s6 =	sld [smem:$0x3FA7]  }
0x2c: {  	s7 =	sld [smem:$0x3FA8]  }
0x2d: {  	s3 =	simm.s32 $0x108;
	s8 =	sld [smem:$0x3FA9]  }
0x2e: {  	s3 =	simm.s32 @!p0 $0x1082;
	s9 =	sld [smem:$0x3FAA]  }
0x2f: {  	lr =	sadd.s32 s0, s3;
	s0 =	sld [smem:$0x3FA1]  }
0x30: {  	s3 =	sld [smem:$0x3FA4]  }
0x31: {  	[smem:$0x3FAD] =	sst s10  }
0x32: {  	s10 =	sld [smem:$0x3FAB];
	_ =	sdelay $0x3  }
0x33: {  	p0 =	seq.s32 s10, $0x1;
	s10 =	sld [smem:$0x3FAD];
	_ =	sdelay $0x3  }
0x34: {  	[smem:$0x3FAD] =	sst s10  }
0x35: {  	s10 =	sld [smem:$0x3FAC];
	_ =	sdelay $0x3  }
0x36: {  	p1 =	seq.s32 s10, $0x1;
	s10 =	sld [smem:$0x3FAD];
	_ =	sdelay $0x3  }
0x37: {  	[smem:$0x3FAD] =	sst s10  }
0x38: {  	s10 =	sld [smem:$0x3FAE]  }
0x39: {  	_ = 	snop;
	(pc) =	sbr.ind lr, $3  }
0x3a: {  	_ = 	snop  }
0x3b: {  	_ = 	snop  }
0x3c: {  	p2 =	seq.s32 s10, $0x1;
	s10 =	sld [smem:$0x3FAD]  }
0x3d: {  	_ =	shalt  }
0x3e: {  	_ =	shalt  }
0x3f: {  	_ =	shalt  }
0x40: {  	_ =	shalt  }
0x41: {  	_ =	shalt  }
0x42: {  	_ =	shalt  }
0x43: {  	_ =	shalt  }
0x44: {  	_ =	shalt  }
0x45: {  	_ =	shalt  }
0x46: {  	_ =	shalt  }
0x47: {  	_ =	shalt  }
0x48: {  	_ =	shalt  }
0x49: {  	_ =	shalt  }
0x4a: {  	_ =	shalt  }
0x4b: {  	_ =	shalt  }
0x4c: {  	_ =	shalt  }
0x4d: {  	_ =	shalt  }
0x4e: {  	_ =	shalt  }
0x4f: {  	_ =	shalt  }
0x50: {  	_ =	shalt  }
0x51: {  	_ =	shalt  }
0x52: {  	_ =	shalt  }
0x53: {  	_ =	shalt  }
0x54: {  	_ =	shalt  }
0x55: {  	_ =	shalt  }
0x56: {  	_ =	shalt  }
0x57: {  	_ =	shalt  }
0x58: {  	_ =	shalt  }
0x59: {  	_ =	shalt  }
0x5a: {  	_ =	shalt  }
0x5b: {  	_ =	shalt  }
0x5c: {  	_ =	shalt  }
0x5d: {  	_ =	shalt  }
0x5e: {  	_ =	shalt  }
0x5f: {  	_ =	shalt  }
0x60: {  	_ =	shalt  }
0x61: {  	_ =	shalt  }
0x62: {  	_ =	shalt  }
0x63: {  	_ =	shalt  }
0x64: {  	_ =	shalt  }
0x65: {  	_ =	shalt  }
0x66: {  	_ =	shalt  }
0x67: {  	_ =	shalt  }
0x68: {  	_ =	shalt  }
0x69: {  	_ =	shalt  }
0x6a: {  	_ =	shalt  }
0x6b: {  	_ =	shalt  }
0x6c: {  	_ =	shalt  }
0x6d: {  	_ =	shalt  }
0x6e: {  	_ =	shalt  }
0x6f: {  	_ =	shalt  }
0x70: {  	_ =	shalt  }
0x71: {  	_ =	shalt  }
0x72: {  	_ =	shalt  }
0x73: {  	_ =	shalt  }
0x74: {  	_ =	shalt  }
0x75: {  	_ =	shalt  }
0x76: {  	_ =	shalt  }
0x77: {  	_ =	shalt  }
0x78: {  	_ =	shalt  }
0x79: {  	_ =	shalt  }
0x7a: {  	_ =	shalt  }
0x7b: {  	_ =	shalt  }
0x7c: {  	_ =	shalt  }
0x7d: {  	_ =	shalt  }
0x7e: {  	_ =	shalt  }
0x7f: {  	_ =	shalt  }
0x80: {  	_ =	shalt  }
0x81: {  	_ =	shalt  }
0x82: {  	_ =	shalt  }
0x83: {  	_ =	shalt  }
0x84: {  	_ =	shalt  }
0x85: {  	_ =	shalt  }
0x86: {  	_ =	shalt  }
0x87: {  	_ =	shalt  }
.Lfunc_end0:
.L_simem_size_0:
called_computation.2_lowered:
.L_overlay_start_0:
0x88: {  	s2 =	sld [smem:$0x3FD9]  }
0x89: {  	s3 =	sld [smem:$0x3FFE];
	_ =	sdelay $0x1  }
0x8a: {  	s1 =	srdreg.scid  }
0x8b: {  	s0 =	sand.u32 $0x1, s1  }
0x8c: {  	s15 =	sshll.u32 s0, $0xA;
	s2 =	sadd.s32 s3, s2  }
0x8d: {  	s2 =	sadd.s32 s2, s15  }
0x8e: {  	[smem:$0x3FB9] =	sst s2  }
0x8f: {  	_ = 	snop  }
0x90: {  	s2 =	sld [smem:$0x3FD0];
	_ =	sdelay $0x2  }
0x91: {  	s16 =	simm.s32 $0xE;
	s4 =	simm.s32 $0x10  }
0x92: {  	[smem:s4], [sflag:s16] =	dma.local [hbm:s2], $0x1  }
0x93: {  	_ =	swait.eq [sflag:s16], $0x1  }
0x94: {  	[sflag:s16] =	ssyncset.done $0x0  }
0x95: {  	[sflag:s16] =	ssyncadd.s32 $0xFFFFFFFF  }
0x96: {  	s17 =	sld [smem:$0x10];
	(tm) =	ssettm $0x1  }
0x97: {  	s18 =	sld [smem:$0x3FFB];
	_ =	sdelay $0x3  }
0x98: {  	_ =	strace s18  }
0x99: {  	s2 =	sld [smem:$0x3FFC];
	_ =	sdelay $0x3  }
0x9a: {  	_ =	strace s2  }
0x9b: {  	s2 =	sld [smem:$0x3FFD];
	_ =	sdelay $0x3  }
0x9c: {  	_ =	strace s2  }
0x9d: {  	_ =	strace $0x8FFFFFFF  }
0x9e: {  	s19 =	sld [smem:$0x3FDB];
	_ =	sdelay $0x1  }
0x9f: {  	s20 =	simm.s32 $_scs_section_size  }
0xa0: {  	s5 =	simm.s32 $_size__tile_overlayer_lowered;
	s6 =	simm.s32 $_tile_overlayer_lowered  }
0xa1: {  	s7 =	simm.s32 $0x1BFF;
	s21 =	sshll.u32 s6, $0x1;
	s4 =	sadd.s32 s20, s19  }
0xa2: {  	s22 =	simm.s32 $0x0;
	s5 =	sshll.u32 s5, $0x1;
	s6 =	sadd.s32 s21, s4  }
0xa3: {  	[timem:s22], [sflag:s7] =	dma.local [hbm:s6], s5  }
0xa4: {  	_ =	swait.ge [sflag:s7], s5  }
0xa5: {  	s5 =	ssub.s32 $0x0, s5;
	[sflag:s7] =	ssyncset.done $0x0  }
0xa6: {  	[sflag:s7] =	ssyncadd.s32 s5;
	_ =	sdelay $0x1  }
0xa7: {  	s23 =	simm.s32 $0x1B8B  }
0xa8: {  	_ =	swait.ge [sflag:s23], $0x1  }
0xa9: {  	[sflag:s23] =	ssyncset.done $0x0  }
0xaa: {  	[sflag:s23] =	ssyncadd.s32 $0xFFFFFFFF  }
0xab: {  	s5 =	sld [smem:$0x0]  }
0xac: {  	s6 =	sand.u32 $0xFFFFFFFE, s1  }
0xad: {  	p0 =	sne.s32 s1, s6  }
0xae: {  	s6 =	sshll.u32 @p0 s6, $0xE  }
0xaf: {  	s6 =	sadd.s32 @p0 $0x11B8D, s6;
	s7 =	sshll.u32 @p0 s5, $0x11  }
0xb0: {  	s6 =	sor.u32 @p0 s7, s6  }
0xb1: {  	[sflag:s6] =	ssyncadd.remote.s32 @p0 $0x1;
	_ =	sdelay $0x1  }
0xb2: {  	s6 =	simm.s32 @p0 $0x1B8D  }
0xb3: {  	_ =	swait.eq @p0 [sflag:s6], $0x1  }
0xb4: {  	[sflag:s6] =	ssyncadd.s32 @p0 $0xFFFFFFFF  }
0xb5: {  	s7 =	sshll.u32 @!p0 s1, $0xE  }
0xb6: {  	s7 =	sor.u32 @!p0 $0x4000, s7;
	s6 =	simm.s32 @!p0 $0x1B8D  }
0xb7: {  	s5 =	sshll.u32 @!p0 s5, $0x11;
	s7 =	sadd.s32 @!p0 $0x11B8D, s7;
	_ =	swait.eq @!p0 [sflag:s6], $0x1  }
0xb8: {  	s5 =	sor.u32 @!p0 s5, s7;
	[sflag:s6] =	ssyncadd.s32 @!p0 $0xFFFFFFFF  }
0xb9: {  	s25 =	simm.s32 $0x1B8E;
	s24 =	sld [smem:$0x3FFE];
	[sflag:s5] =	ssyncadd.remote.s32 @!p0 $0x1  }
0xba: {  	s26 =	simm.s32 $execute0_lowered;
	[smem:$0x3FD2] =	sst s25  }
0xbb: {  	s6 =	sshll.u32 s26, $0x1;
	_ =	strace $0x8000004C;
	[dreg:$0x1] =	wrdreg $0xFFFFFFFF  }
0xbc: {  	s28 =	simm.s32 $_size_execute0_lowered;
	s4 =	sadd.s32 s4, s6;
	[dreg:$0x0] =	wrdreg $0x0  }
0xbd: {  	s6 =	sshll.u32 s28, $0x1;
	[dreg:$0x2] =	wrdreg s4  }
0xbe: {  	[dreg:$0x3] =	wrdreg s6  }
0xbf: {  	[dreg:$0x4] =	wrdreg $0xC0  }
0xc0: {  	_ =	task [dreg:s22], $0x5FFFF  }
0xc1: {  	[dreg:$0x1] =	wrdreg $0xFFFFFFFF  }
0xc2: {  	[dreg:$0x0] =	wrdreg $0x60  }
0xc3: {  	[dreg:$0x2] =	wrdreg s17  }
0xc4: {  	[dreg:$0x3] =	wrdreg s24  }
0xc5: {  	[dreg:$0x4] =	wrdreg $0xB  }
0xc6: {  	_ =	task.clear_ibuf [dreg:s22], $0x5FFFF;
	_ =	strace $0x9000004C  }
0xc7: {  	s29 =	simm.s32 $0xB;
	_ =	strace $0x8000004E  }
0xc8: {  	_ =	swait.ge [sflag:s29], $0x1  }
0xc9: {  	[sflag:s29] =	ssyncadd.s32 $0xFFFFFFFF  }
0xca: {  	_ =	strace $0x9000004E  }
0xcb: {  	_ =	sfence  }
0xcc: {  	s30 =	sld [smem:$0x0];
	_ =	sdelay $0x2  }
0xcd: {  	s31 =	sshll.u32 s1, $0xD;
	s1 =	sshrl.u32 s1, $0x2  }
0xce: {  	s4 =	sand.u32 $0x4000, s31;
	s1 =	sadd.s32 s1, s30  }
0xcf: {  	s0 =	sor.u32 s4, s0;
	s1 =	sshll.u32 s1, $0x11  }
0xd0: {  	s0 =	sor.u32 s1, s0  }
0xd1: {  	s0 =	sadd.s32 $0x8F2B, s0  }
0xd2: {  	[sflag:s0] =	ssyncadd.remote.s32 $0x1  }
0xd3: {  	_ =	sfence.sel $0xFFFF  }
0xd4: {  	[dreg:$0x0] =	wrdreg $0xFFFFFFFF;
	(pc) =	sbr.abs _section_cstart, $3  }
0xd5: {  	[dreg:$0x1] =	wrdreg $0xFFFFFFFF  }
0xd6: {  	_ =	task.clear_ibuf [dreg:s22], $0x2FFFF;
	_ =	strace $0x9FFFFFFF  }
0xd7: {  	(tm) =	ssettm $0x7FFFFFFF  }
tec
execute0_lowered:
.L_overlay_start_1:
0x0: {  	(tag) =	ssettag $0x1  }
0x1: {  	s2 =	rddreg [dreg:$0x0]  }
0x2: {  	s0 =	rddreg [dreg:$0x1];
	s3 =	simm.s32 $0x0;
	s9 =	stileid.u32  }
0x3: {  	s1 =	srdreg.scid;
	s28 =	simm.s32 $0x7;
	s29 =	simm.s32 $0x8  }
0x4: {  	s30 =	simm.s32 $0x9;
	s31 =	simm.s32 $0x6;
	[smem:$0x7FF] =	sst s3  }
0x5: {  	s1 =	sand.u32 $0x1, s1;
	s5 =	smul.u32 $0xFA0, s9;
	s4 =	sadd.s32 $0x18C00, s0  }
0x6: {  	s7 =	sadd.s32 $0xEE00, s0;
	s9 =	smul.u32 $0xFA00, s9;
	s25 =	sadd.s32 $0x5000, s0  }
0x7: {  	_ =	strace $0x8000004D;
	s6 =	smul.u32 $0x7D0, s1;
	s8 =	ssub.s32 $0x2, s1  }
0x8: {  	s1 =	smul.u32 $0x7D00, s1;
	s10 =	sshrl.u32 s8, $0x1;
	s0 =	sadd.s32 s9, s0  }
0x9: {  	s9 =	simm.s32 $0x100;
	s5 =	sadd.s32 s6, s5;
	s8 =	ssub.s32 s8, s10  }
0xa: {  	s0 =	sadd.s32 s1, s0;
	s1 =	simm.s32 $0x280;
	s10 =	simm.s32 $0x380  }
0xb: {  	s26 =	sadd.s32 $0x1F540, s5;
	s8 =	smax.u32 s8, $0x1;
	s13 =	sadd.s32 $0x1F4F0, s5  }
0xc: {  	s16 =	sadd.s32 $0x1F4A0, s5;
	s20 =	sadd.s32 $0x1F450, s5;
	s5 =	sadd.s32 $0x1F400, s5  }
0xd: {  	s0 =	sadd.s32 $0x235200, s0;
	[dreg:$0xd] =	wrdreg s8;
	s11 =	sshrl.u32 s26, $0x3  }
0xe: {  	s14 =	sshrl.u32 s13, $0x3;
	s18 =	sshrl.u32 s16, $0x3;
	s22 =	sshrl.u32 s20, $0x3  }
0xf: {  	s5 =	sshrl.u32 s5, $0x3;
	[dreg:$0xe] =	wrdreg s0;
	s12 =	sadd.s32 s11, s25  }
0x10: {  	s13 =	simm.s32 $0x200;
	s8 =	sadd.s32 s11, s7;
	[dreg:$0x3] =	wrdreg s12  }
0x11: {  	s16 =	simm.s32 $0x1;
	s15 =	sadd.s32 s14, s25;
	[dreg:$0x4] =	wrdreg s8  }
0x12: {  	s20 =	simm.s32 $0x5500;
	s17 =	sadd.s32 s14, s7;
	[dreg:$0x5] =	wrdreg s15  }
0x13: {  	s0 =	simm.s32 $0xA;
	s19 =	sadd.s32 s18, s25;
	[dreg:$0x6] =	wrdreg s17  }
0x14: {  	s21 =	sadd.s32 s18, s7;
	s23 =	sadd.s32 s22, s25;
	[dreg:$0x7] =	wrdreg s19  }
0x15: {  	s24 =	sadd.s32 s22, s7;
	s25 =	sadd.s32 s5, s25;
	[dreg:$0x8] =	wrdreg s21  }
0x16: {  	s26 =	sadd.s32 s5, s7;
	s7 =	simm.s32 $0x80;
	[dreg:$0x9] =	wrdreg s23  }
0x17: {  	s11 =	simm.s32 $0x180;
	s14 =	simm.s32 $0x480;
	[dreg:$0xa] =	wrdreg s24  }
0x18: {  	s18 =	simm.s32 $0x2D00;
	s22 =	simm.s32 $0x7D00;
	[dreg:$0xb] =	wrdreg s25  }
0x19: {  	s5 =	simm.s32 $0x0;
	[dreg:$0xc] =	wrdreg s26;
	s8 =	simm.s32 $0x300  }
0x1a: {  	s12 =	simm.s32 $0x400;
	s17 =	simm.s32 $0x50;
	s15 =	simm.s32 $0x500  }
0x1b: {  	s19 =	simm.s32 $0x2;
	s21 =	simm.s32 $0x3;
	s23 =	simm.s32 $0x4  }
0x1c: {  	s25 =	simm.s32 $0x5;
	s24 =	simm.s32 $0xA500;
	s26 =	simm.s32 $0x6  }
.LBB2_1:
0x1d: {  	[dreg:$0xf] =	wrdreg s5  }
0x1e: {  	s5 =	rddreg [dreg:$0xc]  }
0x1f: {  	s6 =	rddreg [dreg:$0xb];
	s5 =	sadd.s32 $0x0, s5  }
0x20: {  	[tilespmem:s3], [sflag:$0x1] =	stream.linear.gather [hbm4b:s5+s3], $0x50, $0x38;
	[tilespmem:$0xCD00] =	vst v63  }
0x21: {  	s6 =	sadd.s32 $0x0, s6;
	s5 =	rddreg [dreg:$0xa]  }
0x22: {  	[tilespmem:s1], [sflag:$0x6] =	stream.linear.gather [hbm4b:s6+s3], $0x50, $0x38;
	[tilespmem:$0xCD00] =	vst v63  }
0x23: {  	s5 =	sadd.s32 $0x0, s5;
	s6 =	rddreg [dreg:$0x9]  }
0x24: {  	[tilespmem:s7], [sflag:$0x2] =	stream.linear.gather [hbm4b:s5+s3], $0x50, $0x38;
	[tilespmem:$0xCD00] =	vst v63  }
0x25: {  	s6 =	sadd.s32 $0x0, s6;
	s5 =	rddreg [dreg:$0x8]  }
0x26: {  	[tilespmem:s8], [sflag:$0x7] =	stream.linear.gather [hbm4b:s6+s3], $0x50, $0x38;
	[tilespmem:$0xCD00] =	vst v63  }
0x27: {  	s5 =	sadd.s32 $0x0, s5;
	s6 =	rddreg [dreg:$0x7]  }
0x28: {  	[tilespmem:s9], [sflag:$0x3] =	stream.linear.gather [hbm4b:s5+s3], $0x50, $0x38;
	[tilespmem:$0xCD00] =	vst v63  }
0x29: {  	s6 =	sadd.s32 $0x0, s6;
	s5 =	rddreg [dreg:$0x6]  }
0x2a: {  	[tilespmem:s10], [sflag:$0x8] =	stream.linear.gather [hbm4b:s6+s3], $0x50, $0x38;
	[tilespmem:$0xCD00] =	vst v63  }
0x2b: {  	s5 =	sadd.s32 $0x0, s5;
	s6 =	rddreg [dreg:$0x5]  }
0x2c: {  	[tilespmem:s11], [sflag:$0x4] =	stream.linear.gather [hbm4b:s5+s3], $0x50, $0x38;
	[tilespmem:$0xCD00] =	vst v63  }
0x2d: {  	s6 =	sadd.s32 $0x0, s6;
	s5 =	rddreg [dreg:$0x4]  }
0x2e: {  	[tilespmem:s12], [sflag:$0x9] =	stream.linear.gather [hbm4b:s6+s3], $0x50, $0x38;
	[tilespmem:$0xCD00] =	vst v63  }
0x2f: {  	s5 =	sadd.s32 $0x0, s5;
	s6 =	rddreg [dreg:$0x3]  }
0x30: {  	[tilespmem:s13], [sflag:$0x5] =	stream.linear.gather [hbm4b:s5+s3], $0x50, $0x38;
	[tilespmem:$0xCD00] =	vst v63  }
0x31: {  	s6 =	sadd.s32 $0x0, s6  }
0x32: {  	[tilespmem:s14], [sflag:$0xA] =	stream.linear.gather [hbm4b:s6+s3], $0x50, $0x38;
	[tilespmem:$0xCD00] =	vst v63  }
0x33: {  	_ =	swait.ge [sflag:s16], $0x50  }
0x34: {  	[sflag:s16] =	ssyncset.done $0x0  }
0x35: {  	[sflag:s16] =	ssyncadd.s32 $0xFFFFFFB0  }
0x36: {  	[tilespmem:s15], [sflag:$0x1] =	stream.indirect.gather [hbm4b:s2+s17], $0x80, s3, s17, $0xb8;
	[tilespmem:$0xCD00] =	vst v63  }
0x37: {  	_ =	swait.ge [sflag:s19], $0x50  }
0x38: {  	[sflag:s19] =	ssyncset.done $0x0  }
0x39: {  	[sflag:s19] =	ssyncadd.s32 $0xFFFFFFB0  }
0x3a: {  	[tilespmem:s18], [sflag:$0x2] =	stream.indirect.gather [hbm4b:s2+s17], $0x80, s7, s17, $0xb8;
	[tilespmem:$0xCD00] =	vst v63  }
0x3b: {  	_ =	swait.ge [sflag:s21], $0x50  }
0x3c: {  	[sflag:s21] =	ssyncset.done $0x0  }
0x3d: {  	[sflag:s21] =	ssyncadd.s32 $0xFFFFFFB0  }
0x3e: {  	[tilespmem:s20], [sflag:$0x3] =	stream.indirect.gather [hbm4b:s2+s17], $0x80, s9, s17, $0xb8;
	[tilespmem:$0xCD00] =	vst v63  }
0x3f: {  	_ =	swait.ge [sflag:s23], $0x50  }
0x40: {  	[sflag:s23] =	ssyncset.done $0x0  }
0x41: {  	[sflag:s23] =	ssyncadd.s32 $0xFFFFFFB0  }
0x42: {  	[tilespmem:s22], [sflag:$0x4] =	stream.indirect.gather [hbm4b:s2+s17], $0x80, s11, s17, $0xb8;
	[tilespmem:$0xCD00] =	vst v63  }
0x43: {  	_ =	swait.ge [sflag:s25], $0x50  }
0x44: {  	[sflag:s25] =	ssyncset.done $0x0  }
0x45: {  	[sflag:s25] =	ssyncadd.s32 $0xFFFFFFB0  }
0x46: {  	[tilespmem:s24], [sflag:$0x5] =	stream.indirect.gather [hbm4b:s2+s17], $0x80, s13, s17, $0xb8;
	[tilespmem:$0xCD00] =	vst v63  }
0x47: {  	_ =	swait.ge [sflag:s16], $0x2800  }
0x48: {  	[sflag:s16] =	ssyncset.done $0x0  }
0x49: {  	[sflag:s16] =	ssyncadd.s32 $0xFFFFD800  }
0x4a: {  	_ =	swait.ge [sflag:s26], $0x50  }
0x4b: {  	[sflag:s26] =	ssyncset.done $0x0  }
0x4c: {  	[sflag:s26] =	ssyncadd.s32 $0xFFFFFFB0  }
0x4d: {  	[tilespmem:s15], [sflag:$0x1] =	stream.indirect.gather.add.f32 [hbm:s4], $0x80, s1, s17, $0xb8;
	[tilespmem:$0xCD00] =	vst v63  }
0x4e: {  	_ =	swait.ge [sflag:s19], $0x2800  }
0x4f: {  	[sflag:s19] =	ssyncset.done $0x0  }
0x50: {  	[sflag:s19] =	ssyncadd.s32 $0xFFFFD800  }
0x51: {  	_ =	swait.ge [sflag:s28], $0x50  }
0x52: {  	[sflag:s28] =	ssyncset.done $0x0  }
0x53: {  	[sflag:s28] =	ssyncadd.s32 $0xFFFFFFB0  }
0x54: {  	[tilespmem:s18], [sflag:$0x2] =	stream.indirect.gather.add.f32 [hbm:s4], $0x80, s8, s17, $0xb8;
	[tilespmem:$0xCD00] =	vst v63  }
0x55: {  	_ =	swait.ge [sflag:s21], $0x2800  }
0x56: {  	[sflag:s21] =	ssyncset.done $0x0  }
0x57: {  	[sflag:s21] =	ssyncadd.s32 $0xFFFFD800  }
0x58: {  	_ =	swait.ge [sflag:s29], $0x50  }
0x59: {  	[sflag:s29] =	ssyncset.done $0x0  }
0x5a: {  	[sflag:s29] =	ssyncadd.s32 $0xFFFFFFB0  }
0x5b: {  	[tilespmem:s20], [sflag:$0x3] =	stream.indirect.gather.add.f32 [hbm:s4], $0x80, s10, s17, $0xb8;
	[tilespmem:$0xCD00] =	vst v63  }
0x5c: {  	_ =	swait.ge [sflag:s23], $0x2800  }
0x5d: {  	[sflag:s23] =	ssyncset.done $0x0  }
0x5e: {  	[sflag:s23] =	ssyncadd.s32 $0xFFFFD800  }
0x5f: {  	_ =	swait.ge [sflag:s30], $0x50  }
0x60: {  	[sflag:s30] =	ssyncset.done $0x0  }
0x61: {  	[sflag:s30] =	ssyncadd.s32 $0xFFFFFFB0  }
0x62: {  	[tilespmem:s22], [sflag:$0x4] =	stream.indirect.gather.add.f32 [hbm:s4], $0x80, s12, s17, $0xb8;
	[tilespmem:$0xCD00] =	vst v63  }
0x63: {  	_ =	swait.ge [sflag:s25], $0x2800  }
0x64: {  	[sflag:s25] =	ssyncset.done $0x0  }
0x65: {  	[sflag:s25] =	ssyncadd.s32 $0xFFFFD800  }
0x66: {  	_ =	swait.ge [sflag:s0], $0x50  }
0x67: {  	[sflag:s0] =	ssyncset.done $0x0  }
0x68: {  	[sflag:s0] =	ssyncadd.s32 $0xFFFFFFB0  }
0x69: {  	[tilespmem:s24], [sflag:$0x5] =	stream.indirect.gather.add.f32 [hbm:s4], $0x80, s14, s17, $0xb8;
	[tilespmem:$0xCD00] =	vst v63  }
0x6a: {  	_ =	swait.ge [sflag:s16], $0x2800  }
0x6b: {  	[sflag:s16] =	ssyncset.done $0x0;
	s6 =	rddreg [dreg:$0xe]  }
0x6c: {  	[sflag:s16] =	ssyncadd.s32 $0xFFFFD800;
	s14 =	sadd.s32 $0xFFFFEC00, s6  }
0x6d: {  	[hbm4b:s14+s3] =	stream.linear.scatter [tilespmem:s15], [sflag:$0x1], $0x2800, $0x38;
	[tilespmem:$0xCD00] =	vst v63  }
0x6e: {  	_ =	swait.ge [sflag:s19], $0x2800  }
0x6f: {  	[sflag:s19] =	ssyncset.done $0x0  }
0x70: {  	s15 =	sadd.s32 $0xFFFFF100, s6;
	[sflag:s19] =	ssyncadd.s32 $0xFFFFD800  }
0x71: {  	[hbm4b:s15+s3] =	stream.linear.scatter [tilespmem:s18], [sflag:$0x2], $0x2800, $0x38;
	[tilespmem:$0xCD00] =	vst v63  }
0x72: {  	_ =	swait.ge [sflag:s21], $0x2800  }
0x73: {  	[sflag:s21] =	ssyncset.done $0x0  }
0x74: {  	s18 =	sadd.s32 $0xFFFFF600, s6;
	[sflag:s21] =	ssyncadd.s32 $0xFFFFD800  }
0x75: {  	[hbm4b:s18+s3] =	stream.linear.scatter [tilespmem:s20], [sflag:$0x3], $0x2800, $0x38;
	[tilespmem:$0xCD00] =	vst v63  }
0x76: {  	_ =	swait.ge [sflag:s23], $0x2800  }
0x77: {  	[sflag:s23] =	ssyncset.done $0x0  }
0x78: {  	s26 =	sadd.s32 $0xFFFFFB00, s6;
	[sflag:s23] =	ssyncadd.s32 $0xFFFFD800  }
0x79: {  	[hbm4b:s26+s3] =	stream.linear.scatter [tilespmem:s22], [sflag:$0x4], $0x2800, $0x38;
	[tilespmem:$0xCD00] =	vst v63  }
0x7a: {  	_ =	swait.ge [sflag:s25], $0x2800  }
0x7b: {  	[sflag:s25] =	ssyncset.done $0x0  }
0x7c: {  	[sflag:s25] =	ssyncadd.s32 $0xFFFFD800  }
0x7d: {  	[hbm4b:s6+s3] =	stream.linear.scatter [tilespmem:s24], [sflag:$0x5], $0x2800, $0x38;
	[tilespmem:$0xCD00] =	vst v63  }
0x7e: {  	_ =	swait.ge [sflag:s16], $0x2800  }
0x7f: {  	[sflag:s16] =	ssyncset.done $0x0  }
0x80: {  	[sflag:s16] =	ssyncadd.s32 $0xFFFFD800  }
0x81: {  	_ =	swait.ge [sflag:s19], $0x2800  }
0x82: {  	[sflag:s19] =	ssyncset.done $0x0  }
0x83: {  	[sflag:s19] =	ssyncadd.s32 $0xFFFFD800  }
0x84: {  	_ =	swait.ge [sflag:s21], $0x2800  }
0x85: {  	[sflag:s21] =	ssyncset.done $0x0  }
0x86: {  	s5 =	simm.s32 $0x32;
	[sflag:s21] =	ssyncadd.s32 $0xFFFFD800  }
0x87: {  	s11 =	simm.s32 $0x7;
	s28 =	simm.s32 $0x5500;
	_ =	swait.ge [sflag:s23], $0x2800  }
0x88: {  	s29 =	simm.s32 $0x7D00;
	s10 =	simm.s32 $0x8;
	[sflag:s23] =	ssyncset.done $0x0  }
0x89: {  	s30 =	simm.s32 $0xA500;
	s15 =	simm.s32 $0x9;
	[sflag:s23] =	ssyncadd.s32 $0xFFFFD800  }
0x8a: {  	s26 =	simm.s32 $0x2D00;
	s24 =	simm.s32 $0x500;
	_ =	swait.ge [sflag:s25], $0x2800  }
.LBB2_2:
0x8b: {  	s1 =	rddreg [dreg:$0xc];
	s7 =	smov.u32 s5;
	[sflag:s25] =	ssyncset.done $0x0  }
0x8c: {  	s8 =	rddreg [dreg:$0xb];
	s1 =	sadd.s32 s7, s1;
	[sflag:s25] =	ssyncadd.s32 $0xFFFFD800  }
0x8d: {  	[tilespmem:s3], [sflag:$0x1] =	stream.linear.gather [hbm4b:s1+s3], $0x50, $0x38;
	[tilespmem:$0xCD00] =	vst v63  }
0x8e: {  	s9 =	rddreg [dreg:$0xa];
	s22 =	simm.s32 $0x280;
	s8 =	sadd.s32 s7, s8  }
0x8f: {  	[tilespmem:s22], [sflag:$0x6] =	stream.linear.gather [hbm4b:s8+s3], $0x50, $0x38;
	[tilespmem:$0xCD00] =	vst v63  }
0x90: {  	s12 =	rddreg [dreg:$0x9];
	s0 =	simm.s32 $0x80;
	s13 =	sadd.s32 s7, s9  }
0x91: {  	[tilespmem:s0], [sflag:$0x2] =	stream.linear.gather [hbm4b:s13+s3], $0x50, $0x38;
	[tilespmem:$0xCD00] =	vst v63  }
0x92: {  	s14 =	rddreg [dreg:$0x8];
	s18 =	sadd.s32 s7, s12;
	s13 =	simm.s32 $0x300  }
0x93: {  	[tilespmem:s13], [sflag:$0x7] =	stream.linear.gather [hbm4b:s18+s3], $0x50, $0x38;
	[tilespmem:$0xCD00] =	vst v63  }
0x94: {  	s20 =	rddreg [dreg:$0x7];
	s12 =	sadd.s32 s7, s14;
	s18 =	simm.s32 $0x100  }
0x95: {  	[tilespmem:s18], [sflag:$0x3] =	stream.linear.gather [hbm4b:s12+s3], $0x50, $0x38;
	[tilespmem:$0xCD00] =	vst v63  }
0x96: {  	s14 =	rddreg [dreg:$0x6];
	s12 =	sadd.s32 s7, s20;
	s20 =	simm.s32 $0x380  }
0x97: {  	[tilespmem:s20], [sflag:$0x8] =	stream.linear.gather [hbm4b:s12+s3], $0x50, $0x38;
	[tilespmem:$0xCD00] =	vst v63  }
0x98: {  	s14 =	sadd.s32 s7, s14;
	s8 =	rddreg [dreg:$0x5];
	s12 =	simm.s32 $0x180  }
0x99: {  	[tilespmem:s12], [sflag:$0x4] =	stream.linear.gather [hbm4b:s14+s3], $0x50, $0x38;
	[tilespmem:$0xCD00] =	vst v63  }
0x9a: {  	s9 =	rddreg [dreg:$0x4];
	s1 =	sadd.s32 s7, s8;
	s14 =	simm.s32 $0x400  }
0x9b: {  	[tilespmem:s14], [sflag:$0x9] =	stream.linear.gather [hbm4b:s1+s3], $0x50, $0x38;
	[tilespmem:$0xCD00] =	vst v63  }
0x9c: {  	s8 =	rddreg [dreg:$0x3];
	s1 =	sadd.s32 s7, s9;
	s9 =	simm.s32 $0x200  }
0x9d: {  	[tilespmem:s9], [sflag:$0x5] =	stream.linear.gather [hbm4b:s1+s3], $0x50, $0x38;
	[tilespmem:$0xCD00] =	vst v63  }
0x9e: {  	s7 =	sadd.s32 s7, s8;
	s8 =	simm.s32 $0x480  }
0x9f: {  	[tilespmem:s8], [sflag:$0xA] =	stream.linear.gather [hbm4b:s7+s3], $0x50, $0x38;
	[tilespmem:$0xCD00] =	vst v63  }
0xa0: {  	_ =	swait.ge [sflag:s16], $0x50  }
0xa1: {  	[sflag:s16] =	ssyncset.done $0x0  }
0xa2: {  	[sflag:s16] =	ssyncadd.s32 $0xFFFFFFB0  }
0xa3: {  	[tilespmem:s24], [sflag:$0x1] =	stream.indirect.gather [hbm4b:s2+s17], $0x80, s3, s17, $0xb8;
	[tilespmem:$0xCD00] =	vst v63  }
0xa4: {  	_ =	swait.ge [sflag:s19], $0x50  }
0xa5: {  	[sflag:s19] =	ssyncset.done $0x0  }
0xa6: {  	[sflag:s19] =	ssyncadd.s32 $0xFFFFFFB0  }
0xa7: {  	[tilespmem:s26], [sflag:$0x2] =	stream.indirect.gather [hbm4b:s2+s17], $0x80, s0, s17, $0xb8;
	[tilespmem:$0xCD00] =	vst v63  }
0xa8: {  	_ =	swait.ge [sflag:s21], $0x50  }
0xa9: {  	[sflag:s21] =	ssyncset.done $0x0  }
0xaa: {  	[sflag:s21] =	ssyncadd.s32 $0xFFFFFFB0  }
0xab: {  	[tilespmem:s28], [sflag:$0x3] =	stream.indirect.gather [hbm4b:s2+s17], $0x80, s18, s17, $0xb8;
	[tilespmem:$0xCD00] =	vst v63  }
0xac: {  	_ =	swait.ge [sflag:s23], $0x50  }
0xad: {  	[sflag:s23] =	ssyncset.done $0x0  }
0xae: {  	[sflag:s23] =	ssyncadd.s32 $0xFFFFFFB0  }
0xaf: {  	[tilespmem:s29], [sflag:$0x4] =	stream.indirect.gather [hbm4b:s2+s17], $0x80, s12, s17, $0xb8;
	[tilespmem:$0xCD00] =	vst v63  }
0xb0: {  	_ =	swait.ge [sflag:s25], $0x50  }
0xb1: {  	[sflag:s25] =	ssyncset.done $0x0  }
0xb2: {  	[sflag:s25] =	ssyncadd.s32 $0xFFFFFFB0  }
0xb3: {  	[tilespmem:s30], [sflag:$0x5] =	stream.indirect.gather [hbm4b:s2+s17], $0x80, s9, s17, $0xb8;
	[tilespmem:$0xCD00] =	vst v63  }
0xb4: {  	_ =	swait.ge [sflag:s16], $0x2800  }
0xb5: {  	[sflag:s16] =	ssyncset.done $0x0  }
0xb6: {  	[sflag:s16] =	ssyncadd.s32 $0xFFFFD800  }
0xb7: {  	_ =	swait.ge [sflag:s31], $0x50  }
0xb8: {  	[sflag:s31] =	ssyncset.done $0x0  }
0xb9: {  	[sflag:s31] =	ssyncadd.s32 $0xFFFFFFB0  }
0xba: {  	[tilespmem:s24], [sflag:$0x1] =	stream.indirect.gather.add.f32 [hbm:s4], $0x80, s22, s17, $0xb8;
	[tilespmem:$0xCD00] =	vst v63  }
0xbb: {  	_ =	swait.ge [sflag:s19], $0x2800  }
0xbc: {  	[sflag:s19] =	ssyncset.done $0x0  }
0xbd: {  	[sflag:s19] =	ssyncadd.s32 $0xFFFFD800  }
0xbe: {  	_ =	swait.ge [sflag:s11], $0x50  }
0xbf: {  	[sflag:s11] =	ssyncset.done $0x0  }
0xc0: {  	[sflag:s11] =	ssyncadd.s32 $0xFFFFFFB0  }
0xc1: {  	[tilespmem:s26], [sflag:$0x2] =	stream.indirect.gather.add.f32 [hbm:s4], $0x80, s13, s17, $0xb8;
	[tilespmem:$0xCD00] =	vst v63  }
0xc2: {  	_ =	swait.ge [sflag:s21], $0x2800  }
0xc3: {  	[sflag:s21] =	ssyncset.done $0x0  }
0xc4: {  	[sflag:s21] =	ssyncadd.s32 $0xFFFFD800  }
0xc5: {  	_ =	swait.ge [sflag:s10], $0x50  }
0xc6: {  	[sflag:s10] =	ssyncset.done $0x0  }
0xc7: {  	[sflag:s10] =	ssyncadd.s32 $0xFFFFFFB0  }
0xc8: {  	[tilespmem:s28], [sflag:$0x3] =	stream.indirect.gather.add.f32 [hbm:s4], $0x80, s20, s17, $0xb8;
	[tilespmem:$0xCD00] =	vst v63  }
0xc9: {  	_ =	swait.ge [sflag:s23], $0x2800  }
0xca: {  	[sflag:s23] =	ssyncset.done $0x0  }
0xcb: {  	[sflag:s23] =	ssyncadd.s32 $0xFFFFD800  }
0xcc: {  	_ =	swait.ge [sflag:s15], $0x50  }
0xcd: {  	[sflag:s15] =	ssyncset.done $0x0  }
0xce: {  	[sflag:s15] =	ssyncadd.s32 $0xFFFFFFB0  }
0xcf: {  	[tilespmem:s29], [sflag:$0x4] =	stream.indirect.gather.add.f32 [hbm:s4], $0x80, s14, s17, $0xb8;
	[tilespmem:$0xCD00] =	vst v63  }
0xd0: {  	_ =	swait.ge [sflag:s25], $0x2800  }
0xd1: {  	[sflag:s25] =	ssyncset.done $0x0  }
0xd2: {  	s0 =	simm.s32 $0xA;
	[sflag:s25] =	ssyncadd.s32 $0xFFFFD800  }
0xd3: {  	_ =	swait.ge [sflag:s0], $0x50  }
0xd4: {  	[sflag:s0] =	ssyncset.done $0x0  }
0xd5: {  	[sflag:s0] =	ssyncadd.s32 $0xFFFFFFB0  }
0xd6: {  	[tilespmem:s30], [sflag:$0x5] =	stream.indirect.gather.add.f32 [hbm:s4], $0x80, s8, s17, $0xb8;
	[tilespmem:$0xCD00] =	vst v63  }
0xd7: {  	_ =	swait.ge [sflag:s16], $0x2800  }
0xd8: {  	s6 =	sadd.s32 $0x1900, s6;
	[sflag:s16] =	ssyncset.done $0x0  }
0xd9: {  	s14 =	sadd.s32 $0xFFFFEC00, s6;
	[sflag:s16] =	ssyncadd.s32 $0xFFFFD800  }
0xda: {  	[hbm4b:s14+s3] =	stream.linear.scatter [tilespmem:s24], [sflag:$0x1], $0x2800, $0x38;
	[tilespmem:$0xCD00] =	vst v63  }
0xdb: {  	_ =	swait.ge [sflag:s19], $0x2800  }
0xdc: {  	[sflag:s19] =	ssyncset.done $0x0  }
0xdd: {  	s18 =	sadd.s32 $0xFFFFF100, s6;
	[sflag:s19] =	ssyncadd.s32 $0xFFFFD800  }
0xde: {  	[hbm4b:s18+s3] =	stream.linear.scatter [tilespmem:s26], [sflag:$0x2], $0x2800, $0x38;
	[tilespmem:$0xCD00] =	vst v63  }
0xdf: {  	_ =	swait.ge [sflag:s21], $0x2800  }
0xe0: {  	[sflag:s21] =	ssyncset.done $0x0  }
0xe1: {  	s20 =	sadd.s32 $0xFFFFF600, s6;
	[sflag:s21] =	ssyncadd.s32 $0xFFFFD800  }
0xe2: {  	[hbm4b:s20+s3] =	stream.linear.scatter [tilespmem:s28], [sflag:$0x3], $0x2800, $0x38;
	[tilespmem:$0xCD00] =	vst v63  }
0xe3: {  	_ =	swait.ge [sflag:s23], $0x2800  }
0xe4: {  	[sflag:s23] =	ssyncset.done $0x0  }
0xe5: {  	s22 =	sadd.s32 $0xFFFFFB00, s6;
	[sflag:s23] =	ssyncadd.s32 $0xFFFFD800  }
0xe6: {  	[hbm4b:s22+s3] =	stream.linear.scatter [tilespmem:s29], [sflag:$0x4], $0x2800, $0x38;
	[tilespmem:$0xCD00] =	vst v63  }
0xe7: {  	_ =	swait.ge [sflag:s25], $0x2800  }
0xe8: {  	[sflag:s25] =	ssyncset.done $0x0  }
0xe9: {  	[sflag:s25] =	ssyncadd.s32 $0xFFFFD800  }
0xea: {  	[hbm4b:s6+s3] =	stream.linear.scatter [tilespmem:s30], [sflag:$0x5], $0x2800, $0x38;
	[tilespmem:$0xCD00] =	vst v63  }
0xeb: {  	_ =	swait.ge [sflag:s16], $0x2800  }
0xec: {  	[sflag:s16] =	ssyncset.done $0x0  }
0xed: {  	[sflag:s16] =	ssyncadd.s32 $0xFFFFD800  }
0xee: {  	_ =	swait.ge [sflag:s19], $0x2800  }
0xef: {  	[sflag:s19] =	ssyncset.done $0x0  }
0xf0: {  	[sflag:s19] =	ssyncadd.s32 $0xFFFFD800  }
0xf1: {  	_ =	swait.ge [sflag:s21], $0x2800  }
0xf2: {  	p0 =	sne.s32 s5, $0xC8;
	[sflag:s21] =	ssyncset.done $0x0  }
.Ltmp0:
0xf3: {  	[sflag:s21] =	ssyncadd.s32 $0xFFFFD800;
	(pc) =	sbr.rel @p0 .LBB2_2-.Ltmp0, $4  }
0xf4: {  	_ =	swait.ge [sflag:s23], $0x2800  }
0xf5: {  	[sflag:s23] =	ssyncset.done $0x0  }
0xf6: {  	[sflag:s23] =	ssyncadd.s32 $0xFFFFD800  }
0xf7: {  	s5 =	sadd.s32 $0x32, s5;
	_ =	swait.ge [sflag:s25], $0x2800  }
0xf8: {  	s5 =	rddreg [dreg:$0xf]  }
0xf9: {  	[sflag:s25] =	ssyncset.done $0x0;
	s1 =	rddreg [dreg:$0xd];
	s7 =	simm.s32 $0x80  }
0xfa: {  	s8 =	simm.s32 $0x300;
	s9 =	simm.s32 $0x100;
	s5 =	sadd.s32 $0x1, s5  }
0xfb: {  	s10 =	simm.s32 $0x380;
	s11 =	simm.s32 $0x180;
	p0 =	sne.s32 s5, s1  }
.Ltmp1:
0xfc: {  	s12 =	simm.s32 $0x400;
	s13 =	simm.s32 $0x200;
	(pc) =	sbr.rel @p0 .LBB2_1-.Ltmp1, $4  }
0xfd: {  	s14 =	simm.s32 $0x480;
	s15 =	simm.s32 $0x500;
	s18 =	simm.s32 $0x2D00  }
0xfe: {  	s20 =	simm.s32 $0x5500;
	s22 =	simm.s32 $0x7D00;
	s24 =	simm.s32 $0xA500  }
0xff: {  	s26 =	simm.s32 $0x6;
	s28 =	simm.s32 $0x7;
	s29 =	simm.s32 $0x8  }
0x100: {  	s30 =	simm.s32 $0x9;
	[sflag:s25] =	ssyncadd.s32 $0xFFFFD800;
	s1 =	simm.s32 $0x280  }
0x101: {  	_ =	sfence.sel $0x180000  }
0x102: {  	[bflag:$0x0] =	sbarrier.arrive $0xFFFF  }
0x103: {  	_ =	strace $0x9000004D  }
0x104: {  	s0 =	stileid.u32;
	[bflag:$0x2] =	sbarrier.arrive $0xFFFF  }
0x105: {  	p0 =	sne.s32 s0, $0x0;
	s0 =	rddreg [dreg:$0x2]  }
0x106: {  	s0 =	sadd.s32 @!p0 $0x100000, s0  }
0x107: {  	[sflag:s0] =	ssyncadd.tile.s32 @!p0 $0x1;
	_ =	shalt  }
.Lfunc_end2:
_tile_overlayer_lowered:
.L_overlay_start_2:
0x108: {  	(tag) =	ssettag $0x2  }
0x109: {  	s0 =	rddreg [dreg:$0x0];
	s2 =	stileid.u32  }
0x10a: {  	s1 =	rddreg [dreg:$0x1];
	p0 =	sne.s32 s2, $0x0  }
0x10b: {  	s3 =	rddreg [dreg:$0x2];
	[bflag:$0x3] =	sbarrier.arrive $0xFFFF;
	s2 =	simm.s32 @!p0 $0x1C0B  }
0x10c: {  	[timem:s3], [sflag:s2] =	dma.local @!p0 [hbm:s0], s1  }
0x10d: {  	s0 =	simm.s32 @!p0 $0xB  }
0x10e: {  	_ =	swait.ge @!p0 [sflag:s0], s1  }
0x10f: {  	s1 =	ssub.s32 @!p0 $0x0, s1;
	[sflag:s0] =	ssyncset.done @!p0 $0x0  }
0x110: {  	[sflag:s0] =	ssyncadd.s32 @!p0 s1  }
0x111: {  	[bflag:$0x3] =	sbarrier.arrive $0xFFFF  }
0x112: {  	_ =	shalt  }

// kernel: kernel.24.cloned.1.call-start
scs
__scs_entry_jumppad:
0x0: {  	(pc) =	sbr.rel $0x88, $3  }
0x1: {  	(tag) =	ssettag $0x0;
	lr =	simm.s32 $0x1  }
0x2: {  	[smem:$0x3F92] =	sst lr;
	_ =	strace $0xD0000000  }
0x3: {  	_ = 	snop  }
0x4: {  	_ = 	snop  }
0x5: {  	_ = 	snop  }
0x6: {  	_ = 	snop  }
0x7: {  	_ = 	snop  }
__scs_overlays_trampoline_lowered:
0x8: {  	[smem:$0x3FA1] =	sst s0  }
0x9: {  	[smem:$0x3FA2] =	sst s1  }
0xa: {  	[smem:$0x3FA3] =	sst s2  }
0xb: {  	[smem:$0x3FA4] =	sst s3  }
0xc: {  	[smem:$0x3FA5] =	sst s4  }
0xd: {  	[smem:$0x3FA6] =	sst s5  }
0xe: {  	[smem:$0x3FA7] =	sst s6  }
0xf: {  	[smem:$0x3FA8] =	sst s7  }
0x10: {  	[smem:$0x3FA9] =	sst s8  }
0x11: {  	[smem:$0x3FAA] =	sst s9;
	s0 =	simm.s32 @!p0 $0x0  }
0x12: {  	s1 =	sld [smem:$0x3F90];
	s0 =	simm.s32 @p0 $0x1  }
0x13: {  	[smem:$0x3FAB] =	sst s0;
	s0 =	simm.s32 @!p1 $0x0  }
0x14: {  	s2 =	sld [smem:$0x3F8F];
	s0 =	simm.s32 @p1 $0x1  }
0x15: {  	[smem:$0x3FAC] =	sst s0;
	s0 =	simm.s32 @!p2 $0x0  }
0x16: {  	s3 =	sld [smem:$0x3FDB];
	s0 =	simm.s32 @p2 $0x1  }
0x17: {  	s4 =	simm.s32 $0x1BF5;
	[smem:$0x3FAE] =	sst s0  }
0x18: {  	s0 =	sld [smem:$0x3F91];
	_ =	swait.ge [sflag:s4], $0x0  }
0x19: {  	s7 =	sld [smem:$0x3F92]  }
0x1a: {  	s8 =	sadd.s32 $0xFFFFE003, lr  }
0x1b: {  	s9 =	sadd.s32 $0xFFFFFEF7, lr;
	s5 =	simm.s32 $0xFFFFFFFF;
	p2 =	slt.u32 s8, $0xFFFFF086  }
0x1c: {  	p1 =	slt.u32 s9, $0xF7A;
	s5 =	simm.s32 @!p2 $0x0  }
0x1d: {  	s5 =	simm.s32 @p1 $0x1;
	p0 =	seq.s32 s7, s2  }
0x1e: {  	s7 =	smul.u32 @!p0 $0xF7A, s2;
	p2 =	seq.s32 @!p0 s5, $0x0  }
0x1f: {  	s9 =	smul.u32 $0xF7A, s1;
	s8 =	simm.s32 @!p0 $0x1BF5;
	p2 =	por !p2, p0  }
0x20: {  	[sflag:s8] =	ssyncset.s32 @!p0 $0xFFFFF086;
	s6 =	sadd.s32 @!p0 s3, s7;
	s7 =	simm.s32 @!p0 $0x108  }
0x21: {  	s3 =	sadd.s32 s3, s9;
	s6 =	sadd.s32 @!p0 $0x88, s6;
	s7 =	simm.s32 @p2 $0x1082  }
0x22: {  	[simem:s7], [sflag:s8] =	dma.local @!p0 [hbm:s6], $0xF7A  }
0x23: {  	s9 =	sor.u32 $0xD0000000, s2;
	s6 =	simm.s32 $0x108;
	_ =	swait.ge @!p0 [sflag:s8], $0x0  }
0x24: {  	s3 =	sadd.s32 $0x88, s3;
	s6 =	simm.s32 @!p1 $0x1082;
	[sflag:s4] =	ssyncset.s32 $0xFFFFF086  }
0x25: {  	[simem:s6], [sflag:s4] =	dma.local [hbm:s3], $0xF7A  }
0x26: {  	[smem:$0x3F92] =	sst s1;
	(tag) =	ssettag s2;
	_ =	strace s9  }
0x27: {  	s1 =	sld [smem:$0x3FA2]  }
0x28: {  	s2 =	sld [smem:$0x3FA3]  }
0x29: {  	s4 =	sld [smem:$0x3FA5]  }
0x2a: {  	p0 =	seq.s32 s5, $0x0;
	s5 =	sld [smem:$0x3FA6]  }
0x2b: {  	s6 =	sld [smem:$0x3FA7]  }
0x2c: {  	s7 =	sld [smem:$0x3FA8]  }
0x2d: {  	s3 =	simm.s32 $0x108;
	s8 =	sld [smem:$0x3FA9]  }
0x2e: {  	s3 =	simm.s32 @!p0 $0x1082;
	s9 =	sld [smem:$0x3FAA]  }
0x2f: {  	lr =	sadd.s32 s0, s3;
	s0 =	sld [smem:$0x3FA1]  }
0x30: {  	s3 =	sld [smem:$0x3FA4]  }
0x31: {  	[smem:$0x3FAD] =	sst s10  }
0x32: {  	s10 =	sld [smem:$0x3FAB];
	_ =	sdelay $0x3  }
0x33: {  	p0 =	seq.s32 s10, $0x1;
	s10 =	sld [smem:$0x3FAD];
	_ =	sdelay $0x3  }
0x34: {  	[smem:$0x3FAD] =	sst s10  }
0x35: {  	s10 =	sld [smem:$0x3FAC];
	_ =	sdelay $0x3  }
0x36: {  	p1 =	seq.s32 s10, $0x1;
	s10 =	sld [smem:$0x3FAD];
	_ =	sdelay $0x3  }
0x37: {  	[smem:$0x3FAD] =	sst s10  }
0x38: {  	s10 =	sld [smem:$0x3FAE]  }
0x39: {  	_ = 	snop;
	(pc) =	sbr.ind lr, $3  }
0x3a: {  	_ = 	snop  }
0x3b: {  	_ = 	snop  }
0x3c: {  	p2 =	seq.s32 s10, $0x1;
	s10 =	sld [smem:$0x3FAD]  }
0x3d: {  	_ =	shalt  }
0x3e: {  	_ =	shalt  }
0x3f: {  	_ =	shalt  }
0x40: {  	_ =	shalt  }
0x41: {  	_ =	shalt  }
0x42: {  	_ =	shalt  }
0x43: {  	_ =	shalt  }
0x44: {  	_ =	shalt  }
0x45: {  	_ =	shalt  }
0x46: {  	_ =	shalt  }
0x47: {  	_ =	shalt  }
0x48: {  	_ =	shalt  }
0x49: {  	_ =	shalt  }
0x4a: {  	_ =	shalt  }
0x4b: {  	_ =	shalt  }
0x4c: {  	_ =	shalt  }
0x4d: {  	_ =	shalt  }
0x4e: {  	_ =	shalt  }
0x4f: {  	_ =	shalt  }
0x50: {  	_ =	shalt  }
0x51: {  	_ =	shalt  }
0x52: {  	_ =	shalt  }
0x53: {  	_ =	shalt  }
0x54: {  	_ =	shalt  }
0x55: {  	_ =	shalt  }
0x56: {  	_ =	shalt  }
0x57: {  	_ =	shalt  }
0x58: {  	_ =	shalt  }
0x59: {  	_ =	shalt  }
0x5a: {  	_ =	shalt  }
0x5b: {  	_ =	shalt  }
0x5c: {  	_ =	shalt  }
0x5d: {  	_ =	shalt  }
0x5e: {  	_ =	shalt  }
0x5f: {  	_ =	shalt  }
0x60: {  	_ =	shalt  }
0x61: {  	_ =	shalt  }
0x62: {  	_ =	shalt  }
0x63: {  	_ =	shalt  }
0x64: {  	_ =	shalt  }
0x65: {  	_ =	shalt  }
0x66: {  	_ =	shalt  }
0x67: {  	_ =	shalt  }
0x68: {  	_ =	shalt  }
0x69: {  	_ =	shalt  }
0x6a: {  	_ =	shalt  }
0x6b: {  	_ =	shalt  }
0x6c: {  	_ =	shalt  }
0x6d: {  	_ =	shalt  }
0x6e: {  	_ =	shalt  }
0x6f: {  	_ =	shalt  }
0x70: {  	_ =	shalt  }
0x71: {  	_ =	shalt  }
0x72: {  	_ =	shalt  }
0x73: {  	_ =	shalt  }
0x74: {  	_ =	shalt  }
0x75: {  	_ =	shalt  }
0x76: {  	_ =	shalt  }
0x77: {  	_ =	shalt  }
0x78: {  	_ =	shalt  }
0x79: {  	_ =	shalt  }
0x7a: {  	_ =	shalt  }
0x7b: {  	_ =	shalt  }
0x7c: {  	_ =	shalt  }
0x7d: {  	_ =	shalt  }
0x7e: {  	_ =	shalt  }
0x7f: {  	_ =	shalt  }
0x80: {  	_ =	shalt  }
0x81: {  	_ =	shalt  }
0x82: {  	_ =	shalt  }
0x83: {  	_ =	shalt  }
0x84: {  	_ =	shalt  }
0x85: {  	_ =	shalt  }
0x86: {  	_ =	shalt  }
0x87: {  	_ =	shalt  }
.Lfunc_end0:
.L_simem_size_0:
called_computation.3_lowered:
.L_overlay_start_0:
0x88: {  	s2 =	sld [smem:$0x3FD9]  }
0x89: {  	s3 =	sld [smem:$0x3FFE];
	_ =	sdelay $0x1  }
0x8a: {  	s1 =	srdreg.scid  }
0x8b: {  	s0 =	sand.u32 $0x1, s1  }
0x8c: {  	s15 =	sshll.u32 s0, $0xA;
	s2 =	sadd.s32 s3, s2  }
0x8d: {  	s2 =	sadd.s32 s2, s15  }
0x8e: {  	[smem:$0x3FB9] =	sst s2  }
0x8f: {  	_ = 	snop  }
0x90: {  	s2 =	sld [smem:$0x3FD0];
	_ =	sdelay $0x2  }
0x91: {  	s16 =	simm.s32 $0xE;
	s4 =	simm.s32 $0x10  }
0x92: {  	[smem:s4], [sflag:s16] =	dma.local [hbm:s2], $0x1  }
0x93: {  	_ =	swait.eq [sflag:s16], $0x1  }
0x94: {  	[sflag:s16] =	ssyncset.done $0x0  }
0x95: {  	[sflag:s16] =	ssyncadd.s32 $0xFFFFFFFF  }
0x96: {  	s17 =	sld [smem:$0x10];
	(tm) =	ssettm $0x1  }
0x97: {  	s18 =	sld [smem:$0x3FFB];
	_ =	sdelay $0x3  }
0x98: {  	_ =	strace s18  }
0x99: {  	s2 =	sld [smem:$0x3FFC];
	_ =	sdelay $0x3  }
0x9a: {  	_ =	strace s2  }
0x9b: {  	s2 =	sld [smem:$0x3FFD];
	_ =	sdelay $0x3  }
0x9c: {  	_ =	strace s2  }
0x9d: {  	_ =	strace $0x8FFFFFFF  }
0x9e: {  	s19 =	sld [smem:$0x3FDB];
	_ =	sdelay $0x1  }
0x9f: {  	s20 =	simm.s32 $_scs_section_size  }
0xa0: {  	s5 =	simm.s32 $_size__tile_overlayer_lowered;
	s6 =	simm.s32 $_tile_overlayer_lowered  }
0xa1: {  	s7 =	simm.s32 $0x1BFF;
	s21 =	sshll.u32 s6, $0x1;
	s4 =	sadd.s32 s20, s19  }
0xa2: {  	s22 =	simm.s32 $0x0;
	s5 =	sshll.u32 s5, $0x1;
	s6 =	sadd.s32 s21, s4  }
0xa3: {  	[timem:s22], [sflag:s7] =	dma.local [hbm:s6], s5  }
0xa4: {  	_ =	swait.ge [sflag:s7], s5  }
0xa5: {  	s5 =	ssub.s32 $0x0, s5;
	[sflag:s7] =	ssyncset.done $0x0  }
0xa6: {  	[sflag:s7] =	ssyncadd.s32 s5;
	_ =	sdelay $0x1  }
0xa7: {  	s23 =	simm.s32 $0x1B8B  }
0xa8: {  	_ =	swait.ge [sflag:s23], $0x1  }
0xa9: {  	[sflag:s23] =	ssyncset.done $0x0  }
0xaa: {  	[sflag:s23] =	ssyncadd.s32 $0xFFFFFFFF  }
0xab: {  	s5 =	sld [smem:$0x0]  }
0xac: {  	s6 =	sand.u32 $0xFFFFFFFE, s1  }
0xad: {  	p0 =	sne.s32 s1, s6  }
0xae: {  	s6 =	sshll.u32 @p0 s6, $0xE  }
0xaf: {  	s6 =	sadd.s32 @p0 $0x11B8D, s6;
	s7 =	sshll.u32 @p0 s5, $0x11  }
0xb0: {  	s6 =	sor.u32 @p0 s7, s6  }
0xb1: {  	[sflag:s6] =	ssyncadd.remote.s32 @p0 $0x1;
	_ =	sdelay $0x1  }
0xb2: {  	s6 =	simm.s32 @p0 $0x1B8D  }
0xb3: {  	_ =	swait.eq @p0 [sflag:s6], $0x1  }
0xb4: {  	[sflag:s6] =	ssyncadd.s32 @p0 $0xFFFFFFFF  }
0xb5: {  	s7 =	sshll.u32 @!p0 s1, $0xE  }
0xb6: {  	s7 =	sor.u32 @!p0 $0x4000, s7;
	s6 =	simm.s32 @!p0 $0x1B8D  }
0xb7: {  	s5 =	sshll.u32 @!p0 s5, $0x11;
	s7 =	sadd.s32 @!p0 $0x11B8D, s7;
	_ =	swait.eq @!p0 [sflag:s6], $0x1  }
0xb8: {  	s5 =	sor.u32 @!p0 s5, s7;
	[sflag:s6] =	ssyncadd.s32 @!p0 $0xFFFFFFFF  }
0xb9: {  	s25 =	simm.s32 $0x1B8E;
	s24 =	sld [smem:$0x3FFE];
	[sflag:s5] =	ssyncadd.remote.s32 @!p0 $0x1  }
0xba: {  	s26 =	simm.s32 $execute0_lowered;
	[smem:$0x3FD2] =	sst s25  }
0xbb: {  	s6 =	sshll.u32 s26, $0x1;
	_ =	strace $0x8000004F;
	[dreg:$0x1] =	wrdreg $0xFFFFFFFF  }
0xbc: {  	s28 =	simm.s32 $_size_execute0_lowered;
	s4 =	sadd.s32 s4, s6;
	[dreg:$0x0] =	wrdreg $0x0  }
0xbd: {  	s6 =	sshll.u32 s28, $0x1;
	[dreg:$0x2] =	wrdreg s4  }
0xbe: {  	[dreg:$0x3] =	wrdreg s6  }
0xbf: {  	[dreg:$0x4] =	wrdreg $0xC0  }
0xc0: {  	_ =	task [dreg:s22], $0x5FFFF  }
0xc1: {  	[dreg:$0x1] =	wrdreg $0xFFFFFFFF  }
0xc2: {  	[dreg:$0x0] =	wrdreg $0x60  }
0xc3: {  	[dreg:$0x2] =	wrdreg s17  }
0xc4: {  	[dreg:$0x3] =	wrdreg s24  }
0xc5: {  	[dreg:$0x4] =	wrdreg $0xC  }
0xc6: {  	_ =	task.clear_ibuf [dreg:s22], $0x5FFFF;
	_ =	strace $0x9000004F  }
0xc7: {  	s29 =	simm.s32 $0xC;
	_ =	strace $0x80000051  }
0xc8: {  	_ =	swait.ge [sflag:s29], $0x1  }
0xc9: {  	[sflag:s29] =	ssyncadd.s32 $0xFFFFFFFF  }
0xca: {  	_ =	strace $0x90000051  }
0xcb: {  	_ =	sfence  }
0xcc: {  	s30 =	sld [smem:$0x0];
	_ =	sdelay $0x2  }
0xcd: {  	s31 =	sshll.u32 s1, $0xD;
	s1 =	sshrl.u32 s1, $0x2  }
0xce: {  	s4 =	sand.u32 $0x4000, s31;
	s1 =	sadd.s32 s1, s30  }
0xcf: {  	s0 =	sor.u32 s4, s0;
	s1 =	sshll.u32 s1, $0x11  }
0xd0: {  	s0 =	sor.u32 s1, s0  }
0xd1: {  	s0 =	sadd.s32 $0x8F2B, s0  }
0xd2: {  	[sflag:s0] =	ssyncadd.remote.s32 $0x1  }
0xd3: {  	_ =	sfence.sel $0xFFFF  }
0xd4: {  	[dreg:$0x0] =	wrdreg $0xFFFFFFFF;
	(pc) =	sbr.abs _section_cstart, $3  }
0xd5: {  	[dreg:$0x1] =	wrdreg $0xFFFFFFFF  }
0xd6: {  	_ =	task.clear_ibuf [dreg:s22], $0x2FFFF;
	_ =	strace $0x9FFFFFFF  }
0xd7: {  	(tm) =	ssettm $0x7FFFFFFF  }
tec
execute0_lowered:
.L_overlay_start_1:
0x0: {  	(tag) =	ssettag $0x1  }
0x1: {  	s2 =	rddreg [dreg:$0x0]  }
0x2: {  	s0 =	rddreg [dreg:$0x1];
	s3 =	simm.s32 $0x0;
	s9 =	stileid.u32  }
0x3: {  	s1 =	srdreg.scid;
	s28 =	simm.s32 $0x7;
	s29 =	simm.s32 $0x8  }
0x4: {  	s30 =	simm.s32 $0x9;
	s31 =	simm.s32 $0x6;
	[smem:$0x7FF] =	sst s3  }
0x5: {  	s1 =	sand.u32 $0x1, s1;
	s5 =	smul.u32 $0xFA0, s9;
	s4 =	sadd.s32 $0x18C00, s0  }
0x6: {  	s7 =	sadd.s32 $0xEE00, s0;
	s9 =	smul.u32 $0xFA00, s9;
	s25 =	sadd.s32 $0x5000, s0  }
0x7: {  	_ =	strace $0x80000050;
	s6 =	smul.u32 $0x7D0, s1;
	s8 =	ssub.s32 $0x2, s1  }
0x8: {  	s1 =	smul.u32 $0x7D00, s1;
	s10 =	sshrl.u32 s8, $0x1;
	s0 =	sadd.s32 s9, s0  }
0x9: {  	s9 =	simm.s32 $0x100;
	s5 =	sadd.s32 s6, s5;
	s8 =	ssub.s32 s8, s10  }
0xa: {  	s0 =	sadd.s32 s1, s0;
	s1 =	simm.s32 $0x280;
	s10 =	simm.s32 $0x380  }
0xb: {  	s26 =	sadd.s32 $0x2EF40, s5;
	s8 =	smax.u32 s8, $0x1;
	s13 =	sadd.s32 $0x2EEF0, s5  }
0xc: {  	s16 =	sadd.s32 $0x2EEA0, s5;
	s20 =	sadd.s32 $0x2EE50, s5;
	s5 =	sadd.s32 $0x2EE00, s5  }
0xd: {  	s0 =	sadd.s32 $0x32F200, s0;
	[dreg:$0xd] =	wrdreg s8;
	s11 =	sshrl.u32 s26, $0x3  }
0xe: {  	s14 =	sshrl.u32 s13, $0x3;
	s18 =	sshrl.u32 s16, $0x3;
	s22 =	sshrl.u32 s20, $0x3  }
0xf: {  	s5 =	sshrl.u32 s5, $0x3;
	[dreg:$0xe] =	wrdreg s0;
	s12 =	sadd.s32 s11, s25  }
0x10: {  	s13 =	simm.s32 $0x200;
	s8 =	sadd.s32 s11, s7;
	[dreg:$0x3] =	wrdreg s12  }
0x11: {  	s16 =	simm.s32 $0x1;
	s15 =	sadd.s32 s14, s25;
	[dreg:$0x4] =	wrdreg s8  }
0x12: {  	s20 =	simm.s32 $0x5500;
	s17 =	sadd.s32 s14, s7;
	[dreg:$0x5] =	wrdreg s15  }
0x13: {  	s0 =	simm.s32 $0xA;
	s19 =	sadd.s32 s18, s25;
	[dreg:$0x6] =	wrdreg s17  }
0x14: {  	s21 =	sadd.s32 s18, s7;
	s23 =	sadd.s32 s22, s25;
	[dreg:$0x7] =	wrdreg s19  }
0x15: {  	s24 =	sadd.s32 s22, s7;
	s25 =	sadd.s32 s5, s25;
	[dreg:$0x8] =	wrdreg s21  }
0x16: {  	s26 =	sadd.s32 s5, s7;
	s7 =	simm.s32 $0x80;
	[dreg:$0x9] =	wrdreg s23  }
0x17: {  	s11 =	simm.s32 $0x180;
	s14 =	simm.s32 $0x480;
	[dreg:$0xa] =	wrdreg s24  }
0x18: {  	s18 =	simm.s32 $0x2D00;
	s22 =	simm.s32 $0x7D00;
	[dreg:$0xb] =	wrdreg s25  }
0x19: {  	s5 =	simm.s32 $0x0;
	[dreg:$0xc] =	wrdreg s26;
	s8 =	simm.s32 $0x300  }
0x1a: {  	s12 =	simm.s32 $0x400;
	s17 =	simm.s32 $0x50;
	s15 =	simm.s32 $0x500  }
0x1b: {  	s19 =	simm.s32 $0x2;
	s21 =	simm.s32 $0x3;
	s23 =	simm.s32 $0x4  }
0x1c: {  	s25 =	simm.s32 $0x5;
	s24 =	simm.s32 $0xA500;
	s26 =	simm.s32 $0x6  }
.LBB2_1:
0x1d: {  	[dreg:$0xf] =	wrdreg s5  }
0x1e: {  	s5 =	rddreg [dreg:$0xc]  }
0x1f: {  	s6 =	rddreg [dreg:$0xb];
	s5 =	sadd.s32 $0x0, s5  }
0x20: {  	[tilespmem:s3], [sflag:$0x1] =	stream.linear.gather [hbm4b:s5+s3], $0x50, $0x38;
	[tilespmem:$0xCD00] =	vst v63  }
0x21: {  	s6 =	sadd.s32 $0x0, s6;
	s5 =	rddreg [dreg:$0xa]  }
0x22: {  	[tilespmem:s1], [sflag:$0x6] =	stream.linear.gather [hbm4b:s6+s3], $0x50, $0x38;
	[tilespmem:$0xCD00] =	vst v63  }
0x23: {  	s5 =	sadd.s32 $0x0, s5;
	s6 =	rddreg [dreg:$0x9]  }
0x24: {  	[tilespmem:s7], [sflag:$0x2] =	stream.linear.gather [hbm4b:s5+s3], $0x50, $0x38;
	[tilespmem:$0xCD00] =	vst v63  }
0x25: {  	s6 =	sadd.s32 $0x0, s6;
	s5 =	rddreg [dreg:$0x8]  }
0x26: {  	[tilespmem:s8], [sflag:$0x7] =	stream.linear.gather [hbm4b:s6+s3], $0x50, $0x38;
	[tilespmem:$0xCD00] =	vst v63  }
0x27: {  	s5 =	sadd.s32 $0x0, s5;
	s6 =	rddreg [dreg:$0x7]  }
0x28: {  	[tilespmem:s9], [sflag:$0x3] =	stream.linear.gather [hbm4b:s5+s3], $0x50, $0x38;
	[tilespmem:$0xCD00] =	vst v63  }
0x29: {  	s6 =	sadd.s32 $0x0, s6;
	s5 =	rddreg [dreg:$0x6]  }
0x2a: {  	[tilespmem:s10], [sflag:$0x8] =	stream.linear.gather [hbm4b:s6+s3], $0x50, $0x38;
	[tilespmem:$0xCD00] =	vst v63  }
0x2b: {  	s5 =	sadd.s32 $0x0, s5;
	s6 =	rddreg [dreg:$0x5]  }
0x2c: {  	[tilespmem:s11], [sflag:$0x4] =	stream.linear.gather [hbm4b:s5+s3], $0x50, $0x38;
	[tilespmem:$0xCD00] =	vst v63  }
0x2d: {  	s6 =	sadd.s32 $0x0, s6;
	s5 =	rddreg [dreg:$0x4]  }
0x2e: {  	[tilespmem:s12], [sflag:$0x9] =	stream.linear.gather [hbm4b:s6+s3], $0x50, $0x38;
	[tilespmem:$0xCD00] =	vst v63  }
0x2f: {  	s5 =	sadd.s32 $0x0, s5;
	s6 =	rddreg [dreg:$0x3]  }
0x30: {  	[tilespmem:s13], [sflag:$0x5] =	stream.linear.gather [hbm4b:s5+s3], $0x50, $0x38;
	[tilespmem:$0xCD00] =	vst v63  }
0x31: {  	s6 =	sadd.s32 $0x0, s6  }
0x32: {  	[tilespmem:s14], [sflag:$0xA] =	stream.linear.gather [hbm4b:s6+s3], $0x50, $0x38;
	[tilespmem:$0xCD00] =	vst v63  }
0x33: {  	_ =	swait.ge [sflag:s16], $0x50  }
0x34: {  	[sflag:s16] =	ssyncset.done $0x0  }
0x35: {  	[sflag:s16] =	ssyncadd.s32 $0xFFFFFFB0  }
0x36: {  	[tilespmem:s15], [sflag:$0x1] =	stream.indirect.gather [hbm4b:s2+s17], $0x80, s3, s17, $0xb8;
	[tilespmem:$0xCD00] =	vst v63  }
0x37: {  	_ =	swait.ge [sflag:s19], $0x50  }
0x38: {  	[sflag:s19] =	ssyncset.done $0x0  }
0x39: {  	[sflag:s19] =	ssyncadd.s32 $0xFFFFFFB0  }
0x3a: {  	[tilespmem:s18], [sflag:$0x2] =	stream.indirect.gather [hbm4b:s2+s17], $0x80, s7, s17, $0xb8;
	[tilespmem:$0xCD00] =	vst v63  }
0x3b: {  	_ =	swait.ge [sflag:s21], $0x50  }
0x3c: {  	[sflag:s21] =	ssyncset.done $0x0  }
0x3d: {  	[sflag:s21] =	ssyncadd.s32 $0xFFFFFFB0  }
0x3e: {  	[tilespmem:s20], [sflag:$0x3] =	stream.indirect.gather [hbm4b:s2+s17], $0x80, s9, s17, $0xb8;
	[tilespmem:$0xCD00] =	vst v63  }
0x3f: {  	_ =	swait.ge [sflag:s23], $0x50  }
0x40: {  	[sflag:s23] =	ssyncset.done $0x0  }
0x41: {  	[sflag:s23] =	ssyncadd.s32 $0xFFFFFFB0  }
0x42: {  	[tilespmem:s22], [sflag:$0x4] =	stream.indirect.gather [hbm4b:s2+s17], $0x80, s11, s17, $0xb8;
	[tilespmem:$0xCD00] =	vst v63  }
0x43: {  	_ =	swait.ge [sflag:s25], $0x50  }
0x44: {  	[sflag:s25] =	ssyncset.done $0x0  }
0x45: {  	[sflag:s25] =	ssyncadd.s32 $0xFFFFFFB0  }
0x46: {  	[tilespmem:s24], [sflag:$0x5] =	stream.indirect.gather [hbm4b:s2+s17], $0x80, s13, s17, $0xb8;
	[tilespmem:$0xCD00] =	vst v63  }
0x47: {  	_ =	swait.ge [sflag:s16], $0x2800  }
0x48: {  	[sflag:s16] =	ssyncset.done $0x0  }
0x49: {  	[sflag:s16] =	ssyncadd.s32 $0xFFFFD800  }
0x4a: {  	_ =	swait.ge [sflag:s26], $0x50  }
0x4b: {  	[sflag:s26] =	ssyncset.done $0x0  }
0x4c: {  	[sflag:s26] =	ssyncadd.s32 $0xFFFFFFB0  }
0x4d: {  	[tilespmem:s15], [sflag:$0x1] =	stream.indirect.gather.add.f32 [hbm:s4], $0x80, s1, s17, $0xb8;
	[tilespmem:$0xCD00] =	vst v63  }
0x4e: {  	_ =	swait.ge [sflag:s19], $0x2800  }
0x4f: {  	[sflag:s19] =	ssyncset.done $0x0  }
0x50: {  	[sflag:s19] =	ssyncadd.s32 $0xFFFFD800  }
0x51: {  	_ =	swait.ge [sflag:s28], $0x50  }
0x52: {  	[sflag:s28] =	ssyncset.done $0x0  }
0x53: {  	[sflag:s28] =	ssyncadd.s32 $0xFFFFFFB0  }
0x54: {  	[tilespmem:s18], [sflag:$0x2] =	stream.indirect.gather.add.f32 [hbm:s4], $0x80, s8, s17, $0xb8;
	[tilespmem:$0xCD00] =	vst v63  }
0x55: {  	_ =	swait.ge [sflag:s21], $0x2800  }
0x56: {  	[sflag:s21] =	ssyncset.done $0x0  }
0x57: {  	[sflag:s21] =	ssyncadd.s32 $0xFFFFD800  }
0x58: {  	_ =	swait.ge [sflag:s29], $0x50  }
0x59: {  	[sflag:s29] =	ssyncset.done $0x0  }
0x5a: {  	[sflag:s29] =	ssyncadd.s32 $0xFFFFFFB0  }
0x5b: {  	[tilespmem:s20], [sflag:$0x3] =	stream.indirect.gather.add.f32 [hbm:s4], $0x80, s10, s17, $0xb8;
	[tilespmem:$0xCD00] =	vst v63  }
0x5c: {  	_ =	swait.ge [sflag:s23], $0x2800  }
0x5d: {  	[sflag:s23] =	ssyncset.done $0x0  }
0x5e: {  	[sflag:s23] =	ssyncadd.s32 $0xFFFFD800  }
0x5f: {  	_ =	swait.ge [sflag:s30], $0x50  }
0x60: {  	[sflag:s30] =	ssyncset.done $0x0  }
0x61: {  	[sflag:s30] =	ssyncadd.s32 $0xFFFFFFB0  }
0x62: {  	[tilespmem:s22], [sflag:$0x4] =	stream.indirect.gather.add.f32 [hbm:s4], $0x80, s12, s17, $0xb8;
	[tilespmem:$0xCD00] =	vst v63  }
0x63: {  	_ =	swait.ge [sflag:s25], $0x2800  }
0x64: {  	[sflag:s25] =	ssyncset.done $0x0  }
0x65: {  	[sflag:s25] =	ssyncadd.s32 $0xFFFFD800  }
0x66: {  	_ =	swait.ge [sflag:s0], $0x50  }
0x67: {  	[sflag:s0] =	ssyncset.done $0x0  }
0x68: {  	[sflag:s0] =	ssyncadd.s32 $0xFFFFFFB0  }
0x69: {  	[tilespmem:s24], [sflag:$0x5] =	stream.indirect.gather.add.f32 [hbm:s4], $0x80, s14, s17, $0xb8;
	[tilespmem:$0xCD00] =	vst v63  }
0x6a: {  	_ =	swait.ge [sflag:s16], $0x2800  }
0x6b: {  	[sflag:s16] =	ssyncset.done $0x0;
	s6 =	rddreg [dreg:$0xe]  }
0x6c: {  	[sflag:s16] =	ssyncadd.s32 $0xFFFFD800;
	s14 =	sadd.s32 $0xFFFFEC00, s6  }
0x6d: {  	[hbm4b:s14+s3] =	stream.linear.scatter [tilespmem:s15], [sflag:$0x1], $0x2800, $0x38;
	[tilespmem:$0xCD00] =	vst v63  }
0x6e: {  	_ =	swait.ge [sflag:s19], $0x2800  }
0x6f: {  	[sflag:s19] =	ssyncset.done $0x0  }
0x70: {  	s15 =	sadd.s32 $0xFFFFF100, s6;
	[sflag:s19] =	ssyncadd.s32 $0xFFFFD800  }
0x71: {  	[hbm4b:s15+s3] =	stream.linear.scatter [tilespmem:s18], [sflag:$0x2], $0x2800, $0x38;
	[tilespmem:$0xCD00] =	vst v63  }
0x72: {  	_ =	swait.ge [sflag:s21], $0x2800  }
0x73: {  	[sflag:s21] =	ssyncset.done $0x0  }
0x74: {  	s18 =	sadd.s32 $0xFFFFF600, s6;
	[sflag:s21] =	ssyncadd.s32 $0xFFFFD800  }
0x75: {  	[hbm4b:s18+s3] =	stream.linear.scatter [tilespmem:s20], [sflag:$0x3], $0x2800, $0x38;
	[tilespmem:$0xCD00] =	vst v63  }
0x76: {  	_ =	swait.ge [sflag:s23], $0x2800  }
0x77: {  	[sflag:s23] =	ssyncset.done $0x0  }
0x78: {  	s26 =	sadd.s32 $0xFFFFFB00, s6;
	[sflag:s23] =	ssyncadd.s32 $0xFFFFD800  }
0x79: {  	[hbm4b:s26+s3] =	stream.linear.scatter [tilespmem:s22], [sflag:$0x4], $0x2800, $0x38;
	[tilespmem:$0xCD00] =	vst v63  }
0x7a: {  	_ =	swait.ge [sflag:s25], $0x2800  }
0x7b: {  	[sflag:s25] =	ssyncset.done $0x0  }
0x7c: {  	[sflag:s25] =	ssyncadd.s32 $0xFFFFD800  }
0x7d: {  	[hbm4b:s6+s3] =	stream.linear.scatter [tilespmem:s24], [sflag:$0x5], $0x2800, $0x38;
	[tilespmem:$0xCD00] =	vst v63  }
0x7e: {  	_ =	swait.ge [sflag:s16], $0x2800  }
0x7f: {  	[sflag:s16] =	ssyncset.done $0x0  }
0x80: {  	[sflag:s16] =	ssyncadd.s32 $0xFFFFD800  }
0x81: {  	_ =	swait.ge [sflag:s19], $0x2800  }
0x82: {  	[sflag:s19] =	ssyncset.done $0x0  }
0x83: {  	[sflag:s19] =	ssyncadd.s32 $0xFFFFD800  }
0x84: {  	_ =	swait.ge [sflag:s21], $0x2800  }
0x85: {  	[sflag:s21] =	ssyncset.done $0x0  }
0x86: {  	s5 =	simm.s32 $0x32;
	[sflag:s21] =	ssyncadd.s32 $0xFFFFD800  }
0x87: {  	s11 =	simm.s32 $0x7;
	s28 =	simm.s32 $0x5500;
	_ =	swait.ge [sflag:s23], $0x2800  }
0x88: {  	s29 =	simm.s32 $0x7D00;
	s10 =	simm.s32 $0x8;
	[sflag:s23] =	ssyncset.done $0x0  }
0x89: {  	s30 =	simm.s32 $0xA500;
	s15 =	simm.s32 $0x9;
	[sflag:s23] =	ssyncadd.s32 $0xFFFFD800  }
0x8a: {  	s26 =	simm.s32 $0x2D00;
	s24 =	simm.s32 $0x500;
	_ =	swait.ge [sflag:s25], $0x2800  }
.LBB2_2:
0x8b: {  	s1 =	rddreg [dreg:$0xc];
	s7 =	smov.u32 s5;
	[sflag:s25] =	ssyncset.done $0x0  }
0x8c: {  	s8 =	rddreg [dreg:$0xb];
	s1 =	sadd.s32 s7, s1;
	[sflag:s25] =	ssyncadd.s32 $0xFFFFD800  }
0x8d: {  	[tilespmem:s3], [sflag:$0x1] =	stream.linear.gather [hbm4b:s1+s3], $0x50, $0x38;
	[tilespmem:$0xCD00] =	vst v63  }
0x8e: {  	s9 =	rddreg [dreg:$0xa];
	s22 =	simm.s32 $0x280;
	s8 =	sadd.s32 s7, s8  }
0x8f: {  	[tilespmem:s22], [sflag:$0x6] =	stream.linear.gather [hbm4b:s8+s3], $0x50, $0x38;
	[tilespmem:$0xCD00] =	vst v63  }
0x90: {  	s12 =	rddreg [dreg:$0x9];
	s0 =	simm.s32 $0x80;
	s13 =	sadd.s32 s7, s9  }
0x91: {  	[tilespmem:s0], [sflag:$0x2] =	stream.linear.gather [hbm4b:s13+s3], $0x50, $0x38;
	[tilespmem:$0xCD00] =	vst v63  }
0x92: {  	s14 =	rddreg [dreg:$0x8];
	s18 =	sadd.s32 s7, s12;
	s13 =	simm.s32 $0x300  }
0x93: {  	[tilespmem:s13], [sflag:$0x7] =	stream.linear.gather [hbm4b:s18+s3], $0x50, $0x38;
	[tilespmem:$0xCD00] =	vst v63  }
0x94: {  	s20 =	rddreg [dreg:$0x7];
	s12 =	sadd.s32 s7, s14;
	s18 =	simm.s32 $0x100  }
0x95: {  	[tilespmem:s18], [sflag:$0x3] =	stream.linear.gather [hbm4b:s12+s3], $0x50, $0x38;
	[tilespmem:$0xCD00] =	vst v63  }
0x96: {  	s14 =	rddreg [dreg:$0x6];
	s12 =	sadd.s32 s7, s20;
	s20 =	simm.s32 $0x380  }
0x97: {  	[tilespmem:s20], [sflag:$0x8] =	stream.linear.gather [hbm4b:s12+s3], $0x50, $0x38;
	[tilespmem:$0xCD00] =	vst v63  }
0x98: {  	s14 =	sadd.s32 s7, s14;
	s8 =	rddreg [dreg:$0x5];
	s12 =	simm.s32 $0x180  }
0x99: {  	[tilespmem:s12], [sflag:$0x4] =	stream.linear.gather [hbm4b:s14+s3], $0x50, $0x38;
	[tilespmem:$0xCD00] =	vst v63  }
0x9a: {  	s9 =	rddreg [dreg:$0x4];
	s1 =	sadd.s32 s7, s8;
	s14 =	simm.s32 $0x400  }
0x9b: {  	[tilespmem:s14], [sflag:$0x9] =	stream.linear.gather [hbm4b:s1+s3], $0x50, $0x38;
	[tilespmem:$0xCD00] =	vst v63  }
0x9c: {  	s8 =	rddreg [dreg:$0x3];
	s1 =	sadd.s32 s7, s9;
	s9 =	simm.s32 $0x200  }
0x9d: {  	[tilespmem:s9], [sflag:$0x5] =	stream.linear.gather [hbm4b:s1+s3], $0x50, $0x38;
	[tilespmem:$0xCD00] =	vst v63  }
0x9e: {  	s7 =	sadd.s32 s7, s8;
	s8 =	simm.s32 $0x480  }
0x9f: {  	[tilespmem:s8], [sflag:$0xA] =	stream.linear.gather [hbm4b:s7+s3], $0x50, $0x38;
	[tilespmem:$0xCD00] =	vst v63  }
0xa0: {  	_ =	swait.ge [sflag:s16], $0x50  }
0xa1: {  	[sflag:s16] =	ssyncset.done $0x0  }
0xa2: {  	[sflag:s16] =	ssyncadd.s32 $0xFFFFFFB0  }
0xa3: {  	[tilespmem:s24], [sflag:$0x1] =	stream.indirect.gather [hbm4b:s2+s17], $0x80, s3, s17, $0xb8;
	[tilespmem:$0xCD00] =	vst v63  }
0xa4: {  	_ =	swait.ge [sflag:s19], $0x50  }
0xa5: {  	[sflag:s19] =	ssyncset.done $0x0  }
0xa6: {  	[sflag:s19] =	ssyncadd.s32 $0xFFFFFFB0  }
0xa7: {  	[tilespmem:s26], [sflag:$0x2] =	stream.indirect.gather [hbm4b:s2+s17], $0x80, s0, s17, $0xb8;
	[tilespmem:$0xCD00] =	vst v63  }
0xa8: {  	_ =	swait.ge [sflag:s21], $0x50  }
0xa9: {  	[sflag:s21] =	ssyncset.done $0x0  }
0xaa: {  	[sflag:s21] =	ssyncadd.s32 $0xFFFFFFB0  }
0xab: {  	[tilespmem:s28], [sflag:$0x3] =	stream.indirect.gather [hbm4b:s2+s17], $0x80, s18, s17, $0xb8;
	[tilespmem:$0xCD00] =	vst v63  }
0xac: {  	_ =	swait.ge [sflag:s23], $0x50  }
0xad: {  	[sflag:s23] =	ssyncset.done $0x0  }
0xae: {  	[sflag:s23] =	ssyncadd.s32 $0xFFFFFFB0  }
0xaf: {  	[tilespmem:s29], [sflag:$0x4] =	stream.indirect.gather [hbm4b:s2+s17], $0x80, s12, s17, $0xb8;
	[tilespmem:$0xCD00] =	vst v63  }
0xb0: {  	_ =	swait.ge [sflag:s25], $0x50  }
0xb1: {  	[sflag:s25] =	ssyncset.done $0x0  }
0xb2: {  	[sflag:s25] =	ssyncadd.s32 $0xFFFFFFB0  }
0xb3: {  	[tilespmem:s30], [sflag:$0x5] =	stream.indirect.gather [hbm4b:s2+s17], $0x80, s9, s17, $0xb8;
	[tilespmem:$0xCD00] =	vst v63  }
0xb4: {  	_ =	swait.ge [sflag:s16], $0x2800  }
0xb5: {  	[sflag:s16] =	ssyncset.done $0x0  }
0xb6: {  	[sflag:s16] =	ssyncadd.s32 $0xFFFFD800  }
0xb7: {  	_ =	swait.ge [sflag:s31], $0x50  }
0xb8: {  	[sflag:s31] =	ssyncset.done $0x0  }
0xb9: {  	[sflag:s31] =	ssyncadd.s32 $0xFFFFFFB0  }
0xba: {  	[tilespmem:s24], [sflag:$0x1] =	stream.indirect.gather.add.f32 [hbm:s4], $0x80, s22, s17, $0xb8;
	[tilespmem:$0xCD00] =	vst v63  }
0xbb: {  	_ =	swait.ge [sflag:s19], $0x2800  }
0xbc: {  	[sflag:s19] =	ssyncset.done $0x0  }
0xbd: {  	[sflag:s19] =	ssyncadd.s32 $0xFFFFD800  }
0xbe: {  	_ =	swait.ge [sflag:s11], $0x50  }
0xbf: {  	[sflag:s11] =	ssyncset.done $0x0  }
0xc0: {  	[sflag:s11] =	ssyncadd.s32 $0xFFFFFFB0  }
0xc1: {  	[tilespmem:s26], [sflag:$0x2] =	stream.indirect.gather.add.f32 [hbm:s4], $0x80, s13, s17, $0xb8;
	[tilespmem:$0xCD00] =	vst v63  }
0xc2: {  	_ =	swait.ge [sflag:s21], $0x2800  }
0xc3: {  	[sflag:s21] =	ssyncset.done $0x0  }
0xc4: {  	[sflag:s21] =	ssyncadd.s32 $0xFFFFD800  }
0xc5: {  	_ =	swait.ge [sflag:s10], $0x50  }
0xc6: {  	[sflag:s10] =	ssyncset.done $0x0  }
0xc7: {  	[sflag:s10] =	ssyncadd.s32 $0xFFFFFFB0  }
0xc8: {  	[tilespmem:s28], [sflag:$0x3] =	stream.indirect.gather.add.f32 [hbm:s4], $0x80, s20, s17, $0xb8;
	[tilespmem:$0xCD00] =	vst v63  }
0xc9: {  	_ =	swait.ge [sflag:s23], $0x2800  }
0xca: {  	[sflag:s23] =	ssyncset.done $0x0  }
0xcb: {  	[sflag:s23] =	ssyncadd.s32 $0xFFFFD800  }
0xcc: {  	_ =	swait.ge [sflag:s15], $0x50  }
0xcd: {  	[sflag:s15] =	ssyncset.done $0x0  }
0xce: {  	[sflag:s15] =	ssyncadd.s32 $0xFFFFFFB0  }
0xcf: {  	[tilespmem:s29], [sflag:$0x4] =	stream.indirect.gather.add.f32 [hbm:s4], $0x80, s14, s17, $0xb8;
	[tilespmem:$0xCD00] =	vst v63  }
0xd0: {  	_ =	swait.ge [sflag:s25], $0x2800  }
0xd1: {  	[sflag:s25] =	ssyncset.done $0x0  }
0xd2: {  	s0 =	simm.s32 $0xA;
	[sflag:s25] =	ssyncadd.s32 $0xFFFFD800  }
0xd3: {  	_ =	swait.ge [sflag:s0], $0x50  }
0xd4: {  	[sflag:s0] =	ssyncset.done $0x0  }
0xd5: {  	[sflag:s0] =	ssyncadd.s32 $0xFFFFFFB0  }
0xd6: {  	[tilespmem:s30], [sflag:$0x5] =	stream.indirect.gather.add.f32 [hbm:s4], $0x80, s8, s17, $0xb8;
	[tilespmem:$0xCD00] =	vst v63  }
0xd7: {  	_ =	swait.ge [sflag:s16], $0x2800  }
0xd8: {  	s6 =	sadd.s32 $0x1900, s6;
	[sflag:s16] =	ssyncset.done $0x0  }
0xd9: {  	s14 =	sadd.s32 $0xFFFFEC00, s6;
	[sflag:s16] =	ssyncadd.s32 $0xFFFFD800  }
0xda: {  	[hbm4b:s14+s3] =	stream.linear.scatter [tilespmem:s24], [sflag:$0x1], $0x2800, $0x38;
	[tilespmem:$0xCD00] =	vst v63  }
0xdb: {  	_ =	swait.ge [sflag:s19], $0x2800  }
0xdc: {  	[sflag:s19] =	ssyncset.done $0x0  }
0xdd: {  	s18 =	sadd.s32 $0xFFFFF100, s6;
	[sflag:s19] =	ssyncadd.s32 $0xFFFFD800  }
0xde: {  	[hbm4b:s18+s3] =	stream.linear.scatter [tilespmem:s26], [sflag:$0x2], $0x2800, $0x38;
	[tilespmem:$0xCD00] =	vst v63  }
0xdf: {  	_ =	swait.ge [sflag:s21], $0x2800  }
0xe0: {  	[sflag:s21] =	ssyncset.done $0x0  }
0xe1: {  	s20 =	sadd.s32 $0xFFFFF600, s6;
	[sflag:s21] =	ssyncadd.s32 $0xFFFFD800  }
0xe2: {  	[hbm4b:s20+s3] =	stream.linear.scatter [tilespmem:s28], [sflag:$0x3], $0x2800, $0x38;
	[tilespmem:$0xCD00] =	vst v63  }
0xe3: {  	_ =	swait.ge [sflag:s23], $0x2800  }
0xe4: {  	[sflag:s23] =	ssyncset.done $0x0  }
0xe5: {  	s22 =	sadd.s32 $0xFFFFFB00, s6;
	[sflag:s23] =	ssyncadd.s32 $0xFFFFD800  }
0xe6: {  	[hbm4b:s22+s3] =	stream.linear.scatter [tilespmem:s29], [sflag:$0x4], $0x2800, $0x38;
	[tilespmem:$0xCD00] =	vst v63  }
0xe7: {  	_ =	swait.ge [sflag:s25], $0x2800  }
0xe8: {  	[sflag:s25] =	ssyncset.done $0x0  }
0xe9: {  	[sflag:s25] =	ssyncadd.s32 $0xFFFFD800  }
0xea: {  	[hbm4b:s6+s3] =	stream.linear.scatter [tilespmem:s30], [sflag:$0x5], $0x2800, $0x38;
	[tilespmem:$0xCD00] =	vst v63  }
0xeb: {  	_ =	swait.ge [sflag:s16], $0x2800  }
0xec: {  	[sflag:s16] =	ssyncset.done $0x0  }
0xed: {  	[sflag:s16] =	ssyncadd.s32 $0xFFFFD800  }
0xee: {  	_ =	swait.ge [sflag:s19], $0x2800  }
0xef: {  	[sflag:s19] =	ssyncset.done $0x0  }
0xf0: {  	[sflag:s19] =	ssyncadd.s32 $0xFFFFD800  }
0xf1: {  	_ =	swait.ge [sflag:s21], $0x2800  }
0xf2: {  	p0 =	sne.s32 s5, $0xC8;
	[sflag:s21] =	ssyncset.done $0x0  }
.Ltmp0:
0xf3: {  	[sflag:s21] =	ssyncadd.s32 $0xFFFFD800;
	(pc) =	sbr.rel @p0 .LBB2_2-.Ltmp0, $4  }
0xf4: {  	_ =	swait.ge [sflag:s23], $0x2800  }
0xf5: {  	[sflag:s23] =	ssyncset.done $0x0  }
0xf6: {  	[sflag:s23] =	ssyncadd.s32 $0xFFFFD800  }
0xf7: {  	s5 =	sadd.s32 $0x32, s5;
	_ =	swait.ge [sflag:s25], $0x2800  }
0xf8: {  	s5 =	rddreg [dreg:$0xf]  }
0xf9: {  	[sflag:s25] =	ssyncset.done $0x0;
	s1 =	rddreg [dreg:$0xd];
	s7 =	simm.s32 $0x80  }
0xfa: {  	s8 =	simm.s32 $0x300;
	s9 =	simm.s32 $0x100;
	s5 =	sadd.s32 $0x1, s5  }
0xfb: {  	s10 =	simm.s32 $0x380;
	s11 =	simm.s32 $0x180;
	p0 =	sne.s32 s5, s1  }
.Ltmp1:
0xfc: {  	s12 =	simm.s32 $0x400;
	s13 =	simm.s32 $0x200;
	(pc) =	sbr.rel @p0 .LBB2_1-.Ltmp1, $4  }
0xfd: {  	s14 =	simm.s32 $0x480;
	s15 =	simm.s32 $0x500;
	s18 =	simm.s32 $0x2D00  }
0xfe: {  	s20 =	simm.s32 $0x5500;
	s22 =	simm.s32 $0x7D00;
	s24 =	simm.s32 $0xA500  }
0xff: {  	s26 =	simm.s32 $0x6;
	s28 =	simm.s32 $0x7;
	s29 =	simm.s32 $0x8  }
0x100: {  	s30 =	simm.s32 $0x9;
	[sflag:s25] =	ssyncadd.s32 $0xFFFFD800;
	s1 =	simm.s32 $0x280  }
0x101: {  	_ =	sfence.sel $0x180000  }
0x102: {  	[bflag:$0x0] =	sbarrier.arrive $0xFFFF  }
0x103: {  	_ =	strace $0x90000050  }
0x104: {  	s0 =	stileid.u32;
	[bflag:$0x2] =	sbarrier.arrive $0xFFFF  }
0x105: {  	p0 =	sne.s32 s0, $0x0;
	s0 =	rddreg [dreg:$0x2]  }
0x106: {  	s0 =	sadd.s32 @!p0 $0x100000, s0  }
0x107: {  	[sflag:s0] =	ssyncadd.tile.s32 @!p0 $0x1;
	_ =	shalt  }
.Lfunc_end2:
_tile_overlayer_lowered:
.L_overlay_start_2:
0x108: {  	(tag) =	ssettag $0x2  }
0x109: {  	s0 =	rddreg [dreg:$0x0];
	s2 =	stileid.u32  }
0x10a: {  	s1 =	rddreg [dreg:$0x1];
	p0 =	sne.s32 s2, $0x0  }
0x10b: {  	s3 =	rddreg [dreg:$0x2];
	[bflag:$0x3] =	sbarrier.arrive $0xFFFF;
	s2 =	simm.s32 @!p0 $0x1C0B  }
0x10c: {  	[timem:s3], [sflag:s2] =	dma.local @!p0 [hbm:s0], s1  }
0x10d: {  	s0 =	simm.s32 @!p0 $0xB  }
0x10e: {  	_ =	swait.ge @!p0 [sflag:s0], s1  }
0x10f: {  	s1 =	ssub.s32 @!p0 $0x0, s1;
	[sflag:s0] =	ssyncset.done @!p0 $0x0  }
0x110: {  	[sflag:s0] =	ssyncadd.s32 @!p0 s1  }
0x111: {  	[bflag:$0x3] =	sbarrier.arrive $0xFFFF  }
0x112: {  	_ =	shalt  }

// kernel: kernel.27.cloned.1.call-start
scs
__scs_entry_jumppad:
0x0: {  	(pc) =	sbr.rel $0x88, $3  }
0x1: {  	(tag) =	ssettag $0x0;
	lr =	simm.s32 $0x1  }
0x2: {  	[smem:$0x3F92] =	sst lr;
	_ =	strace $0xD0000000  }
0x3: {  	_ = 	snop  }
0x4: {  	_ = 	snop  }
0x5: {  	_ = 	snop  }
0x6: {  	_ = 	snop  }
0x7: {  	_ = 	snop  }
__scs_overlays_trampoline_lowered:
0x8: {  	[smem:$0x3FA1] =	sst s0  }
0x9: {  	[smem:$0x3FA2] =	sst s1  }
0xa: {  	[smem:$0x3FA3] =	sst s2  }
0xb: {  	[smem:$0x3FA4] =	sst s3  }
0xc: {  	[smem:$0x3FA5] =	sst s4  }
0xd: {  	[smem:$0x3FA6] =	sst s5  }
0xe: {  	[smem:$0x3FA7] =	sst s6  }
0xf: {  	[smem:$0x3FA8] =	sst s7  }
0x10: {  	[smem:$0x3FA9] =	sst s8  }
0x11: {  	[smem:$0x3FAA] =	sst s9;
	s0 =	simm.s32 @!p0 $0x0  }
0x12: {  	s1 =	sld [smem:$0x3F90];
	s0 =	simm.s32 @p0 $0x1  }
0x13: {  	[smem:$0x3FAB] =	sst s0;
	s0 =	simm.s32 @!p1 $0x0  }
0x14: {  	s2 =	sld [smem:$0x3F8F];
	s0 =	simm.s32 @p1 $0x1  }
0x15: {  	[smem:$0x3FAC] =	sst s0;
	s0 =	simm.s32 @!p2 $0x0  }
0x16: {  	s3 =	sld [smem:$0x3FDB];
	s0 =	simm.s32 @p2 $0x1  }
0x17: {  	s4 =	simm.s32 $0x1BF5;
	[smem:$0x3FAE] =	sst s0  }
0x18: {  	s0 =	sld [smem:$0x3F91];
	_ =	swait.ge [sflag:s4], $0x0  }
0x19: {  	s7 =	sld [smem:$0x3F92]  }
0x1a: {  	s8 =	sadd.s32 $0xFFFFE003, lr  }
0x1b: {  	s9 =	sadd.s32 $0xFFFFFEF7, lr;
	s5 =	simm.s32 $0xFFFFFFFF;
	p2 =	slt.u32 s8, $0xFFFFF086  }
0x1c: {  	p1 =	slt.u32 s9, $0xF7A;
	s5 =	simm.s32 @!p2 $0x0  }
0x1d: {  	s5 =	simm.s32 @p1 $0x1;
	p0 =	seq.s32 s7, s2  }
0x1e: {  	s7 =	smul.u32 @!p0 $0xF7A, s2;
	p2 =	seq.s32 @!p0 s5, $0x0  }
0x1f: {  	s9 =	smul.u32 $0xF7A, s1;
	s8 =	simm.s32 @!p0 $0x1BF5;
	p2 =	por !p2, p0  }
0x20: {  	[sflag:s8] =	ssyncset.s32 @!p0 $0xFFFFF086;
	s6 =	sadd.s32 @!p0 s3, s7;
	s7 =	simm.s32 @!p0 $0x108  }
0x21: {  	s3 =	sadd.s32 s3, s9;
	s6 =	sadd.s32 @!p0 $0x88, s6;
	s7 =	simm.s32 @p2 $0x1082  }
0x22: {  	[simem:s7], [sflag:s8] =	dma.local @!p0 [hbm:s6], $0xF7A  }
0x23: {  	s9 =	sor.u32 $0xD0000000, s2;
	s6 =	simm.s32 $0x108;
	_ =	swait.ge @!p0 [sflag:s8], $0x0  }
0x24: {  	s3 =	sadd.s32 $0x88, s3;
	s6 =	simm.s32 @!p1 $0x1082;
	[sflag:s4] =	ssyncset.s32 $0xFFFFF086  }
0x25: {  	[simem:s6], [sflag:s4] =	dma.local [hbm:s3], $0xF7A  }
0x26: {  	[smem:$0x3F92] =	sst s1;
	(tag) =	ssettag s2;
	_ =	strace s9  }
0x27: {  	s1 =	sld [smem:$0x3FA2]  }
0x28: {  	s2 =	sld [smem:$0x3FA3]  }
0x29: {  	s4 =	sld [smem:$0x3FA5]  }
0x2a: {  	p0 =	seq.s32 s5, $0x0;
	s5 =	sld [smem:$0x3FA6]  }
0x2b: {  	s6 =	sld [smem:$0x3FA7]  }
0x2c: {  	s7 =	sld [smem:$0x3FA8]  }
0x2d: {  	s3 =	simm.s32 $0x108;
	s8 =	sld [smem:$0x3FA9]  }
0x2e: {  	s3 =	simm.s32 @!p0 $0x1082;
	s9 =	sld [smem:$0x3FAA]  }
0x2f: {  	lr =	sadd.s32 s0, s3;
	s0 =	sld [smem:$0x3FA1]  }
0x30: {  	s3 =	sld [smem:$0x3FA4]  }
0x31: {  	[smem:$0x3FAD] =	sst s10  }
0x32: {  	s10 =	sld [smem:$0x3FAB];
	_ =	sdelay $0x3  }
0x33: {  	p0 =	seq.s32 s10, $0x1;
	s10 =	sld [smem:$0x3FAD];
	_ =	sdelay $0x3  }
0x34: {  	[smem:$0x3FAD] =	sst s10  }
0x35: {  	s10 =	sld [smem:$0x3FAC];
	_ =	sdelay $0x3  }
0x36: {  	p1 =	seq.s32 s10, $0x1;
	s10 =	sld [smem:$0x3FAD];
	_ =	sdelay $0x3  }
0x37: {  	[smem:$0x3FAD] =	sst s10  }
0x38: {  	s10 =	sld [smem:$0x3FAE]  }
0x39: {  	_ = 	snop;
	(pc) =	sbr.ind lr, $3  }
0x3a: {  	_ = 	snop  }
0x3b: {  	_ = 	snop  }
0x3c: {  	p2 =	seq.s32 s10, $0x1;
	s10 =	sld [smem:$0x3FAD]  }
0x3d: {  	_ =	shalt  }
0x3e: {  	_ =	shalt  }
0x3f: {  	_ =	shalt  }
0x40: {  	_ =	shalt  }
0x41: {  	_ =	shalt  }
0x42: {  	_ =	shalt  }
0x43: {  	_ =	shalt  }
0x44: {  	_ =	shalt  }
0x45: {  	_ =	shalt  }
0x46: {  	_ =	shalt  }
0x47: {  	_ =	shalt  }
0x48: {  	_ =	shalt  }
0x49: {  	_ =	shalt  }
0x4a: {  	_ =	shalt  }
0x4b: {  	_ =	shalt  }
0x4c: {  	_ =	shalt  }
0x4d: {  	_ =	shalt  }
0x4e: {  	_ =	shalt  }
0x4f: {  	_ =	shalt  }
0x50: {  	_ =	shalt  }
0x51: {  	_ =	shalt  }
0x52: {  	_ =	shalt  }
0x53: {  	_ =	shalt  }
0x54: {  	_ =	shalt  }
0x55: {  	_ =	shalt  }
0x56: {  	_ =	shalt  }
0x57: {  	_ =	shalt  }
0x58: {  	_ =	shalt  }
0x59: {  	_ =	shalt  }
0x5a: {  	_ =	shalt  }
0x5b: {  	_ =	shalt  }
0x5c: {  	_ =	shalt  }
0x5d: {  	_ =	shalt  }
0x5e: {  	_ =	shalt  }
0x5f: {  	_ =	shalt  }
0x60: {  	_ =	shalt  }
0x61: {  	_ =	shalt  }
0x62: {  	_ =	shalt  }
0x63: {  	_ =	shalt  }
0x64: {  	_ =	shalt  }
0x65: {  	_ =	shalt  }
0x66: {  	_ =	shalt  }
0x67: {  	_ =	shalt  }
0x68: {  	_ =	shalt  }
0x69: {  	_ =	shalt  }
0x6a: {  	_ =	shalt  }
0x6b: {  	_ =	shalt  }
0x6c: {  	_ =	shalt  }
0x6d: {  	_ =	shalt  }
0x6e: {  	_ =	shalt  }
0x6f: {  	_ =	shalt  }
0x70: {  	_ =	shalt  }
0x71: {  	_ =	shalt  }
0x72: {  	_ =	shalt  }
0x73: {  	_ =	shalt  }
0x74: {  	_ =	shalt  }
0x75: {  	_ =	shalt  }
0x76: {  	_ =	shalt  }
0x77: {  	_ =	shalt  }
0x78: {  	_ =	shalt  }
0x79: {  	_ =	shalt  }
0x7a: {  	_ =	shalt  }
0x7b: {  	_ =	shalt  }
0x7c: {  	_ =	shalt  }
0x7d: {  	_ =	shalt  }
0x7e: {  	_ =	shalt  }
0x7f: {  	_ =	shalt  }
0x80: {  	_ =	shalt  }
0x81: {  	_ =	shalt  }
0x82: {  	_ =	shalt  }
0x83: {  	_ =	shalt  }
0x84: {  	_ =	shalt  }
0x85: {  	_ =	shalt  }
0x86: {  	_ =	shalt  }
0x87: {  	_ =	shalt  }
.Lfunc_end0:
.L_simem_size_0:
called_computation.4_lowered:
.L_overlay_start_0:
0x88: {  	s2 =	sld [smem:$0x3FD9]  }
0x89: {  	s3 =	sld [smem:$0x3FFE];
	_ =	sdelay $0x1  }
0x8a: {  	s1 =	srdreg.scid  }
0x8b: {  	s0 =	sand.u32 $0x1, s1  }
0x8c: {  	s15 =	sshll.u32 s0, $0xA;
	s2 =	sadd.s32 s3, s2  }
0x8d: {  	s2 =	sadd.s32 s2, s15  }
0x8e: {  	[smem:$0x3FB9] =	sst s2  }
0x8f: {  	_ = 	snop  }
0x90: {  	s2 =	sld [smem:$0x3FD0];
	_ =	sdelay $0x2  }
0x91: {  	s16 =	simm.s32 $0xE;
	s4 =	simm.s32 $0x10  }
0x92: {  	[smem:s4], [sflag:s16] =	dma.local [hbm:s2], $0x1  }
0x93: {  	_ =	swait.eq [sflag:s16], $0x1  }
0x94: {  	[sflag:s16] =	ssyncset.done $0x0  }
0x95: {  	[sflag:s16] =	ssyncadd.s32 $0xFFFFFFFF  }
0x96: {  	s17 =	sld [smem:$0x10];
	(tm) =	ssettm $0x1  }
0x97: {  	s18 =	sld [smem:$0x3FFB];
	_ =	sdelay $0x3  }
0x98: {  	_ =	strace s18  }
0x99: {  	s2 =	sld [smem:$0x3FFC];
	_ =	sdelay $0x3  }
0x9a: {  	_ =	strace s2  }
0x9b: {  	s2 =	sld [smem:$0x3FFD];
	_ =	sdelay $0x3  }
0x9c: {  	_ =	strace s2  }
0x9d: {  	_ =	strace $0x8FFFFFFF  }
0x9e: {  	s19 =	sld [smem:$0x3FDB];
	_ =	sdelay $0x1  }
0x9f: {  	s20 =	simm.s32 $_scs_section_size  }
0xa0: {  	s5 =	simm.s32 $_size__tile_overlayer_lowered;
	s6 =	simm.s32 $_tile_overlayer_lowered  }
0xa1: {  	s7 =	simm.s32 $0x1BFF;
	s21 =	sshll.u32 s6, $0x1;
	s4 =	sadd.s32 s20, s19  }
0xa2: {  	s22 =	simm.s32 $0x0;
	s5 =	sshll.u32 s5, $0x1;
	s6 =	sadd.s32 s21, s4  }
0xa3: {  	[timem:s22], [sflag:s7] =	dma.local [hbm:s6], s5  }
0xa4: {  	_ =	swait.ge [sflag:s7], s5  }
0xa5: {  	s5 =	ssub.s32 $0x0, s5;
	[sflag:s7] =	ssyncset.done $0x0  }
0xa6: {  	[sflag:s7] =	ssyncadd.s32 s5;
	_ =	sdelay $0x1  }
0xa7: {  	s23 =	simm.s32 $0x1B8B  }
0xa8: {  	_ =	swait.ge [sflag:s23], $0x1  }
0xa9: {  	[sflag:s23] =	ssyncset.done $0x0  }
0xaa: {  	[sflag:s23] =	ssyncadd.s32 $0xFFFFFFFF  }
0xab: {  	s5 =	sld [smem:$0x0]  }
0xac: {  	s6 =	sand.u32 $0xFFFFFFFE, s1  }
0xad: {  	p0 =	sne.s32 s1, s6  }
0xae: {  	s6 =	sshll.u32 @p0 s6, $0xE  }
0xaf: {  	s6 =	sadd.s32 @p0 $0x11B8D, s6;
	s7 =	sshll.u32 @p0 s5, $0x11  }
0xb0: {  	s6 =	sor.u32 @p0 s7, s6  }
0xb1: {  	[sflag:s6] =	ssyncadd.remote.s32 @p0 $0x1;
	_ =	sdelay $0x1  }
0xb2: {  	s6 =	simm.s32 @p0 $0x1B8D  }
0xb3: {  	_ =	swait.eq @p0 [sflag:s6], $0x1  }
0xb4: {  	[sflag:s6] =	ssyncadd.s32 @p0 $0xFFFFFFFF  }
0xb5: {  	s7 =	sshll.u32 @!p0 s1, $0xE  }
0xb6: {  	s7 =	sor.u32 @!p0 $0x4000, s7;
	s6 =	simm.s32 @!p0 $0x1B8D  }
0xb7: {  	s5 =	sshll.u32 @!p0 s5, $0x11;
	s7 =	sadd.s32 @!p0 $0x11B8D, s7;
	_ =	swait.eq @!p0 [sflag:s6], $0x1  }
0xb8: {  	s5 =	sor.u32 @!p0 s5, s7;
	[sflag:s6] =	ssyncadd.s32 @!p0 $0xFFFFFFFF  }
0xb9: {  	s25 =	simm.s32 $0x1B8E;
	s24 =	sld [smem:$0x3FFE];
	[sflag:s5] =	ssyncadd.remote.s32 @!p0 $0x1  }
0xba: {  	s26 =	simm.s32 $execute0_lowered;
	[smem:$0x3FD2] =	sst s25  }
0xbb: {  	s6 =	sshll.u32 s26, $0x1;
	_ =	strace $0x80000052;
	[dreg:$0x1] =	wrdreg $0xFFFFFFFF  }
0xbc: {  	s28 =	simm.s32 $_size_execute0_lowered;
	s4 =	sadd.s32 s4, s6;
	[dreg:$0x0] =	wrdreg $0x0  }
0xbd: {  	s6 =	sshll.u32 s28, $0x1;
	[dreg:$0x2] =	wrdreg s4  }
0xbe: {  	[dreg:$0x3] =	wrdreg s6  }
0xbf: {  	[dreg:$0x4] =	wrdreg $0xC0  }
0xc0: {  	_ =	task [dreg:s22], $0x5FFFF  }
0xc1: {  	[dreg:$0x1] =	wrdreg $0xFFFFFFFF  }
0xc2: {  	[dreg:$0x0] =	wrdreg $0x60  }
0xc3: {  	[dreg:$0x2] =	wrdreg s17  }
0xc4: {  	[dreg:$0x3] =	wrdreg s24  }
0xc5: {  	[dreg:$0x4] =	wrdreg $0xD  }
0xc6: {  	_ =	task.clear_ibuf [dreg:s22], $0x5FFFF;
	_ =	strace $0x90000052  }
0xc7: {  	s29 =	simm.s32 $0xD;
	_ =	strace $0x80000054  }
0xc8: {  	_ =	swait.ge [sflag:s29], $0x1  }
0xc9: {  	[sflag:s29] =	ssyncadd.s32 $0xFFFFFFFF  }
0xca: {  	_ =	strace $0x90000054  }
0xcb: {  	_ =	sfence  }
0xcc: {  	s30 =	sld [smem:$0x0];
	_ =	sdelay $0x2  }
0xcd: {  	s31 =	sshll.u32 s1, $0xD;
	s1 =	sshrl.u32 s1, $0x2  }
0xce: {  	s4 =	sand.u32 $0x4000, s31;
	s1 =	sadd.s32 s1, s30  }
0xcf: {  	s0 =	sor.u32 s4, s0;
	s1 =	sshll.u32 s1, $0x11  }
0xd0: {  	s0 =	sor.u32 s1, s0  }
0xd1: {  	s0 =	sadd.s32 $0x8F2B, s0  }
0xd2: {  	[sflag:s0] =	ssyncadd.remote.s32 $0x1  }
0xd3: {  	_ =	sfence.sel $0xFFFF  }
0xd4: {  	[dreg:$0x0] =	wrdreg $0xFFFFFFFF;
	(pc) =	sbr.abs _section_cstart, $3  }
0xd5: {  	[dreg:$0x1] =	wrdreg $0xFFFFFFFF  }
0xd6: {  	_ =	task.clear_ibuf [dreg:s22], $0x2FFFF;
	_ =	strace $0x9FFFFFFF  }
0xd7: {  	(tm) =	ssettm $0x7FFFFFFF  }
tec
execute0_lowered:
.L_overlay_start_1:
0x0: {  	(tag) =	ssettag $0x1  }
0x1: {  	s2 =	rddreg [dreg:$0x0]  }
0x2: {  	s0 =	rddreg [dreg:$0x1];
	s3 =	simm.s32 $0x0;
	s9 =	stileid.u32  }
0x3: {  	s1 =	srdreg.scid;
	s28 =	simm.s32 $0x7;
	s29 =	simm.s32 $0x8  }
0x4: {  	s30 =	simm.s32 $0x9;
	s31 =	simm.s32 $0x6;
	[smem:$0x7FF] =	sst s3  }
0x5: {  	s1 =	sand.u32 $0x1, s1;
	s5 =	smul.u32 $0xFA0, s9;
	s4 =	sadd.s32 $0x18C00, s0  }
0x6: {  	s7 =	sadd.s32 $0xEE00, s0;
	s9 =	smul.u32 $0xFA00, s9;
	s25 =	sadd.s32 $0x5000, s0  }
0x7: {  	_ =	strace $0x80000053;
	s6 =	smul.u32 $0x7D0, s1;
	s8 =	ssub.s32 $0x2, s1  }
0x8: {  	s1 =	smul.u32 $0x7D00, s1;
	s10 =	sshrl.u32 s8, $0x1;
	s0 =	sadd.s32 s9, s0  }
0x9: {  	s9 =	simm.s32 $0x100;
	s5 =	sadd.s32 s6, s5;
	s8 =	ssub.s32 s8, s10  }
0xa: {  	s0 =	sadd.s32 s1, s0;
	s1 =	simm.s32 $0x280;
	s10 =	simm.s32 $0x380  }
0xb: {  	s26 =	sadd.s32 $0x3E940, s5;
	s8 =	smax.u32 s8, $0x1;
	s13 =	sadd.s32 $0x3E8F0, s5  }
0xc: {  	s16 =	sadd.s32 $0x3E8A0, s5;
	s20 =	sadd.s32 $0x3E850, s5;
	s5 =	sadd.s32 $0x3E800, s5  }
0xd: {  	s0 =	sadd.s32 $0x429200, s0;
	[dreg:$0xd] =	wrdreg s8;
	s11 =	sshrl.u32 s26, $0x3  }
0xe: {  	s14 =	sshrl.u32 s13, $0x3;
	s18 =	sshrl.u32 s16, $0x3;
	s22 =	sshrl.u32 s20, $0x3  }
0xf: {  	s5 =	sshrl.u32 s5, $0x3;
	[dreg:$0xe] =	wrdreg s0;
	s12 =	sadd.s32 s11, s25  }
0x10: {  	s13 =	simm.s32 $0x200;
	s8 =	sadd.s32 s11, s7;
	[dreg:$0x3] =	wrdreg s12  }
0x11: {  	s16 =	simm.s32 $0x1;
	s15 =	sadd.s32 s14, s25;
	[dreg:$0x4] =	wrdreg s8  }
0x12: {  	s20 =	simm.s32 $0x5500;
	s17 =	sadd.s32 s14, s7;
	[dreg:$0x5] =	wrdreg s15  }
0x13: {  	s0 =	simm.s32 $0xA;
	s19 =	sadd.s32 s18, s25;
	[dreg:$0x6] =	wrdreg s17  }
0x14: {  	s21 =	sadd.s32 s18, s7;
	s23 =	sadd.s32 s22, s25;
	[dreg:$0x7] =	wrdreg s19  }
0x15: {  	s24 =	sadd.s32 s22, s7;
	s25 =	sadd.s32 s5, s25;
	[dreg:$0x8] =	wrdreg s21  }
0x16: {  	s26 =	sadd.s32 s5, s7;
	s7 =	simm.s32 $0x80;
	[dreg:$0x9] =	wrdreg s23  }
0x17: {  	s11 =	simm.s32 $0x180;
	s14 =	simm.s32 $0x480;
	[dreg:$0xa] =	wrdreg s24  }
0x18: {  	s18 =	simm.s32 $0x2D00;
	s22 =	simm.s32 $0x7D00;
	[dreg:$0xb] =	wrdreg s25  }
0x19: {  	s5 =	simm.s32 $0x0;
	[dreg:$0xc] =	wrdreg s26;
	s8 =	simm.s32 $0x300  }
0x1a: {  	s12 =	simm.s32 $0x400;
	s17 =	simm.s32 $0x50;
	s15 =	simm.s32 $0x500  }
0x1b: {  	s19 =	simm.s32 $0x2;
	s21 =	simm.s32 $0x3;
	s23 =	simm.s32 $0x4  }
0x1c: {  	s25 =	simm.s32 $0x5;
	s24 =	simm.s32 $0xA500;
	s26 =	simm.s32 $0x6  }
.LBB2_1:
0x1d: {  	[dreg:$0xf] =	wrdreg s5  }
0x1e: {  	s5 =	rddreg [dreg:$0xc]  }
0x1f: {  	s6 =	rddreg [dreg:$0xb];
	s5 =	sadd.s32 $0x0, s5  }
0x20: {  	[tilespmem:s3], [sflag:$0x1] =	stream.linear.gather [hbm4b:s5+s3], $0x50, $0x38;
	[tilespmem:$0xCD00] =	vst v63  }
0x21: {  	s6 =	sadd.s32 $0x0, s6;
	s5 =	rddreg [dreg:$0xa]  }
0x22: {  	[tilespmem:s1], [sflag:$0x6] =	stream.linear.gather [hbm4b:s6+s3], $0x50, $0x38;
	[tilespmem:$0xCD00] =	vst v63  }
0x23: {  	s5 =	sadd.s32 $0x0, s5;
	s6 =	rddreg [dreg:$0x9]  }
0x24: {  	[tilespmem:s7], [sflag:$0x2] =	stream.linear.gather [hbm4b:s5+s3], $0x50, $0x38;
	[tilespmem:$0xCD00] =	vst v63  }
0x25: {  	s6 =	sadd.s32 $0x0, s6;
	s5 =	rddreg [dreg:$0x8]  }
0x26: {  	[tilespmem:s8], [sflag:$0x7] =	stream.linear.gather [hbm4b:s6+s3], $0x50, $0x38;
	[tilespmem:$0xCD00] =	vst v63  }
0x27: {  	s5 =	sadd.s32 $0x0, s5;
	s6 =	rddreg [dreg:$0x7]  }
0x28: {  	[tilespmem:s9], [sflag:$0x3] =	stream.linear.gather [hbm4b:s5+s3], $0x50, $0x38;
	[tilespmem:$0xCD00] =	vst v63  }
0x29: {  	s6 =	sadd.s32 $0x0, s6;
	s5 =	rddreg [dreg:$0x6]  }
0x2a: {  	[tilespmem:s10], [sflag:$0x8] =	stream.linear.gather [hbm4b:s6+s3], $0x50, $0x38;
	[tilespmem:$0xCD00] =	vst v63  }
0x2b: {  	s5 =	sadd.s32 $0x0, s5;
	s6 =	rddreg [dreg:$0x5]  }
0x2c: {  	[tilespmem:s11], [sflag:$0x4] =	stream.linear.gather [hbm4b:s5+s3], $0x50, $0x38;
	[tilespmem:$0xCD00] =	vst v63  }
0x2d: {  	s6 =	sadd.s32 $0x0, s6;
	s5 =	rddreg [dreg:$0x4]  }
0x2e: {  	[tilespmem:s12], [sflag:$0x9] =	stream.linear.gather [hbm4b:s6+s3], $0x50, $0x38;
	[tilespmem:$0xCD00] =	vst v63  }
0x2f: {  	s5 =	sadd.s32 $0x0, s5;
	s6 =	rddreg [dreg:$0x3]  }
0x30: {  	[tilespmem:s13], [sflag:$0x5] =	stream.linear.gather [hbm4b:s5+s3], $0x50, $0x38;
	[tilespmem:$0xCD00] =	vst v63  }
0x31: {  	s6 =	sadd.s32 $0x0, s6  }
0x32: {  	[tilespmem:s14], [sflag:$0xA] =	stream.linear.gather [hbm4b:s6+s3], $0x50, $0x38;
	[tilespmem:$0xCD00] =	vst v63  }
0x33: {  	_ =	swait.ge [sflag:s16], $0x50  }
0x34: {  	[sflag:s16] =	ssyncset.done $0x0  }
0x35: {  	[sflag:s16] =	ssyncadd.s32 $0xFFFFFFB0  }
0x36: {  	[tilespmem:s15], [sflag:$0x1] =	stream.indirect.gather [hbm4b:s2+s17], $0x80, s3, s17, $0xb8;
	[tilespmem:$0xCD00] =	vst v63  }
0x37: {  	_ =	swait.ge [sflag:s19], $0x50  }
0x38: {  	[sflag:s19] =	ssyncset.done $0x0  }
0x39: {  	[sflag:s19] =	ssyncadd.s32 $0xFFFFFFB0  }
0x3a: {  	[tilespmem:s18], [sflag:$0x2] =	stream.indirect.gather [hbm4b:s2+s17], $0x80, s7, s17, $0xb8;
	[tilespmem:$0xCD00] =	vst v63  }
0x3b: {  	_ =	swait.ge [sflag:s21], $0x50  }
0x3c: {  	[sflag:s21] =	ssyncset.done $0x0  }
0x3d: {  	[sflag:s21] =	ssyncadd.s32 $0xFFFFFFB0  }
0x3e: {  	[tilespmem:s20], [sflag:$0x3] =	stream.indirect.gather [hbm4b:s2+s17], $0x80, s9, s17, $0xb8;
	[tilespmem:$0xCD00] =	vst v63  }
0x3f: {  	_ =	swait.ge [sflag:s23], $0x50  }
0x40: {  	[sflag:s23] =	ssyncset.done $0x0  }
0x41: {  	[sflag:s23] =	ssyncadd.s32 $0xFFFFFFB0  }
0x42: {  	[tilespmem:s22], [sflag:$0x4] =	stream.indirect.gather [hbm4b:s2+s17], $0x80, s11, s17, $0xb8;
	[tilespmem:$0xCD00] =	vst v63  }
0x43: {  	_ =	swait.ge [sflag:s25], $0x50  }
0x44: {  	[sflag:s25] =	ssyncset.done $0x0  }
0x45: {  	[sflag:s25] =	ssyncadd.s32 $0xFFFFFFB0  }
0x46: {  	[tilespmem:s24], [sflag:$0x5] =	stream.indirect.gather [hbm4b:s2+s17], $0x80, s13, s17, $0xb8;
	[tilespmem:$0xCD00] =	vst v63  }
0x47: {  	_ =	swait.ge [sflag:s16], $0x2800  }
0x48: {  	[sflag:s16] =	ssyncset.done $0x0  }
0x49: {  	[sflag:s16] =	ssyncadd.s32 $0xFFFFD800  }
0x4a: {  	_ =	swait.ge [sflag:s26], $0x50  }
0x4b: {  	[sflag:s26] =	ssyncset.done $0x0  }
0x4c: {  	[sflag:s26] =	ssyncadd.s32 $0xFFFFFFB0  }
0x4d: {  	[tilespmem:s15], [sflag:$0x1] =	stream.indirect.gather.add.f32 [hbm:s4], $0x80, s1, s17, $0xb8;
	[tilespmem:$0xCD00] =	vst v63  }
0x4e: {  	_ =	swait.ge [sflag:s19], $0x2800  }
0x4f: {  	[sflag:s19] =	ssyncset.done $0x0  }
0x50: {  	[sflag:s19] =	ssyncadd.s32 $0xFFFFD800  }
0x51: {  	_ =	swait.ge [sflag:s28], $0x50  }
0x52: {  	[sflag:s28] =	ssyncset.done $0x0  }
0x53: {  	[sflag:s28] =	ssyncadd.s32 $0xFFFFFFB0  }
0x54: {  	[tilespmem:s18], [sflag:$0x2] =	stream.indirect.gather.add.f32 [hbm:s4], $0x80, s8, s17, $0xb8;
	[tilespmem:$0xCD00] =	vst v63  }
0x55: {  	_ =	swait.ge [sflag:s21], $0x2800  }
0x56: {  	[sflag:s21] =	ssyncset.done $0x0  }
0x57: {  	[sflag:s21] =	ssyncadd.s32 $0xFFFFD800  }
0x58: {  	_ =	swait.ge [sflag:s29], $0x50  }
0x59: {  	[sflag:s29] =	ssyncset.done $0x0  }
0x5a: {  	[sflag:s29] =	ssyncadd.s32 $0xFFFFFFB0  }
0x5b: {  	[tilespmem:s20], [sflag:$0x3] =	stream.indirect.gather.add.f32 [hbm:s4], $0x80, s10, s17, $0xb8;
	[tilespmem:$0xCD00] =	vst v63  }
0x5c: {  	_ =	swait.ge [sflag:s23], $0x2800  }
0x5d: {  	[sflag:s23] =	ssyncset.done $0x0  }
0x5e: {  	[sflag:s23] =	ssyncadd.s32 $0xFFFFD800  }
0x5f: {  	_ =	swait.ge [sflag:s30], $0x50  }
0x60: {  	[sflag:s30] =	ssyncset.done $0x0  }
0x61: {  	[sflag:s30] =	ssyncadd.s32 $0xFFFFFFB0  }
0x62: {  	[tilespmem:s22], [sflag:$0x4] =	stream.indirect.gather.add.f32 [hbm:s4], $0x80, s12, s17, $0xb8;
	[tilespmem:$0xCD00] =	vst v63  }
0x63: {  	_ =	swait.ge [sflag:s25], $0x2800  }
0x64: {  	[sflag:s25] =	ssyncset.done $0x0  }
0x65: {  	[sflag:s25] =	ssyncadd.s32 $0xFFFFD800  }
0x66: {  	_ =	swait.ge [sflag:s0], $0x50  }
0x67: {  	[sflag:s0] =	ssyncset.done $0x0  }
0x68: {  	[sflag:s0] =	ssyncadd.s32 $0xFFFFFFB0  }
0x69: {  	[tilespmem:s24], [sflag:$0x5] =	stream.indirect.gather.add.f32 [hbm:s4], $0x80, s14, s17, $0xb8;
	[tilespmem:$0xCD00] =	vst v63  }
0x6a: {  	_ =	swait.ge [sflag:s16], $0x2800  }
0x6b: {  	[sflag:s16] =	ssyncset.done $0x0;
	s6 =	rddreg [dreg:$0xe]  }
0x6c: {  	[sflag:s16] =	ssyncadd.s32 $0xFFFFD800;
	s14 =	sadd.s32 $0xFFFFEC00, s6  }
0x6d: {  	[hbm4b:s14+s3] =	stream.linear.scatter [tilespmem:s15], [sflag:$0x1], $0x2800, $0x38;
	[tilespmem:$0xCD00] =	vst v63  }
0x6e: {  	_ =	swait.ge [sflag:s19], $0x2800  }
0x6f: {  	[sflag:s19] =	ssyncset.done $0x0  }
0x70: {  	s15 =	sadd.s32 $0xFFFFF100, s6;
	[sflag:s19] =	ssyncadd.s32 $0xFFFFD800  }
0x71: {  	[hbm4b:s15+s3] =	stream.linear.scatter [tilespmem:s18], [sflag:$0x2], $0x2800, $0x38;
	[tilespmem:$0xCD00] =	vst v63  }
0x72: {  	_ =	swait.ge [sflag:s21], $0x2800  }
0x73: {  	[sflag:s21] =	ssyncset.done $0x0  }
0x74: {  	s18 =	sadd.s32 $0xFFFFF600, s6;
	[sflag:s21] =	ssyncadd.s32 $0xFFFFD800  }
0x75: {  	[hbm4b:s18+s3] =	stream.linear.scatter [tilespmem:s20], [sflag:$0x3], $0x2800, $0x38;
	[tilespmem:$0xCD00] =	vst v63  }
0x76: {  	_ =	swait.ge [sflag:s23], $0x2800  }
0x77: {  	[sflag:s23] =	ssyncset.done $0x0  }
0x78: {  	s26 =	sadd.s32 $0xFFFFFB00, s6;
	[sflag:s23] =	ssyncadd.s32 $0xFFFFD800  }
0x79: {  	[hbm4b:s26+s3] =	stream.linear.scatter [tilespmem:s22], [sflag:$0x4], $0x2800, $0x38;
	[tilespmem:$0xCD00] =	vst v63  }
0x7a: {  	_ =	swait.ge [sflag:s25], $0x2800  }
0x7b: {  	[sflag:s25] =	ssyncset.done $0x0  }
0x7c: {  	[sflag:s25] =	ssyncadd.s32 $0xFFFFD800  }
0x7d: {  	[hbm4b:s6+s3] =	stream.linear.scatter [tilespmem:s24], [sflag:$0x5], $0x2800, $0x38;
	[tilespmem:$0xCD00] =	vst v63  }
0x7e: {  	_ =	swait.ge [sflag:s16], $0x2800  }
0x7f: {  	[sflag:s16] =	ssyncset.done $0x0  }
0x80: {  	[sflag:s16] =	ssyncadd.s32 $0xFFFFD800  }
0x81: {  	_ =	swait.ge [sflag:s19], $0x2800  }
0x82: {  	[sflag:s19] =	ssyncset.done $0x0  }
0x83: {  	[sflag:s19] =	ssyncadd.s32 $0xFFFFD800  }
0x84: {  	_ =	swait.ge [sflag:s21], $0x2800  }
0x85: {  	[sflag:s21] =	ssyncset.done $0x0  }
0x86: {  	s5 =	simm.s32 $0x32;
	[sflag:s21] =	ssyncadd.s32 $0xFFFFD800  }
0x87: {  	s11 =	simm.s32 $0x7;
	s28 =	simm.s32 $0x5500;
	_ =	swait.ge [sflag:s23], $0x2800  }
0x88: {  	s29 =	simm.s32 $0x7D00;
	s10 =	simm.s32 $0x8;
	[sflag:s23] =	ssyncset.done $0x0  }
0x89: {  	s30 =	simm.s32 $0xA500;
	s15 =	simm.s32 $0x9;
	[sflag:s23] =	ssyncadd.s32 $0xFFFFD800  }
0x8a: {  	s26 =	simm.s32 $0x2D00;
	s24 =	simm.s32 $0x500;
	_ =	swait.ge [sflag:s25], $0x2800  }
.LBB2_2:
0x8b: {  	s1 =	rddreg [dreg:$0xc];
	s7 =	smov.u32 s5;
	[sflag:s25] =	ssyncset.done $0x0  }
0x8c: {  	s8 =	rddreg [dreg:$0xb];
	s1 =	sadd.s32 s7, s1;
	[sflag:s25] =	ssyncadd.s32 $0xFFFFD800  }
0x8d: {  	[tilespmem:s3], [sflag:$0x1] =	stream.linear.gather [hbm4b:s1+s3], $0x50, $0x38;
	[tilespmem:$0xCD00] =	vst v63  }
0x8e: {  	s9 =	rddreg [dreg:$0xa];
	s22 =	simm.s32 $0x280;
	s8 =	sadd.s32 s7, s8  }
0x8f: {  	[tilespmem:s22], [sflag:$0x6] =	stream.linear.gather [hbm4b:s8+s3], $0x50, $0x38;
	[tilespmem:$0xCD00] =	vst v63  }
0x90: {  	s12 =	rddreg [dreg:$0x9];
	s0 =	simm.s32 $0x80;
	s13 =	sadd.s32 s7, s9  }
0x91: {  	[tilespmem:s0], [sflag:$0x2] =	stream.linear.gather [hbm4b:s13+s3], $0x50, $0x38;
	[tilespmem:$0xCD00] =	vst v63  }
0x92: {  	s14 =	rddreg [dreg:$0x8];
	s18 =	sadd.s32 s7, s12;
	s13 =	simm.s32 $0x300  }
0x93: {  	[tilespmem:s13], [sflag:$0x7] =	stream.linear.gather [hbm4b:s18+s3], $0x50, $0x38;
	[tilespmem:$0xCD00] =	vst v63  }
0x94: {  	s20 =	rddreg [dreg:$0x7];
	s12 =	sadd.s32 s7, s14;
	s18 =	simm.s32 $0x100  }
0x95: {  	[tilespmem:s18], [sflag:$0x3] =	stream.linear.gather [hbm4b:s12+s3], $0x50, $0x38;
	[tilespmem:$0xCD00] =	vst v63  }
0x96: {  	s14 =	rddreg [dreg:$0x6];
	s12 =	sadd.s32 s7, s20;
	s20 =	simm.s32 $0x380  }
0x97: {  	[tilespmem:s20], [sflag:$0x8] =	stream.linear.gather [hbm4b:s12+s3], $0x50, $0x38;
	[tilespmem:$0xCD00] =	vst v63  }
0x98: {  	s14 =	sadd.s32 s7, s14;
	s8 =	rddreg [dreg:$0x5];
	s12 =	simm.s32 $0x180  }
0x99: {  	[tilespmem:s12], [sflag:$0x4] =	stream.linear.gather [hbm4b:s14+s3], $0x50, $0x38;
	[tilespmem:$0xCD00] =	vst v63  }
0x9a: {  	s9 =	rddreg [dreg:$0x4];
	s1 =	sadd.s32 s7, s8;
	s14 =	simm.s32 $0x400  }
0x9b: {  	[tilespmem:s14], [sflag:$0x9] =	stream.linear.gather [hbm4b:s1+s3], $0x50, $0x38;
	[tilespmem:$0xCD00] =	vst v63  }
0x9c: {  	s8 =	rddreg [dreg:$0x3];
	s1 =	sadd.s32 s7, s9;
	s9 =	simm.s32 $0x200  }
0x9d: {  	[tilespmem:s9], [sflag:$0x5] =	stream.linear.gather [hbm4b:s1+s3], $0x50, $0x38;
	[tilespmem:$0xCD00] =	vst v63  }
0x9e: {  	s7 =	sadd.s32 s7, s8;
	s8 =	simm.s32 $0x480  }
0x9f: {  	[tilespmem:s8], [sflag:$0xA] =	stream.linear.gather [hbm4b:s7+s3], $0x50, $0x38;
	[tilespmem:$0xCD00] =	vst v63  }
0xa0: {  	_ =	swait.ge [sflag:s16], $0x50  }
0xa1: {  	[sflag:s16] =	ssyncset.done $0x0  }
0xa2: {  	[sflag:s16] =	ssyncadd.s32 $0xFFFFFFB0  }
0xa3: {  	[tilespmem:s24], [sflag:$0x1] =	stream.indirect.gather [hbm4b:s2+s17], $0x80, s3, s17, $0xb8;
	[tilespmem:$0xCD00] =	vst v63  }
0xa4: {  	_ =	swait.ge [sflag:s19], $0x50  }
0xa5: {  	[sflag:s19] =	ssyncset.done $0x0  }
0xa6: {  	[sflag:s19] =	ssyncadd.s32 $0xFFFFFFB0  }
0xa7: {  	[tilespmem:s26], [sflag:$0x2] =	stream.indirect.gather [hbm4b:s2+s17], $0x80, s0, s17, $0xb8;
	[tilespmem:$0xCD00] =	vst v63  }
0xa8: {  	_ =	swait.ge [sflag:s21], $0x50  }
0xa9: {  	[sflag:s21] =	ssyncset.done $0x0  }
0xaa: {  	[sflag:s21] =	ssyncadd.s32 $0xFFFFFFB0  }
0xab: {  	[tilespmem:s28], [sflag:$0x3] =	stream.indirect.gather [hbm4b:s2+s17], $0x80, s18, s17, $0xb8;
	[tilespmem:$0xCD00] =	vst v63  }
0xac: {  	_ =	swait.ge [sflag:s23], $0x50  }
0xad: {  	[sflag:s23] =	ssyncset.done $0x0  }
0xae: {  	[sflag:s23] =	ssyncadd.s32 $0xFFFFFFB0  }
0xaf: {  	[tilespmem:s29], [sflag:$0x4] =	stream.indirect.gather [hbm4b:s2+s17], $0x80, s12, s17, $0xb8;
	[tilespmem:$0xCD00] =	vst v63  }
0xb0: {  	_ =	swait.ge [sflag:s25], $0x50  }
0xb1: {  	[sflag:s25] =	ssyncset.done $0x0  }
0xb2: {  	[sflag:s25] =	ssyncadd.s32 $0xFFFFFFB0  }
0xb3: {  	[tilespmem:s30], [sflag:$0x5] =	stream.indirect.gather [hbm4b:s2+s17], $0x80, s9, s17, $0xb8;
	[tilespmem:$0xCD00] =	vst v63  }
0xb4: {  	_ =	swait.ge [sflag:s16], $0x2800  }
0xb5: {  	[sflag:s16] =	ssyncset.done $0x0  }
0xb6: {  	[sflag:s16] =	ssyncadd.s32 $0xFFFFD800  }
0xb7: {  	_ =	swait.ge [sflag:s31], $0x50  }
0xb8: {  	[sflag:s31] =	ssyncset.done $0x0  }
0xb9: {  	[sflag:s31] =	ssyncadd.s32 $0xFFFFFFB0  }
0xba: {  	[tilespmem:s24], [sflag:$0x1] =	stream.indirect.gather.add.f32 [hbm:s4], $0x80, s22, s17, $0xb8;
	[tilespmem:$0xCD00] =	vst v63  }
0xbb: {  	_ =	swait.ge [sflag:s19], $0x2800  }
0xbc: {  	[sflag:s19] =	ssyncset.done $0x0  }
0xbd: {  	[sflag:s19] =	ssyncadd.s32 $0xFFFFD800  }
0xbe: {  	_ =	swait.ge [sflag:s11], $0x50  }
0xbf: {  	[sflag:s11] =	ssyncset.done $0x0  }
0xc0: {  	[sflag:s11] =	ssyncadd.s32 $0xFFFFFFB0  }
0xc1: {  	[tilespmem:s26], [sflag:$0x2] =	stream.indirect.gather.add.f32 [hbm:s4], $0x80, s13, s17, $0xb8;
	[tilespmem:$0xCD00] =	vst v63  }
0xc2: {  	_ =	swait.ge [sflag:s21], $0x2800  }
0xc3: {  	[sflag:s21] =	ssyncset.done $0x0  }
0xc4: {  	[sflag:s21] =	ssyncadd.s32 $0xFFFFD800  }
0xc5: {  	_ =	swait.ge [sflag:s10], $0x50  }
0xc6: {  	[sflag:s10] =	ssyncset.done $0x0  }
0xc7: {  	[sflag:s10] =	ssyncadd.s32 $0xFFFFFFB0  }
0xc8: {  	[tilespmem:s28], [sflag:$0x3] =	stream.indirect.gather.add.f32 [hbm:s4], $0x80, s20, s17, $0xb8;
	[tilespmem:$0xCD00] =	vst v63  }
0xc9: {  	_ =	swait.ge [sflag:s23], $0x2800  }
0xca: {  	[sflag:s23] =	ssyncset.done $0x0  }
0xcb: {  	[sflag:s23] =	ssyncadd.s32 $0xFFFFD800  }
0xcc: {  	_ =	swait.ge [sflag:s15], $0x50  }
0xcd: {  	[sflag:s15] =	ssyncset.done $0x0  }
0xce: {  	[sflag:s15] =	ssyncadd.s32 $0xFFFFFFB0  }
0xcf: {  	[tilespmem:s29], [sflag:$0x4] =	stream.indirect.gather.add.f32 [hbm:s4], $0x80, s14, s17, $0xb8;
	[tilespmem:$0xCD00] =	vst v63  }
0xd0: {  	_ =	swait.ge [sflag:s25], $0x2800  }
0xd1: {  	[sflag:s25] =	ssyncset.done $0x0  }
0xd2: {  	s0 =	simm.s32 $0xA;
	[sflag:s25] =	ssyncadd.s32 $0xFFFFD800  }
0xd3: {  	_ =	swait.ge [sflag:s0], $0x50  }
0xd4: {  	[sflag:s0] =	ssyncset.done $0x0  }
0xd5: {  	[sflag:s0] =	ssyncadd.s32 $0xFFFFFFB0  }
0xd6: {  	[tilespmem:s30], [sflag:$0x5] =	stream.indirect.gather.add.f32 [hbm:s4], $0x80, s8, s17, $0xb8;
	[tilespmem:$0xCD00] =	vst v63  }
0xd7: {  	_ =	swait.ge [sflag:s16], $0x2800  }
0xd8: {  	s6 =	sadd.s32 $0x1900, s6;
	[sflag:s16] =	ssyncset.done $0x0  }
0xd9: {  	s14 =	sadd.s32 $0xFFFFEC00, s6;
	[sflag:s16] =	ssyncadd.s32 $0xFFFFD800  }
0xda: {  	[hbm4b:s14+s3] =	stream.linear.scatter [tilespmem:s24], [sflag:$0x1], $0x2800, $0x38;
	[tilespmem:$0xCD00] =	vst v63  }
0xdb: {  	_ =	swait.ge [sflag:s19], $0x2800  }
0xdc: {  	[sflag:s19] =	ssyncset.done $0x0  }
0xdd: {  	s18 =	sadd.s32 $0xFFFFF100, s6;
	[sflag:s19] =	ssyncadd.s32 $0xFFFFD800  }
0xde: {  	[hbm4b:s18+s3] =	stream.linear.scatter [tilespmem:s26], [sflag:$0x2], $0x2800, $0x38;
	[tilespmem:$0xCD00] =	vst v63  }
0xdf: {  	_ =	swait.ge [sflag:s21], $0x2800  }
0xe0: {  	[sflag:s21] =	ssyncset.done $0x0  }
0xe1: {  	s20 =	sadd.s32 $0xFFFFF600, s6;
	[sflag:s21] =	ssyncadd.s32 $0xFFFFD800  }
0xe2: {  	[hbm4b:s20+s3] =	stream.linear.scatter [tilespmem:s28], [sflag:$0x3], $0x2800, $0x38;
	[tilespmem:$0xCD00] =	vst v63  }
0xe3: {  	_ =	swait.ge [sflag:s23], $0x2800  }
0xe4: {  	[sflag:s23] =	ssyncset.done $0x0  }
0xe5: {  	s22 =	sadd.s32 $0xFFFFFB00, s6;
	[sflag:s23] =	ssyncadd.s32 $0xFFFFD800  }
0xe6: {  	[hbm4b:s22+s3] =	stream.linear.scatter [tilespmem:s29], [sflag:$0x4], $0x2800, $0x38;
	[tilespmem:$0xCD00] =	vst v63  }
0xe7: {  	_ =	swait.ge [sflag:s25], $0x2800  }
0xe8: {  	[sflag:s25] =	ssyncset.done $0x0  }
0xe9: {  	[sflag:s25] =	ssyncadd.s32 $0xFFFFD800  }
0xea: {  	[hbm4b:s6+s3] =	stream.linear.scatter [tilespmem:s30], [sflag:$0x5], $0x2800, $0x38;
	[tilespmem:$0xCD00] =	vst v63  }
0xeb: {  	_ =	swait.ge [sflag:s16], $0x2800  }
0xec: {  	[sflag:s16] =	ssyncset.done $0x0  }
0xed: {  	[sflag:s16] =	ssyncadd.s32 $0xFFFFD800  }
0xee: {  	_ =	swait.ge [sflag:s19], $0x2800  }
0xef: {  	[sflag:s19] =	ssyncset.done $0x0  }
0xf0: {  	[sflag:s19] =	ssyncadd.s32 $0xFFFFD800  }
0xf1: {  	_ =	swait.ge [sflag:s21], $0x2800  }
0xf2: {  	p0 =	sne.s32 s5, $0xC8;
	[sflag:s21] =	ssyncset.done $0x0  }
.Ltmp0:
0xf3: {  	[sflag:s21] =	ssyncadd.s32 $0xFFFFD800;
	(pc) =	sbr.rel @p0 .LBB2_2-.Ltmp0, $4  }
0xf4: {  	_ =	swait.ge [sflag:s23], $0x2800  }
0xf5: {  	[sflag:s23] =	ssyncset.done $0x0  }
0xf6: {  	[sflag:s23] =	ssyncadd.s32 $0xFFFFD800  }
0xf7: {  	s5 =	sadd.s32 $0x32, s5;
	_ =	swait.ge [sflag:s25], $0x2800  }
0xf8: {  	s5 =	rddreg [dreg:$0xf]  }
0xf9: {  	[sflag:s25] =	ssyncset.done $0x0;
	s1 =	rddreg [dreg:$0xd];
	s7 =	simm.s32 $0x80  }
0xfa: {  	s8 =	simm.s32 $0x300;
	s9 =	simm.s32 $0x100;
	s5 =	sadd.s32 $0x1, s5  }
0xfb: {  	s10 =	simm.s32 $0x380;
	s11 =	simm.s32 $0x180;
	p0 =	sne.s32 s5, s1  }
.Ltmp1:
0xfc: {  	s12 =	simm.s32 $0x400;
	s13 =	simm.s32 $0x200;
	(pc) =	sbr.rel @p0 .LBB2_1-.Ltmp1, $4  }
0xfd: {  	s14 =	simm.s32 $0x480;
	s15 =	simm.s32 $0x500;
	s18 =	simm.s32 $0x2D00  }
0xfe: {  	s20 =	simm.s32 $0x5500;
	s22 =	simm.s32 $0x7D00;
	s24 =	simm.s32 $0xA500  }
0xff: {  	s26 =	simm.s32 $0x6;
	s28 =	simm.s32 $0x7;
	s29 =	simm.s32 $0x8  }
0x100: {  	s30 =	simm.s32 $0x9;
	[sflag:s25] =	ssyncadd.s32 $0xFFFFD800;
	s1 =	simm.s32 $0x280  }
0x101: {  	_ =	sfence.sel $0x180000  }
0x102: {  	[bflag:$0x0] =	sbarrier.arrive $0xFFFF  }
0x103: {  	_ =	strace $0x90000053  }
0x104: {  	s0 =	stileid.u32;
	[bflag:$0x2] =	sbarrier.arrive $0xFFFF  }
0x105: {  	p0 =	sne.s32 s0, $0x0;
	s0 =	rddreg [dreg:$0x2]  }
0x106: {  	s0 =	sadd.s32 @!p0 $0x100000, s0  }
0x107: {  	[sflag:s0] =	ssyncadd.tile.s32 @!p0 $0x1;
	_ =	shalt  }
.Lfunc_end2:
_tile_overlayer_lowered:
.L_overlay_start_2:
0x108: {  	(tag) =	ssettag $0x2  }
0x109: {  	s0 =	rddreg [dreg:$0x0];
	s2 =	stileid.u32  }
0x10a: {  	s1 =	rddreg [dreg:$0x1];
	p0 =	sne.s32 s2, $0x0  }
0x10b: {  	s3 =	rddreg [dreg:$0x2];
	[bflag:$0x3] =	sbarrier.arrive $0xFFFF;
	s2 =	simm.s32 @!p0 $0x1C0B  }
0x10c: {  	[timem:s3], [sflag:s2] =	dma.local @!p0 [hbm:s0], s1  }
0x10d: {  	s0 =	simm.s32 @!p0 $0xB  }
0x10e: {  	_ =	swait.ge @!p0 [sflag:s0], s1  }
0x10f: {  	s1 =	ssub.s32 @!p0 $0x0, s1;
	[sflag:s0] =	ssyncset.done @!p0 $0x0  }
0x110: {  	[sflag:s0] =	ssyncadd.s32 @!p0 s1  }
0x111: {  	[bflag:$0x3] =	sbarrier.arrive $0xFFFF  }
0x112: {  	_ =	shalt  }

// kernel: kernel.30.cloned.1.call-start
scs
__scs_entry_jumppad:
0x0: {  	(pc) =	sbr.rel $0x88, $3  }
0x1: {  	(tag) =	ssettag $0x0;
	lr =	simm.s32 $0x1  }
0x2: {  	[smem:$0x3F92] =	sst lr;
	_ =	strace $0xD0000000  }
0x3: {  	_ = 	snop  }
0x4: {  	_ = 	snop  }
0x5: {  	_ = 	snop  }
0x6: {  	_ = 	snop  }
0x7: {  	_ = 	snop  }
__scs_overlays_trampoline_lowered:
0x8: {  	[smem:$0x3FA1] =	sst s0  }
0x9: {  	[smem:$0x3FA2] =	sst s1  }
0xa: {  	[smem:$0x3FA3] =	sst s2  }
0xb: {  	[smem:$0x3FA4] =	sst s3  }
0xc: {  	[smem:$0x3FA5] =	sst s4  }
0xd: {  	[smem:$0x3FA6] =	sst s5  }
0xe: {  	[smem:$0x3FA7] =	sst s6  }
0xf: {  	[smem:$0x3FA8] =	sst s7  }
0x10: {  	[smem:$0x3FA9] =	sst s8  }
0x11: {  	[smem:$0x3FAA] =	sst s9;
	s0 =	simm.s32 @!p0 $0x0  }
0x12: {  	s1 =	sld [smem:$0x3F90];
	s0 =	simm.s32 @p0 $0x1  }
0x13: {  	[smem:$0x3FAB] =	sst s0;
	s0 =	simm.s32 @!p1 $0x0  }
0x14: {  	s2 =	sld [smem:$0x3F8F];
	s0 =	simm.s32 @p1 $0x1  }
0x15: {  	[smem:$0x3FAC] =	sst s0;
	s0 =	simm.s32 @!p2 $0x0  }
0x16: {  	s3 =	sld [smem:$0x3FDB];
	s0 =	simm.s32 @p2 $0x1  }
0x17: {  	s4 =	simm.s32 $0x1BF5;
	[smem:$0x3FAE] =	sst s0  }
0x18: {  	s0 =	sld [smem:$0x3F91];
	_ =	swait.ge [sflag:s4], $0x0  }
0x19: {  	s7 =	sld [smem:$0x3F92]  }
0x1a: {  	s8 =	sadd.s32 $0xFFFFE003, lr  }
0x1b: {  	s9 =	sadd.s32 $0xFFFFFEF7, lr;
	s5 =	simm.s32 $0xFFFFFFFF;
	p2 =	slt.u32 s8, $0xFFFFF086  }
0x1c: {  	p1 =	slt.u32 s9, $0xF7A;
	s5 =	simm.s32 @!p2 $0x0  }
0x1d: {  	s5 =	simm.s32 @p1 $0x1;
	p0 =	seq.s32 s7, s2  }
0x1e: {  	s7 =	smul.u32 @!p0 $0xF7A, s2;
	p2 =	seq.s32 @!p0 s5, $0x0  }
0x1f: {  	s9 =	smul.u32 $0xF7A, s1;
	s8 =	simm.s32 @!p0 $0x1BF5;
	p2 =	por !p2, p0  }
0x20: {  	[sflag:s8] =	ssyncset.s32 @!p0 $0xFFFFF086;
	s6 =	sadd.s32 @!p0 s3, s7;
	s7 =	simm.s32 @!p0 $0x108  }
0x21: {  	s3 =	sadd.s32 s3, s9;
	s6 =	sadd.s32 @!p0 $0x88, s6;
	s7 =	simm.s32 @p2 $0x1082  }
0x22: {  	[simem:s7], [sflag:s8] =	dma.local @!p0 [hbm:s6], $0xF7A  }
0x23: {  	s9 =	sor.u32 $0xD0000000, s2;
	s6 =	simm.s32 $0x108;
	_ =	swait.ge @!p0 [sflag:s8], $0x0  }
0x24: {  	s3 =	sadd.s32 $0x88, s3;
	s6 =	simm.s32 @!p1 $0x1082;
	[sflag:s4] =	ssyncset.s32 $0xFFFFF086  }
0x25: {  	[simem:s6], [sflag:s4] =	dma.local [hbm:s3], $0xF7A  }
0x26: {  	[smem:$0x3F92] =	sst s1;
	(tag) =	ssettag s2;
	_ =	strace s9  }
0x27: {  	s1 =	sld [smem:$0x3FA2]  }
0x28: {  	s2 =	sld [smem:$0x3FA3]  }
0x29: {  	s4 =	sld [smem:$0x3FA5]  }
0x2a: {  	p0 =	seq.s32 s5, $0x0;
	s5 =	sld [smem:$0x3FA6]  }
0x2b: {  	s6 =	sld [smem:$0x3FA7]  }
0x2c: {  	s7 =	sld [smem:$0x3FA8]  }
0x2d: {  	s3 =	simm.s32 $0x108;
	s8 =	sld [smem:$0x3FA9]  }
0x2e: {  	s3 =	simm.s32 @!p0 $0x1082;
	s9 =	sld [smem:$0x3FAA]  }
0x2f: {  	lr =	sadd.s32 s0, s3;
	s0 =	sld [smem:$0x3FA1]  }
0x30: {  	s3 =	sld [smem:$0x3FA4]  }
0x31: {  	[smem:$0x3FAD] =	sst s10  }
0x32: {  	s10 =	sld [smem:$0x3FAB];
	_ =	sdelay $0x3  }
0x33: {  	p0 =	seq.s32 s10, $0x1;
	s10 =	sld [smem:$0x3FAD];
	_ =	sdelay $0x3  }
0x34: {  	[smem:$0x3FAD] =	sst s10  }
0x35: {  	s10 =	sld [smem:$0x3FAC];
	_ =	sdelay $0x3  }
0x36: {  	p1 =	seq.s32 s10, $0x1;
	s10 =	sld [smem:$0x3FAD];
	_ =	sdelay $0x3  }
0x37: {  	[smem:$0x3FAD] =	sst s10  }
0x38: {  	s10 =	sld [smem:$0x3FAE]  }
0x39: {  	_ = 	snop;
	(pc) =	sbr.ind lr, $3  }
0x3a: {  	_ = 	snop  }
0x3b: {  	_ = 	snop  }
0x3c: {  	p2 =	seq.s32 s10, $0x1;
	s10 =	sld [smem:$0x3FAD]  }
0x3d: {  	_ =	shalt  }
0x3e: {  	_ =	shalt  }
0x3f: {  	_ =	shalt  }
0x40: {  	_ =	shalt  }
0x41: {  	_ =	shalt  }
0x42: {  	_ =	shalt  }
0x43: {  	_ =	shalt  }
0x44: {  	_ =	shalt  }
0x45: {  	_ =	shalt  }
0x46: {  	_ =	shalt  }
0x47: {  	_ =	shalt  }
0x48: {  	_ =	shalt  }
0x49: {  	_ =	shalt  }
0x4a: {  	_ =	shalt  }
0x4b: {  	_ =	shalt  }
0x4c: {  	_ =	shalt  }
0x4d: {  	_ =	shalt  }
0x4e: {  	_ =	shalt  }
0x4f: {  	_ =	shalt  }
0x50: {  	_ =	shalt  }
0x51: {  	_ =	shalt  }
0x52: {  	_ =	shalt  }
0x53: {  	_ =	shalt  }
0x54: {  	_ =	shalt  }
0x55: {  	_ =	shalt  }
0x56: {  	_ =	shalt  }
0x57: {  	_ =	shalt  }
0x58: {  	_ =	shalt  }
0x59: {  	_ =	shalt  }
0x5a: {  	_ =	shalt  }
0x5b: {  	_ =	shalt  }
0x5c: {  	_ =	shalt  }
0x5d: {  	_ =	shalt  }
0x5e: {  	_ =	shalt  }
0x5f: {  	_ =	shalt  }
0x60: {  	_ =	shalt  }
0x61: {  	_ =	shalt  }
0x62: {  	_ =	shalt  }
0x63: {  	_ =	shalt  }
0x64: {  	_ =	shalt  }
0x65: {  	_ =	shalt  }
0x66: {  	_ =	shalt  }
0x67: {  	_ =	shalt  }
0x68: {  	_ =	shalt  }
0x69: {  	_ =	shalt  }
0x6a: {  	_ =	shalt  }
0x6b: {  	_ =	shalt  }
0x6c: {  	_ =	shalt  }
0x6d: {  	_ =	shalt  }
0x6e: {  	_ =	shalt  }
0x6f: {  	_ =	shalt  }
0x70: {  	_ =	shalt  }
0x71: {  	_ =	shalt  }
0x72: {  	_ =	shalt  }
0x73: {  	_ =	shalt  }
0x74: {  	_ =	shalt  }
0x75: {  	_ =	shalt  }
0x76: {  	_ =	shalt  }
0x77: {  	_ =	shalt  }
0x78: {  	_ =	shalt  }
0x79: {  	_ =	shalt  }
0x7a: {  	_ =	shalt  }
0x7b: {  	_ =	shalt  }
0x7c: {  	_ =	shalt  }
0x7d: {  	_ =	shalt  }
0x7e: {  	_ =	shalt  }
0x7f: {  	_ =	shalt  }
0x80: {  	_ =	shalt  }
0x81: {  	_ =	shalt  }
0x82: {  	_ =	shalt  }
0x83: {  	_ =	shalt  }
0x84: {  	_ =	shalt  }
0x85: {  	_ =	shalt  }
0x86: {  	_ =	shalt  }
0x87: {  	_ =	shalt  }
.Lfunc_end0:
.L_simem_size_0:
called_computation.5_lowered:
.L_overlay_start_0:
0x88: {  	s2 =	sld [smem:$0x3FD9]  }
0x89: {  	s3 =	sld [smem:$0x3FFE];
	_ =	sdelay $0x1  }
0x8a: {  	s1 =	srdreg.scid  }
0x8b: {  	s0 =	sand.u32 $0x1, s1  }
0x8c: {  	s14 =	sshll.u32 s0, $0xA;
	s2 =	sadd.s32 s3, s2  }
0x8d: {  	s2 =	sadd.s32 s2, s14  }
0x8e: {  	[smem:$0x3FB9] =	sst s2  }
0x8f: {  	_ = 	snop  }
0x90: {  	s2 =	sld [smem:$0x3FD0];
	_ =	sdelay $0x2  }
0x91: {  	s15 =	simm.s32 $0xE;
	s4 =	simm.s32 $0x10  }
0x92: {  	[smem:s4], [sflag:s15] =	dma.local [hbm:s2], $0x1  }
0x93: {  	_ =	swait.eq [sflag:s15], $0x1  }
0x94: {  	[sflag:s15] =	ssyncset.done $0x0  }
0x95: {  	s16 =	sld [smem:$0x10];
	[sflag:s15] =	ssyncadd.s32 $0xFFFFFFFF  }
0x96: {  	s17 =	sld [smem:$0x11];
	(tm) =	ssettm $0x1  }
0x97: {  	s18 =	sld [smem:$0x3FFB];
	_ =	sdelay $0x3  }
0x98: {  	_ =	strace s18  }
0x99: {  	s4 =	sld [smem:$0x3FFC];
	_ =	sdelay $0x3  }
0x9a: {  	_ =	strace s4  }
0x9b: {  	s4 =	sld [smem:$0x3FFD];
	_ =	sdelay $0x3  }
0x9c: {  	_ =	strace s4  }
0x9d: {  	_ =	strace $0x8FFFFFFF  }
0x9e: {  	s19 =	sld [smem:$0x3FDB];
	_ =	sdelay $0x1  }
0x9f: {  	s5 =	simm.s32 $_scs_section_size  }
0xa0: {  	s6 =	simm.s32 $_size__tile_overlayer_lowered;
	s7 =	simm.s32 $_tile_overlayer_lowered  }
0xa1: {  	s22 =	simm.s32 $0x1BFF;
	s21 =	sshll.u32 s7, $0x1;
	s4 =	sadd.s32 s5, s19  }
0xa2: {  	s8 =	simm.s32 $0x0;
	s20 =	sshll.u32 s6, $0x1;
	s6 =	sadd.s32 s21, s4  }
0xa3: {  	[timem:s8], [sflag:s22] =	dma.local [hbm:s6], s20  }
0xa4: {  	_ =	swait.ge [sflag:s22], s20  }
0xa5: {  	s5 =	ssub.s32 $0x0, s20;
	[sflag:s22] =	ssyncset.done $0x0  }
0xa6: {  	[sflag:s22] =	ssyncadd.s32 s5;
	_ =	sdelay $0x1  }
0xa7: {  	s23 =	simm.s32 $0x1B8B  }
0xa8: {  	_ =	swait.ge [sflag:s23], $0x1  }
0xa9: {  	[sflag:s23] =	ssyncset.done $0x0  }
0xaa: {  	s25 =	simm.s32 $0x1B8E;
	s24 =	sld [smem:$0x3FFE];
	[sflag:s23] =	ssyncadd.s32 $0xFFFFFFFF  }
0xab: {  	s26 =	simm.s32 $execute0_lowered;
	[smem:$0x3FD2] =	sst s25  }
0xac: {  	s6 =	sshll.u32 s26, $0x1;
	_ =	strace $0x80000055;
	[dreg:$0x1] =	wrdreg $0xFFFFFFFF  }
0xad: {  	s28 =	simm.s32 $_size_execute0_lowered;
	s4 =	sadd.s32 s4, s6;
	[dreg:$0x0] =	wrdreg $0x0  }
0xae: {  	s6 =	sshll.u32 s28, $0x1;
	[dreg:$0x2] =	wrdreg s4  }
0xaf: {  	[dreg:$0x3] =	wrdreg s6  }
0xb0: {  	[dreg:$0x4] =	wrdreg $0xC0  }
0xb1: {  	_ =	task [dreg:s8], $0x5FFFF  }
0xb2: {  	[dreg:$0x1] =	wrdreg $0xFFFFFFFF  }
0xb3: {  	[dreg:$0x0] =	wrdreg $0x60  }
0xb4: {  	[dreg:$0x2] =	wrdreg s17  }
0xb5: {  	[dreg:$0x3] =	wrdreg s24  }
0xb6: {  	[dreg:$0x4] =	wrdreg s16  }
0xb7: {  	[dreg:$0x5] =	wrdreg $0x66800  }
0xb8: {  	[dreg:$0x6] =	wrdreg $0x9  }
0xb9: {  	_ =	task.clear_ibuf [dreg:s8], $0x7FFFF;
	_ =	strace $0x90000055  }
0xba: {  	s29 =	simm.s32 $0x9;
	_ =	strace $0x80000057  }
0xbb: {  	_ =	swait.ge [sflag:s29], $0x1  }
0xbc: {  	[sflag:s29] =	ssyncadd.s32 $0xFFFFFFFF  }
0xbd: {  	_ =	strace $0x90000057  }
0xbe: {  	_ =	sfence  }
0xbf: {  	s30 =	sld [smem:$0x0];
	_ =	sdelay $0x2  }
0xc0: {  	s31 =	sshll.u32 s1, $0xD;
	s1 =	sshrl.u32 s1, $0x2  }
0xc1: {  	s3 =	sand.u32 $0x4000, s31;
	s1 =	sadd.s32 s1, s30  }
0xc2: {  	s0 =	sor.u32 s3, s0;
	s1 =	sshll.u32 s1, $0x11  }
0xc3: {  	s0 =	sor.u32 s1, s0  }
0xc4: {  	s0 =	sadd.s32 $0x8F2B, s0  }
0xc5: {  	[sflag:s0] =	ssyncadd.remote.s32 $0x1  }
0xc6: {  	_ =	sfence.sel $0xFFFF  }
0xc7: {  	[dreg:$0x0] =	wrdreg $0xFFFFFFFF;
	(pc) =	sbr.abs _section_cstart, $3  }
0xc8: {  	[dreg:$0x1] =	wrdreg $0xFFFFFFFF  }
0xc9: {  	_ =	task.clear_ibuf [dreg:s8], $0x2FFFF;
	_ =	strace $0x9FFFFFFF  }
0xca: {  	(tm) =	ssettm $0x7FFFFFFF  }
0xcb: {  	_ =	shalt  }
tec
execute0_lowered:
.L_overlay_start_1:
0x0: {  	(tag) =	ssettag $0x1  }
0x1: {  	s0 =	rddreg [dreg:$0x0]  }
0x2: {  	s2 =	rddreg [dreg:$0x1]  }
0x3: {  	s4 =	rddreg [dreg:$0x2]  }
0x4: {  	s1 =	rddreg [dreg:$0x3];
	s3 =	simm.s32 $0x0;
	s5 =	srdreg.scid  }
0x5: {  	s14 =	stileid.u32;
	s28 =	simm.s32 $0x1;
	s29 =	simm.s32 $0x6  }
0x6: {  	s30 =	simm.s32 $0x28;
	s31 =	simm.s32 $0x2;
	s6 =	smul.u32 $0x4E000, s14  }
0x7: {  	[smem:$0x7FF] =	sst s3;
	s5 =	sand.u32 $0x1, s5;
	s9 =	smul.u32 $0x13800, s14  }
0x8: {  	s7 =	sadd.s32 $0xEE00, s2;
	s2 =	sadd.s32 $0x18C00, s2;
	s12 =	smul.u32 $0x4E200, s14  }
0x9: {  	s24 =	sshll.u32 s14, $0x6;
	s26 =	smul.u32 $0x4E20, s14;
	p0 =	sne.s32 s14, $0xF  }
0xa: {  	s14 =	simm.s32 $0x0;
	_ =	strace $0x80000056;
	s11 =	smul.u32 $0x138800, s5  }
0xb: {  	s8 =	ssub.s32 $0x2, s5;
	s15 =	sor.u32 $0x1C0B, s24;
	s13 =	smul.u32 $0x2710, s5  }
0xc: {  	s10 =	sshrl.u32 s8, $0x1;
	s6 =	sshrl.u32 s6, $0x2;
	s23 =	sshrl.u32 s9, $0x3  }
0xd: {  	s0 =	sadd.s32 s12, s0;
	s12 =	simm.s32 $0xB;
	[dreg:$0x7] =	wrdreg s15  }
0xe: {  	s8 =	ssub.s32 s8, s10;
	s6 =	sadd.s32 s6, s1;
	s10 =	sadd.s32 s4, s23  }
0xf: {  	s4 =	sadd.s32 $0x27000, s4;
	s25 =	sadd.s32 s9, s11;
	s11 =	sshrl.u32 s11, $0x3  }
0x10: {  	s16 =	sadd.s32 s13, s26;
	s9 =	simm.s32 $0xA;
	[dreg:$0x6] =	wrdreg s10  }
0x11: {  	s10 =	sadd.s32 $0x138000, s1;
	[dreg:$0x8] =	wrdreg s4;
	s4 =	sshrl.u32 s25, $0x3  }
0x12: {  	s17 =	smax.u32 s8, $0x1;
	s18 =	sadd.s32 $0xA0, s16;
	s20 =	sadd.s32 $0x78, s16  }
0x13: {  	s22 =	sadd.s32 $0x50, s16;
	s24 =	sadd.s32 $0x28, s16;
	s8 =	simm.s32 $0x5  }
0x14: {  	s4 =	sadd.s32 s2, s4;
	s2 =	sadd.s32 s2, s11;
	s11 =	smul.u32 $0x27100, s5  }
0x15: {  	[dreg:$0xb] =	wrdreg s17;
	s19 =	sshrl.u32 s18, $0x3;
	s21 =	sshrl.u32 s20, $0x3  }
0x16: {  	s23 =	sshrl.u32 s22, $0x3;
	s25 =	sshrl.u32 s24, $0x3;
	s13 =	sshrl.u32 @!p0 s10, $0x3  }
0x17: {  	s18 =	simm.s32 $0x280;
	s20 =	simm.s32 $0x1680;
	[dreg:$0x9] =	wrdreg s4  }
0x18: {  	s22 =	simm.s32 $0x2A80;
	s2 =	sadd.s32 $0x27000, s2;
	[dreg:$0x12] =	wrdreg s13  }
0x19: {  	s24 =	simm.s32 $0x3E80;
	s4 =	simm.s32 $0x8;
	[dreg:$0xa] =	wrdreg s2  }
0x1a: {  	s0 =	sadd.s32 s11, s0;
	s2 =	sshrl.u32 s16, $0x3;
	s11 =	sshrl.u32 s6, $0x3  }
0x1b: {  	s6 =	simm.s32 $0x4;
	[dreg:$0x5] =	wrdreg s0;
	s0 =	sadd.s32 s19, s7  }
0x1c: {  	s26 =	sadd.s32 s2, s7;
	s19 =	simm.s32 $0x80;
	[dreg:$0x11] =	wrdreg s11  }
0x1d: {  	s2 =	simm.s32 $0x3;
	[dreg:$0xc] =	wrdreg s0;
	s0 =	sadd.s32 s21, s7  }
0x1e: {  	[dreg:$0x10] =	wrdreg s26;
	s21 =	simm.s32 $0x100;
	s26 =	simm.s32 $0x5280  }
0x1f: {  	[dreg:$0xd] =	wrdreg s0;
	s0 =	sadd.s32 s23, s7;
	s23 =	simm.s32 $0x180  }
0x20: {  	[dreg:$0xe] =	wrdreg s0;
	s0 =	sadd.s32 s25, s7;
	s25 =	simm.s32 $0x200  }
0x21: {  	s7 =	simm.s32 $0x9;
	[dreg:$0xf] =	wrdreg s0;
	s0 =	simm.s32 $0x7  }
.LBB2_1:
0x22: {  	[dreg:$0x13] =	wrdreg s14  }
0x23: {  	s5 =	rddreg [dreg:$0x6]  }
0x24: {  	[spmem:s11], [sflag:s15] =	dma.local [hbm:s5], $0x2700  }
0x25: {  	_ =	swait.ge [sflag:s12], $0x2700  }
0x26: {  	[sflag:s12] =	ssyncset.done $0x0  }
0x27: {  	s5 =	rddreg [dreg:$0x8];
	[sflag:s12] =	ssyncadd.s32 $0xFFFFD900  }
0x28: {  	[spmem:s13], [sflag:s15] =	dma.local @!p0 [hbm:s5], $0x100  }
0x29: {  	s5 =	simm.s32 @!p0 $0xB  }
0x2a: {  	_ =	swait.ge @!p0 [sflag:s5], $0x100  }
0x2b: {  	[sflag:s5] =	ssyncset.done @!p0 $0x0  }
0x2c: {  	[sflag:s5] =	ssyncadd.s32 @!p0 $0xFFFFFF00  }
0x2d: {  	[bflag:$0x0] =	sbarrier.arrive $0xFFFF  }
0x2e: {  	s13 =	rddreg [dreg:$0x5]  }
0x2f: {  	s16 =	rddreg [dreg:$0x10]  }
0x30: {  	[tilespmem:s3], [sflag:$0x1] =	stream.linear.gather [hbm4b:s16+s3], $0x28, $0x38;
	[tilespmem:$0x19F00] =	vst v63  }
0x31: {  	s5 =	sadd.s32 $0x0, s13  }
0x32: {  	[tilespmem:s18], [sflag:$0x6] =	stream.linear.gather [hbm4b:s5+s3], $0x1400, $0x38;
	[tilespmem:$0x19F00] =	vst v63  }
0x33: {  	s13 =	rddreg [dreg:$0xf]  }
0x34: {  	[tilespmem:s19], [sflag:$0x2] =	stream.linear.gather [hbm4b:s13+s3], $0x28, $0x38;
	[tilespmem:$0x19F00] =	vst v63  }
0x35: {  	s14 =	sadd.s32 $0x280, s5  }
0x36: {  	[tilespmem:s20], [sflag:$0x7] =	stream.linear.gather [hbm4b:s14+s3], $0x1400, $0x38;
	[tilespmem:$0x19F00] =	vst v63  }
0x37: {  	s14 =	rddreg [dreg:$0xe]  }
0x38: {  	[tilespmem:s21], [sflag:$0x3] =	stream.linear.gather [hbm4b:s14+s3], $0x28, $0x38;
	[tilespmem:$0x19F00] =	vst v63  }
0x39: {  	s15 =	sadd.s32 $0x500, s5  }
0x3a: {  	[tilespmem:s22], [sflag:$0x8] =	stream.linear.gather [hbm4b:s15+s3], $0x1400, $0x38;
	[tilespmem:$0x19F00] =	vst v63  }
0x3b: {  	s10 =	rddreg [dreg:$0xd]  }
0x3c: {  	[tilespmem:s23], [sflag:$0x4] =	stream.linear.gather [hbm4b:s10+s3], $0x28, $0x38;
	[tilespmem:$0x19F00] =	vst v63  }
0x3d: {  	s17 =	sadd.s32 $0x780, s5  }
0x3e: {  	[tilespmem:s24], [sflag:$0x9] =	stream.linear.gather [hbm4b:s17+s3], $0x1400, $0x38;
	[tilespmem:$0x19F00] =	vst v63  }
0x3f: {  	s12 =	rddreg [dreg:$0xc]  }
0x40: {  	[tilespmem:s25], [sflag:$0x5] =	stream.linear.gather [hbm4b:s12+s3], $0x28, $0x38;
	[tilespmem:$0x19F00] =	vst v63  }
0x41: {  	s5 =	sadd.s32 $0xA00, s5  }
0x42: {  	[tilespmem:s26], [sflag:$0xA] =	stream.linear.gather [hbm4b:s5+s3], $0x1400, $0x38;
	[tilespmem:$0x19F00] =	vst v63  }
0x43: {  	_ =	swait.ge [sflag:s28], $0x28  }
0x44: {  	[sflag:s28] =	ssyncset.done $0x0  }
0x45: {  	[sflag:s28] =	ssyncadd.s32 $0xFFFFFFD8  }
0x46: {  	_ =	swait.ge [sflag:s29], $0x1400  }
0x47: {  	[sflag:s29] =	ssyncset.done $0x0  }
0x48: {  	[sflag:s29] =	ssyncadd.s32 $0xFFFFEC00  }
0x49: {  	[spmem:s1] =	stream.indirect.scatter.add.f32 [tilespmem:s18], [sflag:$0x1], $0x80, s3, s30, $0xb8;
	[tilespmem:$0x19F00] =	vst v63  }
0x4a: {  	_ =	swait.ge [sflag:s31], $0x28  }
0x4b: {  	[sflag:s31] =	ssyncset.done $0x0  }
0x4c: {  	[sflag:s31] =	ssyncadd.s32 $0xFFFFFFD8  }
0x4d: {  	_ =	swait.ge [sflag:s0], $0x1400  }
0x4e: {  	[sflag:s0] =	ssyncset.done $0x0  }
0x4f: {  	[sflag:s0] =	ssyncadd.s32 $0xFFFFEC00  }
0x50: {  	[spmem:s1] =	stream.indirect.scatter.add.f32 [tilespmem:s20], [sflag:$0x2], $0x80, s19, s30, $0xb8;
	[tilespmem:$0x19F00] =	vst v63  }
0x51: {  	_ =	swait.ge [sflag:s2], $0x28  }
0x52: {  	[sflag:s2] =	ssyncset.done $0x0  }
0x53: {  	[sflag:s2] =	ssyncadd.s32 $0xFFFFFFD8  }
0x54: {  	_ =	swait.ge [sflag:s4], $0x1400  }
0x55: {  	[sflag:s4] =	ssyncset.done $0x0  }
0x56: {  	[sflag:s4] =	ssyncadd.s32 $0xFFFFEC00  }
0x57: {  	[spmem:s1] =	stream.indirect.scatter.add.f32 [tilespmem:s22], [sflag:$0x3], $0x80, s21, s30, $0xb8;
	[tilespmem:$0x19F00] =	vst v63  }
0x58: {  	_ =	swait.ge [sflag:s6], $0x28  }
0x59: {  	[sflag:s6] =	ssyncset.done $0x0  }
0x5a: {  	[sflag:s6] =	ssyncadd.s32 $0xFFFFFFD8  }
0x5b: {  	_ =	swait.ge [sflag:s7], $0x1400  }
0x5c: {  	[sflag:s7] =	ssyncset.done $0x0  }
0x5d: {  	[sflag:s7] =	ssyncadd.s32 $0xFFFFEC00  }
0x5e: {  	[spmem:s1] =	stream.indirect.scatter.add.f32 [tilespmem:s24], [sflag:$0x4], $0x80, s23, s30, $0xb8;
	[tilespmem:$0x19F00] =	vst v63  }
0x5f: {  	_ =	swait.ge [sflag:s8], $0x28  }
0x60: {  	[sflag:s8] =	ssyncset.done $0x0  }
0x61: {  	[sflag:s8] =	ssyncadd.s32 $0xFFFFFFD8  }
0x62: {  	_ =	swait.ge [sflag:s9], $0x1400  }
0x63: {  	[sflag:s9] =	ssyncset.done $0x0  }
0x64: {  	[sflag:s9] =	ssyncadd.s32 $0xFFFFEC00  }
0x65: {  	[spmem:s1] =	stream.indirect.scatter.add.f32 [tilespmem:s26], [sflag:$0x5], $0x80, s25, s30, $0xb8;
	[tilespmem:$0x19F00] =	vst v63  }
0x66: {  	_ =	swait.ge [sflag:s28], $0x1400  }
0x67: {  	[sflag:s28] =	ssyncset.done $0x0  }
0x68: {  	[sflag:s28] =	ssyncadd.s32 $0xFFFFEC00  }
0x69: {  	_ =	swait.ge [sflag:s31], $0x1400  }
0x6a: {  	[sflag:s31] =	ssyncset.done $0x0  }
0x6b: {  	[sflag:s31] =	ssyncadd.s32 $0xFFFFEC00  }
0x6c: {  	_ =	swait.ge [sflag:s2], $0x1400  }
0x6d: {  	[sflag:s2] =	ssyncset.done $0x0  }
0x6e: {  	[sflag:s2] =	ssyncadd.s32 $0xFFFFEC00  }
0x6f: {  	_ =	swait.ge [sflag:s6], $0x1400  }
0x70: {  	s16 =	sadd.s32 $0x19, s16;
	[sflag:s6] =	ssyncset.done $0x0  }
0x71: {  	s11 =	smov.u32 s10;
	s13 =	sadd.s32 $0x19, s13;
	[sflag:s6] =	ssyncadd.s32 $0xFFFFEC00  }
0x72: {  	s14 =	sadd.s32 $0x19, s14;
	s15 =	simm.s32 $0xC80;
	_ =	swait.ge [sflag:s8], $0x1400  }
0x73: {  	s17 =	simm.s32 $0x1900;
	s5 =	rddreg [dreg:$0x5];
	[sflag:s8] =	ssyncset.done $0x0  }
.LBB2_2:
0x74: {  	[sflag:s8] =	ssyncadd.s32 $0xFFFFEC00  }
0x75: {  	[tilespmem:s3], [sflag:$0x1] =	stream.linear.gather [hbm4b:s16+s3], $0x28, $0x38;
	[tilespmem:$0x19F00] =	vst v63  }
0x76: {  	s5 =	sadd.s32 s15, s5  }
0x77: {  	[tilespmem:s18], [sflag:$0x6] =	stream.linear.gather [hbm4b:s5+s3], $0x1400, $0x38;
	[tilespmem:$0x19F00] =	vst v63  }
0x78: {  	s10 =	smov.u32 s17  }
0x79: {  	[tilespmem:s19], [sflag:$0x2] =	stream.linear.gather [hbm4b:s13+s3], $0x28, $0x38;
	[tilespmem:$0x19F00] =	vst v63  }
0x7a: {  	s15 =	smov.u32 s10;
	s10 =	sadd.s32 $0x280, s5  }
0x7b: {  	[tilespmem:s20], [sflag:$0x7] =	stream.linear.gather [hbm4b:s10+s3], $0x1400, $0x38;
	[tilespmem:$0x19F00] =	vst v63  }
0x7c: {  	_ = 	snop  }
0x7d: {  	[tilespmem:s21], [sflag:$0x3] =	stream.linear.gather [hbm4b:s14+s3], $0x28, $0x38;
	[tilespmem:$0x19F00] =	vst v63  }
0x7e: {  	s10 =	sadd.s32 $0x500, s5  }
0x7f: {  	[tilespmem:s22], [sflag:$0x8] =	stream.linear.gather [hbm4b:s10+s3], $0x1400, $0x38;
	[tilespmem:$0x19F00] =	vst v63  }
0x80: {  	s11 =	sadd.s32 $0x19, s11  }
0x81: {  	[tilespmem:s23], [sflag:$0x4] =	stream.linear.gather [hbm4b:s11+s3], $0x28, $0x38;
	[tilespmem:$0x19F00] =	vst v63  }
0x82: {  	s10 =	sadd.s32 $0x780, s5  }
0x83: {  	[tilespmem:s24], [sflag:$0x9] =	stream.linear.gather [hbm4b:s10+s3], $0x1400, $0x38;
	[tilespmem:$0x19F00] =	vst v63  }
0x84: {  	s12 =	sadd.s32 $0x19, s12  }
0x85: {  	[tilespmem:s25], [sflag:$0x5] =	stream.linear.gather [hbm4b:s12+s3], $0x28, $0x38;
	[tilespmem:$0x19F00] =	vst v63  }
0x86: {  	s5 =	sadd.s32 $0xA00, s5  }
0x87: {  	[tilespmem:s26], [sflag:$0xA] =	stream.linear.gather [hbm4b:s5+s3], $0x1400, $0x38;
	[tilespmem:$0x19F00] =	vst v63  }
0x88: {  	_ =	swait.ge [sflag:s28], $0x28  }
0x89: {  	[sflag:s28] =	ssyncset.done $0x0  }
0x8a: {  	[sflag:s28] =	ssyncadd.s32 $0xFFFFFFD8  }
0x8b: {  	_ =	swait.ge [sflag:s29], $0x1400  }
0x8c: {  	[sflag:s29] =	ssyncset.done $0x0  }
0x8d: {  	[sflag:s29] =	ssyncadd.s32 $0xFFFFEC00  }
0x8e: {  	[spmem:s1] =	stream.indirect.scatter.add.f32 [tilespmem:s18], [sflag:$0x1], $0x80, s3, s30, $0xb8;
	[tilespmem:$0x19F00] =	vst v63  }
0x8f: {  	_ =	swait.ge [sflag:s31], $0x28  }
0x90: {  	[sflag:s31] =	ssyncset.done $0x0  }
0x91: {  	[sflag:s31] =	ssyncadd.s32 $0xFFFFFFD8  }
0x92: {  	_ =	swait.ge [sflag:s0], $0x1400  }
0x93: {  	[sflag:s0] =	ssyncset.done $0x0  }
0x94: {  	[sflag:s0] =	ssyncadd.s32 $0xFFFFEC00  }
0x95: {  	[spmem:s1] =	stream.indirect.scatter.add.f32 [tilespmem:s20], [sflag:$0x2], $0x80, s19, s30, $0xb8;
	[tilespmem:$0x19F00] =	vst v63  }
0x96: {  	_ =	swait.ge [sflag:s2], $0x28  }
0x97: {  	[sflag:s2] =	ssyncset.done $0x0  }
0x98: {  	[sflag:s2] =	ssyncadd.s32 $0xFFFFFFD8  }
0x99: {  	_ =	swait.ge [sflag:s4], $0x1400  }
0x9a: {  	[sflag:s4] =	ssyncset.done $0x0  }
0x9b: {  	[sflag:s4] =	ssyncadd.s32 $0xFFFFEC00  }
0x9c: {  	[spmem:s1] =	stream.indirect.scatter.add.f32 [tilespmem:s22], [sflag:$0x3], $0x80, s21, s30, $0xb8;
	[tilespmem:$0x19F00] =	vst v63  }
0x9d: {  	_ =	swait.ge [sflag:s6], $0x28  }
0x9e: {  	[sflag:s6] =	ssyncset.done $0x0  }
0x9f: {  	[sflag:s6] =	ssyncadd.s32 $0xFFFFFFD8  }
0xa0: {  	_ =	swait.ge [sflag:s7], $0x1400  }
0xa1: {  	[sflag:s7] =	ssyncset.done $0x0  }
0xa2: {  	[sflag:s7] =	ssyncadd.s32 $0xFFFFEC00  }
0xa3: {  	[spmem:s1] =	stream.indirect.scatter.add.f32 [tilespmem:s24], [sflag:$0x4], $0x80, s23, s30, $0xb8;
	[tilespmem:$0x19F00] =	vst v63  }
0xa4: {  	_ =	swait.ge [sflag:s8], $0x28  }
0xa5: {  	[sflag:s8] =	ssyncset.done $0x0  }
0xa6: {  	[sflag:s8] =	ssyncadd.s32 $0xFFFFFFD8  }
0xa7: {  	_ =	swait.ge [sflag:s9], $0x1400  }
0xa8: {  	[sflag:s9] =	ssyncset.done $0x0  }
0xa9: {  	[sflag:s9] =	ssyncadd.s32 $0xFFFFEC00  }
0xaa: {  	[spmem:s1] =	stream.indirect.scatter.add.f32 [tilespmem:s26], [sflag:$0x5], $0x80, s25, s30, $0xb8;
	[tilespmem:$0x19F00] =	vst v63  }
0xab: {  	_ =	swait.ge [sflag:s28], $0x1400  }
0xac: {  	[sflag:s28] =	ssyncset.done $0x0  }
0xad: {  	[sflag:s28] =	ssyncadd.s32 $0xFFFFEC00  }
0xae: {  	_ =	swait.ge [sflag:s31], $0x1400  }
0xaf: {  	[sflag:s31] =	ssyncset.done $0x0  }
0xb0: {  	[sflag:s31] =	ssyncadd.s32 $0xFFFFEC00  }
0xb1: {  	_ =	swait.ge [sflag:s2], $0x1400  }
0xb2: {  	[sflag:s2] =	ssyncset.done $0x0  }
0xb3: {  	p1 =	sne.s32 s17, $0x26480;
	[sflag:s2] =	ssyncadd.s32 $0xFFFFEC00  }
.Ltmp0:
0xb4: {  	_ =	swait.ge [sflag:s6], $0x1400;
	(pc) =	sbr.rel @p1 .LBB2_2-.Ltmp0, $4  }
0xb5: {  	[sflag:s6] =	ssyncset.done $0x0  }
0xb6: {  	s17 =	sadd.s32 $0xC80, s17;
	[sflag:s6] =	ssyncadd.s32 $0xFFFFEC00  }
0xb7: {  	s16 =	sadd.s32 $0x19, s16;
	s13 =	sadd.s32 $0x19, s13;
	_ =	swait.ge [sflag:s8], $0x1400  }
0xb8: {  	s14 =	sadd.s32 $0x19, s14;
	s5 =	rddreg [dreg:$0x5];
	[sflag:s8] =	ssyncset.done $0x0  }
0xb9: {  	[sflag:s8] =	ssyncadd.s32 $0xFFFFEC00  }
0xba: {  	[tilespmem:s3], [sflag:$0x1] =	stream.linear.gather [hbm4b:s16+s3], $0x28, $0x38;
	[tilespmem:$0x19F00] =	vst v63  }
0xbb: {  	s5 =	sadd.s32 s15, s5  }
0xbc: {  	[tilespmem:s18], [sflag:$0x6] =	stream.linear.gather [hbm4b:s5+s3], $0x1400, $0x38;
	[tilespmem:$0x19F00] =	vst v63  }
0xbd: {  	_ = 	snop  }
0xbe: {  	[tilespmem:s19], [sflag:$0x2] =	stream.linear.gather [hbm4b:s13+s3], $0x28, $0x38;
	[tilespmem:$0x19F00] =	vst v63  }
0xbf: {  	s10 =	sadd.s32 $0x280, s5  }
0xc0: {  	[tilespmem:s20], [sflag:$0x7] =	stream.linear.gather [hbm4b:s10+s3], $0x1400, $0x38;
	[tilespmem:$0x19F00] =	vst v63  }
0xc1: {  	_ = 	snop  }
0xc2: {  	[tilespmem:s21], [sflag:$0x3] =	stream.linear.gather [hbm4b:s14+s3], $0x28, $0x38;
	[tilespmem:$0x19F00] =	vst v63  }
0xc3: {  	s16 =	sadd.s32 $0x500, s5  }
0xc4: {  	[tilespmem:s22], [sflag:$0x8] =	stream.linear.gather [hbm4b:s16+s3], $0x1400, $0x38;
	[tilespmem:$0x19F00] =	vst v63  }
0xc5: {  	s17 =	sadd.s32 $0x19, s11  }
0xc6: {  	[tilespmem:s23], [sflag:$0x4] =	stream.linear.gather [hbm4b:s17+s3], $0x28, $0x38;
	[tilespmem:$0x19F00] =	vst v63  }
0xc7: {  	s11 =	sadd.s32 $0x780, s5  }
0xc8: {  	[tilespmem:s24], [sflag:$0x9] =	stream.linear.gather [hbm4b:s11+s3], $0x1400, $0x38;
	[tilespmem:$0x19F00] =	vst v63  }
0xc9: {  	s13 =	sadd.s32 $0x19, s12  }
0xca: {  	[tilespmem:s25], [sflag:$0x5] =	stream.linear.gather [hbm4b:s13+s3], $0x28, $0x38;
	[tilespmem:$0x19F00] =	vst v63  }
0xcb: {  	s5 =	sadd.s32 $0xA00, s5  }
0xcc: {  	[tilespmem:s26], [sflag:$0xA] =	stream.linear.gather [hbm4b:s5+s3], $0x1400, $0x38;
	[tilespmem:$0x19F00] =	vst v63  }
0xcd: {  	_ =	swait.ge [sflag:s28], $0x28  }
0xce: {  	[sflag:s28] =	ssyncset.done $0x0  }
0xcf: {  	[sflag:s28] =	ssyncadd.s32 $0xFFFFFFD8  }
0xd0: {  	_ =	swait.ge [sflag:s29], $0x1400  }
0xd1: {  	[sflag:s29] =	ssyncset.done $0x0  }
0xd2: {  	[sflag:s29] =	ssyncadd.s32 $0xFFFFEC00  }
0xd3: {  	[spmem:s1] =	stream.indirect.scatter.add.f32 [tilespmem:s18], [sflag:$0x1], $0x80, s3, s30, $0xb8;
	[tilespmem:$0x19F00] =	vst v63  }
0xd4: {  	_ =	swait.ge [sflag:s31], $0x28  }
0xd5: {  	[sflag:s31] =	ssyncset.done $0x0  }
0xd6: {  	[sflag:s31] =	ssyncadd.s32 $0xFFFFFFD8  }
0xd7: {  	_ =	swait.ge [sflag:s0], $0x1400  }
0xd8: {  	[sflag:s0] =	ssyncset.done $0x0  }
0xd9: {  	[sflag:s0] =	ssyncadd.s32 $0xFFFFEC00  }
0xda: {  	[spmem:s1] =	stream.indirect.scatter.add.f32 [tilespmem:s20], [sflag:$0x2], $0x80, s19, s30, $0xb8;
	[tilespmem:$0x19F00] =	vst v63  }
0xdb: {  	_ =	swait.ge [sflag:s2], $0x28  }
0xdc: {  	[sflag:s2] =	ssyncset.done $0x0  }
0xdd: {  	[sflag:s2] =	ssyncadd.s32 $0xFFFFFFD8  }
0xde: {  	_ =	swait.ge [sflag:s4], $0x1400  }
0xdf: {  	[sflag:s4] =	ssyncset.done $0x0  }
0xe0: {  	[sflag:s4] =	ssyncadd.s32 $0xFFFFEC00  }
0xe1: {  	[spmem:s1] =	stream.indirect.scatter.add.f32 [tilespmem:s22], [sflag:$0x3], $0x80, s21, s30, $0xb8;
	[tilespmem:$0x19F00] =	vst v63  }
0xe2: {  	_ =	swait.ge [sflag:s6], $0x28  }
0xe3: {  	[sflag:s6] =	ssyncset.done $0x0  }
0xe4: {  	[sflag:s6] =	ssyncadd.s32 $0xFFFFFFD8  }
0xe5: {  	_ =	swait.ge [sflag:s7], $0x1400  }
0xe6: {  	[sflag:s7] =	ssyncset.done $0x0  }
0xe7: {  	[sflag:s7] =	ssyncadd.s32 $0xFFFFEC00  }
0xe8: {  	[spmem:s1] =	stream.indirect.scatter.add.f32 [tilespmem:s24], [sflag:$0x4], $0x80, s23, s30, $0xb8;
	[tilespmem:$0x19F00] =	vst v63  }
0xe9: {  	_ =	swait.ge [sflag:s8], $0x28  }
0xea: {  	[sflag:s8] =	ssyncset.done $0x0  }
0xeb: {  	[sflag:s8] =	ssyncadd.s32 $0xFFFFFFD8  }
0xec: {  	_ =	swait.ge [sflag:s9], $0x1400  }
0xed: {  	[sflag:s9] =	ssyncset.done $0x0  }
0xee: {  	[sflag:s9] =	ssyncadd.s32 $0xFFFFEC00  }
0xef: {  	[spmem:s1] =	stream.indirect.scatter.add.f32 [tilespmem:s26], [sflag:$0x5], $0x80, s25, s30, $0xb8;
	[tilespmem:$0x19F00] =	vst v63  }
0xf0: {  	_ =	swait.ge [sflag:s28], $0x1400  }
0xf1: {  	[sflag:s28] =	ssyncset.done $0x0  }
0xf2: {  	[sflag:s28] =	ssyncadd.s32 $0xFFFFEC00  }
0xf3: {  	_ =	swait.ge [sflag:s31], $0x1400  }
0xf4: {  	[sflag:s31] =	ssyncset.done $0x0  }
0xf5: {  	[sflag:s31] =	ssyncadd.s32 $0xFFFFEC00  }
0xf6: {  	_ =	swait.ge [sflag:s2], $0x1400  }
0xf7: {  	[sflag:s2] =	ssyncset.done $0x0  }
0xf8: {  	[sflag:s2] =	ssyncadd.s32 $0xFFFFEC00  }
0xf9: {  	_ =	swait.ge [sflag:s6], $0x1400  }
0xfa: {  	[sflag:s6] =	ssyncset.done $0x0  }
0xfb: {  	[sflag:s6] =	ssyncadd.s32 $0xFFFFEC00  }
0xfc: {  	_ =	swait.ge [sflag:s8], $0x1400  }
0xfd: {  	[sflag:s8] =	ssyncset.done $0x0  }
0xfe: {  	[sflag:s8] =	ssyncadd.s32 $0xFFFFEC00  }
0xff: {  	[bflag:$0x0] =	sbarrier.arrive $0xFFFF  }
0x100: {  	s15 =	rddreg [dreg:$0x7]  }
0x101: {  	s14 =	rddreg [dreg:$0x9]  }
0x102: {  	s12 =	simm.s32 $0xB;
	s11 =	rddreg [dreg:$0x11]  }
0x103: {  	[hbm:s14], [sflag:s15] =	dma.local [spmem:s11], $0x2700  }
0x104: {  	_ =	swait.ge [sflag:s12], $0x2700  }
0x105: {  	[sflag:s12] =	ssyncset.done $0x0;
	s5 =	rddreg [dreg:$0xa]  }
0x106: {  	s13 =	rddreg [dreg:$0x12];
	[sflag:s12] =	ssyncadd.s32 $0xFFFFD900  }
0x107: {  	[hbm:s5], [sflag:s15] =	dma.local @!p0 [spmem:s13], $0x100  }
0x108: {  	s5 =	simm.s32 @!p0 $0xB  }
0x109: {  	_ =	swait.ge @!p0 [sflag:s5], $0x100  }
0x10a: {  	s16 =	rddreg [dreg:$0x13]  }
0x10b: {  	s17 =	rddreg [dreg:$0xb];
	s14 =	sadd.s32 $0x1, s16  }
0x10c: {  	p1 =	sne.s32 s14, s17  }
.Ltmp1:
0x10d: {  	_ = 	snop;
	(pc) =	sbr.rel @p1 .LBB2_1-.Ltmp1, $3  }
0x10e: {  	_ =	sdelay $0x1  }
0x10f: {  	[sflag:s5] =	ssyncset.done @!p0 $0x0  }
0x110: {  	[sflag:s5] =	ssyncadd.s32 @!p0 $0xFFFFFF00  }
0x111: {  	_ =	sfence.sel $0x180000  }
0x112: {  	[bflag:$0x0] =	sbarrier.arrive $0xFFFF  }
0x113: {  	_ =	strace $0x90000056  }
0x114: {  	s0 =	stileid.u32;
	[bflag:$0x2] =	sbarrier.arrive $0xFFFF  }
0x115: {  	p0 =	sne.s32 s0, $0x0;
	s0 =	rddreg [dreg:$0x4]  }
0x116: {  	s0 =	sadd.s32 @!p0 $0x100000, s0  }
0x117: {  	[sflag:s0] =	ssyncadd.tile.s32 @!p0 $0x1;
	_ =	shalt  }
.Lfunc_end2:
_tile_overlayer_lowered:
.L_overlay_start_2:
0x118: {  	(tag) =	ssettag $0x2  }
0x119: {  	s0 =	rddreg [dreg:$0x0];
	s2 =	stileid.u32  }
0x11a: {  	s1 =	rddreg [dreg:$0x1];
	p0 =	sne.s32 s2, $0x0  }
0x11b: {  	s3 =	rddreg [dreg:$0x2];
	[bflag:$0x3] =	sbarrier.arrive $0xFFFF;
	s2 =	simm.s32 @!p0 $0x1C0B  }
0x11c: {  	[timem:s3], [sflag:s2] =	dma.local @!p0 [hbm:s0], s1  }
0x11d: {  	s0 =	simm.s32 @!p0 $0xB  }
0x11e: {  	_ =	swait.ge @!p0 [sflag:s0], s1  }
0x11f: {  	s1 =	ssub.s32 @!p0 $0x0, s1;
	[sflag:s0] =	ssyncset.done @!p0 $0x0  }
0x120: {  	[sflag:s0] =	ssyncadd.s32 @!p0 s1  }
0x121: {  	[bflag:$0x3] =	sbarrier.arrive $0xFFFF  }
0x122: {  	_ =	shalt  }

</sc_bundles>
